<compile_context>
chip_gen: v7x
topology: tpu7x:2x2x1
jax: 0.10.2.dev20260603
libtpu: 0.0.44.dev20260713+nightly
codegen_flags: <defaults>
</compile_context>

<pallas_src>
import functools

import jax
import jax.numpy as jnp
from jax import lax
from jax.experimental import pallas as pl
from jax.experimental.pallas import tpu as pltpu
from jax.experimental.pallas import tpu_sc as plsc

B = 1024
L = 50
N = 100000
D = 128
S = 12
FLAT = B * L
NWORK = 32
PER_W = FLAT // NWORK
CH = 400
NCH = PER_W // CH
EV1_PER_W = S * FLAT // NWORK
EV1_NCH = EV1_PER_W // CH


def _sc_gather_a(inputs_flat, item_flat, side_i, embedding):
    info = plsc.get_sparse_core_info()
    nc = info.num_cores
    mesh = plsc.VectorSubcoreMesh(core_axis_name="c", subcore_axis_name="s")

    @functools.partial(
        pl.kernel,
        mesh=mesh,
        compiler_params=pltpu.CompilerParams(needs_layout_passes=False),
        out_type=[
            jax.ShapeDtypeStruct((FLAT, 128), jnp.int32),
            jax.ShapeDtypeStruct((FLAT, D), jnp.float32),
            jax.ShapeDtypeStruct((FLAT, D), jnp.float32),
        ],
        scratch_types=[
            pltpu.VMEM((CH,), jnp.int32),
            pltpu.VMEM((CH, 128), jnp.int32),
            pltpu.VMEM((CH, D), jnp.float32),
            pltpu.SemaphoreType.DMA,
        ],
    )
    def ka(inp_h, item_h, side_h, emb_h, sideg_o, ev0_o, item_o,
           ivc, cbuf, ebuf, sem):
        wid = lax.axis_index("s") * nc + lax.axis_index("c")
        base = wid * PER_W

        for c in range(NCH):
            off = base + c * CH
            pltpu.sync_copy(inp_h.at[pl.ds(off, CH)], ivc)
            pltpu.async_copy(side_h.at[ivc], cbuf, sem).wait()
            pltpu.sync_copy(cbuf, sideg_o.at[pl.ds(off, CH)])
            pltpu.async_copy(emb_h.at[ivc], ebuf, sem).wait()
            pltpu.sync_copy(ebuf, ev0_o.at[pl.ds(off, CH)])
        for c in range(NCH):
            off = base + c * CH
            pltpu.sync_copy(item_h.at[pl.ds(off, CH)], ivc)
            pltpu.async_copy(emb_h.at[ivc], ebuf, sem).wait()
            pltpu.sync_copy(ebuf, item_o.at[pl.ds(off, CH)])

    return ka(inputs_flat, item_flat, side_i, embedding)


NSPLIT = 4
HALF = FLAT // NSPLIT
CPP = HALF // CH
NCHK = S * CPP // NWORK


def _sc_gather_b(nbidx, embedding, h):
    info = plsc.get_sparse_core_info()
    nc = info.num_cores
    mesh = plsc.VectorSubcoreMesh(core_axis_name="c", subcore_axis_name="s")
    lo = h * HALF

    @functools.partial(
        pl.kernel,
        mesh=mesh,
        compiler_params=pltpu.CompilerParams(needs_layout_passes=False),
        out_type=jax.ShapeDtypeStruct((S, HALF, D), jnp.float32),
        scratch_types=[
            pltpu.VMEM((CH,), jnp.int32),
            pltpu.VMEM((CH,), jnp.int32),
            pltpu.VMEM((CH, D), jnp.float32),
            pltpu.VMEM((CH, D), jnp.float32),
            pltpu.SemaphoreType.DMA,
            pltpu.SemaphoreType.DMA,
        ],
    )
    def kb(nbidx_h, emb_h, ev1_o, cidx0, cidx1, ebuf0, ebuf1, sem0, sem1):
        wid = lax.axis_index("s") * nc + lax.axis_index("c")
        kbase = wid * NCHK
        cids = (cidx0, cidx1)
        ebufs = (ebuf0, ebuf1)
        sems = (sem0, sem1)

        def in_off(k):
            return (k // CPP) * FLAT + lo + (k % CPP) * CH

        pltpu.sync_copy(nbidx_h.at[pl.ds(in_off(kbase), CH)], cidx0)
        pltpu.async_copy(emb_h.at[cidx0], ebuf0, sem0)

        def body(j, _):
            k = kbase + j

            def step(cur, nxt):
                @pl.when(j < NCHK - 1)
                def _():
                    pltpu.sync_copy(
                        nbidx_h.at[pl.ds(in_off(k + 1), CH)], cids[nxt])
                    pltpu.async_copy(emb_h.at[cids[nxt]], ebufs[nxt], sems[nxt])
                pltpu.make_async_copy(
                    emb_h.at[cids[cur]], ebufs[cur], sems[cur]).wait()
                pltpu.sync_copy(
                    ebufs[cur],
                    ev1_o.at[k // CPP, pl.ds((k % CPP) * CH, CH)])
            lax.cond(j % 2 == 0, lambda: step(0, 1), lambda: step(1, 0))
            return 0

        lax.fori_loop(0, NCHK, body, 0)

    return kb(nbidx, embedding)


GB = 16
R = GB * L


def _tc_body(ev1_r, ev0_r, item_r, nw_r, mask_r, rept_r, rep_r,
             w1d_r, w1l_r, w2_r, w3a_r, w3b_r, out_r):
    mask_blk = mask_r[...]
    m_tiled = jnp.concatenate([mask_blk] * GB, axis=1)
    m_mat = rept_r[...] * m_tiled
    sess = jnp.dot(m_mat, item_r[...], preferred_element_type=jnp.float32)
    denom = jnp.sum(mask_blk, axis=1, keepdims=True)
    sess = sess / denom
    sess_rep = jnp.dot(rep_r[...], sess, preferred_element_type=jnp.float32)


    ev3 = ev1_r[...]
    prods = (ev3 * sess_rep[None]).reshape(S * R, D)
    pre = jnp.dot(prods, w1d_r[...], preferred_element_type=jnp.float32)
    nw = nw_r[...]
    w1l = w1l_r[...]
    segs = []
    for s in range(S):
        seg = pre[s * R:(s + 1) * R] + nw[:, s:s + 1] * w1l
        segs.append(jnp.where(seg >= 0, seg, 0.2 * seg))
    pre2 = jnp.concatenate(segs, axis=0)
    sc = jnp.dot(pre2, w2_r[...], preferred_element_type=jnp.float32)
    scs = [sc[s * R:(s + 1) * R] for s in range(S)]
    m = scs[0]
    for s in range(1, S):
        m = jnp.maximum(m, scs[s])
    es = [jnp.exp(x - m) for x in scs]
    den = es[0]
    for s in range(1, S):
        den = den + es[s]
    inv = 1.0 / den
    nv = (es[0] * inv) * ev1_r[0]
    for s in range(1, S):
        nv = nv + (es[s] * inv) * ev1_r[s]
    out = (jnp.dot(ev0_r[...], w3a_r[...], preferred_element_type=jnp.float32)
           + jnp.dot(nv, w3b_r[...], preferred_element_type=jnp.float32))
    out_r[...] = jnp.maximum(out, 0.0)


def _tc_specs(h):
    nblk = HALF // R
    grid = (nblk,)
    in_specs = [
        pl.BlockSpec((S, R, D), lambda c: (0, c, 0)),
        pl.BlockSpec((R, D), lambda c: (c + h * nblk, 0)),
        pl.BlockSpec((R, D), lambda c: (c + h * nblk, 0)),
        pl.BlockSpec((R, S), lambda c: (c + h * nblk, 0)),
        pl.BlockSpec((GB, L), lambda c: (c + h * nblk, 0)),
        pl.BlockSpec((GB, R), lambda c: (0, 0)),
        pl.BlockSpec((R, GB), lambda c: (0, 0)),
        pl.BlockSpec((D, D), lambda c: (0, 0)),
        pl.BlockSpec((1, D), lambda c: (0, 0)),
        pl.BlockSpec((D, 1), lambda c: (0, 0)),
        pl.BlockSpec((D, D), lambda c: (0, 0)),
        pl.BlockSpec((D, D), lambda c: (0, 0)),
    ]
    out_specs = pl.BlockSpec((R, D), lambda c: (c, 0))
    return grid, in_specs, out_specs


PBLK = 2000


def _prep_side_body(adj_r, nw_r, out_r):
    nwi = lax.bitcast_convert_type(nw_r[...], jnp.int32)
    pad = jnp.zeros((PBLK, 128 - 2 * S), jnp.int32)
    out_r[...] = jnp.concatenate([adj_r[...], nwi, pad], axis=1)


def _prep_side(adj_all, num_w):
    return pl.pallas_call(
        _prep_side_body,
        grid=(N // PBLK,),
        in_specs=[pl.BlockSpec((PBLK, S), lambda c: (c, 0)),
                  pl.BlockSpec((PBLK, S), lambda c: (c, 0))],
        out_specs=pl.BlockSpec((PBLK, 128), lambda c: (c, 0)),
        out_shape=jax.ShapeDtypeStruct((N, 128), jnp.int32),
    )(adj_all, num_w)


PBLK2 = 2048


def _prep_split_body(sideg_r, nbt_r, nw_r):
    blk = sideg_r[...]
    ids = lax.bitcast_convert_type(blk[:, :S], jnp.float32)
    nbt_r[...] = lax.bitcast_convert_type(ids.T, jnp.int32)
    nw_r[...] = lax.bitcast_convert_type(blk[:, S:2 * S], jnp.float32)


def _prep_split(sideg):
    return pl.pallas_call(
        _prep_split_body,
        grid=(FLAT // PBLK2,),
        in_specs=[pl.BlockSpec((PBLK2, 128), lambda c: (c, 0))],
        out_specs=[pl.BlockSpec((S, PBLK2), lambda c: (0, c)),
                   pl.BlockSpec((PBLK2, S), lambda c: (c, 0))],
        out_shape=[jax.ShapeDtypeStruct((S, FLAT), jnp.int32),
                   jax.ShapeDtypeStruct((FLAT, S), jnp.float32)],
    )(sideg)


def kernel(inputs, mask_item, item, embedding, adj_all, num_w, w_1, w_2, w_3):
    inputs_flat = inputs.reshape(-1).astype(jnp.int32)
    item_flat = item.reshape(-1).astype(jnp.int32)
    side_i = _prep_side(adj_all.astype(jnp.int32), num_w)

    sideg, ev0, item_emb = _sc_gather_a(inputs_flat, item_flat, side_i, embedding)

    nbidxT, neigh_w = _prep_split(sideg)
    nbidx = nbidxT.reshape(-1)

    ev1s = [_sc_gather_b(nbidx, embedding, h) for h in range(NSPLIT)]

    rows = jnp.arange(R, dtype=jnp.int32)[None, :] // L
    rept = (rows == jnp.arange(GB, dtype=jnp.int32)[:, None]).astype(jnp.float32)
    rep = rept.T

    w1d, w1l = w_1[:D], w_1[D:D + 1]
    w3a, w3b = w_3[:D], w_3[D:]

    outs = []
    for h in range(NSPLIT):
        grid, in_specs, out_specs = _tc_specs(h)
        outs.append(pl.pallas_call(
            _tc_body,
            grid=grid,
            in_specs=in_specs,
            out_specs=out_specs,
            out_shape=jax.ShapeDtypeStruct((HALF, D), jnp.float32),
        )(ev1s[h], ev0, item_emb, neigh_w, mask_item, rept, rep,
          w1d, w1l, w_2, w3a, w3b))
    return jnp.concatenate(outs, axis=0).reshape(B, L, D)

# --- scband reference (transcript-rebuilt; emitter-appended) ---
"""Pipeline reference for scband-global-hyper-gatlayer-10986526343431 (READ-ONLY COPY).

The authoritative reference and input builder live on the scoring server;
editing this copy changes nothing except your own understanding.
"""

import jax, jax.numpy as jnp
import numpy as np

B = 1024   # batch of sessions
L = 50     # session length (seqs_len)
N = 100000 # item vocabulary / global graph nodes
D = 128    # hidden dim
S = 12     # n_sample (neighbors per node)

def setup_inputs(seed: int = 0) -> dict:
    key = jax.random.key(seed)
    ks = jax.random.split(key, 8)
    inputs = jax.random.randint(ks[0], (B, L), 0, N)
    mask_item = jnp.ones((B, L), dtype=jnp.float32)
    item = jax.random.randint(ks[1], (B, L), 0, N)
    embedding = jax.random.normal(ks[2], (N, D), dtype=jnp.float32) * 0.05
    adj_all = jax.random.randint(ks[3], (N, S), 0, N)
    num_w = jax.random.uniform(ks[4], (N, S), dtype=jnp.float32)
    w_1 = jax.random.normal(ks[5], (D + 1, D), dtype=jnp.float32) * (1.0 / np.sqrt(D + 1))
    w_2 = jax.random.normal(ks[6], (D, 1), dtype=jnp.float32) * (1.0 / np.sqrt(D))
    w_3 = jax.random.normal(ks[7], (2 * D, D), dtype=jnp.float32) * (1.0 / np.sqrt(2 * D))
    return {"inputs": inputs, "mask_item": mask_item, "item": item,
            "embedding": embedding, "adj_all": adj_all, "num_w": num_w,
            "w_1": w_1, "w_2": w_2, "w_3": w_3}

def reference(inputs, mask_item, item, embedding, adj_all, num_w, w_1, w_2, w_3):
    batch_size, seqs_len = inputs.shape
    # hop-1 neighbor sampling: gather adjacency rows for every item in the session
    flat = inputs.reshape(-1)
    neigh_idx = jnp.take(adj_all, flat, axis=0).reshape(batch_size, seqs_len * S)
    neigh_w = jnp.take(num_w, flat, axis=0).reshape(batch_size, seqs_len, S)
    # entity embeddings (gathers from the global table)
    ev0 = jnp.take(embedding, inputs, axis=0)                       # [B, L, D]
    ev1 = jnp.take(embedding, neigh_idx, axis=0).reshape(batch_size, seqs_len, S, D)
    # session info vector
    item_emb = jnp.take(embedding, item, axis=0) * mask_item[..., None]
    sum_item = jnp.sum(item_emb, axis=1) / jnp.sum(mask_item, axis=-1)[:, None]
    session = jnp.broadcast_to(sum_item[:, None, :], (batch_size, seqs_len, D))
    # GlobalAggregator with extra_vector (attention over sampled neighbors)
    extra = session[:, :, None, :]                                   # [B, L, 1, D]
    alpha_in = jnp.concatenate([extra * ev1, neigh_w[..., None]], axis=-1)  # [B,L,S,D+1]
    alpha = jnp.matmul(alpha_in, w_1)                                # [B, L, S, D]
    alpha = jax.nn.leaky_relu(alpha, negative_slope=0.2)
    alpha = jnp.matmul(alpha, w_2)[..., 0]                           # [B, L, S]
    alpha = jax.nn.softmax(alpha, axis=-1)[..., None]
    neighbor_vector = jnp.sum(alpha * ev1, axis=-2)                  # [B, L, D]
    output = jnp.concatenate([ev0, neighbor_vector], axis=-1)        # [B, L, 2D]
    # dropout is identity in eval mode
    output = jnp.matmul(output, w_3)
    output = jax.nn.relu(output)
    return output.reshape(batch_size, seqs_len, D)

if __name__ == "__main__":
    import jax
    _d = setup_inputs()
    print(jax.jit(kernel)(*tuple(_d.values())))

</pallas_src>

<mosaic_0001>
#map = affine_map<(d0, d1) -> (0)>
#map1 = affine_map<(d0, d1) -> (0, 0)>
#map2 = affine_map<(d0, d1) -> (0, 0, 0)>
module attributes {stable_mosaic.version = 14 : i64} {
  func.func @kb(%arg0: i32, %arg1: i32, %arg2: memref<614400xi32, #tpu.memory_space<hbm>>, %arg3: memref<100000x128xf32, #tpu.memory_space<hbm>>, %arg4: memref<12x12800x128xf32, #tpu.memory_space<hbm>>, %arg5: memref<400xi32, #tpu.memory_space<vmem>>, %arg6: memref<400xi32, #tpu.memory_space<vmem>>, %arg7: memref<400x128xf32, #tpu.memory_space<vmem>>, %arg8: memref<400x128xf32, #tpu.memory_space<vmem>>, %arg9: memref<!tpu.dma_semaphore, #tpu.memory_space<semaphore_mem>>, %arg10: memref<!tpu.dma_semaphore, #tpu.memory_space<semaphore_mem>>) attributes {dimension_semantics = [#tpu.dimension_semantics<core_parallel>, #tpu.dimension_semantics<subcore_parallel>], iteration_bounds = array<i64: 2, 16>, scalar_prefetch = 0 : i64, scratch_operands = 6 : i64, tpu.core_type = #tpu.core_type<sc_vector_subcore>, window_params = [{transform_indices = #map}, {transform_indices = #map1}, {transform_indices = #map2}]} {
    %mul3A = arith.constant 2 : i32
    %mul3A_0 = arith.muli %arg1, %mul3A : i32
    %add3A = arith.addi %mul3A_0, %arg0 : i32
    %mul3A_1 = arith.constant 12 : i32
    %mul3A_2 = arith.muli %add3A, %mul3A_1 : i32
    %jit3A = arith.constant 32 : i32
    %div3A = arith.divsi %mul3A_2, %jit3A : i32
    %sign3A = arith.constant 0 : i32
    %sign3A_3 = arith.cmpi sgt, %mul3A_2, %sign3A : i32
    %sign3A_4 = arith.extui %sign3A_3 : i1 to i32
    %sign3A_5 = arith.constant 0 : i32
    %sign3A_6 = arith.cmpi slt, %mul3A_2, %sign3A_5 : i32
    %sign3A_7 = arith.extui %sign3A_6 : i1 to i32
    %sign3A_8 = arith.subi %sign3A_4, %sign3A_7 : i32
    %sign3A_9 = arith.constant 0 : i32
    %sign3A_10 = arith.cmpi sgt, %jit3A, %sign3A_9 : i32
    %sign3A_11 = arith.extui %sign3A_10 : i1 to i32
    %sign3A_12 = arith.constant 0 : i32
    %sign3A_13 = arith.cmpi slt, %jit3A, %sign3A_12 : i32
    %sign3A_14 = arith.extui %sign3A_13 : i1 to i32
    %sign3A_15 = arith.subi %sign3A_11, %sign3A_14 : i32
    %ne3A = arith.cmpi ne, %sign3A_8, %sign3A_15 : i32
    %rem3A = arith.remsi %mul3A_2, %jit3A : i32
    %ne3A_16 = arith.constant 0 : i32
    %ne3A_17 = arith.cmpi ne, %rem3A, %ne3A_16 : i32
    %and3A = arith.andi %ne3A, %ne3A_17 : i1
    %sub3A = arith.constant 1 : i32
    %sub3A_18 = arith.subi %div3A, %sub3A : i32
    %select_n3A = arith.select %and3A, %sub3A_18, %div3A : i32
    %mul3A_19 = arith.constant 51200 : i32
    %mul3A_20 = arith.muli %select_n3A, %mul3A_19 : i32
    %add3A_21 = arith.constant 25600 : i32
    %add3A_22 = arith.addi %mul3A_20, %add3A_21 : i32
    %jit3A_23 = arith.constant 32 : i32
    %eq3A = arith.constant 0 : i32
    %eq3A_24 = arith.cmpi eq, %jit3A_23, %eq3A : i32
    %jit3A_25 = arith.constant 1 : i32
    %select_n3A_26 = arith.select %eq3A_24, %jit3A_25, %jit3A_23 : i32
    %rem3A_27 = arith.remsi %mul3A_2, %select_n3A_26 : i32
    %ne3A_28 = arith.constant 0 : i32
    %ne3A_29 = arith.cmpi ne, %rem3A_27, %ne3A_28 : i32
    %lt3A = arith.constant 0 : i32
    %lt3A_30 = arith.cmpi slt, %rem3A_27, %lt3A : i32
    %lt3A_31 = arith.constant 0 : i32
    %lt3A_32 = arith.cmpi slt, %select_n3A_26, %lt3A_31 : i32
    %ne3A_33 = arith.xori %lt3A_30, %lt3A_32 : i1
    %and3A_34 = arith.andi %ne3A_33, %ne3A_29 : i1
    %add3A_35 = arith.addi %rem3A_27, %select_n3A_26 : i32
    %select_n3A_36 = arith.select %and3A_34, %add3A_35, %rem3A_27 : i32
    %mul3A_37 = arith.constant 400 : i32
    %mul3A_38 = arith.muli %select_n3A_36, %mul3A_37 : i32
    %add3A_39 = arith.addi %add3A_22, %mul3A_38 : i32
    "tpu.region"() ({
      %run_scoped3A = tpu.sem_alloc : memref<!tpu.dma_semaphore, #tpu.memory_space<semaphore_mem>>
      %dma_start3A_48 = tpu.memref_slice %arg2[%add3A_39] : memref<614400xi32, #tpu.memory_space<hbm>> -> memref<400xi32, #tpu.memory_space<hbm>>
      %dma_start3A_49 = tpu.memref_slice %arg2[%add3A_39] : memref<614400xi32, #tpu.memory_space<hbm>> -> memref<400xi32, #tpu.memory_space<hbm>>
      tpu.enqueue_dma source(%dma_start3A_49 : memref<400xi32, #tpu.memory_space<hbm>>) target(%arg5 : memref<400xi32, #tpu.memory_space<vmem>>) target_semaphore(%run_scoped3A : memref<!tpu.dma_semaphore, #tpu.memory_space<semaphore_mem>>)
      %dma_wait3A = tpu.memref_slice %arg2[%add3A_39] : memref<614400xi32, #tpu.memory_space<hbm>> -> memref<400xi32, #tpu.memory_space<hbm>>
      %dma_wait3A_50 = tpu.memref_slice %arg2[%add3A_39] : memref<614400xi32, #tpu.memory_space<hbm>> -> memref<400xi32, #tpu.memory_space<hbm>>
      tpu.wait_dma2 semaphore(%run_scoped3A : memref<!tpu.dma_semaphore, #tpu.memory_space<semaphore_mem>>) src(%dma_wait3A_50 : memref<400xi32, #tpu.memory_space<hbm>>) dst(%arg5 : memref<400xi32, #tpu.memory_space<vmem>>)
      tpu.yield
    }) : () -> ()
    %dma_start3A = arith.constant 0 : i32
    %dma_start3A_40 = arith.constant 0 : i32
    %dma_start3A_41 = tpu.memref_slice %arg3[%dma_start3A, %dma_start3A_40] : memref<100000x128xf32, #tpu.memory_space<hbm>> -> memref<100000x128xf32, #tpu.memory_space<hbm>>
    tpu.enqueue_indirect_dma source(%dma_start3A_41 : memref<100000x128xf32, #tpu.memory_space<hbm>>) target(%arg7 : memref<400x128xf32, #tpu.memory_space<vmem>>) offsets(%arg5 : memref<400xi32, #tpu.memory_space<vmem>>) semaphore(%arg9 : memref<!tpu.dma_semaphore, #tpu.memory_space<semaphore_mem>>)
    %scan3A = arith.constant 0 : i32
    %scan3A_42 = arith.constant 0 : i32
    %scan3A_43 = arith.constant 12 : i32
    %scan3A_44 = arith.addi %scan3A_42, %scan3A_43 : i32
    %scan3A_45 = arith.constant 1 : i32
    %scan3A_46 = scf.for %scan3A_48 = %scan3A_42 to %scan3A_44 step %scan3A_45 iter_args(%scan3A_49 = %scan3A) -> (i32)  : i32 {
      %add3A_50 = arith.addi %mul3A_2, %scan3A_48 : i32
      %jit3A_51 = arith.constant 2 : i32
      %eq3A_52 = arith.constant 0 : i32
      %eq3A_53 = arith.cmpi eq, %jit3A_51, %eq3A_52 : i32
      %jit3A_54 = arith.constant 1 : i32
      %select_n3A_55 = arith.select %eq3A_53, %jit3A_54, %jit3A_51 : i32
      %rem3A_56 = arith.remsi %scan3A_48, %select_n3A_55 : i32
      %ne3A_57 = arith.constant 0 : i32
      %ne3A_58 = arith.cmpi ne, %rem3A_56, %ne3A_57 : i32
      %lt3A_59 = arith.constant 0 : i32
      %lt3A_60 = arith.cmpi slt, %rem3A_56, %lt3A_59 : i32
      %lt3A_61 = arith.constant 0 : i32
      %lt3A_62 = arith.cmpi slt, %select_n3A_55, %lt3A_61 : i32
      %ne3A_63 = arith.xori %lt3A_60, %lt3A_62 : i1
      %and3A_64 = arith.andi %ne3A_63, %ne3A_58 : i1
      %add3A_65 = arith.addi %rem3A_56, %select_n3A_55 : i32
      %select_n3A_66 = arith.select %and3A_64, %add3A_65, %rem3A_56 : i32
      %eq3A_67 = arith.constant 0 : i32
      %eq3A_68 = arith.cmpi eq, %select_n3A_66, %eq3A_67 : i32
      %convert_element_type3A = arith.extui %eq3A_68 : i1 to i32
      %cond3A = arith.constant 0 : i32
      %cond3A_69 = arith.cmpi ne, %convert_element_type3A, %cond3A : i32
      scf.if %cond3A_69 {
        %lt3A_71 = arith.constant 11 : i32
        %lt3A_72 = arith.cmpi slt, %scan3A_48, %lt3A_71 : i32
        %convert_element_type3A_73 = arith.extui %lt3A_72 : i1 to i32
        %cond3A_74 = arith.constant 0 : i32
        %cond3A_75 = arith.cmpi ne, %convert_element_type3A_73, %cond3A_74 : i32
        scf.if %cond3A_75 {
          %add3A_120 = arith.constant 1 : i32
          %add3A_121 = arith.addi %add3A_50, %add3A_120 : i32
          %jit3A_122 = arith.constant 32 : i32
          %div3A_123 = arith.divsi %add3A_121, %jit3A_122 : i32
          %sign3A_124 = arith.constant 0 : i32
          %sign3A_125 = arith.cmpi sgt, %add3A_121, %sign3A_124 : i32
          %sign3A_126 = arith.extui %sign3A_125 : i1 to i32
          %sign3A_127 = arith.constant 0 : i32
          %sign3A_128 = arith.cmpi slt, %add3A_121, %sign3A_127 : i32
          %sign3A_129 = arith.extui %sign3A_128 : i1 to i32
          %sign3A_130 = arith.subi %sign3A_126, %sign3A_129 : i32
          %sign3A_131 = arith.constant 0 : i32
          %sign3A_132 = arith.cmpi sgt, %jit3A_122, %sign3A_131 : i32
          %sign3A_133 = arith.extui %sign3A_132 : i1 to i32
          %sign3A_134 = arith.constant 0 : i32
          %sign3A_135 = arith.cmpi slt, %jit3A_122, %sign3A_134 : i32
          %sign3A_136 = arith.extui %sign3A_135 : i1 to i32
          %sign3A_137 = arith.subi %sign3A_133, %sign3A_136 : i32
          %ne3A_138 = arith.cmpi ne, %sign3A_130, %sign3A_137 : i32
          %rem3A_139 = arith.remsi %add3A_121, %jit3A_122 : i32
          %ne3A_140 = arith.constant 0 : i32
          %ne3A_141 = arith.cmpi ne, %rem3A_139, %ne3A_140 : i32
          %and3A_142 = arith.andi %ne3A_138, %ne3A_141 : i1
          %sub3A_143 = arith.constant 1 : i32
          %sub3A_144 = arith.subi %div3A_123, %sub3A_143 : i32
          %select_n3A_145 = arith.select %and3A_142, %sub3A_144, %div3A_123 : i32
          %mul3A_146 = arith.constant 51200 : i32
          %mul3A_147 = arith.muli %select_n3A_145, %mul3A_146 : i32
          %add3A_148 = arith.constant 25600 : i32
          %add3A_149 = arith.addi %mul3A_147, %add3A_148 : i32
          %jit3A_150 = arith.constant 32 : i32
          %eq3A_151 = arith.constant 0 : i32
          %eq3A_152 = arith.cmpi eq, %jit3A_150, %eq3A_151 : i32
          %jit3A_153 = arith.constant 1 : i32
          %select_n3A_154 = arith.select %eq3A_152, %jit3A_153, %jit3A_150 : i32
          %rem3A_155 = arith.remsi %add3A_121, %select_n3A_154 : i32
          %ne3A_156 = arith.constant 0 : i32
          %ne3A_157 = arith.cmpi ne, %rem3A_155, %ne3A_156 : i32
          %lt3A_158 = arith.constant 0 : i32
          %lt3A_159 = arith.cmpi slt, %rem3A_155, %lt3A_158 : i32
          %lt3A_160 = arith.constant 0 : i32
          %lt3A_161 = arith.cmpi slt, %select_n3A_154, %lt3A_160 : i32
          %ne3A_162 = arith.xori %lt3A_159, %lt3A_161 : i1
          %and3A_163 = arith.andi %ne3A_162, %ne3A_157 : i1
          %add3A_164 = arith.addi %rem3A_155, %select_n3A_154 : i32
          %select_n3A_165 = arith.select %and3A_163, %add3A_164, %rem3A_155 : i32
          %mul3A_166 = arith.constant 400 : i32
          %mul3A_167 = arith.muli %select_n3A_165, %mul3A_166 : i32
          %add3A_168 = arith.addi %add3A_149, %mul3A_167 : i32
          "tpu.region"() ({
            %run_scoped3A = tpu.sem_alloc : memref<!tpu.dma_semaphore, #tpu.memory_space<semaphore_mem>>
            %dma_start3A_172 = tpu.memref_slice %arg2[%add3A_168] : memref<614400xi32, #tpu.memory_space<hbm>> -> memref<400xi32, #tpu.memory_space<hbm>>
            %dma_start3A_173 = tpu.memref_slice %arg2[%add3A_168] : memref<614400xi32, #tpu.memory_space<hbm>> -> memref<400xi32, #tpu.memory_space<hbm>>
            tpu.enqueue_dma source(%dma_start3A_173 : memref<400xi32, #tpu.memory_space<hbm>>) target(%arg6 : memref<400xi32, #tpu.memory_space<vmem>>) target_semaphore(%run_scoped3A : memref<!tpu.dma_semaphore, #tpu.memory_space<semaphore_mem>>)
            %dma_wait3A_174 = tpu.memref_slice %arg2[%add3A_168] : memref<614400xi32, #tpu.memory_space<hbm>> -> memref<400xi32, #tpu.memory_space<hbm>>
            %dma_wait3A_175 = tpu.memref_slice %arg2[%add3A_168] : memref<614400xi32, #tpu.memory_space<hbm>> -> memref<400xi32, #tpu.memory_space<hbm>>
            tpu.wait_dma2 semaphore(%run_scoped3A : memref<!tpu.dma_semaphore, #tpu.memory_space<semaphore_mem>>) src(%dma_wait3A_175 : memref<400xi32, #tpu.memory_space<hbm>>) dst(%arg6 : memref<400xi32, #tpu.memory_space<vmem>>)
            tpu.yield
          }) : () -> ()
          %dma_start3A_169 = arith.constant 0 : i32
          %dma_start3A_170 = arith.constant 0 : i32
          %dma_start3A_171 = tpu.memref_slice %arg3[%dma_start3A_169, %dma_start3A_170] : memref<100000x128xf32, #tpu.memory_space<hbm>> -> memref<100000x128xf32, #tpu.memory_space<hbm>>
          tpu.enqueue_indirect_dma source(%dma_start3A_171 : memref<100000x128xf32, #tpu.memory_space<hbm>>) target(%arg8 : memref<400x128xf32, #tpu.memory_space<vmem>>) offsets(%arg6 : memref<400xi32, #tpu.memory_space<vmem>>) semaphore(%arg10 : memref<!tpu.dma_semaphore, #tpu.memory_space<semaphore_mem>>)
        } else {
        }
        %dma_wait3A = arith.constant 0 : i32
        %dma_wait3A_76 = arith.constant 0 : i32
        %dma_wait3A_77 = tpu.memref_slice %arg3[%dma_wait3A, %dma_wait3A_76] : memref<100000x128xf32, #tpu.memory_space<hbm>> -> memref<100000x128xf32, #tpu.memory_space<hbm>>
        tpu.wait_indirect_dma semaphore(%arg9 : memref<!tpu.dma_semaphore, #tpu.memory_space<semaphore_mem>>) src(%dma_wait3A_77 : memref<100000x128xf32, #tpu.memory_space<hbm>>) dst(%arg7 : memref<400x128xf32, #tpu.memory_space<vmem>>)
        %jit3A_78 = arith.constant 32 : i32
        %div3A_79 = arith.divsi %add3A_50, %jit3A_78 : i32
        %sign3A_80 = arith.constant 0 : i32
        %sign3A_81 = arith.cmpi sgt, %add3A_50, %sign3A_80 : i32
        %sign3A_82 = arith.extui %sign3A_81 : i1 to i32
        %sign3A_83 = arith.constant 0 : i32
        %sign3A_84 = arith.cmpi slt, %add3A_50, %sign3A_83 : i32
        %sign3A_85 = arith.extui %sign3A_84 : i1 to i32
        %sign3A_86 = arith.subi %sign3A_82, %sign3A_85 : i32
        %sign3A_87 = arith.constant 0 : i32
        %sign3A_88 = arith.cmpi sgt, %jit3A_78, %sign3A_87 : i32
        %sign3A_89 = arith.extui %sign3A_88 : i1 to i32
        %sign3A_90 = arith.constant 0 : i32
        %sign3A_91 = arith.cmpi slt, %jit3A_78, %sign3A_90 : i32
        %sign3A_92 = arith.extui %sign3A_91 : i1 to i32
        %sign3A_93 = arith.subi %sign3A_89, %sign3A_92 : i32
        %ne3A_94 = arith.cmpi ne, %sign3A_86, %sign3A_93 : i32
        %rem3A_95 = arith.remsi %add3A_50, %jit3A_78 : i32
        %ne3A_96 = arith.constant 0 : i32
        %ne3A_97 = arith.cmpi ne, %rem3A_95, %ne3A_96 : i32
        %and3A_98 = arith.andi %ne3A_94, %ne3A_97 : i1
        %sub3A_99 = arith.constant 1 : i32
        %sub3A_100 = arith.subi %div3A_79, %sub3A_99 : i32
        %select_n3A_101 = arith.select %and3A_98, %sub3A_100, %div3A_79 : i32
        %jit3A_102 = arith.constant 32 : i32
        %eq3A_103 = arith.constant 0 : i32
        %eq3A_104 = arith.cmpi eq, %jit3A_102, %eq3A_103 : i32
        %jit3A_105 = arith.constant 1 : i32
        %select_n3A_106 = arith.select %eq3A_104, %jit3A_105, %jit3A_102 : i32
        %rem3A_107 = arith.remsi %add3A_50, %select_n3A_106 : i32
        %ne3A_108 = arith.constant 0 : i32
        %ne3A_109 = arith.cmpi ne, %rem3A_107, %ne3A_108 : i32
        %lt3A_110 = arith.constant 0 : i32
        %lt3A_111 = arith.cmpi slt, %rem3A_107, %lt3A_110 : i32
        %lt3A_112 = arith.constant 0 : i32
        %lt3A_113 = arith.cmpi slt, %select_n3A_106, %lt3A_112 : i32
        %ne3A_114 = arith.xori %lt3A_111, %lt3A_113 : i1
        %and3A_115 = arith.andi %ne3A_114, %ne3A_109 : i1
        %add3A_116 = arith.addi %rem3A_107, %select_n3A_106 : i32
        %select_n3A_117 = arith.select %and3A_115, %add3A_116, %rem3A_107 : i32
        %mul3A_118 = arith.constant 400 : i32
        %mul3A_119 = arith.muli %select_n3A_117, %mul3A_118 : i32
        "tpu.region"() ({
          %run_scoped3A = tpu.sem_alloc : memref<!tpu.dma_semaphore, #tpu.memory_space<semaphore_mem>>
          %dma_start3A_120 = arith.constant 0 : i32
          %dma_start3A_121 = tpu.memref_slice %arg4[%select_n3A_101, %mul3A_119, %dma_start3A_120] : memref<12x12800x128xf32, #tpu.memory_space<hbm>> -> memref<1x400x128xf32, #tpu.memory_space<hbm>>
          %dma_start3A_122 = tpu.memref_squeeze %dma_start3A_121 : memref<1x400x128xf32, #tpu.memory_space<hbm>> -> memref<400x128xf32, #tpu.memory_space<hbm>>
          %dma_start3A_123 = arith.constant 0 : i32
          %dma_start3A_124 = tpu.memref_slice %arg4[%select_n3A_101, %mul3A_119, %dma_start3A_123] : memref<12x12800x128xf32, #tpu.memory_space<hbm>> -> memref<1x400x128xf32, #tpu.memory_space<hbm>>
          %dma_start3A_125 = tpu.memref_squeeze %dma_start3A_124 : memref<1x400x128xf32, #tpu.memory_space<hbm>> -> memref<400x128xf32, #tpu.memory_space<hbm>>
          tpu.enqueue_dma source(%arg7 : memref<400x128xf32, #tpu.memory_space<vmem>>) target(%dma_start3A_125 : memref<400x128xf32, #tpu.memory_space<hbm>>) target_semaphore(%run_scoped3A : memref<!tpu.dma_semaphore, #tpu.memory_space<semaphore_mem>>)
          %dma_wait3A_126 = arith.constant 0 : i32
          %dma_wait3A_127 = tpu.memref_slice %arg4[%select_n3A_101, %mul3A_119, %dma_wait3A_126] : memref<12x12800x128xf32, #tpu.memory_space<hbm>> -> memref<1x400x128xf32, #tpu.memory_space<hbm>>
          %dma_wait3A_128 = tpu.memref_squeeze %dma_wait3A_127 : memref<1x400x128xf32, #tpu.memory_space<hbm>> -> memref<400x128xf32, #tpu.memory_space<hbm>>
          %dma_wait3A_129 = arith.constant 0 : i32
          %dma_wait3A_130 = tpu.memref_slice %arg4[%select_n3A_101, %mul3A_119, %dma_wait3A_129] : memref<12x12800x128xf32, #tpu.memory_space<hbm>> -> memref<1x400x128xf32, #tpu.memory_space<hbm>>
          %dma_wait3A_131 = tpu.memref_squeeze %dma_wait3A_130 : memref<1x400x128xf32, #tpu.memory_space<hbm>> -> memref<400x128xf32, #tpu.memory_space<hbm>>
          tpu.wait_dma2 semaphore(%run_scoped3A : memref<!tpu.dma_semaphore, #tpu.memory_space<semaphore_mem>>) src(%arg7 : memref<400x128xf32, #tpu.memory_space<vmem>>) dst(%dma_wait3A_131 : memref<400x128xf32, #tpu.memory_space<hbm>>)
          tpu.yield
        }) : () -> ()
      } else {
        %lt3A_71 = arith.constant 11 : i32
        %lt3A_72 = arith.cmpi slt, %scan3A_48, %lt3A_71 : i32
        %convert_element_type3A_73 = arith.extui %lt3A_72 : i1 to i32
        %cond3A_74 = arith.constant 0 : i32
        %cond3A_75 = arith.cmpi ne, %convert_element_type3A_73, %cond3A_74 : i32
        scf.if %cond3A_75 {
          %add3A_120 = arith.constant 1 : i32
          %add3A_121 = arith.addi %add3A_50, %add3A_120 : i32
          %jit3A_122 = arith.constant 32 : i32
          %div3A_123 = arith.divsi %add3A_121, %jit3A_122 : i32
          %sign3A_124 = arith.constant 0 : i32
          %sign3A_125 = arith.cmpi sgt, %add3A_121, %sign3A_124 : i32
          %sign3A_126 = arith.extui %sign3A_125 : i1 to i32
          %sign3A_127 = arith.constant 0 : i32
          %sign3A_128 = arith.cmpi slt, %add3A_121, %sign3A_127 : i32
          %sign3A_129 = arith.extui %sign3A_128 : i1 to i32
          %sign3A_130 = arith.subi %sign3A_126, %sign3A_129 : i32
          %sign3A_131 = arith.constant 0 : i32
          %sign3A_132 = arith.cmpi sgt, %jit3A_122, %sign3A_131 : i32
          %sign3A_133 = arith.extui %sign3A_132 : i1 to i32
          %sign3A_134 = arith.constant 0 : i32
          %sign3A_135 = arith.cmpi slt, %jit3A_122, %sign3A_134 : i32
          %sign3A_136 = arith.extui %sign3A_135 : i1 to i32
          %sign3A_137 = arith.subi %sign3A_133, %sign3A_136 : i32
          %ne3A_138 = arith.cmpi ne, %sign3A_130, %sign3A_137 : i32
          %rem3A_139 = arith.remsi %add3A_121, %jit3A_122 : i32
          %ne3A_140 = arith.constant 0 : i32
          %ne3A_141 = arith.cmpi ne, %rem3A_139, %ne3A_140 : i32
          %and3A_142 = arith.andi %ne3A_138, %ne3A_141 : i1
          %sub3A_143 = arith.constant 1 : i32
          %sub3A_144 = arith.subi %div3A_123, %sub3A_143 : i32
          %select_n3A_145 = arith.select %and3A_142, %sub3A_144, %div3A_123 : i32
          %mul3A_146 = arith.constant 51200 : i32
          %mul3A_147 = arith.muli %select_n3A_145, %mul3A_146 : i32
          %add3A_148 = arith.constant 25600 : i32
          %add3A_149 = arith.addi %mul3A_147, %add3A_148 : i32
          %jit3A_150 = arith.constant 32 : i32
          %eq3A_151 = arith.constant 0 : i32
          %eq3A_152 = arith.cmpi eq, %jit3A_150, %eq3A_151 : i32
          %jit3A_153 = arith.constant 1 : i32
          %select_n3A_154 = arith.select %eq3A_152, %jit3A_153, %jit3A_150 : i32
          %rem3A_155 = arith.remsi %add3A_121, %select_n3A_154 : i32
          %ne3A_156 = arith.constant 0 : i32
          %ne3A_157 = arith.cmpi ne, %rem3A_155, %ne3A_156 : i32
          %lt3A_158 = arith.constant 0 : i32
          %lt3A_159 = arith.cmpi slt, %rem3A_155, %lt3A_158 : i32
          %lt3A_160 = arith.constant 0 : i32
          %lt3A_161 = arith.cmpi slt, %select_n3A_154, %lt3A_160 : i32
          %ne3A_162 = arith.xori %lt3A_159, %lt3A_161 : i1
          %and3A_163 = arith.andi %ne3A_162, %ne3A_157 : i1
          %add3A_164 = arith.addi %rem3A_155, %select_n3A_154 : i32
          %select_n3A_165 = arith.select %and3A_163, %add3A_164, %rem3A_155 : i32
          %mul3A_166 = arith.constant 400 : i32
          %mul3A_167 = arith.muli %select_n3A_165, %mul3A_166 : i32
          %add3A_168 = arith.addi %add3A_149, %mul3A_167 : i32
          "tpu.region"() ({
            %run_scoped3A = tpu.sem_alloc : memref<!tpu.dma_semaphore, #tpu.memory_space<semaphore_mem>>
            %dma_start3A_172 = tpu.memref_slice %arg2[%add3A_168] : memref<614400xi32, #tpu.memory_space<hbm>> -> memref<400xi32, #tpu.memory_space<hbm>>
            %dma_start3A_173 = tpu.memref_slice %arg2[%add3A_168] : memref<614400xi32, #tpu.memory_space<hbm>> -> memref<400xi32, #tpu.memory_space<hbm>>
            tpu.enqueue_dma source(%dma_start3A_173 : memref<400xi32, #tpu.memory_space<hbm>>) target(%arg5 : memref<400xi32, #tpu.memory_space<vmem>>) target_semaphore(%run_scoped3A : memref<!tpu.dma_semaphore, #tpu.memory_space<semaphore_mem>>)
            %dma_wait3A_174 = tpu.memref_slice %arg2[%add3A_168] : memref<614400xi32, #tpu.memory_space<hbm>> -> memref<400xi32, #tpu.memory_space<hbm>>
            %dma_wait3A_175 = tpu.memref_slice %arg2[%add3A_168] : memref<614400xi32, #tpu.memory_space<hbm>> -> memref<400xi32, #tpu.memory_space<hbm>>
            tpu.wait_dma2 semaphore(%run_scoped3A : memref<!tpu.dma_semaphore, #tpu.memory_space<semaphore_mem>>) src(%dma_wait3A_175 : memref<400xi32, #tpu.memory_space<hbm>>) dst(%arg5 : memref<400xi32, #tpu.memory_space<vmem>>)
            tpu.yield
          }) : () -> ()
          %dma_start3A_169 = arith.constant 0 : i32
          %dma_start3A_170 = arith.constant 0 : i32
          %dma_start3A_171 = tpu.memref_slice %arg3[%dma_start3A_169, %dma_start3A_170] : memref<100000x128xf32, #tpu.memory_space<hbm>> -> memref<100000x128xf32, #tpu.memory_space<hbm>>
          tpu.enqueue_indirect_dma source(%dma_start3A_171 : memref<100000x128xf32, #tpu.memory_space<hbm>>) target(%arg7 : memref<400x128xf32, #tpu.memory_space<vmem>>) offsets(%arg5 : memref<400xi32, #tpu.memory_space<vmem>>) semaphore(%arg9 : memref<!tpu.dma_semaphore, #tpu.memory_space<semaphore_mem>>)
        } else {
        }
        %dma_wait3A = arith.constant 0 : i32
        %dma_wait3A_76 = arith.constant 0 : i32
        %dma_wait3A_77 = tpu.memref_slice %arg3[%dma_wait3A, %dma_wait3A_76] : memref<100000x128xf32, #tpu.memory_space<hbm>> -> memref<100000x128xf32, #tpu.memory_space<hbm>>
        tpu.wait_indirect_dma semaphore(%arg10 : memref<!tpu.dma_semaphore, #tpu.memory_space<semaphore_mem>>) src(%dma_wait3A_77 : memref<100000x128xf32, #tpu.memory_space<hbm>>) dst(%arg8 : memref<400x128xf32, #tpu.memory_space<vmem>>)
        %jit3A_78 = arith.constant 32 : i32
        %div3A_79 = arith.divsi %add3A_50, %jit3A_78 : i32
        %sign3A_80 = arith.constant 0 : i32
        %sign3A_81 = arith.cmpi sgt, %add3A_50, %sign3A_80 : i32
        %sign3A_82 = arith.extui %sign3A_81 : i1 to i32
        %sign3A_83 = arith.constant 0 : i32
        %sign3A_84 = arith.cmpi slt, %add3A_50, %sign3A_83 : i32
        %sign3A_85 = arith.extui %sign3A_84 : i1 to i32
        %sign3A_86 = arith.subi %sign3A_82, %sign3A_85 : i32
        %sign3A_87 = arith.constant 0 : i32
        %sign3A_88 = arith.cmpi sgt, %jit3A_78, %sign3A_87 : i32
        %sign3A_89 = arith.extui %sign3A_88 : i1 to i32
        %sign3A_90 = arith.constant 0 : i32
        %sign3A_91 = arith.cmpi slt, %jit3A_78, %sign3A_90 : i32
        %sign3A_92 = arith.extui %sign3A_91 : i1 to i32
        %sign3A_93 = arith.subi %sign3A_89, %sign3A_92 : i32
        %ne3A_94 = arith.cmpi ne, %sign3A_86, %sign3A_93 : i32
        %rem3A_95 = arith.remsi %add3A_50, %jit3A_78 : i32
        %ne3A_96 = arith.constant 0 : i32
        %ne3A_97 = arith.cmpi ne, %rem3A_95, %ne3A_96 : i32
        %and3A_98 = arith.andi %ne3A_94, %ne3A_97 : i1
        %sub3A_99 = arith.constant 1 : i32
        %sub3A_100 = arith.subi %div3A_79, %sub3A_99 : i32
        %select_n3A_101 = arith.select %and3A_98, %sub3A_100, %div3A_79 : i32
        %jit3A_102 = arith.constant 32 : i32
        %eq3A_103 = arith.constant 0 : i32
        %eq3A_104 = arith.cmpi eq, %jit3A_102, %eq3A_103 : i32
        %jit3A_105 = arith.constant 1 : i32
        %select_n3A_106 = arith.select %eq3A_104, %jit3A_105, %jit3A_102 : i32
        %rem3A_107 = arith.remsi %add3A_50, %select_n3A_106 : i32
        %ne3A_108 = arith.constant 0 : i32
        %ne3A_109 = arith.cmpi ne, %rem3A_107, %ne3A_108 : i32
        %lt3A_110 = arith.constant 0 : i32
        %lt3A_111 = arith.cmpi slt, %rem3A_107, %lt3A_110 : i32
        %lt3A_112 = arith.constant 0 : i32
        %lt3A_113 = arith.cmpi slt, %select_n3A_106, %lt3A_112 : i32
        %ne3A_114 = arith.xori %lt3A_111, %lt3A_113 : i1
        %and3A_115 = arith.andi %ne3A_114, %ne3A_109 : i1
        %add3A_116 = arith.addi %rem3A_107, %select_n3A_106 : i32
        %select_n3A_117 = arith.select %and3A_115, %add3A_116, %rem3A_107 : i32
        %mul3A_118 = arith.constant 400 : i32
        %mul3A_119 = arith.muli %select_n3A_117, %mul3A_118 : i32
        "tpu.region"() ({
          %run_scoped3A = tpu.sem_alloc : memref<!tpu.dma_semaphore, #tpu.memory_space<semaphore_mem>>
          %dma_start3A_120 = arith.constant 0 : i32
          %dma_start3A_121 = tpu.memref_slice %arg4[%select_n3A_101, %mul3A_119, %dma_start3A_120] : memref<12x12800x128xf32, #tpu.memory_space<hbm>> -> memref<1x400x128xf32, #tpu.memory_space<hbm>>
          %dma_start3A_122 = tpu.memref_squeeze %dma_start3A_121 : memref<1x400x128xf32, #tpu.memory_space<hbm>> -> memref<400x128xf32, #tpu.memory_space<hbm>>
          %dma_start3A_123 = arith.constant 0 : i32
          %dma_start3A_124 = tpu.memref_slice %arg4[%select_n3A_101, %mul3A_119, %dma_start3A_123] : memref<12x12800x128xf32, #tpu.memory_space<hbm>> -> memref<1x400x128xf32, #tpu.memory_space<hbm>>
          %dma_start3A_125 = tpu.memref_squeeze %dma_start3A_124 : memref<1x400x128xf32, #tpu.memory_space<hbm>> -> memref<400x128xf32, #tpu.memory_space<hbm>>
          tpu.enqueue_dma source(%arg8 : memref<400x128xf32, #tpu.memory_space<vmem>>) target(%dma_start3A_125 : memref<400x128xf32, #tpu.memory_space<hbm>>) target_semaphore(%run_scoped3A : memref<!tpu.dma_semaphore, #tpu.memory_space<semaphore_mem>>)
          %dma_wait3A_126 = arith.constant 0 : i32
          %dma_wait3A_127 = tpu.memref_slice %arg4[%select_n3A_101, %mul3A_119, %dma_wait3A_126] : memref<12x12800x128xf32, #tpu.memory_space<hbm>> -> memref<1x400x128xf32, #tpu.memory_space<hbm>>
          %dma_wait3A_128 = tpu.memref_squeeze %dma_wait3A_127 : memref<1x400x128xf32, #tpu.memory_space<hbm>> -> memref<400x128xf32, #tpu.memory_space<hbm>>
          %dma_wait3A_129 = arith.constant 0 : i32
          %dma_wait3A_130 = tpu.memref_slice %arg4[%select_n3A_101, %mul3A_119, %dma_wait3A_129] : memref<12x12800x128xf32, #tpu.memory_space<hbm>> -> memref<1x400x128xf32, #tpu.memory_space<hbm>>
          %dma_wait3A_131 = tpu.memref_squeeze %dma_wait3A_130 : memref<1x400x128xf32, #tpu.memory_space<hbm>> -> memref<400x128xf32, #tpu.memory_space<hbm>>
          tpu.wait_dma2 semaphore(%run_scoped3A : memref<!tpu.dma_semaphore, #tpu.memory_space<semaphore_mem>>) src(%arg8 : memref<400x128xf32, #tpu.memory_space<vmem>>) dst(%dma_wait3A_131 : memref<400x128xf32, #tpu.memory_space<hbm>>)
          tpu.yield
        }) : () -> ()
      }
      %scan3A_70 = arith.constant 0 : i32
      scf.yield %scan3A_70 : i32
    }
    %scan3A_47 = arith.constant 12 : i32
    return
  }
}

#map = affine_map<(d0, d1) -> (0)>
#map1 = affine_map<(d0, d1) -> (0, 0)>
module attributes {stable_mosaic.version = 14 : i64} {
  func.func @ka(%arg0: i32, %arg1: i32, %arg2: memref<51200xi32, #tpu.memory_space<hbm>>, %arg3: memref<51200xi32, #tpu.memory_space<hbm>>, %arg4: memref<100000x128xi32, #tpu.memory_space<hbm>>, %arg5: memref<100000x128xf32, #tpu.memory_space<hbm>>, %arg6: memref<51200x128xi32, #tpu.memory_space<hbm>>, %arg7: memref<51200x128xf32, #tpu.memory_space<hbm>>, %arg8: memref<51200x128xf32, #tpu.memory_space<hbm>>, %arg9: memref<400xi32, #tpu.memory_space<vmem>>, %arg10: memref<400x128xi32, #tpu.memory_space<vmem>>, %arg11: memref<400x128xf32, #tpu.memory_space<vmem>>, %arg12: memref<!tpu.dma_semaphore, #tpu.memory_space<semaphore_mem>>) attributes {dimension_semantics = [#tpu.dimension_semantics<core_parallel>, #tpu.dimension_semantics<subcore_parallel>], iteration_bounds = array<i64: 2, 16>, scalar_prefetch = 0 : i64, scratch_operands = 4 : i64, tpu.core_type = #tpu.core_type<sc_vector_subcore>, window_params = [{transform_indices = #map}, {transform_indices = #map}, {transform_indices = #map1}, {transform_indices = #map1}, {transform_indices = #map1}, {transform_indices = #map1}, {transform_indices = #map1}]} {
    %mul3A = arith.constant 2 : i32
    %mul3A_0 = arith.muli %arg1, %mul3A : i32
    %add3A = arith.addi %mul3A_0, %arg0 : i32
    %mul3A_1 = arith.constant 1600 : i32
    %mul3A_2 = arith.muli %add3A, %mul3A_1 : i32
    %add3A_3 = arith.constant 0 : i32
    %add3A_4 = arith.addi %mul3A_2, %add3A_3 : i32
    "tpu.region"() ({
      %run_scoped3A = tpu.sem_alloc : memref<!tpu.dma_semaphore, #tpu.memory_space<semaphore_mem>>
      %dma_start3A_89 = tpu.memref_slice %arg2[%add3A_4] : memref<51200xi32, #tpu.memory_space<hbm>> -> memref<400xi32, #tpu.memory_space<hbm>>
      %dma_start3A_90 = tpu.memref_slice %arg2[%add3A_4] : memref<51200xi32, #tpu.memory_space<hbm>> -> memref<400xi32, #tpu.memory_space<hbm>>
      tpu.enqueue_dma source(%dma_start3A_90 : memref<400xi32, #tpu.memory_space<hbm>>) target(%arg9 : memref<400xi32, #tpu.memory_space<vmem>>) target_semaphore(%run_scoped3A : memref<!tpu.dma_semaphore, #tpu.memory_space<semaphore_mem>>)
      %dma_wait3A_91 = tpu.memref_slice %arg2[%add3A_4] : memref<51200xi32, #tpu.memory_space<hbm>> -> memref<400xi32, #tpu.memory_space<hbm>>
      %dma_wait3A_92 = tpu.memref_slice %arg2[%add3A_4] : memref<51200xi32, #tpu.memory_space<hbm>> -> memref<400xi32, #tpu.memory_space<hbm>>
      tpu.wait_dma2 semaphore(%run_scoped3A : memref<!tpu.dma_semaphore, #tpu.memory_space<semaphore_mem>>) src(%dma_wait3A_92 : memref<400xi32, #tpu.memory_space<hbm>>) dst(%arg9 : memref<400xi32, #tpu.memory_space<vmem>>)
      tpu.yield
    }) : () -> ()
    %dma_start3A = arith.constant 0 : i32
    %dma_start3A_5 = arith.constant 0 : i32
    %dma_start3A_6 = tpu.memref_slice %arg4[%dma_start3A, %dma_start3A_5] : memref<100000x128xi32, #tpu.memory_space<hbm>> -> memref<100000x128xi32, #tpu.memory_space<hbm>>
    tpu.enqueue_indirect_dma source(%dma_start3A_6 : memref<100000x128xi32, #tpu.memory_space<hbm>>) target(%arg10 : memref<400x128xi32, #tpu.memory_space<vmem>>) offsets(%arg9 : memref<400xi32, #tpu.memory_space<vmem>>) semaphore(%arg12 : memref<!tpu.dma_semaphore, #tpu.memory_space<semaphore_mem>>)
    %dma_wait3A = arith.constant 0 : i32
    %dma_wait3A_7 = arith.constant 0 : i32
    %dma_wait3A_8 = tpu.memref_slice %arg4[%dma_wait3A, %dma_wait3A_7] : memref<100000x128xi32, #tpu.memory_space<hbm>> -> memref<100000x128xi32, #tpu.memory_space<hbm>>
    tpu.wait_indirect_dma semaphore(%arg12 : memref<!tpu.dma_semaphore, #tpu.memory_space<semaphore_mem>>) src(%dma_wait3A_8 : memref<100000x128xi32, #tpu.memory_space<hbm>>) dst(%arg10 : memref<400x128xi32, #tpu.memory_space<vmem>>)
    "tpu.region"() ({
      %run_scoped3A = tpu.sem_alloc : memref<!tpu.dma_semaphore, #tpu.memory_space<semaphore_mem>>
      %dma_start3A_89 = arith.constant 0 : i32
      %dma_start3A_90 = tpu.memref_slice %arg6[%add3A_4, %dma_start3A_89] : memref<51200x128xi32, #tpu.memory_space<hbm>> -> memref<400x128xi32, #tpu.memory_space<hbm>>
      %dma_start3A_91 = arith.constant 0 : i32
      %dma_start3A_92 = tpu.memref_slice %arg6[%add3A_4, %dma_start3A_91] : memref<51200x128xi32, #tpu.memory_space<hbm>> -> memref<400x128xi32, #tpu.memory_space<hbm>>
      tpu.enqueue_dma source(%arg10 : memref<400x128xi32, #tpu.memory_space<vmem>>) target(%dma_start3A_92 : memref<400x128xi32, #tpu.memory_space<hbm>>) target_semaphore(%run_scoped3A : memref<!tpu.dma_semaphore, #tpu.memory_space<semaphore_mem>>)
      %dma_wait3A_93 = arith.constant 0 : i32
      %dma_wait3A_94 = tpu.memref_slice %arg6[%add3A_4, %dma_wait3A_93] : memref<51200x128xi32, #tpu.memory_space<hbm>> -> memref<400x128xi32, #tpu.memory_space<hbm>>
      %dma_wait3A_95 = arith.constant 0 : i32
      %dma_wait3A_96 = tpu.memref_slice %arg6[%add3A_4, %dma_wait3A_95] : memref<51200x128xi32, #tpu.memory_space<hbm>> -> memref<400x128xi32, #tpu.memory_space<hbm>>
      tpu.wait_dma2 semaphore(%run_scoped3A : memref<!tpu.dma_semaphore, #tpu.memory_space<semaphore_mem>>) src(%arg10 : memref<400x128xi32, #tpu.memory_space<vmem>>) dst(%dma_wait3A_96 : memref<400x128xi32, #tpu.memory_space<hbm>>)
      tpu.yield
    }) : () -> ()
    %dma_start3A_9 = arith.constant 0 : i32
    %dma_start3A_10 = arith.constant 0 : i32
    %dma_start3A_11 = tpu.memref_slice %arg5[%dma_start3A_9, %dma_start3A_10] : memref<100000x128xf32, #tpu.memory_space<hbm>> -> memref<100000x128xf32, #tpu.memory_space<hbm>>
    tpu.enqueue_indirect_dma source(%dma_start3A_11 : memref<100000x128xf32, #tpu.memory_space<hbm>>) target(%arg11 : memref<400x128xf32, #tpu.memory_space<vmem>>) offsets(%arg9 : memref<400xi32, #tpu.memory_space<vmem>>) semaphore(%arg12 : memref<!tpu.dma_semaphore, #tpu.memory_space<semaphore_mem>>)
    %dma_wait3A_12 = arith.constant 0 : i32
    %dma_wait3A_13 = arith.constant 0 : i32
    %dma_wait3A_14 = tpu.memref_slice %arg5[%dma_wait3A_12, %dma_wait3A_13] : memref<100000x128xf32, #tpu.memory_space<hbm>> -> memref<100000x128xf32, #tpu.memory_space<hbm>>
    tpu.wait_indirect_dma semaphore(%arg12 : memref<!tpu.dma_semaphore, #tpu.memory_space<semaphore_mem>>) src(%dma_wait3A_14 : memref<100000x128xf32, #tpu.memory_space<hbm>>) dst(%arg11 : memref<400x128xf32, #tpu.memory_space<vmem>>)
    "tpu.region"() ({
      %run_scoped3A = tpu.sem_alloc : memref<!tpu.dma_semaphore, #tpu.memory_space<semaphore_mem>>
      %dma_start3A_89 = arith.constant 0 : i32
      %dma_start3A_90 = tpu.memref_slice %arg7[%add3A_4, %dma_start3A_89] : memref<51200x128xf32, #tpu.memory_space<hbm>> -> memref<400x128xf32, #tpu.memory_space<hbm>>
      %dma_start3A_91 = arith.constant 0 : i32
      %dma_start3A_92 = tpu.memref_slice %arg7[%add3A_4, %dma_start3A_91] : memref<51200x128xf32, #tpu.memory_space<hbm>> -> memref<400x128xf32, #tpu.memory_space<hbm>>
      tpu.enqueue_dma source(%arg11 : memref<400x128xf32, #tpu.memory_space<vmem>>) target(%dma_start3A_92 : memref<400x128xf32, #tpu.memory_space<hbm>>) target_semaphore(%run_scoped3A : memref<!tpu.dma_semaphore, #tpu.memory_space<semaphore_mem>>)
      %dma_wait3A_93 = arith.constant 0 : i32
      %dma_wait3A_94 = tpu.memref_slice %arg7[%add3A_4, %dma_wait3A_93] : memref<51200x128xf32, #tpu.memory_space<hbm>> -> memref<400x128xf32, #tpu.memory_space<hbm>>
      %dma_wait3A_95 = arith.constant 0 : i32
      %dma_wait3A_96 = tpu.memref_slice %arg7[%add3A_4, %dma_wait3A_95] : memref<51200x128xf32, #tpu.memory_space<hbm>> -> memref<400x128xf32, #tpu.memory_space<hbm>>
      tpu.wait_dma2 semaphore(%run_scoped3A : memref<!tpu.dma_semaphore, #tpu.memory_space<semaphore_mem>>) src(%arg11 : memref<400x128xf32, #tpu.memory_space<vmem>>) dst(%dma_wait3A_96 : memref<400x128xf32, #tpu.memory_space<hbm>>)
      tpu.yield
    }) : () -> ()
    %add3A_15 = arith.constant 400 : i32
    %add3A_16 = arith.addi %mul3A_2, %add3A_15 : i32
    "tpu.region"() ({
      %run_scoped3A = tpu.sem_alloc : memref<!tpu.dma_semaphore, #tpu.memory_space<semaphore_mem>>
      %dma_start3A_89 = tpu.memref_slice %arg2[%add3A_16] : memref<51200xi32, #tpu.memory_space<hbm>> -> memref<400xi32, #tpu.memory_space<hbm>>
      %dma_start3A_90 = tpu.memref_slice %arg2[%add3A_16] : memref<51200xi32, #tpu.memory_space<hbm>> -> memref<400xi32, #tpu.memory_space<hbm>>
      tpu.enqueue_dma source(%dma_start3A_90 : memref<400xi32, #tpu.memory_space<hbm>>) target(%arg9 : memref<400xi32, #tpu.memory_space<vmem>>) target_semaphore(%run_scoped3A : memref<!tpu.dma_semaphore, #tpu.memory_space<semaphore_mem>>)
      %dma_wait3A_91 = tpu.memref_slice %arg2[%add3A_16] : memref<51200xi32, #tpu.memory_space<hbm>> -> memref<400xi32, #tpu.memory_space<hbm>>
      %dma_wait3A_92 = tpu.memref_slice %arg2[%add3A_16] : memref<51200xi32, #tpu.memory_space<hbm>> -> memref<400xi32, #tpu.memory_space<hbm>>
      tpu.wait_dma2 semaphore(%run_scoped3A : memref<!tpu.dma_semaphore, #tpu.memory_space<semaphore_mem>>) src(%dma_wait3A_92 : memref<400xi32, #tpu.memory_space<hbm>>) dst(%arg9 : memref<400xi32, #tpu.memory_space<vmem>>)
      tpu.yield
    }) : () -> ()
    %dma_start3A_17 = arith.constant 0 : i32
    %dma_start3A_18 = arith.constant 0 : i32
    %dma_start3A_19 = tpu.memref_slice %arg4[%dma_start3A_17, %dma_start3A_18] : memref<100000x128xi32, #tpu.memory_space<hbm>> -> memref<100000x128xi32, #tpu.memory_space<hbm>>
    tpu.enqueue_indirect_dma source(%dma_start3A_19 : memref<100000x128xi32, #tpu.memory_space<hbm>>) target(%arg10 : memref<400x128xi32, #tpu.memory_space<vmem>>) offsets(%arg9 : memref<400xi32, #tpu.memory_space<vmem>>) semaphore(%arg12 : memref<!tpu.dma_semaphore, #tpu.memory_space<semaphore_mem>>)
    %dma_wait3A_20 = arith.constant 0 : i32
    %dma_wait3A_21 = arith.constant 0 : i32
    %dma_wait3A_22 = tpu.memref_slice %arg4[%dma_wait3A_20, %dma_wait3A_21] : memref<100000x128xi32, #tpu.memory_space<hbm>> -> memref<100000x128xi32, #tpu.memory_space<hbm>>
    tpu.wait_indirect_dma semaphore(%arg12 : memref<!tpu.dma_semaphore, #tpu.memory_space<semaphore_mem>>) src(%dma_wait3A_22 : memref<100000x128xi32, #tpu.memory_space<hbm>>) dst(%arg10 : memref<400x128xi32, #tpu.memory_space<vmem>>)
    "tpu.region"() ({
      %run_scoped3A = tpu.sem_alloc : memref<!tpu.dma_semaphore, #tpu.memory_space<semaphore_mem>>
      %dma_start3A_89 = arith.constant 0 : i32
      %dma_start3A_90 = tpu.memref_slice %arg6[%add3A_16, %dma_start3A_89] : memref<51200x128xi32, #tpu.memory_space<hbm>> -> memref<400x128xi32, #tpu.memory_space<hbm>>
      %dma_start3A_91 = arith.constant 0 : i32
      %dma_start3A_92 = tpu.memref_slice %arg6[%add3A_16, %dma_start3A_91] : memref<51200x128xi32, #tpu.memory_space<hbm>> -> memref<400x128xi32, #tpu.memory_space<hbm>>
      tpu.enqueue_dma source(%arg10 : memref<400x128xi32, #tpu.memory_space<vmem>>) target(%dma_start3A_92 : memref<400x128xi32, #tpu.memory_space<hbm>>) target_semaphore(%run_scoped3A : memref<!tpu.dma_semaphore, #tpu.memory_space<semaphore_mem>>)
      %dma_wait3A_93 = arith.constant 0 : i32
      %dma_wait3A_94 = tpu.memref_slice %arg6[%add3A_16, %dma_wait3A_93] : memref<51200x128xi32, #tpu.memory_space<hbm>> -> memref<400x128xi32, #tpu.memory_space<hbm>>
      %dma_wait3A_95 = arith.constant 0 : i32
      %dma_wait3A_96 = tpu.memref_slice %arg6[%add3A_16, %dma_wait3A_95] : memref<51200x128xi32, #tpu.memory_space<hbm>> -> memref<400x128xi32, #tpu.memory_space<hbm>>
      tpu.wait_dma2 semaphore(%run_scoped3A : memref<!tpu.dma_semaphore, #tpu.memory_space<semaphore_mem>>) src(%arg10 : memref<400x128xi32, #tpu.memory_space<vmem>>) dst(%dma_wait3A_96 : memref<400x128xi32, #tpu.memory_space<hbm>>)
      tpu.yield
    }) : () -> ()
    %dma_start3A_23 = arith.constant 0 : i32
    %dma_start3A_24 = arith.constant 0 : i32
    %dma_start3A_25 = tpu.memref_slice %arg5[%dma_start3A_23, %dma_start3A_24] : memref<100000x128xf32, #tpu.memory_space<hbm>> -> memref<100000x128xf32, #tpu.memory_space<hbm>>
    tpu.enqueue_indirect_dma source(%dma_start3A_25 : memref<100000x128xf32, #tpu.memory_space<hbm>>) target(%arg11 : memref<400x128xf32, #tpu.memory_space<vmem>>) offsets(%arg9 : memref<400xi32, #tpu.memory_space<vmem>>) semaphore(%arg12 : memref<!tpu.dma_semaphore, #tpu.memory_space<semaphore_mem>>)
    %dma_wait3A_26 = arith.constant 0 : i32
    %dma_wait3A_27 = arith.constant 0 : i32
    %dma_wait3A_28 = tpu.memref_slice %arg5[%dma_wait3A_26, %dma_wait3A_27] : memref<100000x128xf32, #tpu.memory_space<hbm>> -> memref<100000x128xf32, #tpu.memory_space<hbm>>
    tpu.wait_indirect_dma semaphore(%arg12 : memref<!tpu.dma_semaphore, #tpu.memory_space<semaphore_mem>>) src(%dma_wait3A_28 : memref<100000x128xf32, #tpu.memory_space<hbm>>) dst(%arg11 : memref<400x128xf32, #tpu.memory_space<vmem>>)
    "tpu.region"() ({
      %run_scoped3A = tpu.sem_alloc : memref<!tpu.dma_semaphore, #tpu.memory_space<semaphore_mem>>
      %dma_start3A_89 = arith.constant 0 : i32
      %dma_start3A_90 = tpu.memref_slice %arg7[%add3A_16, %dma_start3A_89] : memref<51200x128xf32, #tpu.memory_space<hbm>> -> memref<400x128xf32, #tpu.memory_space<hbm>>
      %dma_start3A_91 = arith.constant 0 : i32
      %dma_start3A_92 = tpu.memref_slice %arg7[%add3A_16, %dma_start3A_91] : memref<51200x128xf32, #tpu.memory_space<hbm>> -> memref<400x128xf32, #tpu.memory_space<hbm>>
      tpu.enqueue_dma source(%arg11 : memref<400x128xf32, #tpu.memory_space<vmem>>) target(%dma_start3A_92 : memref<400x128xf32, #tpu.memory_space<hbm>>) target_semaphore(%run_scoped3A : memref<!tpu.dma_semaphore, #tpu.memory_space<semaphore_mem>>)
      %dma_wait3A_93 = arith.constant 0 : i32
      %dma_wait3A_94 = tpu.memref_slice %arg7[%add3A_16, %dma_wait3A_93] : memref<51200x128xf32, #tpu.memory_space<hbm>> -> memref<400x128xf32, #tpu.memory_space<hbm>>
      %dma_wait3A_95 = arith.constant 0 : i32
      %dma_wait3A_96 = tpu.memref_slice %arg7[%add3A_16, %dma_wait3A_95] : memref<51200x128xf32, #tpu.memory_space<hbm>> -> memref<400x128xf32, #tpu.memory_space<hbm>>
      tpu.wait_dma2 semaphore(%run_scoped3A : memref<!tpu.dma_semaphore, #tpu.memory_space<semaphore_mem>>) src(%arg11 : memref<400x128xf32, #tpu.memory_space<vmem>>) dst(%dma_wait3A_96 : memref<400x128xf32, #tpu.memory_space<hbm>>)
      tpu.yield
    }) : () -> ()
    %add3A_29 = arith.constant 800 : i32
    %add3A_30 = arith.addi %mul3A_2, %add3A_29 : i32
    "tpu.region"() ({
      %run_scoped3A = tpu.sem_alloc : memref<!tpu.dma_semaphore, #tpu.memory_space<semaphore_mem>>
      %dma_start3A_89 = tpu.memref_slice %arg2[%add3A_30] : memref<51200xi32, #tpu.memory_space<hbm>> -> memref<400xi32, #tpu.memory_space<hbm>>
      %dma_start3A_90 = tpu.memref_slice %arg2[%add3A_30] : memref<51200xi32, #tpu.memory_space<hbm>> -> memref<400xi32, #tpu.memory_space<hbm>>
      tpu.enqueue_dma source(%dma_start3A_90 : memref<400xi32, #tpu.memory_space<hbm>>) target(%arg9 : memref<400xi32, #tpu.memory_space<vmem>>) target_semaphore(%run_scoped3A : memref<!tpu.dma_semaphore, #tpu.memory_space<semaphore_mem>>)
      %dma_wait3A_91 = tpu.memref_slice %arg2[%add3A_30] : memref<51200xi32, #tpu.memory_space<hbm>> -> memref<400xi32, #tpu.memory_space<hbm>>
      %dma_wait3A_92 = tpu.memref_slice %arg2[%add3A_30] : memref<51200xi32, #tpu.memory_space<hbm>> -> memref<400xi32, #tpu.memory_space<hbm>>
      tpu.wait_dma2 semaphore(%run_scoped3A : memref<!tpu.dma_semaphore, #tpu.memory_space<semaphore_mem>>) src(%dma_wait3A_92 : memref<400xi32, #tpu.memory_space<hbm>>) dst(%arg9 : memref<400xi32, #tpu.memory_space<vmem>>)
      tpu.yield
    }) : () -> ()
    %dma_start3A_31 = arith.constant 0 : i32
    %dma_start3A_32 = arith.constant 0 : i32
    %dma_start3A_33 = tpu.memref_slice %arg4[%dma_start3A_31, %dma_start3A_32] : memref<100000x128xi32, #tpu.memory_space<hbm>> -> memref<100000x128xi32, #tpu.memory_space<hbm>>
    tpu.enqueue_indirect_dma source(%dma_start3A_33 : memref<100000x128xi32, #tpu.memory_space<hbm>>) target(%arg10 : memref<400x128xi32, #tpu.memory_space<vmem>>) offsets(%arg9 : memref<400xi32, #tpu.memory_space<vmem>>) semaphore(%arg12 : memref<!tpu.dma_semaphore, #tpu.memory_space<semaphore_mem>>)
    %dma_wait3A_34 = arith.constant 0 : i32
    %dma_wait3A_35 = arith.constant 0 : i32
    %dma_wait3A_36 = tpu.memref_slice %arg4[%dma_wait3A_34, %dma_wait3A_35] : memref<100000x128xi32, #tpu.memory_space<hbm>> -> memref<100000x128xi32, #tpu.memory_space<hbm>>
    tpu.wait_indirect_dma semaphore(%arg12 : memref<!tpu.dma_semaphore, #tpu.memory_space<semaphore_mem>>) src(%dma_wait3A_36 : memref<100000x128xi32, #tpu.memory_space<hbm>>) dst(%arg10 : memref<400x128xi32, #tpu.memory_space<vmem>>)
    "tpu.region"() ({
      %run_scoped3A = tpu.sem_alloc : memref<!tpu.dma_semaphore, #tpu.memory_space<semaphore_mem>>
      %dma_start3A_89 = arith.constant 0 : i32
      %dma_start3A_90 = tpu.memref_slice %arg6[%add3A_30, %dma_start3A_89] : memref<51200x128xi32, #tpu.memory_space<hbm>> -> memref<400x128xi32, #tpu.memory_space<hbm>>
      %dma_start3A_91 = arith.constant 0 : i32
      %dma_start3A_92 = tpu.memref_slice %arg6[%add3A_30, %dma_start3A_91] : memref<51200x128xi32, #tpu.memory_space<hbm>> -> memref<400x128xi32, #tpu.memory_space<hbm>>
      tpu.enqueue_dma source(%arg10 : memref<400x128xi32, #tpu.memory_space<vmem>>) target(%dma_start3A_92 : memref<400x128xi32, #tpu.memory_space<hbm>>) target_semaphore(%run_scoped3A : memref<!tpu.dma_semaphore, #tpu.memory_space<semaphore_mem>>)
      %dma_wait3A_93 = arith.constant 0 : i32
      %dma_wait3A_94 = tpu.memref_slice %arg6[%add3A_30, %dma_wait3A_93] : memref<51200x128xi32, #tpu.memory_space<hbm>> -> memref<400x128xi32, #tpu.memory_space<hbm>>
      %dma_wait3A_95 = arith.constant 0 : i32
      %dma_wait3A_96 = tpu.memref_slice %arg6[%add3A_30, %dma_wait3A_95] : memref<51200x128xi32, #tpu.memory_space<hbm>> -> memref<400x128xi32, #tpu.memory_space<hbm>>
      tpu.wait_dma2 semaphore(%run_scoped3A : memref<!tpu.dma_semaphore, #tpu.memory_space<semaphore_mem>>) src(%arg10 : memref<400x128xi32, #tpu.memory_space<vmem>>) dst(%dma_wait3A_96 : memref<400x128xi32, #tpu.memory_space<hbm>>)
      tpu.yield
    }) : () -> ()
    %dma_start3A_37 = arith.constant 0 : i32
    %dma_start3A_38 = arith.constant 0 : i32
    %dma_start3A_39 = tpu.memref_slice %arg5[%dma_start3A_37, %dma_start3A_38] : memref<100000x128xf32, #tpu.memory_space<hbm>> -> memref<100000x128xf32, #tpu.memory_space<hbm>>
    tpu.enqueue_indirect_dma source(%dma_start3A_39 : memref<100000x128xf32, #tpu.memory_space<hbm>>) target(%arg11 : memref<400x128xf32, #tpu.memory_space<vmem>>) offsets(%arg9 : memref<400xi32, #tpu.memory_space<vmem>>) semaphore(%arg12 : memref<!tpu.dma_semaphore, #tpu.memory_space<semaphore_mem>>)
    %dma_wait3A_40 = arith.constant 0 : i32
    %dma_wait3A_41 = arith.constant 0 : i32
    %dma_wait3A_42 = tpu.memref_slice %arg5[%dma_wait3A_40, %dma_wait3A_41] : memref<100000x128xf32, #tpu.memory_space<hbm>> -> memref<100000x128xf32, #tpu.memory_space<hbm>>
    tpu.wait_indirect_dma semaphore(%arg12 : memref<!tpu.dma_semaphore, #tpu.memory_space<semaphore_mem>>) src(%dma_wait3A_42 : memref<100000x128xf32, #tpu.memory_space<hbm>>) dst(%arg11 : memref<400x128xf32, #tpu.memory_space<vmem>>)
    "tpu.region"() ({
      %run_scoped3A = tpu.sem_alloc : memref<!tpu.dma_semaphore, #tpu.memory_space<semaphore_mem>>
      %dma_start3A_89 = arith.constant 0 : i32
      %dma_start3A_90 = tpu.memref_slice %arg7[%add3A_30, %dma_start3A_89] : memref<51200x128xf32, #tpu.memory_space<hbm>> -> memref<400x128xf32, #tpu.memory_space<hbm>>
      %dma_start3A_91 = arith.constant 0 : i32
      %dma_start3A_92 = tpu.memref_slice %arg7[%add3A_30, %dma_start3A_91] : memref<51200x128xf32, #tpu.memory_space<hbm>> -> memref<400x128xf32, #tpu.memory_space<hbm>>
      tpu.enqueue_dma source(%arg11 : memref<400x128xf32, #tpu.memory_space<vmem>>) target(%dma_start3A_92 : memref<400x128xf32, #tpu.memory_space<hbm>>) target_semaphore(%run_scoped3A : memref<!tpu.dma_semaphore, #tpu.memory_space<semaphore_mem>>)
      %dma_wait3A_93 = arith.constant 0 : i32
      %dma_wait3A_94 = tpu.memref_slice %arg7[%add3A_30, %dma_wait3A_93] : memref<51200x128xf32, #tpu.memory_space<hbm>> -> memref<400x128xf32, #tpu.memory_space<hbm>>
      %dma_wait3A_95 = arith.constant 0 : i32
      %dma_wait3A_96 = tpu.memref_slice %arg7[%add3A_30, %dma_wait3A_95] : memref<51200x128xf32, #tpu.memory_space<hbm>> -> memref<400x128xf32, #tpu.memory_space<hbm>>
      tpu.wait_dma2 semaphore(%run_scoped3A : memref<!tpu.dma_semaphore, #tpu.memory_space<semaphore_mem>>) src(%arg11 : memref<400x128xf32, #tpu.memory_space<vmem>>) dst(%dma_wait3A_96 : memref<400x128xf32, #tpu.memory_space<hbm>>)
      tpu.yield
    }) : () -> ()
    %add3A_43 = arith.constant 1200 : i32
    %add3A_44 = arith.addi %mul3A_2, %add3A_43 : i32
    "tpu.region"() ({
      %run_scoped3A = tpu.sem_alloc : memref<!tpu.dma_semaphore, #tpu.memory_space<semaphore_mem>>
      %dma_start3A_89 = tpu.memref_slice %arg2[%add3A_44] : memref<51200xi32, #tpu.memory_space<hbm>> -> memref<400xi32, #tpu.memory_space<hbm>>
      %dma_start3A_90 = tpu.memref_slice %arg2[%add3A_44] : memref<51200xi32, #tpu.memory_space<hbm>> -> memref<400xi32, #tpu.memory_space<hbm>>
      tpu.enqueue_dma source(%dma_start3A_90 : memref<400xi32, #tpu.memory_space<hbm>>) target(%arg9 : memref<400xi32, #tpu.memory_space<vmem>>) target_semaphore(%run_scoped3A : memref<!tpu.dma_semaphore, #tpu.memory_space<semaphore_mem>>)
      %dma_wait3A_91 = tpu.memref_slice %arg2[%add3A_44] : memref<51200xi32, #tpu.memory_space<hbm>> -> memref<400xi32, #tpu.memory_space<hbm>>
      %dma_wait3A_92 = tpu.memref_slice %arg2[%add3A_44] : memref<51200xi32, #tpu.memory_space<hbm>> -> memref<400xi32, #tpu.memory_space<hbm>>
      tpu.wait_dma2 semaphore(%run_scoped3A : memref<!tpu.dma_semaphore, #tpu.memory_space<semaphore_mem>>) src(%dma_wait3A_92 : memref<400xi32, #tpu.memory_space<hbm>>) dst(%arg9 : memref<400xi32, #tpu.memory_space<vmem>>)
      tpu.yield
    }) : () -> ()
    %dma_start3A_45 = arith.constant 0 : i32
    %dma_start3A_46 = arith.constant 0 : i32
    %dma_start3A_47 = tpu.memref_slice %arg4[%dma_start3A_45, %dma_start3A_46] : memref<100000x128xi32, #tpu.memory_space<hbm>> -> memref<100000x128xi32, #tpu.memory_space<hbm>>
    tpu.enqueue_indirect_dma source(%dma_start3A_47 : memref<100000x128xi32, #tpu.memory_space<hbm>>) target(%arg10 : memref<400x128xi32, #tpu.memory_space<vmem>>) offsets(%arg9 : memref<400xi32, #tpu.memory_space<vmem>>) semaphore(%arg12 : memref<!tpu.dma_semaphore, #tpu.memory_space<semaphore_mem>>)
    %dma_wait3A_48 = arith.constant 0 : i32
    %dma_wait3A_49 = arith.constant 0 : i32
    %dma_wait3A_50 = tpu.memref_slice %arg4[%dma_wait3A_48, %dma_wait3A_49] : memref<100000x128xi32, #tpu.memory_space<hbm>> -> memref<100000x128xi32, #tpu.memory_space<hbm>>
    tpu.wait_indirect_dma semaphore(%arg12 : memref<!tpu.dma_semaphore, #tpu.memory_space<semaphore_mem>>) src(%dma_wait3A_50 : memref<100000x128xi32, #tpu.memory_space<hbm>>) dst(%arg10 : memref<400x128xi32, #tpu.memory_space<vmem>>)
    "tpu.region"() ({
      %run_scoped3A = tpu.sem_alloc : memref<!tpu.dma_semaphore, #tpu.memory_space<semaphore_mem>>
      %dma_start3A_89 = arith.constant 0 : i32
      %dma_start3A_90 = tpu.memref_slice %arg6[%add3A_44, %dma_start3A_89] : memref<51200x128xi32, #tpu.memory_space<hbm>> -> memref<400x128xi32, #tpu.memory_space<hbm>>
      %dma_start3A_91 = arith.constant 0 : i32
      %dma_start3A_92 = tpu.memref_slice %arg6[%add3A_44, %dma_start3A_91] : memref<51200x128xi32, #tpu.memory_space<hbm>> -> memref<400x128xi32, #tpu.memory_space<hbm>>
      tpu.enqueue_dma source(%arg10 : memref<400x128xi32, #tpu.memory_space<vmem>>) target(%dma_start3A_92 : memref<400x128xi32, #tpu.memory_space<hbm>>) target_semaphore(%run_scoped3A : memref<!tpu.dma_semaphore, #tpu.memory_space<semaphore_mem>>)
      %dma_wait3A_93 = arith.constant 0 : i32
      %dma_wait3A_94 = tpu.memref_slice %arg6[%add3A_44, %dma_wait3A_93] : memref<51200x128xi32, #tpu.memory_space<hbm>> -> memref<400x128xi32, #tpu.memory_space<hbm>>
      %dma_wait3A_95 = arith.constant 0 : i32
      %dma_wait3A_96 = tpu.memref_slice %arg6[%add3A_44, %dma_wait3A_95] : memref<51200x128xi32, #tpu.memory_space<hbm>> -> memref<400x128xi32, #tpu.memory_space<hbm>>
      tpu.wait_dma2 semaphore(%run_scoped3A : memref<!tpu.dma_semaphore, #tpu.memory_space<semaphore_mem>>) src(%arg10 : memref<400x128xi32, #tpu.memory_space<vmem>>) dst(%dma_wait3A_96 : memref<400x128xi32, #tpu.memory_space<hbm>>)
      tpu.yield
    }) : () -> ()
    %dma_start3A_51 = arith.constant 0 : i32
    %dma_start3A_52 = arith.constant 0 : i32
    %dma_start3A_53 = tpu.memref_slice %arg5[%dma_start3A_51, %dma_start3A_52] : memref<100000x128xf32, #tpu.memory_space<hbm>> -> memref<100000x128xf32, #tpu.memory_space<hbm>>
    tpu.enqueue_indirect_dma source(%dma_start3A_53 : memref<100000x128xf32, #tpu.memory_space<hbm>>) target(%arg11 : memref<400x128xf32, #tpu.memory_space<vmem>>) offsets(%arg9 : memref<400xi32, #tpu.memory_space<vmem>>) semaphore(%arg12 : memref<!tpu.dma_semaphore, #tpu.memory_space<semaphore_mem>>)
    %dma_wait3A_54 = arith.constant 0 : i32
    %dma_wait3A_55 = arith.constant 0 : i32
    %dma_wait3A_56 = tpu.memref_slice %arg5[%dma_wait3A_54, %dma_wait3A_55] : memref<100000x128xf32, #tpu.memory_space<hbm>> -> memref<100000x128xf32, #tpu.memory_space<hbm>>
    tpu.wait_indirect_dma semaphore(%arg12 : memref<!tpu.dma_semaphore, #tpu.memory_space<semaphore_mem>>) src(%dma_wait3A_56 : memref<100000x128xf32, #tpu.memory_space<hbm>>) dst(%arg11 : memref<400x128xf32, #tpu.memory_space<vmem>>)
    "tpu.region"() ({
      %run_scoped3A = tpu.sem_alloc : memref<!tpu.dma_semaphore, #tpu.memory_space<semaphore_mem>>
      %dma_start3A_89 = arith.constant 0 : i32
      %dma_start3A_90 = tpu.memref_slice %arg7[%add3A_44, %dma_start3A_89] : memref<51200x128xf32, #tpu.memory_space<hbm>> -> memref<400x128xf32, #tpu.memory_space<hbm>>
      %dma_start3A_91 = arith.constant 0 : i32
      %dma_start3A_92 = tpu.memref_slice %arg7[%add3A_44, %dma_start3A_91] : memref<51200x128xf32, #tpu.memory_space<hbm>> -> memref<400x128xf32, #tpu.memory_space<hbm>>
      tpu.enqueue_dma source(%arg11 : memref<400x128xf32, #tpu.memory_space<vmem>>) target(%dma_start3A_92 : memref<400x128xf32, #tpu.memory_space<hbm>>) target_semaphore(%run_scoped3A : memref<!tpu.dma_semaphore, #tpu.memory_space<semaphore_mem>>)
      %dma_wait3A_93 = arith.constant 0 : i32
      %dma_wait3A_94 = tpu.memref_slice %arg7[%add3A_44, %dma_wait3A_93] : memref<51200x128xf32, #tpu.memory_space<hbm>> -> memref<400x128xf32, #tpu.memory_space<hbm>>
      %dma_wait3A_95 = arith.constant 0 : i32
      %dma_wait3A_96 = tpu.memref_slice %arg7[%add3A_44, %dma_wait3A_95] : memref<51200x128xf32, #tpu.memory_space<hbm>> -> memref<400x128xf32, #tpu.memory_space<hbm>>
      tpu.wait_dma2 semaphore(%run_scoped3A : memref<!tpu.dma_semaphore, #tpu.memory_space<semaphore_mem>>) src(%arg11 : memref<400x128xf32, #tpu.memory_space<vmem>>) dst(%dma_wait3A_96 : memref<400x128xf32, #tpu.memory_space<hbm>>)
      tpu.yield
    }) : () -> ()
    %add3A_57 = arith.constant 0 : i32
    %add3A_58 = arith.addi %mul3A_2, %add3A_57 : i32
    "tpu.region"() ({
      %run_scoped3A = tpu.sem_alloc : memref<!tpu.dma_semaphore, #tpu.memory_space<semaphore_mem>>
      %dma_start3A_89 = tpu.memref_slice %arg3[%add3A_58] : memref<51200xi32, #tpu.memory_space<hbm>> -> memref<400xi32, #tpu.memory_space<hbm>>
      %dma_start3A_90 = tpu.memref_slice %arg3[%add3A_58] : memref<51200xi32, #tpu.memory_space<hbm>> -> memref<400xi32, #tpu.memory_space<hbm>>
      tpu.enqueue_dma source(%dma_start3A_90 : memref<400xi32, #tpu.memory_space<hbm>>) target(%arg9 : memref<400xi32, #tpu.memory_space<vmem>>) target_semaphore(%run_scoped3A : memref<!tpu.dma_semaphore, #tpu.memory_space<semaphore_mem>>)
      %dma_wait3A_91 = tpu.memref_slice %arg3[%add3A_58] : memref<51200xi32, #tpu.memory_space<hbm>> -> memref<400xi32, #tpu.memory_space<hbm>>
      %dma_wait3A_92 = tpu.memref_slice %arg3[%add3A_58] : memref<51200xi32, #tpu.memory_space<hbm>> -> memref<400xi32, #tpu.memory_space<hbm>>
      tpu.wait_dma2 semaphore(%run_scoped3A : memref<!tpu.dma_semaphore, #tpu.memory_space<semaphore_mem>>) src(%dma_wait3A_92 : memref<400xi32, #tpu.memory_space<hbm>>) dst(%arg9 : memref<400xi32, #tpu.memory_space<vmem>>)
      tpu.yield
    }) : () -> ()
    %dma_start3A_59 = arith.constant 0 : i32
    %dma_start3A_60 = arith.constant 0 : i32
    %dma_start3A_61 = tpu.memref_slice %arg5[%dma_start3A_59, %dma_start3A_60] : memref<100000x128xf32, #tpu.memory_space<hbm>> -> memref<100000x128xf32, #tpu.memory_space<hbm>>
    tpu.enqueue_indirect_dma source(%dma_start3A_61 : memref<100000x128xf32, #tpu.memory_space<hbm>>) target(%arg11 : memref<400x128xf32, #tpu.memory_space<vmem>>) offsets(%arg9 : memref<400xi32, #tpu.memory_space<vmem>>) semaphore(%arg12 : memref<!tpu.dma_semaphore, #tpu.memory_space<semaphore_mem>>)
    %dma_wait3A_62 = arith.constant 0 : i32
    %dma_wait3A_63 = arith.constant 0 : i32
    %dma_wait3A_64 = tpu.memref_slice %arg5[%dma_wait3A_62, %dma_wait3A_63] : memref<100000x128xf32, #tpu.memory_space<hbm>> -> memref<100000x128xf32, #tpu.memory_space<hbm>>
    tpu.wait_indirect_dma semaphore(%arg12 : memref<!tpu.dma_semaphore, #tpu.memory_space<semaphore_mem>>) src(%dma_wait3A_64 : memref<100000x128xf32, #tpu.memory_space<hbm>>) dst(%arg11 : memref<400x128xf32, #tpu.memory_space<vmem>>)
    "tpu.region"() ({
      %run_scoped3A = tpu.sem_alloc : memref<!tpu.dma_semaphore, #tpu.memory_space<semaphore_mem>>
      %dma_start3A_89 = arith.constant 0 : i32
      %dma_start3A_90 = tpu.memref_slice %arg8[%add3A_58, %dma_start3A_89] : memref<51200x128xf32, #tpu.memory_space<hbm>> -> memref<400x128xf32, #tpu.memory_space<hbm>>
      %dma_start3A_91 = arith.constant 0 : i32
      %dma_start3A_92 = tpu.memref_slice %arg8[%add3A_58, %dma_start3A_91] : memref<51200x128xf32, #tpu.memory_space<hbm>> -> memref<400x128xf32, #tpu.memory_space<hbm>>
      tpu.enqueue_dma source(%arg11 : memref<400x128xf32, #tpu.memory_space<vmem>>) target(%dma_start3A_92 : memref<400x128xf32, #tpu.memory_space<hbm>>) target_semaphore(%run_scoped3A : memref<!tpu.dma_semaphore, #tpu.memory_space<semaphore_mem>>)
      %dma_wait3A_93 = arith.constant 0 : i32
      %dma_wait3A_94 = tpu.memref_slice %arg8[%add3A_58, %dma_wait3A_93] : memref<51200x128xf32, #tpu.memory_space<hbm>> -> memref<400x128xf32, #tpu.memory_space<hbm>>
      %dma_wait3A_95 = arith.constant 0 : i32
      %dma_wait3A_96 = tpu.memref_slice %arg8[%add3A_58, %dma_wait3A_95] : memref<51200x128xf32, #tpu.memory_space<hbm>> -> memref<400x128xf32, #tpu.memory_space<hbm>>
      tpu.wait_dma2 semaphore(%run_scoped3A : memref<!tpu.dma_semaphore, #tpu.memory_space<semaphore_mem>>) src(%arg11 : memref<400x128xf32, #tpu.memory_space<vmem>>) dst(%dma_wait3A_96 : memref<400x128xf32, #tpu.memory_space<hbm>>)
      tpu.yield
    }) : () -> ()
    %add3A_65 = arith.constant 400 : i32
    %add3A_66 = arith.addi %mul3A_2, %add3A_65 : i32
    "tpu.region"() ({
      %run_scoped3A = tpu.sem_alloc : memref<!tpu.dma_semaphore, #tpu.memory_space<semaphore_mem>>
      %dma_start3A_89 = tpu.memref_slice %arg3[%add3A_66] : memref<51200xi32, #tpu.memory_space<hbm>> -> memref<400xi32, #tpu.memory_space<hbm>>
      %dma_start3A_90 = tpu.memref_slice %arg3[%add3A_66] : memref<51200xi32, #tpu.memory_space<hbm>> -> memref<400xi32, #tpu.memory_space<hbm>>
      tpu.enqueue_dma source(%dma_start3A_90 : memref<400xi32, #tpu.memory_space<hbm>>) target(%arg9 : memref<400xi32, #tpu.memory_space<vmem>>) target_semaphore(%run_scoped3A : memref<!tpu.dma_semaphore, #tpu.memory_space<semaphore_mem>>)
      %dma_wait3A_91 = tpu.memref_slice %arg3[%add3A_66] : memref<51200xi32, #tpu.memory_space<hbm>> -> memref<400xi32, #tpu.memory_space<hbm>>
      %dma_wait3A_92 = tpu.memref_slice %arg3[%add3A_66] : memref<51200xi32, #tpu.memory_space<hbm>> -> memref<400xi32, #tpu.memory_space<hbm>>
      tpu.wait_dma2 semaphore(%run_scoped3A : memref<!tpu.dma_semaphore, #tpu.memory_space<semaphore_mem>>) src(%dma_wait3A_92 : memref<400xi32, #tpu.memory_space<hbm>>) dst(%arg9 : memref<400xi32, #tpu.memory_space<vmem>>)
      tpu.yield
    }) : () -> ()
    %dma_start3A_67 = arith.constant 0 : i32
    %dma_start3A_68 = arith.constant 0 : i32
    %dma_start3A_69 = tpu.memref_slice %arg5[%dma_start3A_67, %dma_start3A_68] : memref<100000x128xf32, #tpu.memory_space<hbm>> -> memref<100000x128xf32, #tpu.memory_space<hbm>>
    tpu.enqueue_indirect_dma source(%dma_start3A_69 : memref<100000x128xf32, #tpu.memory_space<hbm>>) target(%arg11 : memref<400x128xf32, #tpu.memory_space<vmem>>) offsets(%arg9 : memref<400xi32, #tpu.memory_space<vmem>>) semaphore(%arg12 : memref<!tpu.dma_semaphore, #tpu.memory_space<semaphore_mem>>)
    %dma_wait3A_70 = arith.constant 0 : i32
    %dma_wait3A_71 = arith.constant 0 : i32
    %dma_wait3A_72 = tpu.memref_slice %arg5[%dma_wait3A_70, %dma_wait3A_71] : memref<100000x128xf32, #tpu.memory_space<hbm>> -> memref<100000x128xf32, #tpu.memory_space<hbm>>
    tpu.wait_indirect_dma semaphore(%arg12 : memref<!tpu.dma_semaphore, #tpu.memory_space<semaphore_mem>>) src(%dma_wait3A_72 : memref<100000x128xf32, #tpu.memory_space<hbm>>) dst(%arg11 : memref<400x128xf32, #tpu.memory_space<vmem>>)
    "tpu.region"() ({
      %run_scoped3A = tpu.sem_alloc : memref<!tpu.dma_semaphore, #tpu.memory_space<semaphore_mem>>
      %dma_start3A_89 = arith.constant 0 : i32
      %dma_start3A_90 = tpu.memref_slice %arg8[%add3A_66, %dma_start3A_89] : memref<51200x128xf32, #tpu.memory_space<hbm>> -> memref<400x128xf32, #tpu.memory_space<hbm>>
      %dma_start3A_91 = arith.constant 0 : i32
      %dma_start3A_92 = tpu.memref_slice %arg8[%add3A_66, %dma_start3A_91] : memref<51200x128xf32, #tpu.memory_space<hbm>> -> memref<400x128xf32, #tpu.memory_space<hbm>>
      tpu.enqueue_dma source(%arg11 : memref<400x128xf32, #tpu.memory_space<vmem>>) target(%dma_start3A_92 : memref<400x128xf32, #tpu.memory_space<hbm>>) target_semaphore(%run_scoped3A : memref<!tpu.dma_semaphore, #tpu.memory_space<semaphore_mem>>)
      %dma_wait3A_93 = arith.constant 0 : i32
      %dma_wait3A_94 = tpu.memref_slice %arg8[%add3A_66, %dma_wait3A_93] : memref<51200x128xf32, #tpu.memory_space<hbm>> -> memref<400x128xf32, #tpu.memory_space<hbm>>
      %dma_wait3A_95 = arith.constant 0 : i32
      %dma_wait3A_96 = tpu.memref_slice %arg8[%add3A_66, %dma_wait3A_95] : memref<51200x128xf32, #tpu.memory_space<hbm>> -> memref<400x128xf32, #tpu.memory_space<hbm>>
      tpu.wait_dma2 semaphore(%run_scoped3A : memref<!tpu.dma_semaphore, #tpu.memory_space<semaphore_mem>>) src(%arg11 : memref<400x128xf32, #tpu.memory_space<vmem>>) dst(%dma_wait3A_96 : memref<400x128xf32, #tpu.memory_space<hbm>>)
      tpu.yield
    }) : () -> ()
    %add3A_73 = arith.constant 800 : i32
    %add3A_74 = arith.addi %mul3A_2, %add3A_73 : i32
    "tpu.region"() ({
      %run_scoped3A = tpu.sem_alloc : memref<!tpu.dma_semaphore, #tpu.memory_space<semaphore_mem>>
      %dma_start3A_89 = tpu.memref_slice %arg3[%add3A_74] : memref<51200xi32, #tpu.memory_space<hbm>> -> memref<400xi32, #tpu.memory_space<hbm>>
      %dma_start3A_90 = tpu.memref_slice %arg3[%add3A_74] : memref<51200xi32, #tpu.memory_space<hbm>> -> memref<400xi32, #tpu.memory_space<hbm>>
      tpu.enqueue_dma source(%dma_start3A_90 : memref<400xi32, #tpu.memory_space<hbm>>) target(%arg9 : memref<400xi32, #tpu.memory_space<vmem>>) target_semaphore(%run_scoped3A : memref<!tpu.dma_semaphore, #tpu.memory_space<semaphore_mem>>)
      %dma_wait3A_91 = tpu.memref_slice %arg3[%add3A_74] : memref<51200xi32, #tpu.memory_space<hbm>> -> memref<400xi32, #tpu.memory_space<hbm>>
      %dma_wait3A_92 = tpu.memref_slice %arg3[%add3A_74] : memref<51200xi32, #tpu.memory_space<hbm>> -> memref<400xi32, #tpu.memory_space<hbm>>
      tpu.wait_dma2 semaphore(%run_scoped3A : memref<!tpu.dma_semaphore, #tpu.memory_space<semaphore_mem>>) src(%dma_wait3A_92 : memref<400xi32, #tpu.memory_space<hbm>>) dst(%arg9 : memref<400xi32, #tpu.memory_space<vmem>>)
      tpu.yield
    }) : () -> ()
    %dma_start3A_75 = arith.constant 0 : i32
    %dma_start3A_76 = arith.constant 0 : i32
    %dma_start3A_77 = tpu.memref_slice %arg5[%dma_start3A_75, %dma_start3A_76] : memref<100000x128xf32, #tpu.memory_space<hbm>> -> memref<100000x128xf32, #tpu.memory_space<hbm>>
    tpu.enqueue_indirect_dma source(%dma_start3A_77 : memref<100000x128xf32, #tpu.memory_space<hbm>>) target(%arg11 : memref<400x128xf32, #tpu.memory_space<vmem>>) offsets(%arg9 : memref<400xi32, #tpu.memory_space<vmem>>) semaphore(%arg12 : memref<!tpu.dma_semaphore, #tpu.memory_space<semaphore_mem>>)
    %dma_wait3A_78 = arith.constant 0 : i32
    %dma_wait3A_79 = arith.constant 0 : i32
    %dma_wait3A_80 = tpu.memref_slice %arg5[%dma_wait3A_78, %dma_wait3A_79] : memref<100000x128xf32, #tpu.memory_space<hbm>> -> memref<100000x128xf32, #tpu.memory_space<hbm>>
    tpu.wait_indirect_dma semaphore(%arg12 : memref<!tpu.dma_semaphore, #tpu.memory_space<semaphore_mem>>) src(%dma_wait3A_80 : memref<100000x128xf32, #tpu.memory_space<hbm>>) dst(%arg11 : memref<400x128xf32, #tpu.memory_space<vmem>>)
    "tpu.region"() ({
      %run_scoped3A = tpu.sem_alloc : memref<!tpu.dma_semaphore, #tpu.memory_space<semaphore_mem>>
      %dma_start3A_89 = arith.constant 0 : i32
      %dma_start3A_90 = tpu.memref_slice %arg8[%add3A_74, %dma_start3A_89] : memref<51200x128xf32, #tpu.memory_space<hbm>> -> memref<400x128xf32, #tpu.memory_space<hbm>>
      %dma_start3A_91 = arith.constant 0 : i32
      %dma_start3A_92 = tpu.memref_slice %arg8[%add3A_74, %dma_start3A_91] : memref<51200x128xf32, #tpu.memory_space<hbm>> -> memref<400x128xf32, #tpu.memory_space<hbm>>
      tpu.enqueue_dma source(%arg11 : memref<400x128xf32, #tpu.memory_space<vmem>>) target(%dma_start3A_92 : memref<400x128xf32, #tpu.memory_space<hbm>>) target_semaphore(%run_scoped3A : memref<!tpu.dma_semaphore, #tpu.memory_space<semaphore_mem>>)
      %dma_wait3A_93 = arith.constant 0 : i32
      %dma_wait3A_94 = tpu.memref_slice %arg8[%add3A_74, %dma_wait3A_93] : memref<51200x128xf32, #tpu.memory_space<hbm>> -> memref<400x128xf32, #tpu.memory_space<hbm>>
      %dma_wait3A_95 = arith.constant 0 : i32
      %dma_wait3A_96 = tpu.memref_slice %arg8[%add3A_74, %dma_wait3A_95] : memref<51200x128xf32, #tpu.memory_space<hbm>> -> memref<400x128xf32, #tpu.memory_space<hbm>>
      tpu.wait_dma2 semaphore(%run_scoped3A : memref<!tpu.dma_semaphore, #tpu.memory_space<semaphore_mem>>) src(%arg11 : memref<400x128xf32, #tpu.memory_space<vmem>>) dst(%dma_wait3A_96 : memref<400x128xf32, #tpu.memory_space<hbm>>)
      tpu.yield
    }) : () -> ()
    %add3A_81 = arith.constant 1200 : i32
    %add3A_82 = arith.addi %mul3A_2, %add3A_81 : i32
    "tpu.region"() ({
      %run_scoped3A = tpu.sem_alloc : memref<!tpu.dma_semaphore, #tpu.memory_space<semaphore_mem>>
      %dma_start3A_89 = tpu.memref_slice %arg3[%add3A_82] : memref<51200xi32, #tpu.memory_space<hbm>> -> memref<400xi32, #tpu.memory_space<hbm>>
      %dma_start3A_90 = tpu.memref_slice %arg3[%add3A_82] : memref<51200xi32, #tpu.memory_space<hbm>> -> memref<400xi32, #tpu.memory_space<hbm>>
      tpu.enqueue_dma source(%dma_start3A_90 : memref<400xi32, #tpu.memory_space<hbm>>) target(%arg9 : memref<400xi32, #tpu.memory_space<vmem>>) target_semaphore(%run_scoped3A : memref<!tpu.dma_semaphore, #tpu.memory_space<semaphore_mem>>)
      %dma_wait3A_91 = tpu.memref_slice %arg3[%add3A_82] : memref<51200xi32, #tpu.memory_space<hbm>> -> memref<400xi32, #tpu.memory_space<hbm>>
      %dma_wait3A_92 = tpu.memref_slice %arg3[%add3A_82] : memref<51200xi32, #tpu.memory_space<hbm>> -> memref<400xi32, #tpu.memory_space<hbm>>
      tpu.wait_dma2 semaphore(%run_scoped3A : memref<!tpu.dma_semaphore, #tpu.memory_space<semaphore_mem>>) src(%dma_wait3A_92 : memref<400xi32, #tpu.memory_space<hbm>>) dst(%arg9 : memref<400xi32, #tpu.memory_space<vmem>>)
      tpu.yield
    }) : () -> ()
    %dma_start3A_83 = arith.constant 0 : i32
    %dma_start3A_84 = arith.constant 0 : i32
    %dma_start3A_85 = tpu.memref_slice %arg5[%dma_start3A_83, %dma_start3A_84] : memref<100000x128xf32, #tpu.memory_space<hbm>> -> memref<100000x128xf32, #tpu.memory_space<hbm>>
    tpu.enqueue_indirect_dma source(%dma_start3A_85 : memref<100000x128xf32, #tpu.memory_space<hbm>>) target(%arg11 : memref<400x128xf32, #tpu.memory_space<vmem>>) offsets(%arg9 : memref<400xi32, #tpu.memory_space<vmem>>) semaphore(%arg12 : memref<!tpu.dma_semaphore, #tpu.memory_space<semaphore_mem>>)
    %dma_wait3A_86 = arith.constant 0 : i32
    %dma_wait3A_87 = arith.constant 0 : i32
    %dma_wait3A_88 = tpu.memref_slice %arg5[%dma_wait3A_86, %dma_wait3A_87] : memref<100000x128xf32, #tpu.memory_space<hbm>> -> memref<100000x128xf32, #tpu.memory_space<hbm>>
    tpu.wait_indirect_dma semaphore(%arg12 : memref<!tpu.dma_semaphore, #tpu.memory_space<semaphore_mem>>) src(%dma_wait3A_88 : memref<100000x128xf32, #tpu.memory_space<hbm>>) dst(%arg11 : memref<400x128xf32, #tpu.memory_space<vmem>>)
    "tpu.region"() ({
      %run_scoped3A = tpu.sem_alloc : memref<!tpu.dma_semaphore, #tpu.memory_space<semaphore_mem>>
      %dma_start3A_89 = arith.constant 0 : i32
      %dma_start3A_90 = tpu.memref_slice %arg8[%add3A_82, %dma_start3A_89] : memref<51200x128xf32, #tpu.memory_space<hbm>> -> memref<400x128xf32, #tpu.memory_space<hbm>>
      %dma_start3A_91 = arith.constant 0 : i32
      %dma_start3A_92 = tpu.memref_slice %arg8[%add3A_82, %dma_start3A_91] : memref<51200x128xf32, #tpu.memory_space<hbm>> -> memref<400x128xf32, #tpu.memory_space<hbm>>
      tpu.enqueue_dma source(%arg11 : memref<400x128xf32, #tpu.memory_space<vmem>>) target(%dma_start3A_92 : memref<400x128xf32, #tpu.memory_space<hbm>>) target_semaphore(%run_scoped3A : memref<!tpu.dma_semaphore, #tpu.memory_space<semaphore_mem>>)
      %dma_wait3A_93 = arith.constant 0 : i32
      %dma_wait3A_94 = tpu.memref_slice %arg8[%add3A_82, %dma_wait3A_93] : memref<51200x128xf32, #tpu.memory_space<hbm>> -> memref<400x128xf32, #tpu.memory_space<hbm>>
      %dma_wait3A_95 = arith.constant 0 : i32
      %dma_wait3A_96 = tpu.memref_slice %arg8[%add3A_82, %dma_wait3A_95] : memref<51200x128xf32, #tpu.memory_space<hbm>> -> memref<400x128xf32, #tpu.memory_space<hbm>>
      tpu.wait_dma2 semaphore(%run_scoped3A : memref<!tpu.dma_semaphore, #tpu.memory_space<semaphore_mem>>) src(%arg11 : memref<400x128xf32, #tpu.memory_space<vmem>>) dst(%dma_wait3A_96 : memref<400x128xf32, #tpu.memory_space<hbm>>)
      tpu.yield
    }) : () -> ()
    return
  }
}

#map = affine_map<(d0, d1) -> (0)>
#map1 = affine_map<(d0, d1) -> (0, 0)>
#map2 = affine_map<(d0, d1) -> (0, 0, 0)>
module attributes {stable_mosaic.version = 14 : i64} {
  func.func @kb(%arg0: i32, %arg1: i32, %arg2: memref<614400xi32, #tpu.memory_space<hbm>>, %arg3: memref<100000x128xf32, #tpu.memory_space<hbm>>, %arg4: memref<12x12800x128xf32, #tpu.memory_space<hbm>>, %arg5: memref<400xi32, #tpu.memory_space<vmem>>, %arg6: memref<400xi32, #tpu.memory_space<vmem>>, %arg7: memref<400x128xf32, #tpu.memory_space<vmem>>, %arg8: memref<400x128xf32, #tpu.memory_space<vmem>>, %arg9: memref<!tpu.dma_semaphore, #tpu.memory_space<semaphore_mem>>, %arg10: memref<!tpu.dma_semaphore, #tpu.memory_space<semaphore_mem>>) attributes {dimension_semantics = [#tpu.dimension_semantics<core_parallel>, #tpu.dimension_semantics<subcore_parallel>], iteration_bounds = array<i64: 2, 16>, scalar_prefetch = 0 : i64, scratch_operands = 6 : i64, tpu.core_type = #tpu.core_type<sc_vector_subcore>, window_params = [{transform_indices = #map}, {transform_indices = #map1}, {transform_indices = #map2}]} {
    %mul3A = arith.constant 2 : i32
    %mul3A_0 = arith.muli %arg1, %mul3A : i32
    %add3A = arith.addi %mul3A_0, %arg0 : i32
    %mul3A_1 = arith.constant 12 : i32
    %mul3A_2 = arith.muli %add3A, %mul3A_1 : i32
    %jit3A = arith.constant 32 : i32
    %div3A = arith.divsi %mul3A_2, %jit3A : i32
    %sign3A = arith.constant 0 : i32
    %sign3A_3 = arith.cmpi sgt, %mul3A_2, %sign3A : i32
    %sign3A_4 = arith.extui %sign3A_3 : i1 to i32
    %sign3A_5 = arith.constant 0 : i32
    %sign3A_6 = arith.cmpi slt, %mul3A_2, %sign3A_5 : i32
    %sign3A_7 = arith.extui %sign3A_6 : i1 to i32
    %sign3A_8 = arith.subi %sign3A_4, %sign3A_7 : i32
    %sign3A_9 = arith.constant 0 : i32
    %sign3A_10 = arith.cmpi sgt, %jit3A, %sign3A_9 : i32
    %sign3A_11 = arith.extui %sign3A_10 : i1 to i32
    %sign3A_12 = arith.constant 0 : i32
    %sign3A_13 = arith.cmpi slt, %jit3A, %sign3A_12 : i32
    %sign3A_14 = arith.extui %sign3A_13 : i1 to i32
    %sign3A_15 = arith.subi %sign3A_11, %sign3A_14 : i32
    %ne3A = arith.cmpi ne, %sign3A_8, %sign3A_15 : i32
    %rem3A = arith.remsi %mul3A_2, %jit3A : i32
    %ne3A_16 = arith.constant 0 : i32
    %ne3A_17 = arith.cmpi ne, %rem3A, %ne3A_16 : i32
    %and3A = arith.andi %ne3A, %ne3A_17 : i1
    %sub3A = arith.constant 1 : i32
    %sub3A_18 = arith.subi %div3A, %sub3A : i32
    %select_n3A = arith.select %and3A, %sub3A_18, %div3A : i32
    %mul3A_19 = arith.constant 51200 : i32
    %mul3A_20 = arith.muli %select_n3A, %mul3A_19 : i32
    %add3A_21 = arith.constant 38400 : i32
    %add3A_22 = arith.addi %mul3A_20, %add3A_21 : i32
    %jit3A_23 = arith.constant 32 : i32
    %eq3A = arith.constant 0 : i32
    %eq3A_24 = arith.cmpi eq, %jit3A_23, %eq3A : i32
    %jit3A_25 = arith.constant 1 : i32
    %select_n3A_26 = arith.select %eq3A_24, %jit3A_25, %jit3A_23 : i32
    %rem3A_27 = arith.remsi %mul3A_2, %select_n3A_26 : i32
    %ne3A_28 = arith.constant 0 : i32
    %ne3A_29 = arith.cmpi ne, %rem3A_27, %ne3A_28 : i32
    %lt3A = arith.constant 0 : i32
    %lt3A_30 = arith.cmpi slt, %rem3A_27, %lt3A : i32
    %lt3A_31 = arith.constant 0 : i32
    %lt3A_32 = arith.cmpi slt, %select_n3A_26, %lt3A_31 : i32
    %ne3A_33 = arith.xori %lt3A_30, %lt3A_32 : i1
    %and3A_34 = arith.andi %ne3A_33, %ne3A_29 : i1
    %add3A_35 = arith.addi %rem3A_27, %select_n3A_26 : i32
    %select_n3A_36 = arith.select %and3A_34, %add3A_35, %rem3A_27 : i32
    %mul3A_37 = arith.constant 400 : i32
    %mul3A_38 = arith.muli %select_n3A_36, %mul3A_37 : i32
    %add3A_39 = arith.addi %add3A_22, %mul3A_38 : i32
    "tpu.region"() ({
      %run_scoped3A = tpu.sem_alloc : memref<!tpu.dma_semaphore, #tpu.memory_space<semaphore_mem>>
      %dma_start3A_48 = tpu.memref_slice %arg2[%add3A_39] : memref<614400xi32, #tpu.memory_space<hbm>> -> memref<400xi32, #tpu.memory_space<hbm>>
      %dma_start3A_49 = tpu.memref_slice %arg2[%add3A_39] : memref<614400xi32, #tpu.memory_space<hbm>> -> memref<400xi32, #tpu.memory_space<hbm>>
      tpu.enqueue_dma source(%dma_start3A_49 : memref<400xi32, #tpu.memory_space<hbm>>) target(%arg5 : memref<400xi32, #tpu.memory_space<vmem>>) target_semaphore(%run_scoped3A : memref<!tpu.dma_semaphore, #tpu.memory_space<semaphore_mem>>)
      %dma_wait3A = tpu.memref_slice %arg2[%add3A_39] : memref<614400xi32, #tpu.memory_space<hbm>> -> memref<400xi32, #tpu.memory_space<hbm>>
      %dma_wait3A_50 = tpu.memref_slice %arg2[%add3A_39] : memref<614400xi32, #tpu.memory_space<hbm>> -> memref<400xi32, #tpu.memory_space<hbm>>
      tpu.wait_dma2 semaphore(%run_scoped3A : memref<!tpu.dma_semaphore, #tpu.memory_space<semaphore_mem>>) src(%dma_wait3A_50 : memref<400xi32, #tpu.memory_space<hbm>>) dst(%arg5 : memref<400xi32, #tpu.memory_space<vmem>>)
      tpu.yield
    }) : () -> ()
    %dma_start3A = arith.constant 0 : i32
    %dma_start3A_40 = arith.constant 0 : i32
    %dma_start3A_41 = tpu.memref_slice %arg3[%dma_start3A, %dma_start3A_40] : memref<100000x128xf32, #tpu.memory_space<hbm>> -> memref<100000x128xf32, #tpu.memory_space<hbm>>
    tpu.enqueue_indirect_dma source(%dma_start3A_41 : memref<100000x128xf32, #tpu.memory_space<hbm>>) target(%arg7 : memref<400x128xf32, #tpu.memory_space<vmem>>) offsets(%arg5 : memref<400xi32, #tpu.memory_space<vmem>>) semaphore(%arg9 : memref<!tpu.dma_semaphore, #tpu.memory_space<semaphore_mem>>)
    %scan3A = arith.constant 0 : i32
    %scan3A_42 = arith.constant 0 : i32
    %scan3A_43 = arith.constant 12 : i32
    %scan3A_44 = arith.addi %scan3A_42, %scan3A_43 : i32
    %scan3A_45 = arith.constant 1 : i32
    %scan3A_46 = scf.for %scan3A_48 = %scan3A_42 to %scan3A_44 step %scan3A_45 iter_args(%scan3A_49 = %scan3A) -> (i32)  : i32 {
      %add3A_50 = arith.addi %mul3A_2, %scan3A_48 : i32
      %jit3A_51 = arith.constant 2 : i32
      %eq3A_52 = arith.constant 0 : i32
      %eq3A_53 = arith.cmpi eq, %jit3A_51, %eq3A_52 : i32
      %jit3A_54 = arith.constant 1 : i32
      %select_n3A_55 = arith.select %eq3A_53, %jit3A_54, %jit3A_51 : i32
      %rem3A_56 = arith.remsi %scan3A_48, %select_n3A_55 : i32
      %ne3A_57 = arith.constant 0 : i32
      %ne3A_58 = arith.cmpi ne, %rem3A_56, %ne3A_57 : i32
      %lt3A_59 = arith.constant 0 : i32
      %lt3A_60 = arith.cmpi slt, %rem3A_56, %lt3A_59 : i32
      %lt3A_61 = arith.constant 0 : i32
      %lt3A_62 = arith.cmpi slt, %select_n3A_55, %lt3A_61 : i32
      %ne3A_63 = arith.xori %lt3A_60, %lt3A_62 : i1
      %and3A_64 = arith.andi %ne3A_63, %ne3A_58 : i1
      %add3A_65 = arith.addi %rem3A_56, %select_n3A_55 : i32
      %select_n3A_66 = arith.select %and3A_64, %add3A_65, %rem3A_56 : i32
      %eq3A_67 = arith.constant 0 : i32
      %eq3A_68 = arith.cmpi eq, %select_n3A_66, %eq3A_67 : i32
      %convert_element_type3A = arith.extui %eq3A_68 : i1 to i32
      %cond3A = arith.constant 0 : i32
      %cond3A_69 = arith.cmpi ne, %convert_element_type3A, %cond3A : i32
      scf.if %cond3A_69 {
        %lt3A_71 = arith.constant 11 : i32
        %lt3A_72 = arith.cmpi slt, %scan3A_48, %lt3A_71 : i32
        %convert_element_type3A_73 = arith.extui %lt3A_72 : i1 to i32
        %cond3A_74 = arith.constant 0 : i32
        %cond3A_75 = arith.cmpi ne, %convert_element_type3A_73, %cond3A_74 : i32
        scf.if %cond3A_75 {
          %add3A_120 = arith.constant 1 : i32
          %add3A_121 = arith.addi %add3A_50, %add3A_120 : i32
          %jit3A_122 = arith.constant 32 : i32
          %div3A_123 = arith.divsi %add3A_121, %jit3A_122 : i32
          %sign3A_124 = arith.constant 0 : i32
          %sign3A_125 = arith.cmpi sgt, %add3A_121, %sign3A_124 : i32
          %sign3A_126 = arith.extui %sign3A_125 : i1 to i32
          %sign3A_127 = arith.constant 0 : i32
          %sign3A_128 = arith.cmpi slt, %add3A_121, %sign3A_127 : i32
          %sign3A_129 = arith.extui %sign3A_128 : i1 to i32
          %sign3A_130 = arith.subi %sign3A_126, %sign3A_129 : i32
          %sign3A_131 = arith.constant 0 : i32
          %sign3A_132 = arith.cmpi sgt, %jit3A_122, %sign3A_131 : i32
          %sign3A_133 = arith.extui %sign3A_132 : i1 to i32
          %sign3A_134 = arith.constant 0 : i32
          %sign3A_135 = arith.cmpi slt, %jit3A_122, %sign3A_134 : i32
          %sign3A_136 = arith.extui %sign3A_135 : i1 to i32
          %sign3A_137 = arith.subi %sign3A_133, %sign3A_136 : i32
          %ne3A_138 = arith.cmpi ne, %sign3A_130, %sign3A_137 : i32
          %rem3A_139 = arith.remsi %add3A_121, %jit3A_122 : i32
          %ne3A_140 = arith.constant 0 : i32
          %ne3A_141 = arith.cmpi ne, %rem3A_139, %ne3A_140 : i32
          %and3A_142 = arith.andi %ne3A_138, %ne3A_141 : i1
          %sub3A_143 = arith.constant 1 : i32
          %sub3A_144 = arith.subi %div3A_123, %sub3A_143 : i32
          %select_n3A_145 = arith.select %and3A_142, %sub3A_144, %div3A_123 : i32
          %mul3A_146 = arith.constant 51200 : i32
          %mul3A_147 = arith.muli %select_n3A_145, %mul3A_146 : i32
          %add3A_148 = arith.constant 38400 : i32
          %add3A_149 = arith.addi %mul3A_147, %add3A_148 : i32
          %jit3A_150 = arith.constant 32 : i32
          %eq3A_151 = arith.constant 0 : i32
          %eq3A_152 = arith.cmpi eq, %jit3A_150, %eq3A_151 : i32
          %jit3A_153 = arith.constant 1 : i32
          %select_n3A_154 = arith.select %eq3A_152, %jit3A_153, %jit3A_150 : i32
          %rem3A_155 = arith.remsi %add3A_121, %select_n3A_154 : i32
          %ne3A_156 = arith.constant 0 : i32
          %ne3A_157 = arith.cmpi ne, %rem3A_155, %ne3A_156 : i32
          %lt3A_158 = arith.constant 0 : i32
          %lt3A_159 = arith.cmpi slt, %rem3A_155, %lt3A_158 : i32
          %lt3A_160 = arith.constant 0 : i32
          %lt3A_161 = arith.cmpi slt, %select_n3A_154, %lt3A_160 : i32
          %ne3A_162 = arith.xori %lt3A_159, %lt3A_161 : i1
          %and3A_163 = arith.andi %ne3A_162, %ne3A_157 : i1
          %add3A_164 = arith.addi %rem3A_155, %select_n3A_154 : i32
          %select_n3A_165 = arith.select %and3A_163, %add3A_164, %rem3A_155 : i32
          %mul3A_166 = arith.constant 400 : i32
          %mul3A_167 = arith.muli %select_n3A_165, %mul3A_166 : i32
          %add3A_168 = arith.addi %add3A_149, %mul3A_167 : i32
          "tpu.region"() ({
            %run_scoped3A = tpu.sem_alloc : memref<!tpu.dma_semaphore, #tpu.memory_space<semaphore_mem>>
            %dma_start3A_172 = tpu.memref_slice %arg2[%add3A_168] : memref<614400xi32, #tpu.memory_space<hbm>> -> memref<400xi32, #tpu.memory_space<hbm>>
            %dma_start3A_173 = tpu.memref_slice %arg2[%add3A_168] : memref<614400xi32, #tpu.memory_space<hbm>> -> memref<400xi32, #tpu.memory_space<hbm>>
            tpu.enqueue_dma source(%dma_start3A_173 : memref<400xi32, #tpu.memory_space<hbm>>) target(%arg6 : memref<400xi32, #tpu.memory_space<vmem>>) target_semaphore(%run_scoped3A : memref<!tpu.dma_semaphore, #tpu.memory_space<semaphore_mem>>)
            %dma_wait3A_174 = tpu.memref_slice %arg2[%add3A_168] : memref<614400xi32, #tpu.memory_space<hbm>> -> memref<400xi32, #tpu.memory_space<hbm>>
            %dma_wait3A_175 = tpu.memref_slice %arg2[%add3A_168] : memref<614400xi32, #tpu.memory_space<hbm>> -> memref<400xi32, #tpu.memory_space<hbm>>
            tpu.wait_dma2 semaphore(%run_scoped3A : memref<!tpu.dma_semaphore, #tpu.memory_space<semaphore_mem>>) src(%dma_wait3A_175 : memref<400xi32, #tpu.memory_space<hbm>>) dst(%arg6 : memref<400xi32, #tpu.memory_space<vmem>>)
            tpu.yield
          }) : () -> ()
          %dma_start3A_169 = arith.constant 0 : i32
          %dma_start3A_170 = arith.constant 0 : i32
          %dma_start3A_171 = tpu.memref_slice %arg3[%dma_start3A_169, %dma_start3A_170] : memref<100000x128xf32, #tpu.memory_space<hbm>> -> memref<100000x128xf32, #tpu.memory_space<hbm>>
          tpu.enqueue_indirect_dma source(%dma_start3A_171 : memref<100000x128xf32, #tpu.memory_space<hbm>>) target(%arg8 : memref<400x128xf32, #tpu.memory_space<vmem>>) offsets(%arg6 : memref<400xi32, #tpu.memory_space<vmem>>) semaphore(%arg10 : memref<!tpu.dma_semaphore, #tpu.memory_space<semaphore_mem>>)
        } else {
        }
        %dma_wait3A = arith.constant 0 : i32
        %dma_wait3A_76 = arith.constant 0 : i32
        %dma_wait3A_77 = tpu.memref_slice %arg3[%dma_wait3A, %dma_wait3A_76] : memref<100000x128xf32, #tpu.memory_space<hbm>> -> memref<100000x128xf32, #tpu.memory_space<hbm>>
        tpu.wait_indirect_dma semaphore(%arg9 : memref<!tpu.dma_semaphore, #tpu.memory_space<semaphore_mem>>) src(%dma_wait3A_77 : memref<100000x128xf32, #tpu.memory_space<hbm>>) dst(%arg7 : memref<400x128xf32, #tpu.memory_space<vmem>>)
        %jit3A_78 = arith.constant 32 : i32
        %div3A_79 = arith.divsi %add3A_50, %jit3A_78 : i32
        %sign3A_80 = arith.constant 0 : i32
        %sign3A_81 = arith.cmpi sgt, %add3A_50, %sign3A_80 : i32
        %sign3A_82 = arith.extui %sign3A_81 : i1 to i32
        %sign3A_83 = arith.constant 0 : i32
        %sign3A_84 = arith.cmpi slt, %add3A_50, %sign3A_83 : i32
        %sign3A_85 = arith.extui %sign3A_84 : i1 to i32
        %sign3A_86 = arith.subi %sign3A_82, %sign3A_85 : i32
        %sign3A_87 = arith.constant 0 : i32
        %sign3A_88 = arith.cmpi sgt, %jit3A_78, %sign3A_87 : i32
        %sign3A_89 = arith.extui %sign3A_88 : i1 to i32
        %sign3A_90 = arith.constant 0 : i32
        %sign3A_91 = arith.cmpi slt, %jit3A_78, %sign3A_90 : i32
        %sign3A_92 = arith.extui %sign3A_91 : i1 to i32
        %sign3A_93 = arith.subi %sign3A_89, %sign3A_92 : i32
        %ne3A_94 = arith.cmpi ne, %sign3A_86, %sign3A_93 : i32
        %rem3A_95 = arith.remsi %add3A_50, %jit3A_78 : i32
        %ne3A_96 = arith.constant 0 : i32
        %ne3A_97 = arith.cmpi ne, %rem3A_95, %ne3A_96 : i32
        %and3A_98 = arith.andi %ne3A_94, %ne3A_97 : i1
        %sub3A_99 = arith.constant 1 : i32
        %sub3A_100 = arith.subi %div3A_79, %sub3A_99 : i32
        %select_n3A_101 = arith.select %and3A_98, %sub3A_100, %div3A_79 : i32
        %jit3A_102 = arith.constant 32 : i32
        %eq3A_103 = arith.constant 0 : i32
        %eq3A_104 = arith.cmpi eq, %jit3A_102, %eq3A_103 : i32
        %jit3A_105 = arith.constant 1 : i32
        %select_n3A_106 = arith.select %eq3A_104, %jit3A_105, %jit3A_102 : i32
        %rem3A_107 = arith.remsi %add3A_50, %select_n3A_106 : i32
        %ne3A_108 = arith.constant 0 : i32
        %ne3A_109 = arith.cmpi ne, %rem3A_107, %ne3A_108 : i32
        %lt3A_110 = arith.constant 0 : i32
        %lt3A_111 = arith.cmpi slt, %rem3A_107, %lt3A_110 : i32
        %lt3A_112 = arith.constant 0 : i32
        %lt3A_113 = arith.cmpi slt, %select_n3A_106, %lt3A_112 : i32
        %ne3A_114 = arith.xori %lt3A_111, %lt3A_113 : i1
        %and3A_115 = arith.andi %ne3A_114, %ne3A_109 : i1
        %add3A_116 = arith.addi %rem3A_107, %select_n3A_106 : i32
        %select_n3A_117 = arith.select %and3A_115, %add3A_116, %rem3A_107 : i32
        %mul3A_118 = arith.constant 400 : i32
        %mul3A_119 = arith.muli %select_n3A_117, %mul3A_118 : i32
        "tpu.region"() ({
          %run_scoped3A = tpu.sem_alloc : memref<!tpu.dma_semaphore, #tpu.memory_space<semaphore_mem>>
          %dma_start3A_120 = arith.constant 0 : i32
          %dma_start3A_121 = tpu.memref_slice %arg4[%select_n3A_101, %mul3A_119, %dma_start3A_120] : memref<12x12800x128xf32, #tpu.memory_space<hbm>> -> memref<1x400x128xf32, #tpu.memory_space<hbm>>
          %dma_start3A_122 = tpu.memref_squeeze %dma_start3A_121 : memref<1x400x128xf32, #tpu.memory_space<hbm>> -> memref<400x128xf32, #tpu.memory_space<hbm>>
          %dma_start3A_123 = arith.constant 0 : i32
          %dma_start3A_124 = tpu.memref_slice %arg4[%select_n3A_101, %mul3A_119, %dma_start3A_123] : memref<12x12800x128xf32, #tpu.memory_space<hbm>> -> memref<1x400x128xf32, #tpu.memory_space<hbm>>
          %dma_start3A_125 = tpu.memref_squeeze %dma_start3A_124 : memref<1x400x128xf32, #tpu.memory_space<hbm>> -> memref<400x128xf32, #tpu.memory_space<hbm>>
          tpu.enqueue_dma source(%arg7 : memref<400x128xf32, #tpu.memory_space<vmem>>) target(%dma_start3A_125 : memref<400x128xf32, #tpu.memory_space<hbm>>) target_semaphore(%run_scoped3A : memref<!tpu.dma_semaphore, #tpu.memory_space<semaphore_mem>>)
          %dma_wait3A_126 = arith.constant 0 : i32
          %dma_wait3A_127 = tpu.memref_slice %arg4[%select_n3A_101, %mul3A_119, %dma_wait3A_126] : memref<12x12800x128xf32, #tpu.memory_space<hbm>> -> memref<1x400x128xf32, #tpu.memory_space<hbm>>
          %dma_wait3A_128 = tpu.memref_squeeze %dma_wait3A_127 : memref<1x400x128xf32, #tpu.memory_space<hbm>> -> memref<400x128xf32, #tpu.memory_space<hbm>>
          %dma_wait3A_129 = arith.constant 0 : i32
          %dma_wait3A_130 = tpu.memref_slice %arg4[%select_n3A_101, %mul3A_119, %dma_wait3A_129] : memref<12x12800x128xf32, #tpu.memory_space<hbm>> -> memref<1x400x128xf32, #tpu.memory_space<hbm>>
          %dma_wait3A_131 = tpu.memref_squeeze %dma_wait3A_130 : memref<1x400x128xf32, #tpu.memory_space<hbm>> -> memref<400x128xf32, #tpu.memory_space<hbm>>
          tpu.wait_dma2 semaphore(%run_scoped3A : memref<!tpu.dma_semaphore, #tpu.memory_space<semaphore_mem>>) src(%arg7 : memref<400x128xf32, #tpu.memory_space<vmem>>) dst(%dma_wait3A_131 : memref<400x128xf32, #tpu.memory_space<hbm>>)
          tpu.yield
        }) : () -> ()
      } else {
        %lt3A_71 = arith.constant 11 : i32
        %lt3A_72 = arith.cmpi slt, %scan3A_48, %lt3A_71 : i32
        %convert_element_type3A_73 = arith.extui %lt3A_72 : i1 to i32
        %cond3A_74 = arith.constant 0 : i32
        %cond3A_75 = arith.cmpi ne, %convert_element_type3A_73, %cond3A_74 : i32
        scf.if %cond3A_75 {
          %add3A_120 = arith.constant 1 : i32
          %add3A_121 = arith.addi %add3A_50, %add3A_120 : i32
          %jit3A_122 = arith.constant 32 : i32
          %div3A_123 = arith.divsi %add3A_121, %jit3A_122 : i32
          %sign3A_124 = arith.constant 0 : i32
          %sign3A_125 = arith.cmpi sgt, %add3A_121, %sign3A_124 : i32
          %sign3A_126 = arith.extui %sign3A_125 : i1 to i32
          %sign3A_127 = arith.constant 0 : i32
          %sign3A_128 = arith.cmpi slt, %add3A_121, %sign3A_127 : i32
          %sign3A_129 = arith.extui %sign3A_128 : i1 to i32
          %sign3A_130 = arith.subi %sign3A_126, %sign3A_129 : i32
          %sign3A_131 = arith.constant 0 : i32
          %sign3A_132 = arith.cmpi sgt, %jit3A_122, %sign3A_131 : i32
          %sign3A_133 = arith.extui %sign3A_132 : i1 to i32
          %sign3A_134 = arith.constant 0 : i32
          %sign3A_135 = arith.cmpi slt, %jit3A_122, %sign3A_134 : i32
          %sign3A_136 = arith.extui %sign3A_135 : i1 to i32
          %sign3A_137 = arith.subi %sign3A_133, %sign3A_136 : i32
          %ne3A_138 = arith.cmpi ne, %sign3A_130, %sign3A_137 : i32
          %rem3A_139 = arith.remsi %add3A_121, %jit3A_122 : i32
          %ne3A_140 = arith.constant 0 : i32
          %ne3A_141 = arith.cmpi ne, %rem3A_139, %ne3A_140 : i32
          %and3A_142 = arith.andi %ne3A_138, %ne3A_141 : i1
          %sub3A_143 = arith.constant 1 : i32
          %sub3A_144 = arith.subi %div3A_123, %sub3A_143 : i32
          %select_n3A_145 = arith.select %and3A_142, %sub3A_144, %div3A_123 : i32
          %mul3A_146 = arith.constant 51200 : i32
          %mul3A_147 = arith.muli %select_n3A_145, %mul3A_146 : i32
          %add3A_148 = arith.constant 38400 : i32
          %add3A_149 = arith.addi %mul3A_147, %add3A_148 : i32
          %jit3A_150 = arith.constant 32 : i32
          %eq3A_151 = arith.constant 0 : i32
          %eq3A_152 = arith.cmpi eq, %jit3A_150, %eq3A_151 : i32
          %jit3A_153 = arith.constant 1 : i32
          %select_n3A_154 = arith.select %eq3A_152, %jit3A_153, %jit3A_150 : i32
          %rem3A_155 = arith.remsi %add3A_121, %select_n3A_154 : i32
          %ne3A_156 = arith.constant 0 : i32
          %ne3A_157 = arith.cmpi ne, %rem3A_155, %ne3A_156 : i32
          %lt3A_158 = arith.constant 0 : i32
          %lt3A_159 = arith.cmpi slt, %rem3A_155, %lt3A_158 : i32
          %lt3A_160 = arith.constant 0 : i32
          %lt3A_161 = arith.cmpi slt, %select_n3A_154, %lt3A_160 : i32
          %ne3A_162 = arith.xori %lt3A_159, %lt3A_161 : i1
          %and3A_163 = arith.andi %ne3A_162, %ne3A_157 : i1
          %add3A_164 = arith.addi %rem3A_155, %select_n3A_154 : i32
          %select_n3A_165 = arith.select %and3A_163, %add3A_164, %rem3A_155 : i32
          %mul3A_166 = arith.constant 400 : i32
          %mul3A_167 = arith.muli %select_n3A_165, %mul3A_166 : i32
          %add3A_168 = arith.addi %add3A_149, %mul3A_167 : i32
          "tpu.region"() ({
            %run_scoped3A = tpu.sem_alloc : memref<!tpu.dma_semaphore, #tpu.memory_space<semaphore_mem>>
            %dma_start3A_172 = tpu.memref_slice %arg2[%add3A_168] : memref<614400xi32, #tpu.memory_space<hbm>> -> memref<400xi32, #tpu.memory_space<hbm>>
            %dma_start3A_173 = tpu.memref_slice %arg2[%add3A_168] : memref<614400xi32, #tpu.memory_space<hbm>> -> memref<400xi32, #tpu.memory_space<hbm>>
            tpu.enqueue_dma source(%dma_start3A_173 : memref<400xi32, #tpu.memory_space<hbm>>) target(%arg5 : memref<400xi32, #tpu.memory_space<vmem>>) target_semaphore(%run_scoped3A : memref<!tpu.dma_semaphore, #tpu.memory_space<semaphore_mem>>)
            %dma_wait3A_174 = tpu.memref_slice %arg2[%add3A_168] : memref<614400xi32, #tpu.memory_space<hbm>> -> memref<400xi32, #tpu.memory_space<hbm>>
            %dma_wait3A_175 = tpu.memref_slice %arg2[%add3A_168] : memref<614400xi32, #tpu.memory_space<hbm>> -> memref<400xi32, #tpu.memory_space<hbm>>
            tpu.wait_dma2 semaphore(%run_scoped3A : memref<!tpu.dma_semaphore, #tpu.memory_space<semaphore_mem>>) src(%dma_wait3A_175 : memref<400xi32, #tpu.memory_space<hbm>>) dst(%arg5 : memref<400xi32, #tpu.memory_space<vmem>>)
            tpu.yield
          }) : () -> ()
          %dma_start3A_169 = arith.constant 0 : i32
          %dma_start3A_170 = arith.constant 0 : i32
          %dma_start3A_171 = tpu.memref_slice %arg3[%dma_start3A_169, %dma_start3A_170] : memref<100000x128xf32, #tpu.memory_space<hbm>> -> memref<100000x128xf32, #tpu.memory_space<hbm>>
          tpu.enqueue_indirect_dma source(%dma_start3A_171 : memref<100000x128xf32, #tpu.memory_space<hbm>>) target(%arg7 : memref<400x128xf32, #tpu.memory_space<vmem>>) offsets(%arg5 : memref<400xi32, #tpu.memory_space<vmem>>) semaphore(%arg9 : memref<!tpu.dma_semaphore, #tpu.memory_space<semaphore_mem>>)
        } else {
        }
        %dma_wait3A = arith.constant 0 : i32
        %dma_wait3A_76 = arith.constant 0 : i32
        %dma_wait3A_77 = tpu.memref_slice %arg3[%dma_wait3A, %dma_wait3A_76] : memref<100000x128xf32, #tpu.memory_space<hbm>> -> memref<100000x128xf32, #tpu.memory_space<hbm>>
        tpu.wait_indirect_dma semaphore(%arg10 : memref<!tpu.dma_semaphore, #tpu.memory_space<semaphore_mem>>) src(%dma_wait3A_77 : memref<100000x128xf32, #tpu.memory_space<hbm>>) dst(%arg8 : memref<400x128xf32, #tpu.memory_space<vmem>>)
        %jit3A_78 = arith.constant 32 : i32
        %div3A_79 = arith.divsi %add3A_50, %jit3A_78 : i32
        %sign3A_80 = arith.constant 0 : i32
        %sign3A_81 = arith.cmpi sgt, %add3A_50, %sign3A_80 : i32
        %sign3A_82 = arith.extui %sign3A_81 : i1 to i32
        %sign3A_83 = arith.constant 0 : i32
        %sign3A_84 = arith.cmpi slt, %add3A_50, %sign3A_83 : i32
        %sign3A_85 = arith.extui %sign3A_84 : i1 to i32
        %sign3A_86 = arith.subi %sign3A_82, %sign3A_85 : i32
        %sign3A_87 = arith.constant 0 : i32
        %sign3A_88 = arith.cmpi sgt, %jit3A_78, %sign3A_87 : i32
        %sign3A_89 = arith.extui %sign3A_88 : i1 to i32
        %sign3A_90 = arith.constant 0 : i32
        %sign3A_91 = arith.cmpi slt, %jit3A_78, %sign3A_90 : i32
        %sign3A_92 = arith.extui %sign3A_91 : i1 to i32
        %sign3A_93 = arith.subi %sign3A_89, %sign3A_92 : i32
        %ne3A_94 = arith.cmpi ne, %sign3A_86, %sign3A_93 : i32
        %rem3A_95 = arith.remsi %add3A_50, %jit3A_78 : i32
        %ne3A_96 = arith.constant 0 : i32
        %ne3A_97 = arith.cmpi ne, %rem3A_95, %ne3A_96 : i32
        %and3A_98 = arith.andi %ne3A_94, %ne3A_97 : i1
        %sub3A_99 = arith.constant 1 : i32
        %sub3A_100 = arith.subi %div3A_79, %sub3A_99 : i32
        %select_n3A_101 = arith.select %and3A_98, %sub3A_100, %div3A_79 : i32
        %jit3A_102 = arith.constant 32 : i32
        %eq3A_103 = arith.constant 0 : i32
        %eq3A_104 = arith.cmpi eq, %jit3A_102, %eq3A_103 : i32
        %jit3A_105 = arith.constant 1 : i32
        %select_n3A_106 = arith.select %eq3A_104, %jit3A_105, %jit3A_102 : i32
        %rem3A_107 = arith.remsi %add3A_50, %select_n3A_106 : i32
        %ne3A_108 = arith.constant 0 : i32
        %ne3A_109 = arith.cmpi ne, %rem3A_107, %ne3A_108 : i32
        %lt3A_110 = arith.constant 0 : i32
        %lt3A_111 = arith.cmpi slt, %rem3A_107, %lt3A_110 : i32
        %lt3A_112 = arith.constant 0 : i32
        %lt3A_113 = arith.cmpi slt, %select_n3A_106, %lt3A_112 : i32
        %ne3A_114 = arith.xori %lt3A_111, %lt3A_113 : i1
        %and3A_115 = arith.andi %ne3A_114, %ne3A_109 : i1
        %add3A_116 = arith.addi %rem3A_107, %select_n3A_106 : i32
        %select_n3A_117 = arith.select %and3A_115, %add3A_116, %rem3A_107 : i32
        %mul3A_118 = arith.constant 400 : i32
        %mul3A_119 = arith.muli %select_n3A_117, %mul3A_118 : i32
        "tpu.region"() ({
          %run_scoped3A = tpu.sem_alloc : memref<!tpu.dma_semaphore, #tpu.memory_space<semaphore_mem>>
          %dma_start3A_120 = arith.constant 0 : i32
          %dma_start3A_121 = tpu.memref_slice %arg4[%select_n3A_101, %mul3A_119, %dma_start3A_120] : memref<12x12800x128xf32, #tpu.memory_space<hbm>> -> memref<1x400x128xf32, #tpu.memory_space<hbm>>
          %dma_start3A_122 = tpu.memref_squeeze %dma_start3A_121 : memref<1x400x128xf32, #tpu.memory_space<hbm>> -> memref<400x128xf32, #tpu.memory_space<hbm>>
          %dma_start3A_123 = arith.constant 0 : i32
          %dma_start3A_124 = tpu.memref_slice %arg4[%select_n3A_101, %mul3A_119, %dma_start3A_123] : memref<12x12800x128xf32, #tpu.memory_space<hbm>> -> memref<1x400x128xf32, #tpu.memory_space<hbm>>
          %dma_start3A_125 = tpu.memref_squeeze %dma_start3A_124 : memref<1x400x128xf32, #tpu.memory_space<hbm>> -> memref<400x128xf32, #tpu.memory_space<hbm>>
          tpu.enqueue_dma source(%arg8 : memref<400x128xf32, #tpu.memory_space<vmem>>) target(%dma_start3A_125 : memref<400x128xf32, #tpu.memory_space<hbm>>) target_semaphore(%run_scoped3A : memref<!tpu.dma_semaphore, #tpu.memory_space<semaphore_mem>>)
          %dma_wait3A_126 = arith.constant 0 : i32
          %dma_wait3A_127 = tpu.memref_slice %arg4[%select_n3A_101, %mul3A_119, %dma_wait3A_126] : memref<12x12800x128xf32, #tpu.memory_space<hbm>> -> memref<1x400x128xf32, #tpu.memory_space<hbm>>
          %dma_wait3A_128 = tpu.memref_squeeze %dma_wait3A_127 : memref<1x400x128xf32, #tpu.memory_space<hbm>> -> memref<400x128xf32, #tpu.memory_space<hbm>>
          %dma_wait3A_129 = arith.constant 0 : i32
          %dma_wait3A_130 = tpu.memref_slice %arg4[%select_n3A_101, %mul3A_119, %dma_wait3A_129] : memref<12x12800x128xf32, #tpu.memory_space<hbm>> -> memref<1x400x128xf32, #tpu.memory_space<hbm>>
          %dma_wait3A_131 = tpu.memref_squeeze %dma_wait3A_130 : memref<1x400x128xf32, #tpu.memory_space<hbm>> -> memref<400x128xf32, #tpu.memory_space<hbm>>
          tpu.wait_dma2 semaphore(%run_scoped3A : memref<!tpu.dma_semaphore, #tpu.memory_space<semaphore_mem>>) src(%arg8 : memref<400x128xf32, #tpu.memory_space<vmem>>) dst(%dma_wait3A_131 : memref<400x128xf32, #tpu.memory_space<hbm>>)
          tpu.yield
        }) : () -> ()
      }
      %scan3A_70 = arith.constant 0 : i32
      scf.yield %scan3A_70 : i32
    }
    %scan3A_47 = arith.constant 12 : i32
    return
  }
}

#map = affine_map<(d0, d1) -> (0)>
#map1 = affine_map<(d0, d1) -> (0, 0)>
#map2 = affine_map<(d0, d1) -> (0, 0, 0)>
module attributes {stable_mosaic.version = 14 : i64} {
  func.func @kb(%arg0: i32, %arg1: i32, %arg2: memref<614400xi32, #tpu.memory_space<hbm>>, %arg3: memref<100000x128xf32, #tpu.memory_space<hbm>>, %arg4: memref<12x12800x128xf32, #tpu.memory_space<hbm>>, %arg5: memref<400xi32, #tpu.memory_space<vmem>>, %arg6: memref<400xi32, #tpu.memory_space<vmem>>, %arg7: memref<400x128xf32, #tpu.memory_space<vmem>>, %arg8: memref<400x128xf32, #tpu.memory_space<vmem>>, %arg9: memref<!tpu.dma_semaphore, #tpu.memory_space<semaphore_mem>>, %arg10: memref<!tpu.dma_semaphore, #tpu.memory_space<semaphore_mem>>) attributes {dimension_semantics = [#tpu.dimension_semantics<core_parallel>, #tpu.dimension_semantics<subcore_parallel>], iteration_bounds = array<i64: 2, 16>, scalar_prefetch = 0 : i64, scratch_operands = 6 : i64, tpu.core_type = #tpu.core_type<sc_vector_subcore>, window_params = [{transform_indices = #map}, {transform_indices = #map1}, {transform_indices = #map2}]} {
    %mul3A = arith.constant 2 : i32
    %mul3A_0 = arith.muli %arg1, %mul3A : i32
    %add3A = arith.addi %mul3A_0, %arg0 : i32
    %mul3A_1 = arith.constant 12 : i32
    %mul3A_2 = arith.muli %add3A, %mul3A_1 : i32
    %jit3A = arith.constant 32 : i32
    %div3A = arith.divsi %mul3A_2, %jit3A : i32
    %sign3A = arith.constant 0 : i32
    %sign3A_3 = arith.cmpi sgt, %mul3A_2, %sign3A : i32
    %sign3A_4 = arith.extui %sign3A_3 : i1 to i32
    %sign3A_5 = arith.constant 0 : i32
    %sign3A_6 = arith.cmpi slt, %mul3A_2, %sign3A_5 : i32
    %sign3A_7 = arith.extui %sign3A_6 : i1 to i32
    %sign3A_8 = arith.subi %sign3A_4, %sign3A_7 : i32
    %sign3A_9 = arith.constant 0 : i32
    %sign3A_10 = arith.cmpi sgt, %jit3A, %sign3A_9 : i32
    %sign3A_11 = arith.extui %sign3A_10 : i1 to i32
    %sign3A_12 = arith.constant 0 : i32
    %sign3A_13 = arith.cmpi slt, %jit3A, %sign3A_12 : i32
    %sign3A_14 = arith.extui %sign3A_13 : i1 to i32
    %sign3A_15 = arith.subi %sign3A_11, %sign3A_14 : i32
    %ne3A = arith.cmpi ne, %sign3A_8, %sign3A_15 : i32
    %rem3A = arith.remsi %mul3A_2, %jit3A : i32
    %ne3A_16 = arith.constant 0 : i32
    %ne3A_17 = arith.cmpi ne, %rem3A, %ne3A_16 : i32
    %and3A = arith.andi %ne3A, %ne3A_17 : i1
    %sub3A = arith.constant 1 : i32
    %sub3A_18 = arith.subi %div3A, %sub3A : i32
    %select_n3A = arith.select %and3A, %sub3A_18, %div3A : i32
    %mul3A_19 = arith.constant 51200 : i32
    %mul3A_20 = arith.muli %select_n3A, %mul3A_19 : i32
    %add3A_21 = arith.constant 12800 : i32
    %add3A_22 = arith.addi %mul3A_20, %add3A_21 : i32
    %jit3A_23 = arith.constant 32 : i32
    %eq3A = arith.constant 0 : i32
    %eq3A_24 = arith.cmpi eq, %jit3A_23, %eq3A : i32
    %jit3A_25 = arith.constant 1 : i32
    %select_n3A_26 = arith.select %eq3A_24, %jit3A_25, %jit3A_23 : i32
    %rem3A_27 = arith.remsi %mul3A_2, %select_n3A_26 : i32
    %ne3A_28 = arith.constant 0 : i32
    %ne3A_29 = arith.cmpi ne, %rem3A_27, %ne3A_28 : i32
    %lt3A = arith.constant 0 : i32
    %lt3A_30 = arith.cmpi slt, %rem3A_27, %lt3A : i32
    %lt3A_31 = arith.constant 0 : i32
    %lt3A_32 = arith.cmpi slt, %select_n3A_26, %lt3A_31 : i32
    %ne3A_33 = arith.xori %lt3A_30, %lt3A_32 : i1
    %and3A_34 = arith.andi %ne3A_33, %ne3A_29 : i1
    %add3A_35 = arith.addi %rem3A_27, %select_n3A_26 : i32
    %select_n3A_36 = arith.select %and3A_34, %add3A_35, %rem3A_27 : i32
    %mul3A_37 = arith.constant 400 : i32
    %mul3A_38 = arith.muli %select_n3A_36, %mul3A_37 : i32
    %add3A_39 = arith.addi %add3A_22, %mul3A_38 : i32
    "tpu.region"() ({
      %run_scoped3A = tpu.sem_alloc : memref<!tpu.dma_semaphore, #tpu.memory_space<semaphore_mem>>
      %dma_start3A_48 = tpu.memref_slice %arg2[%add3A_39] : memref<614400xi32, #tpu.memory_space<hbm>> -> memref<400xi32, #tpu.memory_space<hbm>>
      %dma_start3A_49 = tpu.memref_slice %arg2[%add3A_39] : memref<614400xi32, #tpu.memory_space<hbm>> -> memref<400xi32, #tpu.memory_space<hbm>>
      tpu.enqueue_dma source(%dma_start3A_49 : memref<400xi32, #tpu.memory_space<hbm>>) target(%arg5 : memref<400xi32, #tpu.memory_space<vmem>>) target_semaphore(%run_scoped3A : memref<!tpu.dma_semaphore, #tpu.memory_space<semaphore_mem>>)
      %dma_wait3A = tpu.memref_slice %arg2[%add3A_39] : memref<614400xi32, #tpu.memory_space<hbm>> -> memref<400xi32, #tpu.memory_space<hbm>>
      %dma_wait3A_50 = tpu.memref_slice %arg2[%add3A_39] : memref<614400xi32, #tpu.memory_space<hbm>> -> memref<400xi32, #tpu.memory_space<hbm>>
      tpu.wait_dma2 semaphore(%run_scoped3A : memref<!tpu.dma_semaphore, #tpu.memory_space<semaphore_mem>>) src(%dma_wait3A_50 : memref<400xi32, #tpu.memory_space<hbm>>) dst(%arg5 : memref<400xi32, #tpu.memory_space<vmem>>)
      tpu.yield
    }) : () -> ()
    %dma_start3A = arith.constant 0 : i32
    %dma_start3A_40 = arith.constant 0 : i32
    %dma_start3A_41 = tpu.memref_slice %arg3[%dma_start3A, %dma_start3A_40] : memref<100000x128xf32, #tpu.memory_space<hbm>> -> memref<100000x128xf32, #tpu.memory_space<hbm>>
    tpu.enqueue_indirect_dma source(%dma_start3A_41 : memref<100000x128xf32, #tpu.memory_space<hbm>>) target(%arg7 : memref<400x128xf32, #tpu.memory_space<vmem>>) offsets(%arg5 : memref<400xi32, #tpu.memory_space<vmem>>) semaphore(%arg9 : memref<!tpu.dma_semaphore, #tpu.memory_space<semaphore_mem>>)
    %scan3A = arith.constant 0 : i32
    %scan3A_42 = arith.constant 0 : i32
    %scan3A_43 = arith.constant 12 : i32
    %scan3A_44 = arith.addi %scan3A_42, %scan3A_43 : i32
    %scan3A_45 = arith.constant 1 : i32
    %scan3A_46 = scf.for %scan3A_48 = %scan3A_42 to %scan3A_44 step %scan3A_45 iter_args(%scan3A_49 = %scan3A) -> (i32)  : i32 {
      %add3A_50 = arith.addi %mul3A_2, %scan3A_48 : i32
      %jit3A_51 = arith.constant 2 : i32
      %eq3A_52 = arith.constant 0 : i32
      %eq3A_53 = arith.cmpi eq, %jit3A_51, %eq3A_52 : i32
      %jit3A_54 = arith.constant 1 : i32
      %select_n3A_55 = arith.select %eq3A_53, %jit3A_54, %jit3A_51 : i32
      %rem3A_56 = arith.remsi %scan3A_48, %select_n3A_55 : i32
      %ne3A_57 = arith.constant 0 : i32
      %ne3A_58 = arith.cmpi ne, %rem3A_56, %ne3A_57 : i32
      %lt3A_59 = arith.constant 0 : i32
      %lt3A_60 = arith.cmpi slt, %rem3A_56, %lt3A_59 : i32
      %lt3A_61 = arith.constant 0 : i32
      %lt3A_62 = arith.cmpi slt, %select_n3A_55, %lt3A_61 : i32
      %ne3A_63 = arith.xori %lt3A_60, %lt3A_62 : i1
      %and3A_64 = arith.andi %ne3A_63, %ne3A_58 : i1
      %add3A_65 = arith.addi %rem3A_56, %select_n3A_55 : i32
      %select_n3A_66 = arith.select %and3A_64, %add3A_65, %rem3A_56 : i32
      %eq3A_67 = arith.constant 0 : i32
      %eq3A_68 = arith.cmpi eq, %select_n3A_66, %eq3A_67 : i32
      %convert_element_type3A = arith.extui %eq3A_68 : i1 to i32
      %cond3A = arith.constant 0 : i32
      %cond3A_69 = arith.cmpi ne, %convert_element_type3A, %cond3A : i32
      scf.if %cond3A_69 {
        %lt3A_71 = arith.constant 11 : i32
        %lt3A_72 = arith.cmpi slt, %scan3A_48, %lt3A_71 : i32
        %convert_element_type3A_73 = arith.extui %lt3A_72 : i1 to i32
        %cond3A_74 = arith.constant 0 : i32
        %cond3A_75 = arith.cmpi ne, %convert_element_type3A_73, %cond3A_74 : i32
        scf.if %cond3A_75 {
          %add3A_120 = arith.constant 1 : i32
          %add3A_121 = arith.addi %add3A_50, %add3A_120 : i32
          %jit3A_122 = arith.constant 32 : i32
          %div3A_123 = arith.divsi %add3A_121, %jit3A_122 : i32
          %sign3A_124 = arith.constant 0 : i32
          %sign3A_125 = arith.cmpi sgt, %add3A_121, %sign3A_124 : i32
          %sign3A_126 = arith.extui %sign3A_125 : i1 to i32
          %sign3A_127 = arith.constant 0 : i32
          %sign3A_128 = arith.cmpi slt, %add3A_121, %sign3A_127 : i32
          %sign3A_129 = arith.extui %sign3A_128 : i1 to i32
          %sign3A_130 = arith.subi %sign3A_126, %sign3A_129 : i32
          %sign3A_131 = arith.constant 0 : i32
          %sign3A_132 = arith.cmpi sgt, %jit3A_122, %sign3A_131 : i32
          %sign3A_133 = arith.extui %sign3A_132 : i1 to i32
          %sign3A_134 = arith.constant 0 : i32
          %sign3A_135 = arith.cmpi slt, %jit3A_122, %sign3A_134 : i32
          %sign3A_136 = arith.extui %sign3A_135 : i1 to i32
          %sign3A_137 = arith.subi %sign3A_133, %sign3A_136 : i32
          %ne3A_138 = arith.cmpi ne, %sign3A_130, %sign3A_137 : i32
          %rem3A_139 = arith.remsi %add3A_121, %jit3A_122 : i32
          %ne3A_140 = arith.constant 0 : i32
          %ne3A_141 = arith.cmpi ne, %rem3A_139, %ne3A_140 : i32
          %and3A_142 = arith.andi %ne3A_138, %ne3A_141 : i1
          %sub3A_143 = arith.constant 1 : i32
          %sub3A_144 = arith.subi %div3A_123, %sub3A_143 : i32
          %select_n3A_145 = arith.select %and3A_142, %sub3A_144, %div3A_123 : i32
          %mul3A_146 = arith.constant 51200 : i32
          %mul3A_147 = arith.muli %select_n3A_145, %mul3A_146 : i32
          %add3A_148 = arith.constant 12800 : i32
          %add3A_149 = arith.addi %mul3A_147, %add3A_148 : i32
          %jit3A_150 = arith.constant 32 : i32
          %eq3A_151 = arith.constant 0 : i32
          %eq3A_152 = arith.cmpi eq, %jit3A_150, %eq3A_151 : i32
          %jit3A_153 = arith.constant 1 : i32
          %select_n3A_154 = arith.select %eq3A_152, %jit3A_153, %jit3A_150 : i32
          %rem3A_155 = arith.remsi %add3A_121, %select_n3A_154 : i32
          %ne3A_156 = arith.constant 0 : i32
          %ne3A_157 = arith.cmpi ne, %rem3A_155, %ne3A_156 : i32
          %lt3A_158 = arith.constant 0 : i32
          %lt3A_159 = arith.cmpi slt, %rem3A_155, %lt3A_158 : i32
          %lt3A_160 = arith.constant 0 : i32
          %lt3A_161 = arith.cmpi slt, %select_n3A_154, %lt3A_160 : i32
          %ne3A_162 = arith.xori %lt3A_159, %lt3A_161 : i1
          %and3A_163 = arith.andi %ne3A_162, %ne3A_157 : i1
          %add3A_164 = arith.addi %rem3A_155, %select_n3A_154 : i32
          %select_n3A_165 = arith.select %and3A_163, %add3A_164, %rem3A_155 : i32
          %mul3A_166 = arith.constant 400 : i32
          %mul3A_167 = arith.muli %select_n3A_165, %mul3A_166 : i32
          %add3A_168 = arith.addi %add3A_149, %mul3A_167 : i32
          "tpu.region"() ({
            %run_scoped3A = tpu.sem_alloc : memref<!tpu.dma_semaphore, #tpu.memory_space<semaphore_mem>>
            %dma_start3A_172 = tpu.memref_slice %arg2[%add3A_168] : memref<614400xi32, #tpu.memory_space<hbm>> -> memref<400xi32, #tpu.memory_space<hbm>>
            %dma_start3A_173 = tpu.memref_slice %arg2[%add3A_168] : memref<614400xi32, #tpu.memory_space<hbm>> -> memref<400xi32, #tpu.memory_space<hbm>>
            tpu.enqueue_dma source(%dma_start3A_173 : memref<400xi32, #tpu.memory_space<hbm>>) target(%arg6 : memref<400xi32, #tpu.memory_space<vmem>>) target_semaphore(%run_scoped3A : memref<!tpu.dma_semaphore, #tpu.memory_space<semaphore_mem>>)
            %dma_wait3A_174 = tpu.memref_slice %arg2[%add3A_168] : memref<614400xi32, #tpu.memory_space<hbm>> -> memref<400xi32, #tpu.memory_space<hbm>>
            %dma_wait3A_175 = tpu.memref_slice %arg2[%add3A_168] : memref<614400xi32, #tpu.memory_space<hbm>> -> memref<400xi32, #tpu.memory_space<hbm>>
            tpu.wait_dma2 semaphore(%run_scoped3A : memref<!tpu.dma_semaphore, #tpu.memory_space<semaphore_mem>>) src(%dma_wait3A_175 : memref<400xi32, #tpu.memory_space<hbm>>) dst(%arg6 : memref<400xi32, #tpu.memory_space<vmem>>)
            tpu.yield
          }) : () -> ()
          %dma_start3A_169 = arith.constant 0 : i32
          %dma_start3A_170 = arith.constant 0 : i32
          %dma_start3A_171 = tpu.memref_slice %arg3[%dma_start3A_169, %dma_start3A_170] : memref<100000x128xf32, #tpu.memory_space<hbm>> -> memref<100000x128xf32, #tpu.memory_space<hbm>>
          tpu.enqueue_indirect_dma source(%dma_start3A_171 : memref<100000x128xf32, #tpu.memory_space<hbm>>) target(%arg8 : memref<400x128xf32, #tpu.memory_space<vmem>>) offsets(%arg6 : memref<400xi32, #tpu.memory_space<vmem>>) semaphore(%arg10 : memref<!tpu.dma_semaphore, #tpu.memory_space<semaphore_mem>>)
        } else {
        }
        %dma_wait3A = arith.constant 0 : i32
        %dma_wait3A_76 = arith.constant 0 : i32
        %dma_wait3A_77 = tpu.memref_slice %arg3[%dma_wait3A, %dma_wait3A_76] : memref<100000x128xf32, #tpu.memory_space<hbm>> -> memref<100000x128xf32, #tpu.memory_space<hbm>>
        tpu.wait_indirect_dma semaphore(%arg9 : memref<!tpu.dma_semaphore, #tpu.memory_space<semaphore_mem>>) src(%dma_wait3A_77 : memref<100000x128xf32, #tpu.memory_space<hbm>>) dst(%arg7 : memref<400x128xf32, #tpu.memory_space<vmem>>)
        %jit3A_78 = arith.constant 32 : i32
        %div3A_79 = arith.divsi %add3A_50, %jit3A_78 : i32
        %sign3A_80 = arith.constant 0 : i32
        %sign3A_81 = arith.cmpi sgt, %add3A_50, %sign3A_80 : i32
        %sign3A_82 = arith.extui %sign3A_81 : i1 to i32
        %sign3A_83 = arith.constant 0 : i32
        %sign3A_84 = arith.cmpi slt, %add3A_50, %sign3A_83 : i32
        %sign3A_85 = arith.extui %sign3A_84 : i1 to i32
        %sign3A_86 = arith.subi %sign3A_82, %sign3A_85 : i32
        %sign3A_87 = arith.constant 0 : i32
        %sign3A_88 = arith.cmpi sgt, %jit3A_78, %sign3A_87 : i32
        %sign3A_89 = arith.extui %sign3A_88 : i1 to i32
        %sign3A_90 = arith.constant 0 : i32
        %sign3A_91 = arith.cmpi slt, %jit3A_78, %sign3A_90 : i32
        %sign3A_92 = arith.extui %sign3A_91 : i1 to i32
        %sign3A_93 = arith.subi %sign3A_89, %sign3A_92 : i32
        %ne3A_94 = arith.cmpi ne, %sign3A_86, %sign3A_93 : i32
        %rem3A_95 = arith.remsi %add3A_50, %jit3A_78 : i32
        %ne3A_96 = arith.constant 0 : i32
        %ne3A_97 = arith.cmpi ne, %rem3A_95, %ne3A_96 : i32
        %and3A_98 = arith.andi %ne3A_94, %ne3A_97 : i1
        %sub3A_99 = arith.constant 1 : i32
        %sub3A_100 = arith.subi %div3A_79, %sub3A_99 : i32
        %select_n3A_101 = arith.select %and3A_98, %sub3A_100, %div3A_79 : i32
        %jit3A_102 = arith.constant 32 : i32
        %eq3A_103 = arith.constant 0 : i32
        %eq3A_104 = arith.cmpi eq, %jit3A_102, %eq3A_103 : i32
        %jit3A_105 = arith.constant 1 : i32
        %select_n3A_106 = arith.select %eq3A_104, %jit3A_105, %jit3A_102 : i32
        %rem3A_107 = arith.remsi %add3A_50, %select_n3A_106 : i32
        %ne3A_108 = arith.constant 0 : i32
        %ne3A_109 = arith.cmpi ne, %rem3A_107, %ne3A_108 : i32
        %lt3A_110 = arith.constant 0 : i32
        %lt3A_111 = arith.cmpi slt, %rem3A_107, %lt3A_110 : i32
        %lt3A_112 = arith.constant 0 : i32
        %lt3A_113 = arith.cmpi slt, %select_n3A_106, %lt3A_112 : i32
        %ne3A_114 = arith.xori %lt3A_111, %lt3A_113 : i1
        %and3A_115 = arith.andi %ne3A_114, %ne3A_109 : i1
        %add3A_116 = arith.addi %rem3A_107, %select_n3A_106 : i32
        %select_n3A_117 = arith.select %and3A_115, %add3A_116, %rem3A_107 : i32
        %mul3A_118 = arith.constant 400 : i32
        %mul3A_119 = arith.muli %select_n3A_117, %mul3A_118 : i32
        "tpu.region"() ({
          %run_scoped3A = tpu.sem_alloc : memref<!tpu.dma_semaphore, #tpu.memory_space<semaphore_mem>>
          %dma_start3A_120 = arith.constant 0 : i32
          %dma_start3A_121 = tpu.memref_slice %arg4[%select_n3A_101, %mul3A_119, %dma_start3A_120] : memref<12x12800x128xf32, #tpu.memory_space<hbm>> -> memref<1x400x128xf32, #tpu.memory_space<hbm>>
          %dma_start3A_122 = tpu.memref_squeeze %dma_start3A_121 : memref<1x400x128xf32, #tpu.memory_space<hbm>> -> memref<400x128xf32, #tpu.memory_space<hbm>>
          %dma_start3A_123 = arith.constant 0 : i32
          %dma_start3A_124 = tpu.memref_slice %arg4[%select_n3A_101, %mul3A_119, %dma_start3A_123] : memref<12x12800x128xf32, #tpu.memory_space<hbm>> -> memref<1x400x128xf32, #tpu.memory_space<hbm>>
          %dma_start3A_125 = tpu.memref_squeeze %dma_start3A_124 : memref<1x400x128xf32, #tpu.memory_space<hbm>> -> memref<400x128xf32, #tpu.memory_space<hbm>>
          tpu.enqueue_dma source(%arg7 : memref<400x128xf32, #tpu.memory_space<vmem>>) target(%dma_start3A_125 : memref<400x128xf32, #tpu.memory_space<hbm>>) target_semaphore(%run_scoped3A : memref<!tpu.dma_semaphore, #tpu.memory_space<semaphore_mem>>)
          %dma_wait3A_126 = arith.constant 0 : i32
          %dma_wait3A_127 = tpu.memref_slice %arg4[%select_n3A_101, %mul3A_119, %dma_wait3A_126] : memref<12x12800x128xf32, #tpu.memory_space<hbm>> -> memref<1x400x128xf32, #tpu.memory_space<hbm>>
          %dma_wait3A_128 = tpu.memref_squeeze %dma_wait3A_127 : memref<1x400x128xf32, #tpu.memory_space<hbm>> -> memref<400x128xf32, #tpu.memory_space<hbm>>
          %dma_wait3A_129 = arith.constant 0 : i32
          %dma_wait3A_130 = tpu.memref_slice %arg4[%select_n3A_101, %mul3A_119, %dma_wait3A_129] : memref<12x12800x128xf32, #tpu.memory_space<hbm>> -> memref<1x400x128xf32, #tpu.memory_space<hbm>>
          %dma_wait3A_131 = tpu.memref_squeeze %dma_wait3A_130 : memref<1x400x128xf32, #tpu.memory_space<hbm>> -> memref<400x128xf32, #tpu.memory_space<hbm>>
          tpu.wait_dma2 semaphore(%run_scoped3A : memref<!tpu.dma_semaphore, #tpu.memory_space<semaphore_mem>>) src(%arg7 : memref<400x128xf32, #tpu.memory_space<vmem>>) dst(%dma_wait3A_131 : memref<400x128xf32, #tpu.memory_space<hbm>>)
          tpu.yield
        }) : () -> ()
      } else {
        %lt3A_71 = arith.constant 11 : i32
        %lt3A_72 = arith.cmpi slt, %scan3A_48, %lt3A_71 : i32
        %convert_element_type3A_73 = arith.extui %lt3A_72 : i1 to i32
        %cond3A_74 = arith.constant 0 : i32
        %cond3A_75 = arith.cmpi ne, %convert_element_type3A_73, %cond3A_74 : i32
        scf.if %cond3A_75 {
          %add3A_120 = arith.constant 1 : i32
          %add3A_121 = arith.addi %add3A_50, %add3A_120 : i32
          %jit3A_122 = arith.constant 32 : i32
          %div3A_123 = arith.divsi %add3A_121, %jit3A_122 : i32
          %sign3A_124 = arith.constant 0 : i32
          %sign3A_125 = arith.cmpi sgt, %add3A_121, %sign3A_124 : i32
          %sign3A_126 = arith.extui %sign3A_125 : i1 to i32
          %sign3A_127 = arith.constant 0 : i32
          %sign3A_128 = arith.cmpi slt, %add3A_121, %sign3A_127 : i32
          %sign3A_129 = arith.extui %sign3A_128 : i1 to i32
          %sign3A_130 = arith.subi %sign3A_126, %sign3A_129 : i32
          %sign3A_131 = arith.constant 0 : i32
          %sign3A_132 = arith.cmpi sgt, %jit3A_122, %sign3A_131 : i32
          %sign3A_133 = arith.extui %sign3A_132 : i1 to i32
          %sign3A_134 = arith.constant 0 : i32
          %sign3A_135 = arith.cmpi slt, %jit3A_122, %sign3A_134 : i32
          %sign3A_136 = arith.extui %sign3A_135 : i1 to i32
          %sign3A_137 = arith.subi %sign3A_133, %sign3A_136 : i32
          %ne3A_138 = arith.cmpi ne, %sign3A_130, %sign3A_137 : i32
          %rem3A_139 = arith.remsi %add3A_121, %jit3A_122 : i32
          %ne3A_140 = arith.constant 0 : i32
          %ne3A_141 = arith.cmpi ne, %rem3A_139, %ne3A_140 : i32
          %and3A_142 = arith.andi %ne3A_138, %ne3A_141 : i1
          %sub3A_143 = arith.constant 1 : i32
          %sub3A_144 = arith.subi %div3A_123, %sub3A_143 : i32
          %select_n3A_145 = arith.select %and3A_142, %sub3A_144, %div3A_123 : i32
          %mul3A_146 = arith.constant 51200 : i32
          %mul3A_147 = arith.muli %select_n3A_145, %mul3A_146 : i32
          %add3A_148 = arith.constant 12800 : i32
          %add3A_149 = arith.addi %mul3A_147, %add3A_148 : i32
          %jit3A_150 = arith.constant 32 : i32
          %eq3A_151 = arith.constant 0 : i32
          %eq3A_152 = arith.cmpi eq, %jit3A_150, %eq3A_151 : i32
          %jit3A_153 = arith.constant 1 : i32
          %select_n3A_154 = arith.select %eq3A_152, %jit3A_153, %jit3A_150 : i32
          %rem3A_155 = arith.remsi %add3A_121, %select_n3A_154 : i32
          %ne3A_156 = arith.constant 0 : i32
          %ne3A_157 = arith.cmpi ne, %rem3A_155, %ne3A_156 : i32
          %lt3A_158 = arith.constant 0 : i32
          %lt3A_159 = arith.cmpi slt, %rem3A_155, %lt3A_158 : i32
          %lt3A_160 = arith.constant 0 : i32
          %lt3A_161 = arith.cmpi slt, %select_n3A_154, %lt3A_160 : i32
          %ne3A_162 = arith.xori %lt3A_159, %lt3A_161 : i1
          %and3A_163 = arith.andi %ne3A_162, %ne3A_157 : i1
          %add3A_164 = arith.addi %rem3A_155, %select_n3A_154 : i32
          %select_n3A_165 = arith.select %and3A_163, %add3A_164, %rem3A_155 : i32
          %mul3A_166 = arith.constant 400 : i32
          %mul3A_167 = arith.muli %select_n3A_165, %mul3A_166 : i32
          %add3A_168 = arith.addi %add3A_149, %mul3A_167 : i32
          "tpu.region"() ({
            %run_scoped3A = tpu.sem_alloc : memref<!tpu.dma_semaphore, #tpu.memory_space<semaphore_mem>>
            %dma_start3A_172 = tpu.memref_slice %arg2[%add3A_168] : memref<614400xi32, #tpu.memory_space<hbm>> -> memref<400xi32, #tpu.memory_space<hbm>>
            %dma_start3A_173 = tpu.memref_slice %arg2[%add3A_168] : memref<614400xi32, #tpu.memory_space<hbm>> -> memref<400xi32, #tpu.memory_space<hbm>>
            tpu.enqueue_dma source(%dma_start3A_173 : memref<400xi32, #tpu.memory_space<hbm>>) target(%arg5 : memref<400xi32, #tpu.memory_space<vmem>>) target_semaphore(%run_scoped3A : memref<!tpu.dma_semaphore, #tpu.memory_space<semaphore_mem>>)
            %dma_wait3A_174 = tpu.memref_slice %arg2[%add3A_168] : memref<614400xi32, #tpu.memory_space<hbm>> -> memref<400xi32, #tpu.memory_space<hbm>>
            %dma_wait3A_175 = tpu.memref_slice %arg2[%add3A_168] : memref<614400xi32, #tpu.memory_space<hbm>> -> memref<400xi32, #tpu.memory_space<hbm>>
            tpu.wait_dma2 semaphore(%run_scoped3A : memref<!tpu.dma_semaphore, #tpu.memory_space<semaphore_mem>>) src(%dma_wait3A_175 : memref<400xi32, #tpu.memory_space<hbm>>) dst(%arg5 : memref<400xi32, #tpu.memory_space<vmem>>)
            tpu.yield
          }) : () -> ()
          %dma_start3A_169 = arith.constant 0 : i32
          %dma_start3A_170 = arith.constant 0 : i32
          %dma_start3A_171 = tpu.memref_slice %arg3[%dma_start3A_169, %dma_start3A_170] : memref<100000x128xf32, #tpu.memory_space<hbm>> -> memref<100000x128xf32, #tpu.memory_space<hbm>>
          tpu.enqueue_indirect_dma source(%dma_start3A_171 : memref<100000x128xf32, #tpu.memory_space<hbm>>) target(%arg7 : memref<400x128xf32, #tpu.memory_space<vmem>>) offsets(%arg5 : memref<400xi32, #tpu.memory_space<vmem>>) semaphore(%arg9 : memref<!tpu.dma_semaphore, #tpu.memory_space<semaphore_mem>>)
        } else {
        }
        %dma_wait3A = arith.constant 0 : i32
        %dma_wait3A_76 = arith.constant 0 : i32
        %dma_wait3A_77 = tpu.memref_slice %arg3[%dma_wait3A, %dma_wait3A_76] : memref<100000x128xf32, #tpu.memory_space<hbm>> -> memref<100000x128xf32, #tpu.memory_space<hbm>>
        tpu.wait_indirect_dma semaphore(%arg10 : memref<!tpu.dma_semaphore, #tpu.memory_space<semaphore_mem>>) src(%dma_wait3A_77 : memref<100000x128xf32, #tpu.memory_space<hbm>>) dst(%arg8 : memref<400x128xf32, #tpu.memory_space<vmem>>)
        %jit3A_78 = arith.constant 32 : i32
        %div3A_79 = arith.divsi %add3A_50, %jit3A_78 : i32
        %sign3A_80 = arith.constant 0 : i32
        %sign3A_81 = arith.cmpi sgt, %add3A_50, %sign3A_80 : i32
        %sign3A_82 = arith.extui %sign3A_81 : i1 to i32
        %sign3A_83 = arith.constant 0 : i32
        %sign3A_84 = arith.cmpi slt, %add3A_50, %sign3A_83 : i32
        %sign3A_85 = arith.extui %sign3A_84 : i1 to i32
        %sign3A_86 = arith.subi %sign3A_82, %sign3A_85 : i32
        %sign3A_87 = arith.constant 0 : i32
        %sign3A_88 = arith.cmpi sgt, %jit3A_78, %sign3A_87 : i32
        %sign3A_89 = arith.extui %sign3A_88 : i1 to i32
        %sign3A_90 = arith.constant 0 : i32
        %sign3A_91 = arith.cmpi slt, %jit3A_78, %sign3A_90 : i32
        %sign3A_92 = arith.extui %sign3A_91 : i1 to i32
        %sign3A_93 = arith.subi %sign3A_89, %sign3A_92 : i32
        %ne3A_94 = arith.cmpi ne, %sign3A_86, %sign3A_93 : i32
        %rem3A_95 = arith.remsi %add3A_50, %jit3A_78 : i32
        %ne3A_96 = arith.constant 0 : i32
        %ne3A_97 = arith.cmpi ne, %rem3A_95, %ne3A_96 : i32
        %and3A_98 = arith.andi %ne3A_94, %ne3A_97 : i1
        %sub3A_99 = arith.constant 1 : i32
        %sub3A_100 = arith.subi %div3A_79, %sub3A_99 : i32
        %select_n3A_101 = arith.select %and3A_98, %sub3A_100, %div3A_79 : i32
        %jit3A_102 = arith.constant 32 : i32
        %eq3A_103 = arith.constant 0 : i32
        %eq3A_104 = arith.cmpi eq, %jit3A_102, %eq3A_103 : i32
        %jit3A_105 = arith.constant 1 : i32
        %select_n3A_106 = arith.select %eq3A_104, %jit3A_105, %jit3A_102 : i32
        %rem3A_107 = arith.remsi %add3A_50, %select_n3A_106 : i32
        %ne3A_108 = arith.constant 0 : i32
        %ne3A_109 = arith.cmpi ne, %rem3A_107, %ne3A_108 : i32
        %lt3A_110 = arith.constant 0 : i32
        %lt3A_111 = arith.cmpi slt, %rem3A_107, %lt3A_110 : i32
        %lt3A_112 = arith.constant 0 : i32
        %lt3A_113 = arith.cmpi slt, %select_n3A_106, %lt3A_112 : i32
        %ne3A_114 = arith.xori %lt3A_111, %lt3A_113 : i1
        %and3A_115 = arith.andi %ne3A_114, %ne3A_109 : i1
        %add3A_116 = arith.addi %rem3A_107, %select_n3A_106 : i32
        %select_n3A_117 = arith.select %and3A_115, %add3A_116, %rem3A_107 : i32
        %mul3A_118 = arith.constant 400 : i32
        %mul3A_119 = arith.muli %select_n3A_117, %mul3A_118 : i32
        "tpu.region"() ({
          %run_scoped3A = tpu.sem_alloc : memref<!tpu.dma_semaphore, #tpu.memory_space<semaphore_mem>>
          %dma_start3A_120 = arith.constant 0 : i32
          %dma_start3A_121 = tpu.memref_slice %arg4[%select_n3A_101, %mul3A_119, %dma_start3A_120] : memref<12x12800x128xf32, #tpu.memory_space<hbm>> -> memref<1x400x128xf32, #tpu.memory_space<hbm>>
          %dma_start3A_122 = tpu.memref_squeeze %dma_start3A_121 : memref<1x400x128xf32, #tpu.memory_space<hbm>> -> memref<400x128xf32, #tpu.memory_space<hbm>>
          %dma_start3A_123 = arith.constant 0 : i32
          %dma_start3A_124 = tpu.memref_slice %arg4[%select_n3A_101, %mul3A_119, %dma_start3A_123] : memref<12x12800x128xf32, #tpu.memory_space<hbm>> -> memref<1x400x128xf32, #tpu.memory_space<hbm>>
          %dma_start3A_125 = tpu.memref_squeeze %dma_start3A_124 : memref<1x400x128xf32, #tpu.memory_space<hbm>> -> memref<400x128xf32, #tpu.memory_space<hbm>>
          tpu.enqueue_dma source(%arg8 : memref<400x128xf32, #tpu.memory_space<vmem>>) target(%dma_start3A_125 : memref<400x128xf32, #tpu.memory_space<hbm>>) target_semaphore(%run_scoped3A : memref<!tpu.dma_semaphore, #tpu.memory_space<semaphore_mem>>)
          %dma_wait3A_126 = arith.constant 0 : i32
          %dma_wait3A_127 = tpu.memref_slice %arg4[%select_n3A_101, %mul3A_119, %dma_wait3A_126] : memref<12x12800x128xf32, #tpu.memory_space<hbm>> -> memref<1x400x128xf32, #tpu.memory_space<hbm>>
          %dma_wait3A_128 = tpu.memref_squeeze %dma_wait3A_127 : memref<1x400x128xf32, #tpu.memory_space<hbm>> -> memref<400x128xf32, #tpu.memory_space<hbm>>
          %dma_wait3A_129 = arith.constant 0 : i32
          %dma_wait3A_130 = tpu.memref_slice %arg4[%select_n3A_101, %mul3A_119, %dma_wait3A_129] : memref<12x12800x128xf32, #tpu.memory_space<hbm>> -> memref<1x400x128xf32, #tpu.memory_space<hbm>>
          %dma_wait3A_131 = tpu.memref_squeeze %dma_wait3A_130 : memref<1x400x128xf32, #tpu.memory_space<hbm>> -> memref<400x128xf32, #tpu.memory_space<hbm>>
          tpu.wait_dma2 semaphore(%run_scoped3A : memref<!tpu.dma_semaphore, #tpu.memory_space<semaphore_mem>>) src(%arg8 : memref<400x128xf32, #tpu.memory_space<vmem>>) dst(%dma_wait3A_131 : memref<400x128xf32, #tpu.memory_space<hbm>>)
          tpu.yield
        }) : () -> ()
      }
      %scan3A_70 = arith.constant 0 : i32
      scf.yield %scan3A_70 : i32
    }
    %scan3A_47 = arith.constant 12 : i32
    return
  }
}

#map = affine_map<(d0, d1) -> (0)>
#map1 = affine_map<(d0, d1) -> (0, 0)>
#map2 = affine_map<(d0, d1) -> (0, 0, 0)>
module attributes {stable_mosaic.version = 14 : i64} {
  func.func @kb(%arg0: i32, %arg1: i32, %arg2: memref<614400xi32, #tpu.memory_space<hbm>>, %arg3: memref<100000x128xf32, #tpu.memory_space<hbm>>, %arg4: memref<12x12800x128xf32, #tpu.memory_space<hbm>>, %arg5: memref<400xi32, #tpu.memory_space<vmem>>, %arg6: memref<400xi32, #tpu.memory_space<vmem>>, %arg7: memref<400x128xf32, #tpu.memory_space<vmem>>, %arg8: memref<400x128xf32, #tpu.memory_space<vmem>>, %arg9: memref<!tpu.dma_semaphore, #tpu.memory_space<semaphore_mem>>, %arg10: memref<!tpu.dma_semaphore, #tpu.memory_space<semaphore_mem>>) attributes {dimension_semantics = [#tpu.dimension_semantics<core_parallel>, #tpu.dimension_semantics<subcore_parallel>], iteration_bounds = array<i64: 2, 16>, scalar_prefetch = 0 : i64, scratch_operands = 6 : i64, tpu.core_type = #tpu.core_type<sc_vector_subcore>, window_params = [{transform_indices = #map}, {transform_indices = #map1}, {transform_indices = #map2}]} {
    %mul3A = arith.constant 2 : i32
    %mul3A_0 = arith.muli %arg1, %mul3A : i32
    %add3A = arith.addi %mul3A_0, %arg0 : i32
    %mul3A_1 = arith.constant 12 : i32
    %mul3A_2 = arith.muli %add3A, %mul3A_1 : i32
    %jit3A = arith.constant 32 : i32
    %div3A = arith.divsi %mul3A_2, %jit3A : i32
    %sign3A = arith.constant 0 : i32
    %sign3A_3 = arith.cmpi sgt, %mul3A_2, %sign3A : i32
    %sign3A_4 = arith.extui %sign3A_3 : i1 to i32
    %sign3A_5 = arith.constant 0 : i32
    %sign3A_6 = arith.cmpi slt, %mul3A_2, %sign3A_5 : i32
    %sign3A_7 = arith.extui %sign3A_6 : i1 to i32
    %sign3A_8 = arith.subi %sign3A_4, %sign3A_7 : i32
    %sign3A_9 = arith.constant 0 : i32
    %sign3A_10 = arith.cmpi sgt, %jit3A, %sign3A_9 : i32
    %sign3A_11 = arith.extui %sign3A_10 : i1 to i32
    %sign3A_12 = arith.constant 0 : i32
    %sign3A_13 = arith.cmpi slt, %jit3A, %sign3A_12 : i32
    %sign3A_14 = arith.extui %sign3A_13 : i1 to i32
    %sign3A_15 = arith.subi %sign3A_11, %sign3A_14 : i32
    %ne3A = arith.cmpi ne, %sign3A_8, %sign3A_15 : i32
    %rem3A = arith.remsi %mul3A_2, %jit3A : i32
    %ne3A_16 = arith.constant 0 : i32
    %ne3A_17 = arith.cmpi ne, %rem3A, %ne3A_16 : i32
    %and3A = arith.andi %ne3A, %ne3A_17 : i1
    %sub3A = arith.constant 1 : i32
    %sub3A_18 = arith.subi %div3A, %sub3A : i32
    %select_n3A = arith.select %and3A, %sub3A_18, %div3A : i32
    %mul3A_19 = arith.constant 51200 : i32
    %mul3A_20 = arith.muli %select_n3A, %mul3A_19 : i32
    %add3A_21 = arith.constant 0 : i32
    %add3A_22 = arith.addi %mul3A_20, %add3A_21 : i32
    %jit3A_23 = arith.constant 32 : i32
    %eq3A = arith.constant 0 : i32
    %eq3A_24 = arith.cmpi eq, %jit3A_23, %eq3A : i32
    %jit3A_25 = arith.constant 1 : i32
    %select_n3A_26 = arith.select %eq3A_24, %jit3A_25, %jit3A_23 : i32
    %rem3A_27 = arith.remsi %mul3A_2, %select_n3A_26 : i32
    %ne3A_28 = arith.constant 0 : i32
    %ne3A_29 = arith.cmpi ne, %rem3A_27, %ne3A_28 : i32
    %lt3A = arith.constant 0 : i32
    %lt3A_30 = arith.cmpi slt, %rem3A_27, %lt3A : i32
    %lt3A_31 = arith.constant 0 : i32
    %lt3A_32 = arith.cmpi slt, %select_n3A_26, %lt3A_31 : i32
    %ne3A_33 = arith.xori %lt3A_30, %lt3A_32 : i1
    %and3A_34 = arith.andi %ne3A_33, %ne3A_29 : i1
    %add3A_35 = arith.addi %rem3A_27, %select_n3A_26 : i32
    %select_n3A_36 = arith.select %and3A_34, %add3A_35, %rem3A_27 : i32
    %mul3A_37 = arith.constant 400 : i32
    %mul3A_38 = arith.muli %select_n3A_36, %mul3A_37 : i32
    %add3A_39 = arith.addi %add3A_22, %mul3A_38 : i32
    "tpu.region"() ({
      %run_scoped3A = tpu.sem_alloc : memref<!tpu.dma_semaphore, #tpu.memory_space<semaphore_mem>>
      %dma_start3A_48 = tpu.memref_slice %arg2[%add3A_39] : memref<614400xi32, #tpu.memory_space<hbm>> -> memref<400xi32, #tpu.memory_space<hbm>>
      %dma_start3A_49 = tpu.memref_slice %arg2[%add3A_39] : memref<614400xi32, #tpu.memory_space<hbm>> -> memref<400xi32, #tpu.memory_space<hbm>>
      tpu.enqueue_dma source(%dma_start3A_49 : memref<400xi32, #tpu.memory_space<hbm>>) target(%arg5 : memref<400xi32, #tpu.memory_space<vmem>>) target_semaphore(%run_scoped3A : memref<!tpu.dma_semaphore, #tpu.memory_space<semaphore_mem>>)
      %dma_wait3A = tpu.memref_slice %arg2[%add3A_39] : memref<614400xi32, #tpu.memory_space<hbm>> -> memref<400xi32, #tpu.memory_space<hbm>>
      %dma_wait3A_50 = tpu.memref_slice %arg2[%add3A_39] : memref<614400xi32, #tpu.memory_space<hbm>> -> memref<400xi32, #tpu.memory_space<hbm>>
      tpu.wait_dma2 semaphore(%run_scoped3A : memref<!tpu.dma_semaphore, #tpu.memory_space<semaphore_mem>>) src(%dma_wait3A_50 : memref<400xi32, #tpu.memory_space<hbm>>) dst(%arg5 : memref<400xi32, #tpu.memory_space<vmem>>)
      tpu.yield
    }) : () -> ()
    %dma_start3A = arith.constant 0 : i32
    %dma_start3A_40 = arith.constant 0 : i32
    %dma_start3A_41 = tpu.memref_slice %arg3[%dma_start3A, %dma_start3A_40] : memref<100000x128xf32, #tpu.memory_space<hbm>> -> memref<100000x128xf32, #tpu.memory_space<hbm>>
    tpu.enqueue_indirect_dma source(%dma_start3A_41 : memref<100000x128xf32, #tpu.memory_space<hbm>>) target(%arg7 : memref<400x128xf32, #tpu.memory_space<vmem>>) offsets(%arg5 : memref<400xi32, #tpu.memory_space<vmem>>) semaphore(%arg9 : memref<!tpu.dma_semaphore, #tpu.memory_space<semaphore_mem>>)
    %scan3A = arith.constant 0 : i32
    %scan3A_42 = arith.constant 0 : i32
    %scan3A_43 = arith.constant 12 : i32
    %scan3A_44 = arith.addi %scan3A_42, %scan3A_43 : i32
    %scan3A_45 = arith.constant 1 : i32
    %scan3A_46 = scf.for %scan3A_48 = %scan3A_42 to %scan3A_44 step %scan3A_45 iter_args(%scan3A_49 = %scan3A) -> (i32)  : i32 {
      %add3A_50 = arith.addi %mul3A_2, %scan3A_48 : i32
      %jit3A_51 = arith.constant 2 : i32
      %eq3A_52 = arith.constant 0 : i32
      %eq3A_53 = arith.cmpi eq, %jit3A_51, %eq3A_52 : i32
      %jit3A_54 = arith.constant 1 : i32
      %select_n3A_55 = arith.select %eq3A_53, %jit3A_54, %jit3A_51 : i32
      %rem3A_56 = arith.remsi %scan3A_48, %select_n3A_55 : i32
      %ne3A_57 = arith.constant 0 : i32
      %ne3A_58 = arith.cmpi ne, %rem3A_56, %ne3A_57 : i32
      %lt3A_59 = arith.constant 0 : i32
      %lt3A_60 = arith.cmpi slt, %rem3A_56, %lt3A_59 : i32
      %lt3A_61 = arith.constant 0 : i32
      %lt3A_62 = arith.cmpi slt, %select_n3A_55, %lt3A_61 : i32
      %ne3A_63 = arith.xori %lt3A_60, %lt3A_62 : i1
      %and3A_64 = arith.andi %ne3A_63, %ne3A_58 : i1
      %add3A_65 = arith.addi %rem3A_56, %select_n3A_55 : i32
      %select_n3A_66 = arith.select %and3A_64, %add3A_65, %rem3A_56 : i32
      %eq3A_67 = arith.constant 0 : i32
      %eq3A_68 = arith.cmpi eq, %select_n3A_66, %eq3A_67 : i32
      %convert_element_type3A = arith.extui %eq3A_68 : i1 to i32
      %cond3A = arith.constant 0 : i32
      %cond3A_69 = arith.cmpi ne, %convert_element_type3A, %cond3A : i32
      scf.if %cond3A_69 {
        %lt3A_71 = arith.constant 11 : i32
        %lt3A_72 = arith.cmpi slt, %scan3A_48, %lt3A_71 : i32
        %convert_element_type3A_73 = arith.extui %lt3A_72 : i1 to i32
        %cond3A_74 = arith.constant 0 : i32
        %cond3A_75 = arith.cmpi ne, %convert_element_type3A_73, %cond3A_74 : i32
        scf.if %cond3A_75 {
          %add3A_120 = arith.constant 1 : i32
          %add3A_121 = arith.addi %add3A_50, %add3A_120 : i32
          %jit3A_122 = arith.constant 32 : i32
          %div3A_123 = arith.divsi %add3A_121, %jit3A_122 : i32
          %sign3A_124 = arith.constant 0 : i32
          %sign3A_125 = arith.cmpi sgt, %add3A_121, %sign3A_124 : i32
          %sign3A_126 = arith.extui %sign3A_125 : i1 to i32
          %sign3A_127 = arith.constant 0 : i32
          %sign3A_128 = arith.cmpi slt, %add3A_121, %sign3A_127 : i32
          %sign3A_129 = arith.extui %sign3A_128 : i1 to i32
          %sign3A_130 = arith.subi %sign3A_126, %sign3A_129 : i32
          %sign3A_131 = arith.constant 0 : i32
          %sign3A_132 = arith.cmpi sgt, %jit3A_122, %sign3A_131 : i32
          %sign3A_133 = arith.extui %sign3A_132 : i1 to i32
          %sign3A_134 = arith.constant 0 : i32
          %sign3A_135 = arith.cmpi slt, %jit3A_122, %sign3A_134 : i32
          %sign3A_136 = arith.extui %sign3A_135 : i1 to i32
          %sign3A_137 = arith.subi %sign3A_133, %sign3A_136 : i32
          %ne3A_138 = arith.cmpi ne, %sign3A_130, %sign3A_137 : i32
          %rem3A_139 = arith.remsi %add3A_121, %jit3A_122 : i32
          %ne3A_140 = arith.constant 0 : i32
          %ne3A_141 = arith.cmpi ne, %rem3A_139, %ne3A_140 : i32
          %and3A_142 = arith.andi %ne3A_138, %ne3A_141 : i1
          %sub3A_143 = arith.constant 1 : i32
          %sub3A_144 = arith.subi %div3A_123, %sub3A_143 : i32
          %select_n3A_145 = arith.select %and3A_142, %sub3A_144, %div3A_123 : i32
          %mul3A_146 = arith.constant 51200 : i32
          %mul3A_147 = arith.muli %select_n3A_145, %mul3A_146 : i32
          %add3A_148 = arith.constant 0 : i32
          %add3A_149 = arith.addi %mul3A_147, %add3A_148 : i32
          %jit3A_150 = arith.constant 32 : i32
          %eq3A_151 = arith.constant 0 : i32
          %eq3A_152 = arith.cmpi eq, %jit3A_150, %eq3A_151 : i32
          %jit3A_153 = arith.constant 1 : i32
          %select_n3A_154 = arith.select %eq3A_152, %jit3A_153, %jit3A_150 : i32
          %rem3A_155 = arith.remsi %add3A_121, %select_n3A_154 : i32
          %ne3A_156 = arith.constant 0 : i32
          %ne3A_157 = arith.cmpi ne, %rem3A_155, %ne3A_156 : i32
          %lt3A_158 = arith.constant 0 : i32
          %lt3A_159 = arith.cmpi slt, %rem3A_155, %lt3A_158 : i32
          %lt3A_160 = arith.constant 0 : i32
          %lt3A_161 = arith.cmpi slt, %select_n3A_154, %lt3A_160 : i32
          %ne3A_162 = arith.xori %lt3A_159, %lt3A_161 : i1
          %and3A_163 = arith.andi %ne3A_162, %ne3A_157 : i1
          %add3A_164 = arith.addi %rem3A_155, %select_n3A_154 : i32
          %select_n3A_165 = arith.select %and3A_163, %add3A_164, %rem3A_155 : i32
          %mul3A_166 = arith.constant 400 : i32
          %mul3A_167 = arith.muli %select_n3A_165, %mul3A_166 : i32
          %add3A_168 = arith.addi %add3A_149, %mul3A_167 : i32
          "tpu.region"() ({
            %run_scoped3A = tpu.sem_alloc : memref<!tpu.dma_semaphore, #tpu.memory_space<semaphore_mem>>
            %dma_start3A_172 = tpu.memref_slice %arg2[%add3A_168] : memref<614400xi32, #tpu.memory_space<hbm>> -> memref<400xi32, #tpu.memory_space<hbm>>
            %dma_start3A_173 = tpu.memref_slice %arg2[%add3A_168] : memref<614400xi32, #tpu.memory_space<hbm>> -> memref<400xi32, #tpu.memory_space<hbm>>
            tpu.enqueue_dma source(%dma_start3A_173 : memref<400xi32, #tpu.memory_space<hbm>>) target(%arg6 : memref<400xi32, #tpu.memory_space<vmem>>) target_semaphore(%run_scoped3A : memref<!tpu.dma_semaphore, #tpu.memory_space<semaphore_mem>>)
            %dma_wait3A_174 = tpu.memref_slice %arg2[%add3A_168] : memref<614400xi32, #tpu.memory_space<hbm>> -> memref<400xi32, #tpu.memory_space<hbm>>
            %dma_wait3A_175 = tpu.memref_slice %arg2[%add3A_168] : memref<614400xi32, #tpu.memory_space<hbm>> -> memref<400xi32, #tpu.memory_space<hbm>>
            tpu.wait_dma2 semaphore(%run_scoped3A : memref<!tpu.dma_semaphore, #tpu.memory_space<semaphore_mem>>) src(%dma_wait3A_175 : memref<400xi32, #tpu.memory_space<hbm>>) dst(%arg6 : memref<400xi32, #tpu.memory_space<vmem>>)
            tpu.yield
          }) : () -> ()
          %dma_start3A_169 = arith.constant 0 : i32
          %dma_start3A_170 = arith.constant 0 : i32
          %dma_start3A_171 = tpu.memref_slice %arg3[%dma_start3A_169, %dma_start3A_170] : memref<100000x128xf32, #tpu.memory_space<hbm>> -> memref<100000x128xf32, #tpu.memory_space<hbm>>
          tpu.enqueue_indirect_dma source(%dma_start3A_171 : memref<100000x128xf32, #tpu.memory_space<hbm>>) target(%arg8 : memref<400x128xf32, #tpu.memory_space<vmem>>) offsets(%arg6 : memref<400xi32, #tpu.memory_space<vmem>>) semaphore(%arg10 : memref<!tpu.dma_semaphore, #tpu.memory_space<semaphore_mem>>)
        } else {
        }
        %dma_wait3A = arith.constant 0 : i32
        %dma_wait3A_76 = arith.constant 0 : i32
        %dma_wait3A_77 = tpu.memref_slice %arg3[%dma_wait3A, %dma_wait3A_76] : memref<100000x128xf32, #tpu.memory_space<hbm>> -> memref<100000x128xf32, #tpu.memory_space<hbm>>
        tpu.wait_indirect_dma semaphore(%arg9 : memref<!tpu.dma_semaphore, #tpu.memory_space<semaphore_mem>>) src(%dma_wait3A_77 : memref<100000x128xf32, #tpu.memory_space<hbm>>) dst(%arg7 : memref<400x128xf32, #tpu.memory_space<vmem>>)
        %jit3A_78 = arith.constant 32 : i32
        %div3A_79 = arith.divsi %add3A_50, %jit3A_78 : i32
        %sign3A_80 = arith.constant 0 : i32
        %sign3A_81 = arith.cmpi sgt, %add3A_50, %sign3A_80 : i32
        %sign3A_82 = arith.extui %sign3A_81 : i1 to i32
        %sign3A_83 = arith.constant 0 : i32
        %sign3A_84 = arith.cmpi slt, %add3A_50, %sign3A_83 : i32
        %sign3A_85 = arith.extui %sign3A_84 : i1 to i32
        %sign3A_86 = arith.subi %sign3A_82, %sign3A_85 : i32
        %sign3A_87 = arith.constant 0 : i32
        %sign3A_88 = arith.cmpi sgt, %jit3A_78, %sign3A_87 : i32
        %sign3A_89 = arith.extui %sign3A_88 : i1 to i32
        %sign3A_90 = arith.constant 0 : i32
        %sign3A_91 = arith.cmpi slt, %jit3A_78, %sign3A_90 : i32
        %sign3A_92 = arith.extui %sign3A_91 : i1 to i32
        %sign3A_93 = arith.subi %sign3A_89, %sign3A_92 : i32
        %ne3A_94 = arith.cmpi ne, %sign3A_86, %sign3A_93 : i32
        %rem3A_95 = arith.remsi %add3A_50, %jit3A_78 : i32
        %ne3A_96 = arith.constant 0 : i32
        %ne3A_97 = arith.cmpi ne, %rem3A_95, %ne3A_96 : i32
        %and3A_98 = arith.andi %ne3A_94, %ne3A_97 : i1
        %sub3A_99 = arith.constant 1 : i32
        %sub3A_100 = arith.subi %div3A_79, %sub3A_99 : i32
        %select_n3A_101 = arith.select %and3A_98, %sub3A_100, %div3A_79 : i32
        %jit3A_102 = arith.constant 32 : i32
        %eq3A_103 = arith.constant 0 : i32
        %eq3A_104 = arith.cmpi eq, %jit3A_102, %eq3A_103 : i32
        %jit3A_105 = arith.constant 1 : i32
        %select_n3A_106 = arith.select %eq3A_104, %jit3A_105, %jit3A_102 : i32
        %rem3A_107 = arith.remsi %add3A_50, %select_n3A_106 : i32
        %ne3A_108 = arith.constant 0 : i32
        %ne3A_109 = arith.cmpi ne, %rem3A_107, %ne3A_108 : i32
        %lt3A_110 = arith.constant 0 : i32
        %lt3A_111 = arith.cmpi slt, %rem3A_107, %lt3A_110 : i32
        %lt3A_112 = arith.constant 0 : i32
        %lt3A_113 = arith.cmpi slt, %select_n3A_106, %lt3A_112 : i32
        %ne3A_114 = arith.xori %lt3A_111, %lt3A_113 : i1
        %and3A_115 = arith.andi %ne3A_114, %ne3A_109 : i1
        %add3A_116 = arith.addi %rem3A_107, %select_n3A_106 : i32
        %select_n3A_117 = arith.select %and3A_115, %add3A_116, %rem3A_107 : i32
        %mul3A_118 = arith.constant 400 : i32
        %mul3A_119 = arith.muli %select_n3A_117, %mul3A_118 : i32
        "tpu.region"() ({
          %run_scoped3A = tpu.sem_alloc : memref<!tpu.dma_semaphore, #tpu.memory_space<semaphore_mem>>
          %dma_start3A_120 = arith.constant 0 : i32
          %dma_start3A_121 = tpu.memref_slice %arg4[%select_n3A_101, %mul3A_119, %dma_start3A_120] : memref<12x12800x128xf32, #tpu.memory_space<hbm>> -> memref<1x400x128xf32, #tpu.memory_space<hbm>>
          %dma_start3A_122 = tpu.memref_squeeze %dma_start3A_121 : memref<1x400x128xf32, #tpu.memory_space<hbm>> -> memref<400x128xf32, #tpu.memory_space<hbm>>
          %dma_start3A_123 = arith.constant 0 : i32
          %dma_start3A_124 = tpu.memref_slice %arg4[%select_n3A_101, %mul3A_119, %dma_start3A_123] : memref<12x12800x128xf32, #tpu.memory_space<hbm>> -> memref<1x400x128xf32, #tpu.memory_space<hbm>>
          %dma_start3A_125 = tpu.memref_squeeze %dma_start3A_124 : memref<1x400x128xf32, #tpu.memory_space<hbm>> -> memref<400x128xf32, #tpu.memory_space<hbm>>
          tpu.enqueue_dma source(%arg7 : memref<400x128xf32, #tpu.memory_space<vmem>>) target(%dma_start3A_125 : memref<400x128xf32, #tpu.memory_space<hbm>>) target_semaphore(%run_scoped3A : memref<!tpu.dma_semaphore, #tpu.memory_space<semaphore_mem>>)
          %dma_wait3A_126 = arith.constant 0 : i32
          %dma_wait3A_127 = tpu.memref_slice %arg4[%select_n3A_101, %mul3A_119, %dma_wait3A_126] : memref<12x12800x128xf32, #tpu.memory_space<hbm>> -> memref<1x400x128xf32, #tpu.memory_space<hbm>>
          %dma_wait3A_128 = tpu.memref_squeeze %dma_wait3A_127 : memref<1x400x128xf32, #tpu.memory_space<hbm>> -> memref<400x128xf32, #tpu.memory_space<hbm>>
          %dma_wait3A_129 = arith.constant 0 : i32
          %dma_wait3A_130 = tpu.memref_slice %arg4[%select_n3A_101, %mul3A_119, %dma_wait3A_129] : memref<12x12800x128xf32, #tpu.memory_space<hbm>> -> memref<1x400x128xf32, #tpu.memory_space<hbm>>
          %dma_wait3A_131 = tpu.memref_squeeze %dma_wait3A_130 : memref<1x400x128xf32, #tpu.memory_space<hbm>> -> memref<400x128xf32, #tpu.memory_space<hbm>>
          tpu.wait_dma2 semaphore(%run_scoped3A : memref<!tpu.dma_semaphore, #tpu.memory_space<semaphore_mem>>) src(%arg7 : memref<400x128xf32, #tpu.memory_space<vmem>>) dst(%dma_wait3A_131 : memref<400x128xf32, #tpu.memory_space<hbm>>)
          tpu.yield
        }) : () -> ()
      } else {
        %lt3A_71 = arith.constant 11 : i32
        %lt3A_72 = arith.cmpi slt, %scan3A_48, %lt3A_71 : i32
        %convert_element_type3A_73 = arith.extui %lt3A_72 : i1 to i32
        %cond3A_74 = arith.constant 0 : i32
        %cond3A_75 = arith.cmpi ne, %convert_element_type3A_73, %cond3A_74 : i32
        scf.if %cond3A_75 {
          %add3A_120 = arith.constant 1 : i32
          %add3A_121 = arith.addi %add3A_50, %add3A_120 : i32
          %jit3A_122 = arith.constant 32 : i32
          %div3A_123 = arith.divsi %add3A_121, %jit3A_122 : i32
          %sign3A_124 = arith.constant 0 : i32
          %sign3A_125 = arith.cmpi sgt, %add3A_121, %sign3A_124 : i32
          %sign3A_126 = arith.extui %sign3A_125 : i1 to i32
          %sign3A_127 = arith.constant 0 : i32
          %sign3A_128 = arith.cmpi slt, %add3A_121, %sign3A_127 : i32
          %sign3A_129 = arith.extui %sign3A_128 : i1 to i32
          %sign3A_130 = arith.subi %sign3A_126, %sign3A_129 : i32
          %sign3A_131 = arith.constant 0 : i32
          %sign3A_132 = arith.cmpi sgt, %jit3A_122, %sign3A_131 : i32
          %sign3A_133 = arith.extui %sign3A_132 : i1 to i32
          %sign3A_134 = arith.constant 0 : i32
          %sign3A_135 = arith.cmpi slt, %jit3A_122, %sign3A_134 : i32
          %sign3A_136 = arith.extui %sign3A_135 : i1 to i32
          %sign3A_137 = arith.subi %sign3A_133, %sign3A_136 : i32
          %ne3A_138 = arith.cmpi ne, %sign3A_130, %sign3A_137 : i32
          %rem3A_139 = arith.remsi %add3A_121, %jit3A_122 : i32
          %ne3A_140 = arith.constant 0 : i32
          %ne3A_141 = arith.cmpi ne, %rem3A_139, %ne3A_140 : i32
          %and3A_142 = arith.andi %ne3A_138, %ne3A_141 : i1
          %sub3A_143 = arith.constant 1 : i32
          %sub3A_144 = arith.subi %div3A_123, %sub3A_143 : i32
          %select_n3A_145 = arith.select %and3A_142, %sub3A_144, %div3A_123 : i32
          %mul3A_146 = arith.constant 51200 : i32
          %mul3A_147 = arith.muli %select_n3A_145, %mul3A_146 : i32
          %add3A_148 = arith.constant 0 : i32
          %add3A_149 = arith.addi %mul3A_147, %add3A_148 : i32
          %jit3A_150 = arith.constant 32 : i32
          %eq3A_151 = arith.constant 0 : i32
          %eq3A_152 = arith.cmpi eq, %jit3A_150, %eq3A_151 : i32
          %jit3A_153 = arith.constant 1 : i32
          %select_n3A_154 = arith.select %eq3A_152, %jit3A_153, %jit3A_150 : i32
          %rem3A_155 = arith.remsi %add3A_121, %select_n3A_154 : i32
          %ne3A_156 = arith.constant 0 : i32
          %ne3A_157 = arith.cmpi ne, %rem3A_155, %ne3A_156 : i32
          %lt3A_158 = arith.constant 0 : i32
          %lt3A_159 = arith.cmpi slt, %rem3A_155, %lt3A_158 : i32
          %lt3A_160 = arith.constant 0 : i32
          %lt3A_161 = arith.cmpi slt, %select_n3A_154, %lt3A_160 : i32
          %ne3A_162 = arith.xori %lt3A_159, %lt3A_161 : i1
          %and3A_163 = arith.andi %ne3A_162, %ne3A_157 : i1
          %add3A_164 = arith.addi %rem3A_155, %select_n3A_154 : i32
          %select_n3A_165 = arith.select %and3A_163, %add3A_164, %rem3A_155 : i32
          %mul3A_166 = arith.constant 400 : i32
          %mul3A_167 = arith.muli %select_n3A_165, %mul3A_166 : i32
          %add3A_168 = arith.addi %add3A_149, %mul3A_167 : i32
          "tpu.region"() ({
            %run_scoped3A = tpu.sem_alloc : memref<!tpu.dma_semaphore, #tpu.memory_space<semaphore_mem>>
            %dma_start3A_172 = tpu.memref_slice %arg2[%add3A_168] : memref<614400xi32, #tpu.memory_space<hbm>> -> memref<400xi32, #tpu.memory_space<hbm>>
            %dma_start3A_173 = tpu.memref_slice %arg2[%add3A_168] : memref<614400xi32, #tpu.memory_space<hbm>> -> memref<400xi32, #tpu.memory_space<hbm>>
            tpu.enqueue_dma source(%dma_start3A_173 : memref<400xi32, #tpu.memory_space<hbm>>) target(%arg5 : memref<400xi32, #tpu.memory_space<vmem>>) target_semaphore(%run_scoped3A : memref<!tpu.dma_semaphore, #tpu.memory_space<semaphore_mem>>)
            %dma_wait3A_174 = tpu.memref_slice %arg2[%add3A_168] : memref<614400xi32, #tpu.memory_space<hbm>> -> memref<400xi32, #tpu.memory_space<hbm>>
            %dma_wait3A_175 = tpu.memref_slice %arg2[%add3A_168] : memref<614400xi32, #tpu.memory_space<hbm>> -> memref<400xi32, #tpu.memory_space<hbm>>
            tpu.wait_dma2 semaphore(%run_scoped3A : memref<!tpu.dma_semaphore, #tpu.memory_space<semaphore_mem>>) src(%dma_wait3A_175 : memref<400xi32, #tpu.memory_space<hbm>>) dst(%arg5 : memref<400xi32, #tpu.memory_space<vmem>>)
            tpu.yield
          }) : () -> ()
          %dma_start3A_169 = arith.constant 0 : i32
          %dma_start3A_170 = arith.constant 0 : i32
          %dma_start3A_171 = tpu.memref_slice %arg3[%dma_start3A_169, %dma_start3A_170] : memref<100000x128xf32, #tpu.memory_space<hbm>> -> memref<100000x128xf32, #tpu.memory_space<hbm>>
          tpu.enqueue_indirect_dma source(%dma_start3A_171 : memref<100000x128xf32, #tpu.memory_space<hbm>>) target(%arg7 : memref<400x128xf32, #tpu.memory_space<vmem>>) offsets(%arg5 : memref<400xi32, #tpu.memory_space<vmem>>) semaphore(%arg9 : memref<!tpu.dma_semaphore, #tpu.memory_space<semaphore_mem>>)
        } else {
        }
        %dma_wait3A = arith.constant 0 : i32
        %dma_wait3A_76 = arith.constant 0 : i32
        %dma_wait3A_77 = tpu.memref_slice %arg3[%dma_wait3A, %dma_wait3A_76] : memref<100000x128xf32, #tpu.memory_space<hbm>> -> memref<100000x128xf32, #tpu.memory_space<hbm>>
        tpu.wait_indirect_dma semaphore(%arg10 : memref<!tpu.dma_semaphore, #tpu.memory_space<semaphore_mem>>) src(%dma_wait3A_77 : memref<100000x128xf32, #tpu.memory_space<hbm>>) dst(%arg8 : memref<400x128xf32, #tpu.memory_space<vmem>>)
        %jit3A_78 = arith.constant 32 : i32
        %div3A_79 = arith.divsi %add3A_50, %jit3A_78 : i32
        %sign3A_80 = arith.constant 0 : i32
        %sign3A_81 = arith.cmpi sgt, %add3A_50, %sign3A_80 : i32
        %sign3A_82 = arith.extui %sign3A_81 : i1 to i32
        %sign3A_83 = arith.constant 0 : i32
        %sign3A_84 = arith.cmpi slt, %add3A_50, %sign3A_83 : i32
        %sign3A_85 = arith.extui %sign3A_84 : i1 to i32
        %sign3A_86 = arith.subi %sign3A_82, %sign3A_85 : i32
        %sign3A_87 = arith.constant 0 : i32
        %sign3A_88 = arith.cmpi sgt, %jit3A_78, %sign3A_87 : i32
        %sign3A_89 = arith.extui %sign3A_88 : i1 to i32
        %sign3A_90 = arith.constant 0 : i32
        %sign3A_91 = arith.cmpi slt, %jit3A_78, %sign3A_90 : i32
        %sign3A_92 = arith.extui %sign3A_91 : i1 to i32
        %sign3A_93 = arith.subi %sign3A_89, %sign3A_92 : i32
        %ne3A_94 = arith.cmpi ne, %sign3A_86, %sign3A_93 : i32
        %rem3A_95 = arith.remsi %add3A_50, %jit3A_78 : i32
        %ne3A_96 = arith.constant 0 : i32
        %ne3A_97 = arith.cmpi ne, %rem3A_95, %ne3A_96 : i32
        %and3A_98 = arith.andi %ne3A_94, %ne3A_97 : i1
        %sub3A_99 = arith.constant 1 : i32
        %sub3A_100 = arith.subi %div3A_79, %sub3A_99 : i32
        %select_n3A_101 = arith.select %and3A_98, %sub3A_100, %div3A_79 : i32
        %jit3A_102 = arith.constant 32 : i32
        %eq3A_103 = arith.constant 0 : i32
        %eq3A_104 = arith.cmpi eq, %jit3A_102, %eq3A_103 : i32
        %jit3A_105 = arith.constant 1 : i32
        %select_n3A_106 = arith.select %eq3A_104, %jit3A_105, %jit3A_102 : i32
        %rem3A_107 = arith.remsi %add3A_50, %select_n3A_106 : i32
        %ne3A_108 = arith.constant 0 : i32
        %ne3A_109 = arith.cmpi ne, %rem3A_107, %ne3A_108 : i32
        %lt3A_110 = arith.constant 0 : i32
        %lt3A_111 = arith.cmpi slt, %rem3A_107, %lt3A_110 : i32
        %lt3A_112 = arith.constant 0 : i32
        %lt3A_113 = arith.cmpi slt, %select_n3A_106, %lt3A_112 : i32
        %ne3A_114 = arith.xori %lt3A_111, %lt3A_113 : i1
        %and3A_115 = arith.andi %ne3A_114, %ne3A_109 : i1
        %add3A_116 = arith.addi %rem3A_107, %select_n3A_106 : i32
        %select_n3A_117 = arith.select %and3A_115, %add3A_116, %rem3A_107 : i32
        %mul3A_118 = arith.constant 400 : i32
        %mul3A_119 = arith.muli %select_n3A_117, %mul3A_118 : i32
        "tpu.region"() ({
          %run_scoped3A = tpu.sem_alloc : memref<!tpu.dma_semaphore, #tpu.memory_space<semaphore_mem>>
          %dma_start3A_120 = arith.constant 0 : i32
          %dma_start3A_121 = tpu.memref_slice %arg4[%select_n3A_101, %mul3A_119, %dma_start3A_120] : memref<12x12800x128xf32, #tpu.memory_space<hbm>> -> memref<1x400x128xf32, #tpu.memory_space<hbm>>
          %dma_start3A_122 = tpu.memref_squeeze %dma_start3A_121 : memref<1x400x128xf32, #tpu.memory_space<hbm>> -> memref<400x128xf32, #tpu.memory_space<hbm>>
          %dma_start3A_123 = arith.constant 0 : i32
          %dma_start3A_124 = tpu.memref_slice %arg4[%select_n3A_101, %mul3A_119, %dma_start3A_123] : memref<12x12800x128xf32, #tpu.memory_space<hbm>> -> memref<1x400x128xf32, #tpu.memory_space<hbm>>
          %dma_start3A_125 = tpu.memref_squeeze %dma_start3A_124 : memref<1x400x128xf32, #tpu.memory_space<hbm>> -> memref<400x128xf32, #tpu.memory_space<hbm>>
          tpu.enqueue_dma source(%arg8 : memref<400x128xf32, #tpu.memory_space<vmem>>) target(%dma_start3A_125 : memref<400x128xf32, #tpu.memory_space<hbm>>) target_semaphore(%run_scoped3A : memref<!tpu.dma_semaphore, #tpu.memory_space<semaphore_mem>>)
          %dma_wait3A_126 = arith.constant 0 : i32
          %dma_wait3A_127 = tpu.memref_slice %arg4[%select_n3A_101, %mul3A_119, %dma_wait3A_126] : memref<12x12800x128xf32, #tpu.memory_space<hbm>> -> memref<1x400x128xf32, #tpu.memory_space<hbm>>
          %dma_wait3A_128 = tpu.memref_squeeze %dma_wait3A_127 : memref<1x400x128xf32, #tpu.memory_space<hbm>> -> memref<400x128xf32, #tpu.memory_space<hbm>>
          %dma_wait3A_129 = arith.constant 0 : i32
          %dma_wait3A_130 = tpu.memref_slice %arg4[%select_n3A_101, %mul3A_119, %dma_wait3A_129] : memref<12x12800x128xf32, #tpu.memory_space<hbm>> -> memref<1x400x128xf32, #tpu.memory_space<hbm>>
          %dma_wait3A_131 = tpu.memref_squeeze %dma_wait3A_130 : memref<1x400x128xf32, #tpu.memory_space<hbm>> -> memref<400x128xf32, #tpu.memory_space<hbm>>
          tpu.wait_dma2 semaphore(%run_scoped3A : memref<!tpu.dma_semaphore, #tpu.memory_space<semaphore_mem>>) src(%arg8 : memref<400x128xf32, #tpu.memory_space<vmem>>) dst(%dma_wait3A_131 : memref<400x128xf32, #tpu.memory_space<hbm>>)
          tpu.yield
        }) : () -> ()
      }
      %scan3A_70 = arith.constant 0 : i32
      scf.yield %scan3A_70 : i32
    }
    %scan3A_47 = arith.constant 12 : i32
    return
  }
}

module attributes {stable_mosaic.version = 14 : i64} {
  func.func @_prep_split_body(%arg0: i32, %arg1: memref<2048x128xi32, #tpu.memory_space<vmem>>, %arg2: memref<12x2048xi32, #tpu.memory_space<vmem>>, %arg3: memref<2048x12xf32, #tpu.memory_space<vmem>>) attributes {dimension_semantics = [#tpu.dimension_semantics<arbitrary>], iteration_bounds = array<i64: 25>, scalar_prefetch = 0 : i64, scratch_operands = 0 : i64, tpu.core_type = #tpu.core_type<tc>, window_params = [{transform_indices = @transform_0, window_bounds = array<i64: 2048, 128>}, {transform_indices = @transform_1, window_bounds = array<i64: 12, 2048>}, {transform_indices = @transform_2, window_bounds = array<i64: 2048, 12>}]} {
    %get3A = arith.constant 0 : index
    %get3A_0 = arith.constant 0 : index
    %get3A_1 = vector.load %arg1[%get3A, %get3A_0] : memref<2048x128xi32, #tpu.memory_space<vmem>>, vector<2048x128xi32>
    %slice3A = vector.extract_strided_slice %get3A_1 {offsets = [0, 0], sizes = [2048, 12], strides = [1, 1]} : vector<2048x128xi32> to vector<2048x12xi32>
    %bitcast_convert_type3A = tpu.bitcast %slice3A : vector<2048x12xi32> -> vector<2048x12xf32>
    %transpose3A = tpu.transpose %bitcast_convert_type3A, [1, 0] : vector<2048x12xf32> -> vector<12x2048xf32>
    %bitcast_convert_type3A_2 = tpu.bitcast %transpose3A : vector<12x2048xf32> -> vector<12x2048xi32>
    %swap3A = arith.constant 0 : index
    %swap3A_3 = arith.constant 0 : index
    %swap3A_4 = vector.load %arg2[%swap3A, %swap3A_3] : memref<12x2048xi32, #tpu.memory_space<vmem>>, vector<12x2048xi32>
    tpu.vector_store %arg2[%swap3A, %swap3A_3], %bitcast_convert_type3A_2 {strides = array<i32>} : memref<12x2048xi32, #tpu.memory_space<vmem>>, vector<12x2048xi32>,
    %slice3A_5 = vector.extract_strided_slice %get3A_1 {offsets = [0, 12], sizes = [2048, 12], strides = [1, 1]} : vector<2048x128xi32> to vector<2048x12xi32>
    %bitcast_convert_type3A_6 = tpu.bitcast %slice3A_5 : vector<2048x12xi32> -> vector<2048x12xf32>
    %swap3A_7 = arith.constant 0 : index
    %swap3A_8 = arith.constant 0 : index
    %swap3A_9 = vector.load %arg3[%swap3A_7, %swap3A_8] : memref<2048x12xf32, #tpu.memory_space<vmem>>, vector<2048x12xf32>
    tpu.vector_store %arg3[%swap3A_7, %swap3A_8], %bitcast_convert_type3A_6 {strides = array<i32>} : memref<2048x12xf32, #tpu.memory_space<vmem>>, vector<2048x12xf32>,
    return
  }
  func.func @transform_0(%arg0: i32) -> (i32, i32) {
    %c0_i32 = arith.constant 0 : i32
    %c0_i32_0 = arith.constant 0 : i32
    return %arg0, %c0_i32 : i32, i32
  }
  func.func @transform_1(%arg0: i32) -> (i32, i32) {
    %c0_i32 = arith.constant 0 : i32
    %c0_i32_0 = arith.constant 0 : i32
    return %c0_i32, %arg0 : i32, i32
  }
  func.func @transform_2(%arg0: i32) -> (i32, i32) {
    %c0_i32 = arith.constant 0 : i32
    %c0_i32_0 = arith.constant 0 : i32
    return %arg0, %c0_i32 : i32, i32
  }
}

module attributes {stable_mosaic.version = 14 : i64} {
  func.func @_prep_side_body(%arg0: i32, %arg1: memref<2000x12xi32, #tpu.memory_space<vmem>>, %arg2: memref<2000x12xf32, #tpu.memory_space<vmem>>, %arg3: memref<2000x128xi32, #tpu.memory_space<vmem>>) attributes {dimension_semantics = [#tpu.dimension_semantics<arbitrary>], iteration_bounds = array<i64: 50>, scalar_prefetch = 0 : i64, scratch_operands = 0 : i64, tpu.core_type = #tpu.core_type<tc>, window_params = [{transform_indices = @transform_0, window_bounds = array<i64: 2000, 12>}, {transform_indices = @transform_1, window_bounds = array<i64: 2000, 12>}, {transform_indices = @transform_2, window_bounds = array<i64: 2000, 128>}]} {
    %get3A = arith.constant 0 : index
    %get3A_0 = arith.constant 0 : index
    %get3A_1 = vector.load %arg2[%get3A, %get3A_0] : memref<2000x12xf32, #tpu.memory_space<vmem>>, vector<2000x12xf32>
    %bitcast_convert_type3A = tpu.bitcast %get3A_1 : vector<2000x12xf32> -> vector<2000x12xi32>
    %broadcast_in_dim3A = arith.constant 0 : i32
    %broadcast_in_dim3A_2 = vector.broadcast %broadcast_in_dim3A : i32 to vector<2000x104xi32>
    %get3A_3 = arith.constant 0 : index
    %get3A_4 = arith.constant 0 : index
    %get3A_5 = vector.load %arg1[%get3A_3, %get3A_4] : memref<2000x12xi32, #tpu.memory_space<vmem>>, vector<2000x12xi32>
    %concatenate3A = tpu.concatenate %get3A_5, %bitcast_convert_type3A, %broadcast_in_dim3A_2 in 1 : vector<2000x12xi32>, vector<2000x12xi32>, vector<2000x104xi32> -> vector<2000x128xi32>
    %swap3A = arith.constant 0 : index
    %swap3A_6 = arith.constant 0 : index
    %swap3A_7 = vector.load %arg3[%swap3A, %swap3A_6] : memref<2000x128xi32, #tpu.memory_space<vmem>>, vector<2000x128xi32>
    tpu.vector_store %arg3[%swap3A, %swap3A_6], %concatenate3A {strides = array<i32>} : memref<2000x128xi32, #tpu.memory_space<vmem>>, vector<2000x128xi32>,
    return
  }
  func.func @transform_0(%arg0: i32) -> (i32, i32) {
    %c0_i32 = arith.constant 0 : i32
    %c0_i32_0 = arith.constant 0 : i32
    return %arg0, %c0_i32 : i32, i32
  }
  func.func @transform_1(%arg0: i32) -> (i32, i32) {
    %c0_i32 = arith.constant 0 : i32
    %c0_i32_0 = arith.constant 0 : i32
    return %arg0, %c0_i32 : i32, i32
  }
  func.func @transform_2(%arg0: i32) -> (i32, i32) {
    %c0_i32 = arith.constant 0 : i32
    %c0_i32_0 = arith.constant 0 : i32
    return %arg0, %c0_i32 : i32, i32
  }
}

module attributes {stable_mosaic.version = 14 : i64} {
  func.func @_tc_body(%arg0: i32, %arg1: memref<12x800x128xf32, #tpu.memory_space<vmem>>, %arg2: memref<800x128xf32, #tpu.memory_space<vmem>>, %arg3: memref<800x128xf32, #tpu.memory_space<vmem>>, %arg4: memref<800x12xf32, #tpu.memory_space<vmem>>, %arg5: memref<16x50xf32, #tpu.memory_space<vmem>>, %arg6: memref<16x800xf32, #tpu.memory_space<vmem>>, %arg7: memref<800x16xf32, #tpu.memory_space<vmem>>, %arg8: memref<128x128xf32, #tpu.memory_space<vmem>>, %arg9: memref<1x128xf32, #tpu.memory_space<vmem>>, %arg10: memref<128x1xf32, #tpu.memory_space<vmem>>, %arg11: memref<128x128xf32, #tpu.memory_space<vmem>>, %arg12: memref<128x128xf32, #tpu.memory_space<vmem>>, %arg13: memref<800x128xf32, #tpu.memory_space<vmem>>) attributes {dimension_semantics = [#tpu.dimension_semantics<arbitrary>], iteration_bounds = array<i64: 16>, scalar_prefetch = 0 : i64, scratch_operands = 0 : i64, tpu.core_type = #tpu.core_type<tc>, window_params = [{transform_indices = @transform_0, window_bounds = array<i64: 12, 800, 128>}, {transform_indices = @transform_1, window_bounds = array<i64: 800, 128>}, {transform_indices = @transform_2, window_bounds = array<i64: 800, 128>}, {transform_indices = @transform_3, window_bounds = array<i64: 800, 12>}, {transform_indices = @transform_4, window_bounds = array<i64: 16, 50>}, {pipeline_mode = #tpu.pipeline_mode<synchronous>, transform_indices = @transform_5, window_bounds = array<i64: 16, 800>}, {pipeline_mode = #tpu.pipeline_mode<synchronous>, transform_indices = @transform_6, window_bounds = array<i64: 800, 16>}, {pipeline_mode = #tpu.pipeline_mode<synchronous>, transform_indices = @transform_7, window_bounds = array<i64: 128, 128>}, {pipeline_mode = #tpu.pipeline_mode<synchronous>, transform_indices = @transform_8, window_bounds = array<i64: 1, 128>}, {pipeline_mode = #tpu.pipeline_mode<synchronous>, transform_indices = @transform_9, window_bounds = array<i64: 128, 1>}, {pipeline_mode = #tpu.pipeline_mode<synchronous>, transform_indices = @transform_10, window_bounds = array<i64: 128, 128>}, {pipeline_mode = #tpu.pipeline_mode<synchronous>, transform_indices = @transform_11, window_bounds = array<i64: 128, 128>}, {transform_indices = @transform_12, window_bounds = array<i64: 800, 128>}]} {
    %get3A = arith.constant 0 : index
    %get3A_0 = arith.constant 0 : index
    %get3A_1 = vector.load %arg5[%get3A, %get3A_0] : memref<16x50xf32, #tpu.memory_space<vmem>>, vector<16x50xf32>
    %concatenate3A = tpu.concatenate %get3A_1, %get3A_1, %get3A_1, %get3A_1, %get3A_1, %get3A_1, %get3A_1, %get3A_1, %get3A_1, %get3A_1, %get3A_1, %get3A_1, %get3A_1, %get3A_1, %get3A_1, %get3A_1 in 1 : vector<16x50xf32>, vector<16x50xf32>, vector<16x50xf32>, vector<16x50xf32>, vector<16x50xf32>, vector<16x50xf32>, vector<16x50xf32>, vector<16x50xf32>, vector<16x50xf32>, vector<16x50xf32>, vector<16x50xf32>, vector<16x50xf32>, vector<16x50xf32>, vector<16x50xf32>, vector<16x50xf32>, vector<16x50xf32> -> vector<16x800xf32>
    %get3A_2 = arith.constant 0 : index
    %get3A_3 = arith.constant 0 : index
    %get3A_4 = vector.load %arg6[%get3A_2, %get3A_3] : memref<16x800xf32, #tpu.memory_space<vmem>>, vector<16x800xf32>
    %mul3A = arith.mulf %get3A_4, %concatenate3A : vector<16x800xf32>
    %get3A_5 = arith.constant 0 : index
    %get3A_6 = arith.constant 0 : index
    %get3A_7 = vector.load %arg3[%get3A_5, %get3A_6] : memref<800x128xf32, #tpu.memory_space<vmem>>, vector<800x128xf32>
    %dot_general3A = arith.constant dense<0.000000e+00> : vector<16x128xf32>
    %dot_general3A_8 = tpu.matmul %mul3A, %get3A_7, %dot_general3A {dimension_numbers = #tpu.dot_dimension_numbers<[1], [0], [0], [1], [0, 0, 1, 1], [], []>, transpose_lhs_hint = false} : vector<16x800xf32>, vector<800x128xf32>, vector<16x128xf32> -> vector<16x128xf32>
    %reduce_sum3A = arith.constant dense<0.000000e+00> : vector<16xf32>
    %reduce_sum3A_9 = vector.multi_reduction <add>, %get3A_1, %reduce_sum3A [1] : vector<16x50xf32> to vector<16xf32>
    %broadcast_in_dim3A = vector.shape_cast %reduce_sum3A_9 : vector<16xf32> to vector<16x1xf32>
    %div3A = vector.broadcast %broadcast_in_dim3A : vector<16x1xf32> to vector<16x128xf32>
    %div3A_10 = arith.divf %dot_general3A_8, %div3A : vector<16x128xf32>
    %get3A_11 = arith.constant 0 : index
    %get3A_12 = arith.constant 0 : index
    %get3A_13 = vector.load %arg7[%get3A_11, %get3A_12] : memref<800x16xf32, #tpu.memory_space<vmem>>, vector<800x16xf32>
    %dot_general3A_14 = arith.constant dense<0.000000e+00> : vector<800x128xf32>
    %dot_general3A_15 = tpu.matmul %get3A_13, %div3A_10, %dot_general3A_14 {dimension_numbers = #tpu.dot_dimension_numbers<[1], [0], [0], [1], [0, 0, 1, 1], [], []>, transpose_lhs_hint = false} : vector<800x16xf32>, vector<16x128xf32>, vector<800x128xf32> -> vector<800x128xf32>
    %get3A_16 = arith.constant 0 : index
    %get3A_17 = arith.constant 0 : index
    %get3A_18 = arith.constant 0 : index
    %get3A_19 = vector.load %arg1[%get3A_16, %get3A_17, %get3A_18] : memref<12x800x128xf32, #tpu.memory_space<vmem>>, vector<12x800x128xf32>
    %broadcast_in_dim3A_20 = vector.shape_cast %dot_general3A_15 : vector<800x128xf32> to vector<1x800x128xf32>
    %mul3A_21 = vector.broadcast %broadcast_in_dim3A_20 : vector<1x800x128xf32> to vector<12x800x128xf32>
    %mul3A_22 = arith.mulf %get3A_19, %mul3A_21 : vector<12x800x128xf32>
    %reshape3A = vector.shape_cast %mul3A_22 : vector<12x800x128xf32> to vector<9600x128xf32>
    %get3A_23 = arith.constant 0 : index
    %get3A_24 = arith.constant 0 : index
    %get3A_25 = vector.load %arg8[%get3A_23, %get3A_24] : memref<128x128xf32, #tpu.memory_space<vmem>>, vector<128x128xf32>
    %dot_general3A_26 = arith.constant dense<0.000000e+00> : vector<9600x128xf32>
    %dot_general3A_27 = tpu.matmul %reshape3A, %get3A_25, %dot_general3A_26 {dimension_numbers = #tpu.dot_dimension_numbers<[1], [0], [0], [1], [0, 0, 1, 1], [], []>, transpose_lhs_hint = false} : vector<9600x128xf32>, vector<128x128xf32>, vector<9600x128xf32> -> vector<9600x128xf32>
    %get3A_28 = arith.constant 0 : index
    %get3A_29 = arith.constant 0 : index
    %get3A_30 = vector.load %arg4[%get3A_28, %get3A_29] : memref<800x12xf32, #tpu.memory_space<vmem>>, vector<800x12xf32>
    %get3A_31 = arith.constant 0 : index
    %get3A_32 = arith.constant 0 : index
    %get3A_33 = vector.load %arg9[%get3A_31, %get3A_32] : memref<1x128xf32, #tpu.memory_space<vmem>>, vector<1x128xf32>
    %slice3A = vector.extract_strided_slice %dot_general3A_27 {offsets = [0, 0], sizes = [800, 128], strides = [1, 1]} : vector<9600x128xf32> to vector<800x128xf32>
    %slice3A_34 = vector.extract_strided_slice %get3A_30 {offsets = [0, 0], sizes = [800, 1], strides = [1, 1]} : vector<800x12xf32> to vector<800x1xf32>
    %mul3A_35 = vector.broadcast %slice3A_34 : vector<800x1xf32> to vector<800x128xf32>
    %mul3A_36 = vector.broadcast %get3A_33 : vector<1x128xf32> to vector<800x128xf32>
    %mul3A_37 = arith.mulf %mul3A_35, %mul3A_36 : vector<800x128xf32>
    %add3A = arith.addf %slice3A, %mul3A_37 : vector<800x128xf32>
    %ge3A = arith.constant 0.000000e+00 : f32
    %ge3A_38 = vector.broadcast %ge3A : f32 to vector<800x128xf32>
    %ge3A_39 = arith.cmpf oge, %add3A, %ge3A_38 : vector<800x128xf32>
    %mul3A_40 = arith.constant 2.000000e-01 : f32
    %mul3A_41 = vector.broadcast %mul3A_40 : f32 to vector<800x128xf32>
    %mul3A_42 = arith.mulf %mul3A_41, %add3A : vector<800x128xf32>
    %select_n3A = arith.select %ge3A_39, %add3A, %mul3A_42 : vector<800x128xi1>, vector<800x128xf32>
    %slice3A_43 = vector.extract_strided_slice %dot_general3A_27 {offsets = [800, 0], sizes = [800, 128], strides = [1, 1]} : vector<9600x128xf32> to vector<800x128xf32>
    %slice3A_44 = vector.extract_strided_slice %get3A_30 {offsets = [0, 1], sizes = [800, 1], strides = [1, 1]} : vector<800x12xf32> to vector<800x1xf32>
    %mul3A_45 = vector.broadcast %slice3A_44 : vector<800x1xf32> to vector<800x128xf32>
    %mul3A_46 = vector.broadcast %get3A_33 : vector<1x128xf32> to vector<800x128xf32>
    %mul3A_47 = arith.mulf %mul3A_45, %mul3A_46 : vector<800x128xf32>
    %add3A_48 = arith.addf %slice3A_43, %mul3A_47 : vector<800x128xf32>
    %ge3A_49 = arith.constant 0.000000e+00 : f32
    %ge3A_50 = vector.broadcast %ge3A_49 : f32 to vector<800x128xf32>
    %ge3A_51 = arith.cmpf oge, %add3A_48, %ge3A_50 : vector<800x128xf32>
    %mul3A_52 = arith.constant 2.000000e-01 : f32
    %mul3A_53 = vector.broadcast %mul3A_52 : f32 to vector<800x128xf32>
    %mul3A_54 = arith.mulf %mul3A_53, %add3A_48 : vector<800x128xf32>
    %select_n3A_55 = arith.select %ge3A_51, %add3A_48, %mul3A_54 : vector<800x128xi1>, vector<800x128xf32>
    %slice3A_56 = vector.extract_strided_slice %dot_general3A_27 {offsets = [1600, 0], sizes = [800, 128], strides = [1, 1]} : vector<9600x128xf32> to vector<800x128xf32>
    %slice3A_57 = vector.extract_strided_slice %get3A_30 {offsets = [0, 2], sizes = [800, 1], strides = [1, 1]} : vector<800x12xf32> to vector<800x1xf32>
    %mul3A_58 = vector.broadcast %slice3A_57 : vector<800x1xf32> to vector<800x128xf32>
    %mul3A_59 = vector.broadcast %get3A_33 : vector<1x128xf32> to vector<800x128xf32>
    %mul3A_60 = arith.mulf %mul3A_58, %mul3A_59 : vector<800x128xf32>
    %add3A_61 = arith.addf %slice3A_56, %mul3A_60 : vector<800x128xf32>
    %ge3A_62 = arith.constant 0.000000e+00 : f32
    %ge3A_63 = vector.broadcast %ge3A_62 : f32 to vector<800x128xf32>
    %ge3A_64 = arith.cmpf oge, %add3A_61, %ge3A_63 : vector<800x128xf32>
    %mul3A_65 = arith.constant 2.000000e-01 : f32
    %mul3A_66 = vector.broadcast %mul3A_65 : f32 to vector<800x128xf32>
    %mul3A_67 = arith.mulf %mul3A_66, %add3A_61 : vector<800x128xf32>
    %select_n3A_68 = arith.select %ge3A_64, %add3A_61, %mul3A_67 : vector<800x128xi1>, vector<800x128xf32>
    %slice3A_69 = vector.extract_strided_slice %dot_general3A_27 {offsets = [2400, 0], sizes = [800, 128], strides = [1, 1]} : vector<9600x128xf32> to vector<800x128xf32>
    %slice3A_70 = vector.extract_strided_slice %get3A_30 {offsets = [0, 3], sizes = [800, 1], strides = [1, 1]} : vector<800x12xf32> to vector<800x1xf32>
    %mul3A_71 = vector.broadcast %slice3A_70 : vector<800x1xf32> to vector<800x128xf32>
    %mul3A_72 = vector.broadcast %get3A_33 : vector<1x128xf32> to vector<800x128xf32>
    %mul3A_73 = arith.mulf %mul3A_71, %mul3A_72 : vector<800x128xf32>
    %add3A_74 = arith.addf %slice3A_69, %mul3A_73 : vector<800x128xf32>
    %ge3A_75 = arith.constant 0.000000e+00 : f32
    %ge3A_76 = vector.broadcast %ge3A_75 : f32 to vector<800x128xf32>
    %ge3A_77 = arith.cmpf oge, %add3A_74, %ge3A_76 : vector<800x128xf32>
    %mul3A_78 = arith.constant 2.000000e-01 : f32
    %mul3A_79 = vector.broadcast %mul3A_78 : f32 to vector<800x128xf32>
    %mul3A_80 = arith.mulf %mul3A_79, %add3A_74 : vector<800x128xf32>
    %select_n3A_81 = arith.select %ge3A_77, %add3A_74, %mul3A_80 : vector<800x128xi1>, vector<800x128xf32>
    %slice3A_82 = vector.extract_strided_slice %dot_general3A_27 {offsets = [3200, 0], sizes = [800, 128], strides = [1, 1]} : vector<9600x128xf32> to vector<800x128xf32>
    %slice3A_83 = vector.extract_strided_slice %get3A_30 {offsets = [0, 4], sizes = [800, 1], strides = [1, 1]} : vector<800x12xf32> to vector<800x1xf32>
    %mul3A_84 = vector.broadcast %slice3A_83 : vector<800x1xf32> to vector<800x128xf32>
    %mul3A_85 = vector.broadcast %get3A_33 : vector<1x128xf32> to vector<800x128xf32>
    %mul3A_86 = arith.mulf %mul3A_84, %mul3A_85 : vector<800x128xf32>
    %add3A_87 = arith.addf %slice3A_82, %mul3A_86 : vector<800x128xf32>
    %ge3A_88 = arith.constant 0.000000e+00 : f32
    %ge3A_89 = vector.broadcast %ge3A_88 : f32 to vector<800x128xf32>
    %ge3A_90 = arith.cmpf oge, %add3A_87, %ge3A_89 : vector<800x128xf32>
    %mul3A_91 = arith.constant 2.000000e-01 : f32
    %mul3A_92 = vector.broadcast %mul3A_91 : f32 to vector<800x128xf32>
    %mul3A_93 = arith.mulf %mul3A_92, %add3A_87 : vector<800x128xf32>
    %select_n3A_94 = arith.select %ge3A_90, %add3A_87, %mul3A_93 : vector<800x128xi1>, vector<800x128xf32>
    %slice3A_95 = vector.extract_strided_slice %dot_general3A_27 {offsets = [4000, 0], sizes = [800, 128], strides = [1, 1]} : vector<9600x128xf32> to vector<800x128xf32>
    %slice3A_96 = vector.extract_strided_slice %get3A_30 {offsets = [0, 5], sizes = [800, 1], strides = [1, 1]} : vector<800x12xf32> to vector<800x1xf32>
    %mul3A_97 = vector.broadcast %slice3A_96 : vector<800x1xf32> to vector<800x128xf32>
    %mul3A_98 = vector.broadcast %get3A_33 : vector<1x128xf32> to vector<800x128xf32>
    %mul3A_99 = arith.mulf %mul3A_97, %mul3A_98 : vector<800x128xf32>
    %add3A_100 = arith.addf %slice3A_95, %mul3A_99 : vector<800x128xf32>
    %ge3A_101 = arith.constant 0.000000e+00 : f32
    %ge3A_102 = vector.broadcast %ge3A_101 : f32 to vector<800x128xf32>
    %ge3A_103 = arith.cmpf oge, %add3A_100, %ge3A_102 : vector<800x128xf32>
    %mul3A_104 = arith.constant 2.000000e-01 : f32
    %mul3A_105 = vector.broadcast %mul3A_104 : f32 to vector<800x128xf32>
    %mul3A_106 = arith.mulf %mul3A_105, %add3A_100 : vector<800x128xf32>
    %select_n3A_107 = arith.select %ge3A_103, %add3A_100, %mul3A_106 : vector<800x128xi1>, vector<800x128xf32>
    %slice3A_108 = vector.extract_strided_slice %dot_general3A_27 {offsets = [4800, 0], sizes = [800, 128], strides = [1, 1]} : vector<9600x128xf32> to vector<800x128xf32>
    %slice3A_109 = vector.extract_strided_slice %get3A_30 {offsets = [0, 6], sizes = [800, 1], strides = [1, 1]} : vector<800x12xf32> to vector<800x1xf32>
    %mul3A_110 = vector.broadcast %slice3A_109 : vector<800x1xf32> to vector<800x128xf32>
    %mul3A_111 = vector.broadcast %get3A_33 : vector<1x128xf32> to vector<800x128xf32>
    %mul3A_112 = arith.mulf %mul3A_110, %mul3A_111 : vector<800x128xf32>
    %add3A_113 = arith.addf %slice3A_108, %mul3A_112 : vector<800x128xf32>
    %ge3A_114 = arith.constant 0.000000e+00 : f32
    %ge3A_115 = vector.broadcast %ge3A_114 : f32 to vector<800x128xf32>
    %ge3A_116 = arith.cmpf oge, %add3A_113, %ge3A_115 : vector<800x128xf32>
    %mul3A_117 = arith.constant 2.000000e-01 : f32
    %mul3A_118 = vector.broadcast %mul3A_117 : f32 to vector<800x128xf32>
    %mul3A_119 = arith.mulf %mul3A_118, %add3A_113 : vector<800x128xf32>
    %select_n3A_120 = arith.select %ge3A_116, %add3A_113, %mul3A_119 : vector<800x128xi1>, vector<800x128xf32>
    %slice3A_121 = vector.extract_strided_slice %dot_general3A_27 {offsets = [5600, 0], sizes = [800, 128], strides = [1, 1]} : vector<9600x128xf32> to vector<800x128xf32>
    %slice3A_122 = vector.extract_strided_slice %get3A_30 {offsets = [0, 7], sizes = [800, 1], strides = [1, 1]} : vector<800x12xf32> to vector<800x1xf32>
    %mul3A_123 = vector.broadcast %slice3A_122 : vector<800x1xf32> to vector<800x128xf32>
    %mul3A_124 = vector.broadcast %get3A_33 : vector<1x128xf32> to vector<800x128xf32>
    %mul3A_125 = arith.mulf %mul3A_123, %mul3A_124 : vector<800x128xf32>
    %add3A_126 = arith.addf %slice3A_121, %mul3A_125 : vector<800x128xf32>
    %ge3A_127 = arith.constant 0.000000e+00 : f32
    %ge3A_128 = vector.broadcast %ge3A_127 : f32 to vector<800x128xf32>
    %ge3A_129 = arith.cmpf oge, %add3A_126, %ge3A_128 : vector<800x128xf32>
    %mul3A_130 = arith.constant 2.000000e-01 : f32
    %mul3A_131 = vector.broadcast %mul3A_130 : f32 to vector<800x128xf32>
    %mul3A_132 = arith.mulf %mul3A_131, %add3A_126 : vector<800x128xf32>
    %select_n3A_133 = arith.select %ge3A_129, %add3A_126, %mul3A_132 : vector<800x128xi1>, vector<800x128xf32>
    %slice3A_134 = vector.extract_strided_slice %dot_general3A_27 {offsets = [6400, 0], sizes = [800, 128], strides = [1, 1]} : vector<9600x128xf32> to vector<800x128xf32>
    %slice3A_135 = vector.extract_strided_slice %get3A_30 {offsets = [0, 8], sizes = [800, 1], strides = [1, 1]} : vector<800x12xf32> to vector<800x1xf32>
    %mul3A_136 = vector.broadcast %slice3A_135 : vector<800x1xf32> to vector<800x128xf32>
    %mul3A_137 = vector.broadcast %get3A_33 : vector<1x128xf32> to vector<800x128xf32>
    %mul3A_138 = arith.mulf %mul3A_136, %mul3A_137 : vector<800x128xf32>
    %add3A_139 = arith.addf %slice3A_134, %mul3A_138 : vector<800x128xf32>
    %ge3A_140 = arith.constant 0.000000e+00 : f32
    %ge3A_141 = vector.broadcast %ge3A_140 : f32 to vector<800x128xf32>
    %ge3A_142 = arith.cmpf oge, %add3A_139, %ge3A_141 : vector<800x128xf32>
    %mul3A_143 = arith.constant 2.000000e-01 : f32
    %mul3A_144 = vector.broadcast %mul3A_143 : f32 to vector<800x128xf32>
    %mul3A_145 = arith.mulf %mul3A_144, %add3A_139 : vector<800x128xf32>
    %select_n3A_146 = arith.select %ge3A_142, %add3A_139, %mul3A_145 : vector<800x128xi1>, vector<800x128xf32>
    %slice3A_147 = vector.extract_strided_slice %dot_general3A_27 {offsets = [7200, 0], sizes = [800, 128], strides = [1, 1]} : vector<9600x128xf32> to vector<800x128xf32>
    %slice3A_148 = vector.extract_strided_slice %get3A_30 {offsets = [0, 9], sizes = [800, 1], strides = [1, 1]} : vector<800x12xf32> to vector<800x1xf32>
    %mul3A_149 = vector.broadcast %slice3A_148 : vector<800x1xf32> to vector<800x128xf32>
    %mul3A_150 = vector.broadcast %get3A_33 : vector<1x128xf32> to vector<800x128xf32>
    %mul3A_151 = arith.mulf %mul3A_149, %mul3A_150 : vector<800x128xf32>
    %add3A_152 = arith.addf %slice3A_147, %mul3A_151 : vector<800x128xf32>
    %ge3A_153 = arith.constant 0.000000e+00 : f32
    %ge3A_154 = vector.broadcast %ge3A_153 : f32 to vector<800x128xf32>
    %ge3A_155 = arith.cmpf oge, %add3A_152, %ge3A_154 : vector<800x128xf32>
    %mul3A_156 = arith.constant 2.000000e-01 : f32
    %mul3A_157 = vector.broadcast %mul3A_156 : f32 to vector<800x128xf32>
    %mul3A_158 = arith.mulf %mul3A_157, %add3A_152 : vector<800x128xf32>
    %select_n3A_159 = arith.select %ge3A_155, %add3A_152, %mul3A_158 : vector<800x128xi1>, vector<800x128xf32>
    %slice3A_160 = vector.extract_strided_slice %dot_general3A_27 {offsets = [8000, 0], sizes = [800, 128], strides = [1, 1]} : vector<9600x128xf32> to vector<800x128xf32>
    %slice3A_161 = vector.extract_strided_slice %get3A_30 {offsets = [0, 10], sizes = [800, 1], strides = [1, 1]} : vector<800x12xf32> to vector<800x1xf32>
    %mul3A_162 = vector.broadcast %slice3A_161 : vector<800x1xf32> to vector<800x128xf32>
    %mul3A_163 = vector.broadcast %get3A_33 : vector<1x128xf32> to vector<800x128xf32>
    %mul3A_164 = arith.mulf %mul3A_162, %mul3A_163 : vector<800x128xf32>
    %add3A_165 = arith.addf %slice3A_160, %mul3A_164 : vector<800x128xf32>
    %ge3A_166 = arith.constant 0.000000e+00 : f32
    %ge3A_167 = vector.broadcast %ge3A_166 : f32 to vector<800x128xf32>
    %ge3A_168 = arith.cmpf oge, %add3A_165, %ge3A_167 : vector<800x128xf32>
    %mul3A_169 = arith.constant 2.000000e-01 : f32
    %mul3A_170 = vector.broadcast %mul3A_169 : f32 to vector<800x128xf32>
    %mul3A_171 = arith.mulf %mul3A_170, %add3A_165 : vector<800x128xf32>
    %select_n3A_172 = arith.select %ge3A_168, %add3A_165, %mul3A_171 : vector<800x128xi1>, vector<800x128xf32>
    %slice3A_173 = vector.extract_strided_slice %dot_general3A_27 {offsets = [8800, 0], sizes = [800, 128], strides = [1, 1]} : vector<9600x128xf32> to vector<800x128xf32>
    %slice3A_174 = vector.extract_strided_slice %get3A_30 {offsets = [0, 11], sizes = [800, 1], strides = [1, 1]} : vector<800x12xf32> to vector<800x1xf32>
    %mul3A_175 = vector.broadcast %slice3A_174 : vector<800x1xf32> to vector<800x128xf32>
    %mul3A_176 = vector.broadcast %get3A_33 : vector<1x128xf32> to vector<800x128xf32>
    %mul3A_177 = arith.mulf %mul3A_175, %mul3A_176 : vector<800x128xf32>
    %add3A_178 = arith.addf %slice3A_173, %mul3A_177 : vector<800x128xf32>
    %ge3A_179 = arith.constant 0.000000e+00 : f32
    %ge3A_180 = vector.broadcast %ge3A_179 : f32 to vector<800x128xf32>
    %ge3A_181 = arith.cmpf oge, %add3A_178, %ge3A_180 : vector<800x128xf32>
    %mul3A_182 = arith.constant 2.000000e-01 : f32
    %mul3A_183 = vector.broadcast %mul3A_182 : f32 to vector<800x128xf32>
    %mul3A_184 = arith.mulf %mul3A_183, %add3A_178 : vector<800x128xf32>
    %select_n3A_185 = arith.select %ge3A_181, %add3A_178, %mul3A_184 : vector<800x128xi1>, vector<800x128xf32>
    %concatenate3A_186 = tpu.concatenate %select_n3A, %select_n3A_55, %select_n3A_68, %select_n3A_81, %select_n3A_94, %select_n3A_107, %select_n3A_120, %select_n3A_133, %select_n3A_146, %select_n3A_159, %select_n3A_172, %select_n3A_185 in 0 : vector<800x128xf32>, vector<800x128xf32>, vector<800x128xf32>, vector<800x128xf32>, vector<800x128xf32>, vector<800x128xf32>, vector<800x128xf32>, vector<800x128xf32>, vector<800x128xf32>, vector<800x128xf32>, vector<800x128xf32>, vector<800x128xf32> -> vector<9600x128xf32>
    %get3A_187 = arith.constant 0 : index
    %get3A_188 = arith.constant 0 : index
    %get3A_189 = vector.load %arg10[%get3A_187, %get3A_188] : memref<128x1xf32, #tpu.memory_space<vmem>>, vector<128x1xf32>
    %dot_general3A_190 = arith.constant dense<0.000000e+00> : vector<9600x1xf32>
    %dot_general3A_191 = tpu.matmul %concatenate3A_186, %get3A_189, %dot_general3A_190 {dimension_numbers = #tpu.dot_dimension_numbers<[1], [0], [0], [1], [0, 0, 1, 1], [], []>, transpose_lhs_hint = false} : vector<9600x128xf32>, vector<128x1xf32>, vector<9600x1xf32> -> vector<9600x1xf32>
    %slice3A_192 = vector.extract_strided_slice %dot_general3A_191 {offsets = [0, 0], sizes = [800, 1], strides = [1, 1]} : vector<9600x1xf32> to vector<800x1xf32>
    %slice3A_193 = vector.extract_strided_slice %dot_general3A_191 {offsets = [800, 0], sizes = [800, 1], strides = [1, 1]} : vector<9600x1xf32> to vector<800x1xf32>
    %slice3A_194 = vector.extract_strided_slice %dot_general3A_191 {offsets = [1600, 0], sizes = [800, 1], strides = [1, 1]} : vector<9600x1xf32> to vector<800x1xf32>
    %slice3A_195 = vector.extract_strided_slice %dot_general3A_191 {offsets = [2400, 0], sizes = [800, 1], strides = [1, 1]} : vector<9600x1xf32> to vector<800x1xf32>
    %slice3A_196 = vector.extract_strided_slice %dot_general3A_191 {offsets = [3200, 0], sizes = [800, 1], strides = [1, 1]} : vector<9600x1xf32> to vector<800x1xf32>
    %slice3A_197 = vector.extract_strided_slice %dot_general3A_191 {offsets = [4000, 0], sizes = [800, 1], strides = [1, 1]} : vector<9600x1xf32> to vector<800x1xf32>
    %slice3A_198 = vector.extract_strided_slice %dot_general3A_191 {offsets = [4800, 0], sizes = [800, 1], strides = [1, 1]} : vector<9600x1xf32> to vector<800x1xf32>
    %slice3A_199 = vector.extract_strided_slice %dot_general3A_191 {offsets = [5600, 0], sizes = [800, 1], strides = [1, 1]} : vector<9600x1xf32> to vector<800x1xf32>
    %slice3A_200 = vector.extract_strided_slice %dot_general3A_191 {offsets = [6400, 0], sizes = [800, 1], strides = [1, 1]} : vector<9600x1xf32> to vector<800x1xf32>
    %slice3A_201 = vector.extract_strided_slice %dot_general3A_191 {offsets = [7200, 0], sizes = [800, 1], strides = [1, 1]} : vector<9600x1xf32> to vector<800x1xf32>
    %slice3A_202 = vector.extract_strided_slice %dot_general3A_191 {offsets = [8000, 0], sizes = [800, 1], strides = [1, 1]} : vector<9600x1xf32> to vector<800x1xf32>
    %slice3A_203 = vector.extract_strided_slice %dot_general3A_191 {offsets = [8800, 0], sizes = [800, 1], strides = [1, 1]} : vector<9600x1xf32> to vector<800x1xf32>
    %max3A = arith.maximumf %slice3A_192, %slice3A_193 : vector<800x1xf32>
    %max3A_204 = arith.maximumf %max3A, %slice3A_194 : vector<800x1xf32>
    %max3A_205 = arith.maximumf %max3A_204, %slice3A_195 : vector<800x1xf32>
    %max3A_206 = arith.maximumf %max3A_205, %slice3A_196 : vector<800x1xf32>
    %max3A_207 = arith.maximumf %max3A_206, %slice3A_197 : vector<800x1xf32>
    %max3A_208 = arith.maximumf %max3A_207, %slice3A_198 : vector<800x1xf32>
    %max3A_209 = arith.maximumf %max3A_208, %slice3A_199 : vector<800x1xf32>
    %max3A_210 = arith.maximumf %max3A_209, %slice3A_200 : vector<800x1xf32>
    %max3A_211 = arith.maximumf %max3A_210, %slice3A_201 : vector<800x1xf32>
    %max3A_212 = arith.maximumf %max3A_211, %slice3A_202 : vector<800x1xf32>
    %max3A_213 = arith.maximumf %max3A_212, %slice3A_203 : vector<800x1xf32>
    %sub3A = arith.subf %slice3A_192, %max3A_213 : vector<800x1xf32>
    %exp3A = math.exp %sub3A : vector<800x1xf32>
    %sub3A_214 = arith.subf %slice3A_193, %max3A_213 : vector<800x1xf32>
    %exp3A_215 = math.exp %sub3A_214 : vector<800x1xf32>
    %sub3A_216 = arith.subf %slice3A_194, %max3A_213 : vector<800x1xf32>
    %exp3A_217 = math.exp %sub3A_216 : vector<800x1xf32>
    %sub3A_218 = arith.subf %slice3A_195, %max3A_213 : vector<800x1xf32>
    %exp3A_219 = math.exp %sub3A_218 : vector<800x1xf32>
    %sub3A_220 = arith.subf %slice3A_196, %max3A_213 : vector<800x1xf32>
    %exp3A_221 = math.exp %sub3A_220 : vector<800x1xf32>
    %sub3A_222 = arith.subf %slice3A_197, %max3A_213 : vector<800x1xf32>
    %exp3A_223 = math.exp %sub3A_222 : vector<800x1xf32>
    %sub3A_224 = arith.subf %slice3A_198, %max3A_213 : vector<800x1xf32>
    %exp3A_225 = math.exp %sub3A_224 : vector<800x1xf32>
    %sub3A_226 = arith.subf %slice3A_199, %max3A_213 : vector<800x1xf32>
    %exp3A_227 = math.exp %sub3A_226 : vector<800x1xf32>
    %sub3A_228 = arith.subf %slice3A_200, %max3A_213 : vector<800x1xf32>
    %exp3A_229 = math.exp %sub3A_228 : vector<800x1xf32>
    %sub3A_230 = arith.subf %slice3A_201, %max3A_213 : vector<800x1xf32>
    %exp3A_231 = math.exp %sub3A_230 : vector<800x1xf32>
    %sub3A_232 = arith.subf %slice3A_202, %max3A_213 : vector<800x1xf32>
    %exp3A_233 = math.exp %sub3A_232 : vector<800x1xf32>
    %sub3A_234 = arith.subf %slice3A_203, %max3A_213 : vector<800x1xf32>
    %exp3A_235 = math.exp %sub3A_234 : vector<800x1xf32>
    %add3A_236 = arith.addf %exp3A, %exp3A_215 : vector<800x1xf32>
    %add3A_237 = arith.addf %add3A_236, %exp3A_217 : vector<800x1xf32>
    %add3A_238 = arith.addf %add3A_237, %exp3A_219 : vector<800x1xf32>
    %add3A_239 = arith.addf %add3A_238, %exp3A_221 : vector<800x1xf32>
    %add3A_240 = arith.addf %add3A_239, %exp3A_223 : vector<800x1xf32>
    %add3A_241 = arith.addf %add3A_240, %exp3A_225 : vector<800x1xf32>
    %add3A_242 = arith.addf %add3A_241, %exp3A_227 : vector<800x1xf32>
    %add3A_243 = arith.addf %add3A_242, %exp3A_229 : vector<800x1xf32>
    %add3A_244 = arith.addf %add3A_243, %exp3A_231 : vector<800x1xf32>
    %add3A_245 = arith.addf %add3A_244, %exp3A_233 : vector<800x1xf32>
    %add3A_246 = arith.addf %add3A_245, %exp3A_235 : vector<800x1xf32>
    %div3A_247 = arith.constant 1.000000e+00 : f32
    %div3A_248 = vector.broadcast %div3A_247 : f32 to vector<800x1xf32>
    %div3A_249 = arith.divf %div3A_248, %add3A_246 : vector<800x1xf32>
    %mul3A_250 = arith.mulf %exp3A, %div3A_249 : vector<800x1xf32>
    %get3A_251 = arith.constant 0 : index
    %get3A_252 = arith.constant 0 : index
    %get3A_253 = arith.constant 0 : index
    %get3A_254 = vector.load %arg1[%get3A_251, %get3A_252, %get3A_253] : memref<12x800x128xf32, #tpu.memory_space<vmem>>, vector<1x800x128xf32>
    %get3A_255 = vector.shape_cast %get3A_254 : vector<1x800x128xf32> to vector<800x128xf32>
    %mul3A_256 = vector.broadcast %mul3A_250 : vector<800x1xf32> to vector<800x128xf32>
    %mul3A_257 = arith.mulf %mul3A_256, %get3A_255 : vector<800x128xf32>
    %mul3A_258 = arith.mulf %exp3A_215, %div3A_249 : vector<800x1xf32>
    %get3A_259 = arith.constant 1 : index
    %get3A_260 = arith.constant 0 : index
    %get3A_261 = arith.constant 0 : index
    %get3A_262 = vector.load %arg1[%get3A_259, %get3A_260, %get3A_261] : memref<12x800x128xf32, #tpu.memory_space<vmem>>, vector<1x800x128xf32>
    %get3A_263 = vector.shape_cast %get3A_262 : vector<1x800x128xf32> to vector<800x128xf32>
    %mul3A_264 = vector.broadcast %mul3A_258 : vector<800x1xf32> to vector<800x128xf32>
    %mul3A_265 = arith.mulf %mul3A_264, %get3A_263 : vector<800x128xf32>
    %add3A_266 = arith.addf %mul3A_257, %mul3A_265 : vector<800x128xf32>
    %mul3A_267 = arith.mulf %exp3A_217, %div3A_249 : vector<800x1xf32>
    %get3A_268 = arith.constant 2 : index
    %get3A_269 = arith.constant 0 : index
    %get3A_270 = arith.constant 0 : index
    %get3A_271 = vector.load %arg1[%get3A_268, %get3A_269, %get3A_270] : memref<12x800x128xf32, #tpu.memory_space<vmem>>, vector<1x800x128xf32>
    %get3A_272 = vector.shape_cast %get3A_271 : vector<1x800x128xf32> to vector<800x128xf32>
    %mul3A_273 = vector.broadcast %mul3A_267 : vector<800x1xf32> to vector<800x128xf32>
    %mul3A_274 = arith.mulf %mul3A_273, %get3A_272 : vector<800x128xf32>
    %add3A_275 = arith.addf %add3A_266, %mul3A_274 : vector<800x128xf32>
    %mul3A_276 = arith.mulf %exp3A_219, %div3A_249 : vector<800x1xf32>
    %get3A_277 = arith.constant 3 : index
    %get3A_278 = arith.constant 0 : index
    %get3A_279 = arith.constant 0 : index
    %get3A_280 = vector.load %arg1[%get3A_277, %get3A_278, %get3A_279] : memref<12x800x128xf32, #tpu.memory_space<vmem>>, vector<1x800x128xf32>
    %get3A_281 = vector.shape_cast %get3A_280 : vector<1x800x128xf32> to vector<800x128xf32>
    %mul3A_282 = vector.broadcast %mul3A_276 : vector<800x1xf32> to vector<800x128xf32>
    %mul3A_283 = arith.mulf %mul3A_282, %get3A_281 : vector<800x128xf32>
    %add3A_284 = arith.addf %add3A_275, %mul3A_283 : vector<800x128xf32>
    %mul3A_285 = arith.mulf %exp3A_221, %div3A_249 : vector<800x1xf32>
    %get3A_286 = arith.constant 4 : index
    %get3A_287 = arith.constant 0 : index
    %get3A_288 = arith.constant 0 : index
    %get3A_289 = vector.load %arg1[%get3A_286, %get3A_287, %get3A_288] : memref<12x800x128xf32, #tpu.memory_space<vmem>>, vector<1x800x128xf32>
    %get3A_290 = vector.shape_cast %get3A_289 : vector<1x800x128xf32> to vector<800x128xf32>
    %mul3A_291 = vector.broadcast %mul3A_285 : vector<800x1xf32> to vector<800x128xf32>
    %mul3A_292 = arith.mulf %mul3A_291, %get3A_290 : vector<800x128xf32>
    %add3A_293 = arith.addf %add3A_284, %mul3A_292 : vector<800x128xf32>
    %mul3A_294 = arith.mulf %exp3A_223, %div3A_249 : vector<800x1xf32>
    %get3A_295 = arith.constant 5 : index
    %get3A_296 = arith.constant 0 : index
    %get3A_297 = arith.constant 0 : index
    %get3A_298 = vector.load %arg1[%get3A_295, %get3A_296, %get3A_297] : memref<12x800x128xf32, #tpu.memory_space<vmem>>, vector<1x800x128xf32>
    %get3A_299 = vector.shape_cast %get3A_298 : vector<1x800x128xf32> to vector<800x128xf32>
    %mul3A_300 = vector.broadcast %mul3A_294 : vector<800x1xf32> to vector<800x128xf32>
    %mul3A_301 = arith.mulf %mul3A_300, %get3A_299 : vector<800x128xf32>
    %add3A_302 = arith.addf %add3A_293, %mul3A_301 : vector<800x128xf32>
    %mul3A_303 = arith.mulf %exp3A_225, %div3A_249 : vector<800x1xf32>
    %get3A_304 = arith.constant 6 : index
    %get3A_305 = arith.constant 0 : index
    %get3A_306 = arith.constant 0 : index
    %get3A_307 = vector.load %arg1[%get3A_304, %get3A_305, %get3A_306] : memref<12x800x128xf32, #tpu.memory_space<vmem>>, vector<1x800x128xf32>
    %get3A_308 = vector.shape_cast %get3A_307 : vector<1x800x128xf32> to vector<800x128xf32>
    %mul3A_309 = vector.broadcast %mul3A_303 : vector<800x1xf32> to vector<800x128xf32>
    %mul3A_310 = arith.mulf %mul3A_309, %get3A_308 : vector<800x128xf32>
    %add3A_311 = arith.addf %add3A_302, %mul3A_310 : vector<800x128xf32>
    %mul3A_312 = arith.mulf %exp3A_227, %div3A_249 : vector<800x1xf32>
    %get3A_313 = arith.constant 7 : index
    %get3A_314 = arith.constant 0 : index
    %get3A_315 = arith.constant 0 : index
    %get3A_316 = vector.load %arg1[%get3A_313, %get3A_314, %get3A_315] : memref<12x800x128xf32, #tpu.memory_space<vmem>>, vector<1x800x128xf32>
    %get3A_317 = vector.shape_cast %get3A_316 : vector<1x800x128xf32> to vector<800x128xf32>
    %mul3A_318 = vector.broadcast %mul3A_312 : vector<800x1xf32> to vector<800x128xf32>
    %mul3A_319 = arith.mulf %mul3A_318, %get3A_317 : vector<800x128xf32>
    %add3A_320 = arith.addf %add3A_311, %mul3A_319 : vector<800x128xf32>
    %mul3A_321 = arith.mulf %exp3A_229, %div3A_249 : vector<800x1xf32>
    %get3A_322 = arith.constant 8 : index
    %get3A_323 = arith.constant 0 : index
    %get3A_324 = arith.constant 0 : index
    %get3A_325 = vector.load %arg1[%get3A_322, %get3A_323, %get3A_324] : memref<12x800x128xf32, #tpu.memory_space<vmem>>, vector<1x800x128xf32>
    %get3A_326 = vector.shape_cast %get3A_325 : vector<1x800x128xf32> to vector<800x128xf32>
    %mul3A_327 = vector.broadcast %mul3A_321 : vector<800x1xf32> to vector<800x128xf32>
    %mul3A_328 = arith.mulf %mul3A_327, %get3A_326 : vector<800x128xf32>
    %add3A_329 = arith.addf %add3A_320, %mul3A_328 : vector<800x128xf32>
    %mul3A_330 = arith.mulf %exp3A_231, %div3A_249 : vector<800x1xf32>
    %get3A_331 = arith.constant 9 : index
    %get3A_332 = arith.constant 0 : index
    %get3A_333 = arith.constant 0 : index
    %get3A_334 = vector.load %arg1[%get3A_331, %get3A_332, %get3A_333] : memref<12x800x128xf32, #tpu.memory_space<vmem>>, vector<1x800x128xf32>
    %get3A_335 = vector.shape_cast %get3A_334 : vector<1x800x128xf32> to vector<800x128xf32>
    %mul3A_336 = vector.broadcast %mul3A_330 : vector<800x1xf32> to vector<800x128xf32>
    %mul3A_337 = arith.mulf %mul3A_336, %get3A_335 : vector<800x128xf32>
    %add3A_338 = arith.addf %add3A_329, %mul3A_337 : vector<800x128xf32>
    %mul3A_339 = arith.mulf %exp3A_233, %div3A_249 : vector<800x1xf32>
    %get3A_340 = arith.constant 10 : index
    %get3A_341 = arith.constant 0 : index
    %get3A_342 = arith.constant 0 : index
    %get3A_343 = vector.load %arg1[%get3A_340, %get3A_341, %get3A_342] : memref<12x800x128xf32, #tpu.memory_space<vmem>>, vector<1x800x128xf32>
    %get3A_344 = vector.shape_cast %get3A_343 : vector<1x800x128xf32> to vector<800x128xf32>
    %mul3A_345 = vector.broadcast %mul3A_339 : vector<800x1xf32> to vector<800x128xf32>
    %mul3A_346 = arith.mulf %mul3A_345, %get3A_344 : vector<800x128xf32>
    %add3A_347 = arith.addf %add3A_338, %mul3A_346 : vector<800x128xf32>
    %mul3A_348 = arith.mulf %exp3A_235, %div3A_249 : vector<800x1xf32>
    %get3A_349 = arith.constant 11 : index
    %get3A_350 = arith.constant 0 : index
    %get3A_351 = arith.constant 0 : index
    %get3A_352 = vector.load %arg1[%get3A_349, %get3A_350, %get3A_351] : memref<12x800x128xf32, #tpu.memory_space<vmem>>, vector<1x800x128xf32>
    %get3A_353 = vector.shape_cast %get3A_352 : vector<1x800x128xf32> to vector<800x128xf32>
    %mul3A_354 = vector.broadcast %mul3A_348 : vector<800x1xf32> to vector<800x128xf32>
    %mul3A_355 = arith.mulf %mul3A_354, %get3A_353 : vector<800x128xf32>
    %add3A_356 = arith.addf %add3A_347, %mul3A_355 : vector<800x128xf32>
    %get3A_357 = arith.constant 0 : index
    %get3A_358 = arith.constant 0 : index
    %get3A_359 = vector.load %arg2[%get3A_357, %get3A_358] : memref<800x128xf32, #tpu.memory_space<vmem>>, vector<800x128xf32>
    %get3A_360 = arith.constant 0 : index
    %get3A_361 = arith.constant 0 : index
    %get3A_362 = vector.load %arg11[%get3A_360, %get3A_361] : memref<128x128xf32, #tpu.memory_space<vmem>>, vector<128x128xf32>
    %dot_general3A_363 = arith.constant dense<0.000000e+00> : vector<800x128xf32>
    %dot_general3A_364 = tpu.matmul %get3A_359, %get3A_362, %dot_general3A_363 {dimension_numbers = #tpu.dot_dimension_numbers<[1], [0], [0], [1], [0, 0, 1, 1], [], []>, transpose_lhs_hint = false} : vector<800x128xf32>, vector<128x128xf32>, vector<800x128xf32> -> vector<800x128xf32>
    %get3A_365 = arith.constant 0 : index
    %get3A_366 = arith.constant 0 : index
    %get3A_367 = vector.load %arg12[%get3A_365, %get3A_366] : memref<128x128xf32, #tpu.memory_space<vmem>>, vector<128x128xf32>
    %dot_general3A_368 = arith.constant dense<0.000000e+00> : vector<800x128xf32>
    %dot_general3A_369 = tpu.matmul %add3A_356, %get3A_367, %dot_general3A_368 {dimension_numbers = #tpu.dot_dimension_numbers<[1], [0], [0], [1], [0, 0, 1, 1], [], []>, transpose_lhs_hint = false} : vector<800x128xf32>, vector<128x128xf32>, vector<800x128xf32> -> vector<800x128xf32>
    %add3A_370 = arith.addf %dot_general3A_364, %dot_general3A_369 : vector<800x128xf32>
    %max3A_371 = arith.constant 0.000000e+00 : f32
    %max3A_372 = vector.broadcast %max3A_371 : f32 to vector<800x128xf32>
    %max3A_373 = arith.maximumf %add3A_370, %max3A_372 : vector<800x128xf32>
    %swap3A = arith.constant 0 : index
    %swap3A_374 = arith.constant 0 : index
    %swap3A_375 = vector.load %arg13[%swap3A, %swap3A_374] : memref<800x128xf32, #tpu.memory_space<vmem>>, vector<800x128xf32>
    tpu.vector_store %arg13[%swap3A, %swap3A_374], %max3A_373 {strides = array<i32>} : memref<800x128xf32, #tpu.memory_space<vmem>>, vector<800x128xf32>,
    return
  }
  func.func @transform_0(%arg0: i32) -> (i32, i32, i32) {
    %c0_i32 = arith.constant 0 : i32
    %c0_i32_0 = arith.constant 0 : i32
    %c0_i32_1 = arith.constant 0 : i32
    return %c0_i32, %arg0, %c0_i32_0 : i32, i32, i32
  }
  func.func @transform_1(%arg0: i32) -> (i32, i32) {
    %add3A = arith.constant 48 : i32
    %add3A_0 = arith.addi %arg0, %add3A : i32
    %c0_i32 = arith.constant 0 : i32
    %c0_i32_1 = arith.constant 0 : i32
    return %add3A_0, %c0_i32 : i32, i32
  }
  func.func @transform_2(%arg0: i32) -> (i32, i32) {
    %add3A = arith.constant 48 : i32
    %add3A_0 = arith.addi %arg0, %add3A : i32
    %c0_i32 = arith.constant 0 : i32
    %c0_i32_1 = arith.constant 0 : i32
    return %add3A_0, %c0_i32 : i32, i32
  }
  func.func @transform_3(%arg0: i32) -> (i32, i32) {
    %add3A = arith.constant 48 : i32
    %add3A_0 = arith.addi %arg0, %add3A : i32
    %c0_i32 = arith.constant 0 : i32
    %c0_i32_1 = arith.constant 0 : i32
    return %add3A_0, %c0_i32 : i32, i32
  }
  func.func @transform_4(%arg0: i32) -> (i32, i32) {
    %add3A = arith.constant 48 : i32
    %add3A_0 = arith.addi %arg0, %add3A : i32
    %c0_i32 = arith.constant 0 : i32
    %c0_i32_1 = arith.constant 0 : i32
    return %add3A_0, %c0_i32 : i32, i32
  }
  func.func @transform_5(%arg0: i32) -> (i32, i32) {
    %c0_i32 = arith.constant 0 : i32
    %c0_i32_0 = arith.constant 0 : i32
    %c0_i32_1 = arith.constant 0 : i32
    return %c0_i32, %c0_i32_0 : i32, i32
  }
  func.func @transform_6(%arg0: i32) -> (i32, i32) {
    %c0_i32 = arith.constant 0 : i32
    %c0_i32_0 = arith.constant 0 : i32
    %c0_i32_1 = arith.constant 0 : i32
    return %c0_i32, %c0_i32_0 : i32, i32
  }
  func.func @transform_7(%arg0: i32) -> (i32, i32) {
    %c0_i32 = arith.constant 0 : i32
    %c0_i32_0 = arith.constant 0 : i32
    %c0_i32_1 = arith.constant 0 : i32
    return %c0_i32, %c0_i32_0 : i32, i32
  }
  func.func @transform_8(%arg0: i32) -> (i32, i32) {
    %c0_i32 = arith.constant 0 : i32
    %c0_i32_0 = arith.constant 0 : i32
    %c0_i32_1 = arith.constant 0 : i32
    return %c0_i32, %c0_i32_0 : i32, i32
  }
  func.func @transform_9(%arg0: i32) -> (i32, i32) {
    %c0_i32 = arith.constant 0 : i32
    %c0_i32_0 = arith.constant 0 : i32
    %c0_i32_1 = arith.constant 0 : i32
    return %c0_i32, %c0_i32_0 : i32, i32
  }
  func.func @transform_10(%arg0: i32) -> (i32, i32) {
    %c0_i32 = arith.constant 0 : i32
    %c0_i32_0 = arith.constant 0 : i32
    %c0_i32_1 = arith.constant 0 : i32
    return %c0_i32, %c0_i32_0 : i32, i32
  }
  func.func @transform_11(%arg0: i32) -> (i32, i32) {
    %c0_i32 = arith.constant 0 : i32
    %c0_i32_0 = arith.constant 0 : i32
    %c0_i32_1 = arith.constant 0 : i32
    return %c0_i32, %c0_i32_0 : i32, i32
  }
  func.func @transform_12(%arg0: i32) -> (i32, i32) {
    %c0_i32 = arith.constant 0 : i32
    %c0_i32_0 = arith.constant 0 : i32
    return %arg0, %c0_i32 : i32, i32
  }
}

module attributes {stable_mosaic.version = 14 : i64} {
  func.func @_tc_body(%arg0: i32, %arg1: memref<12x800x128xf32, #tpu.memory_space<vmem>>, %arg2: memref<800x128xf32, #tpu.memory_space<vmem>>, %arg3: memref<800x128xf32, #tpu.memory_space<vmem>>, %arg4: memref<800x12xf32, #tpu.memory_space<vmem>>, %arg5: memref<16x50xf32, #tpu.memory_space<vmem>>, %arg6: memref<16x800xf32, #tpu.memory_space<vmem>>, %arg7: memref<800x16xf32, #tpu.memory_space<vmem>>, %arg8: memref<128x128xf32, #tpu.memory_space<vmem>>, %arg9: memref<1x128xf32, #tpu.memory_space<vmem>>, %arg10: memref<128x1xf32, #tpu.memory_space<vmem>>, %arg11: memref<128x128xf32, #tpu.memory_space<vmem>>, %arg12: memref<128x128xf32, #tpu.memory_space<vmem>>, %arg13: memref<800x128xf32, #tpu.memory_space<vmem>>) attributes {dimension_semantics = [#tpu.dimension_semantics<arbitrary>], iteration_bounds = array<i64: 16>, scalar_prefetch = 0 : i64, scratch_operands = 0 : i64, tpu.core_type = #tpu.core_type<tc>, window_params = [{transform_indices = @transform_0, window_bounds = array<i64: 12, 800, 128>}, {transform_indices = @transform_1, window_bounds = array<i64: 800, 128>}, {transform_indices = @transform_2, window_bounds = array<i64: 800, 128>}, {transform_indices = @transform_3, window_bounds = array<i64: 800, 12>}, {transform_indices = @transform_4, window_bounds = array<i64: 16, 50>}, {pipeline_mode = #tpu.pipeline_mode<synchronous>, transform_indices = @transform_5, window_bounds = array<i64: 16, 800>}, {pipeline_mode = #tpu.pipeline_mode<synchronous>, transform_indices = @transform_6, window_bounds = array<i64: 800, 16>}, {pipeline_mode = #tpu.pipeline_mode<synchronous>, transform_indices = @transform_7, window_bounds = array<i64: 128, 128>}, {pipeline_mode = #tpu.pipeline_mode<synchronous>, transform_indices = @transform_8, window_bounds = array<i64: 1, 128>}, {pipeline_mode = #tpu.pipeline_mode<synchronous>, transform_indices = @transform_9, window_bounds = array<i64: 128, 1>}, {pipeline_mode = #tpu.pipeline_mode<synchronous>, transform_indices = @transform_10, window_bounds = array<i64: 128, 128>}, {pipeline_mode = #tpu.pipeline_mode<synchronous>, transform_indices = @transform_11, window_bounds = array<i64: 128, 128>}, {transform_indices = @transform_12, window_bounds = array<i64: 800, 128>}]} {
    %get3A = arith.constant 0 : index
    %get3A_0 = arith.constant 0 : index
    %get3A_1 = vector.load %arg5[%get3A, %get3A_0] : memref<16x50xf32, #tpu.memory_space<vmem>>, vector<16x50xf32>
    %concatenate3A = tpu.concatenate %get3A_1, %get3A_1, %get3A_1, %get3A_1, %get3A_1, %get3A_1, %get3A_1, %get3A_1, %get3A_1, %get3A_1, %get3A_1, %get3A_1, %get3A_1, %get3A_1, %get3A_1, %get3A_1 in 1 : vector<16x50xf32>, vector<16x50xf32>, vector<16x50xf32>, vector<16x50xf32>, vector<16x50xf32>, vector<16x50xf32>, vector<16x50xf32>, vector<16x50xf32>, vector<16x50xf32>, vector<16x50xf32>, vector<16x50xf32>, vector<16x50xf32>, vector<16x50xf32>, vector<16x50xf32>, vector<16x50xf32>, vector<16x50xf32> -> vector<16x800xf32>
    %get3A_2 = arith.constant 0 : index
    %get3A_3 = arith.constant 0 : index
    %get3A_4 = vector.load %arg6[%get3A_2, %get3A_3] : memref<16x800xf32, #tpu.memory_space<vmem>>, vector<16x800xf32>
    %mul3A = arith.mulf %get3A_4, %concatenate3A : vector<16x800xf32>
    %get3A_5 = arith.constant 0 : index
    %get3A_6 = arith.constant 0 : index
    %get3A_7 = vector.load %arg3[%get3A_5, %get3A_6] : memref<800x128xf32, #tpu.memory_space<vmem>>, vector<800x128xf32>
    %dot_general3A = arith.constant dense<0.000000e+00> : vector<16x128xf32>
    %dot_general3A_8 = tpu.matmul %mul3A, %get3A_7, %dot_general3A {dimension_numbers = #tpu.dot_dimension_numbers<[1], [0], [0], [1], [0, 0, 1, 1], [], []>, transpose_lhs_hint = false} : vector<16x800xf32>, vector<800x128xf32>, vector<16x128xf32> -> vector<16x128xf32>
    %reduce_sum3A = arith.constant dense<0.000000e+00> : vector<16xf32>
    %reduce_sum3A_9 = vector.multi_reduction <add>, %get3A_1, %reduce_sum3A [1] : vector<16x50xf32> to vector<16xf32>
    %broadcast_in_dim3A = vector.shape_cast %reduce_sum3A_9 : vector<16xf32> to vector<16x1xf32>
    %div3A = vector.broadcast %broadcast_in_dim3A : vector<16x1xf32> to vector<16x128xf32>
    %div3A_10 = arith.divf %dot_general3A_8, %div3A : vector<16x128xf32>
    %get3A_11 = arith.constant 0 : index
    %get3A_12 = arith.constant 0 : index
    %get3A_13 = vector.load %arg7[%get3A_11, %get3A_12] : memref<800x16xf32, #tpu.memory_space<vmem>>, vector<800x16xf32>
    %dot_general3A_14 = arith.constant dense<0.000000e+00> : vector<800x128xf32>
    %dot_general3A_15 = tpu.matmul %get3A_13, %div3A_10, %dot_general3A_14 {dimension_numbers = #tpu.dot_dimension_numbers<[1], [0], [0], [1], [0, 0, 1, 1], [], []>, transpose_lhs_hint = false} : vector<800x16xf32>, vector<16x128xf32>, vector<800x128xf32> -> vector<800x128xf32>
    %get3A_16 = arith.constant 0 : index
    %get3A_17 = arith.constant 0 : index
    %get3A_18 = arith.constant 0 : index
    %get3A_19 = vector.load %arg1[%get3A_16, %get3A_17, %get3A_18] : memref<12x800x128xf32, #tpu.memory_space<vmem>>, vector<12x800x128xf32>
    %broadcast_in_dim3A_20 = vector.shape_cast %dot_general3A_15 : vector<800x128xf32> to vector<1x800x128xf32>
    %mul3A_21 = vector.broadcast %broadcast_in_dim3A_20 : vector<1x800x128xf32> to vector<12x800x128xf32>
    %mul3A_22 = arith.mulf %get3A_19, %mul3A_21 : vector<12x800x128xf32>
    %reshape3A = vector.shape_cast %mul3A_22 : vector<12x800x128xf32> to vector<9600x128xf32>
    %get3A_23 = arith.constant 0 : index
    %get3A_24 = arith.constant 0 : index
    %get3A_25 = vector.load %arg8[%get3A_23, %get3A_24] : memref<128x128xf32, #tpu.memory_space<vmem>>, vector<128x128xf32>
    %dot_general3A_26 = arith.constant dense<0.000000e+00> : vector<9600x128xf32>
    %dot_general3A_27 = tpu.matmul %reshape3A, %get3A_25, %dot_general3A_26 {dimension_numbers = #tpu.dot_dimension_numbers<[1], [0], [0], [1], [0, 0, 1, 1], [], []>, transpose_lhs_hint = false} : vector<9600x128xf32>, vector<128x128xf32>, vector<9600x128xf32> -> vector<9600x128xf32>
    %get3A_28 = arith.constant 0 : index
    %get3A_29 = arith.constant 0 : index
    %get3A_30 = vector.load %arg4[%get3A_28, %get3A_29] : memref<800x12xf32, #tpu.memory_space<vmem>>, vector<800x12xf32>
    %get3A_31 = arith.constant 0 : index
    %get3A_32 = arith.constant 0 : index
    %get3A_33 = vector.load %arg9[%get3A_31, %get3A_32] : memref<1x128xf32, #tpu.memory_space<vmem>>, vector<1x128xf32>
    %slice3A = vector.extract_strided_slice %dot_general3A_27 {offsets = [0, 0], sizes = [800, 128], strides = [1, 1]} : vector<9600x128xf32> to vector<800x128xf32>
    %slice3A_34 = vector.extract_strided_slice %get3A_30 {offsets = [0, 0], sizes = [800, 1], strides = [1, 1]} : vector<800x12xf32> to vector<800x1xf32>
    %mul3A_35 = vector.broadcast %slice3A_34 : vector<800x1xf32> to vector<800x128xf32>
    %mul3A_36 = vector.broadcast %get3A_33 : vector<1x128xf32> to vector<800x128xf32>
    %mul3A_37 = arith.mulf %mul3A_35, %mul3A_36 : vector<800x128xf32>
    %add3A = arith.addf %slice3A, %mul3A_37 : vector<800x128xf32>
    %ge3A = arith.constant 0.000000e+00 : f32
    %ge3A_38 = vector.broadcast %ge3A : f32 to vector<800x128xf32>
    %ge3A_39 = arith.cmpf oge, %add3A, %ge3A_38 : vector<800x128xf32>
    %mul3A_40 = arith.constant 2.000000e-01 : f32
    %mul3A_41 = vector.broadcast %mul3A_40 : f32 to vector<800x128xf32>
    %mul3A_42 = arith.mulf %mul3A_41, %add3A : vector<800x128xf32>
    %select_n3A = arith.select %ge3A_39, %add3A, %mul3A_42 : vector<800x128xi1>, vector<800x128xf32>
    %slice3A_43 = vector.extract_strided_slice %dot_general3A_27 {offsets = [800, 0], sizes = [800, 128], strides = [1, 1]} : vector<9600x128xf32> to vector<800x128xf32>
    %slice3A_44 = vector.extract_strided_slice %get3A_30 {offsets = [0, 1], sizes = [800, 1], strides = [1, 1]} : vector<800x12xf32> to vector<800x1xf32>
    %mul3A_45 = vector.broadcast %slice3A_44 : vector<800x1xf32> to vector<800x128xf32>
    %mul3A_46 = vector.broadcast %get3A_33 : vector<1x128xf32> to vector<800x128xf32>
    %mul3A_47 = arith.mulf %mul3A_45, %mul3A_46 : vector<800x128xf32>
    %add3A_48 = arith.addf %slice3A_43, %mul3A_47 : vector<800x128xf32>
    %ge3A_49 = arith.constant 0.000000e+00 : f32
    %ge3A_50 = vector.broadcast %ge3A_49 : f32 to vector<800x128xf32>
    %ge3A_51 = arith.cmpf oge, %add3A_48, %ge3A_50 : vector<800x128xf32>
    %mul3A_52 = arith.constant 2.000000e-01 : f32
    %mul3A_53 = vector.broadcast %mul3A_52 : f32 to vector<800x128xf32>
    %mul3A_54 = arith.mulf %mul3A_53, %add3A_48 : vector<800x128xf32>
    %select_n3A_55 = arith.select %ge3A_51, %add3A_48, %mul3A_54 : vector<800x128xi1>, vector<800x128xf32>
    %slice3A_56 = vector.extract_strided_slice %dot_general3A_27 {offsets = [1600, 0], sizes = [800, 128], strides = [1, 1]} : vector<9600x128xf32> to vector<800x128xf32>
    %slice3A_57 = vector.extract_strided_slice %get3A_30 {offsets = [0, 2], sizes = [800, 1], strides = [1, 1]} : vector<800x12xf32> to vector<800x1xf32>
    %mul3A_58 = vector.broadcast %slice3A_57 : vector<800x1xf32> to vector<800x128xf32>
    %mul3A_59 = vector.broadcast %get3A_33 : vector<1x128xf32> to vector<800x128xf32>
    %mul3A_60 = arith.mulf %mul3A_58, %mul3A_59 : vector<800x128xf32>
    %add3A_61 = arith.addf %slice3A_56, %mul3A_60 : vector<800x128xf32>
    %ge3A_62 = arith.constant 0.000000e+00 : f32
    %ge3A_63 = vector.broadcast %ge3A_62 : f32 to vector<800x128xf32>
    %ge3A_64 = arith.cmpf oge, %add3A_61, %ge3A_63 : vector<800x128xf32>
    %mul3A_65 = arith.constant 2.000000e-01 : f32
    %mul3A_66 = vector.broadcast %mul3A_65 : f32 to vector<800x128xf32>
    %mul3A_67 = arith.mulf %mul3A_66, %add3A_61 : vector<800x128xf32>
    %select_n3A_68 = arith.select %ge3A_64, %add3A_61, %mul3A_67 : vector<800x128xi1>, vector<800x128xf32>
    %slice3A_69 = vector.extract_strided_slice %dot_general3A_27 {offsets = [2400, 0], sizes = [800, 128], strides = [1, 1]} : vector<9600x128xf32> to vector<800x128xf32>
    %slice3A_70 = vector.extract_strided_slice %get3A_30 {offsets = [0, 3], sizes = [800, 1], strides = [1, 1]} : vector<800x12xf32> to vector<800x1xf32>
    %mul3A_71 = vector.broadcast %slice3A_70 : vector<800x1xf32> to vector<800x128xf32>
    %mul3A_72 = vector.broadcast %get3A_33 : vector<1x128xf32> to vector<800x128xf32>
    %mul3A_73 = arith.mulf %mul3A_71, %mul3A_72 : vector<800x128xf32>
    %add3A_74 = arith.addf %slice3A_69, %mul3A_73 : vector<800x128xf32>
    %ge3A_75 = arith.constant 0.000000e+00 : f32
    %ge3A_76 = vector.broadcast %ge3A_75 : f32 to vector<800x128xf32>
    %ge3A_77 = arith.cmpf oge, %add3A_74, %ge3A_76 : vector<800x128xf32>
    %mul3A_78 = arith.constant 2.000000e-01 : f32
    %mul3A_79 = vector.broadcast %mul3A_78 : f32 to vector<800x128xf32>
    %mul3A_80 = arith.mulf %mul3A_79, %add3A_74 : vector<800x128xf32>
    %select_n3A_81 = arith.select %ge3A_77, %add3A_74, %mul3A_80 : vector<800x128xi1>, vector<800x128xf32>
    %slice3A_82 = vector.extract_strided_slice %dot_general3A_27 {offsets = [3200, 0], sizes = [800, 128], strides = [1, 1]} : vector<9600x128xf32> to vector<800x128xf32>
    %slice3A_83 = vector.extract_strided_slice %get3A_30 {offsets = [0, 4], sizes = [800, 1], strides = [1, 1]} : vector<800x12xf32> to vector<800x1xf32>
    %mul3A_84 = vector.broadcast %slice3A_83 : vector<800x1xf32> to vector<800x128xf32>
    %mul3A_85 = vector.broadcast %get3A_33 : vector<1x128xf32> to vector<800x128xf32>
    %mul3A_86 = arith.mulf %mul3A_84, %mul3A_85 : vector<800x128xf32>
    %add3A_87 = arith.addf %slice3A_82, %mul3A_86 : vector<800x128xf32>
    %ge3A_88 = arith.constant 0.000000e+00 : f32
    %ge3A_89 = vector.broadcast %ge3A_88 : f32 to vector<800x128xf32>
    %ge3A_90 = arith.cmpf oge, %add3A_87, %ge3A_89 : vector<800x128xf32>
    %mul3A_91 = arith.constant 2.000000e-01 : f32
    %mul3A_92 = vector.broadcast %mul3A_91 : f32 to vector<800x128xf32>
    %mul3A_93 = arith.mulf %mul3A_92, %add3A_87 : vector<800x128xf32>
    %select_n3A_94 = arith.select %ge3A_90, %add3A_87, %mul3A_93 : vector<800x128xi1>, vector<800x128xf32>
    %slice3A_95 = vector.extract_strided_slice %dot_general3A_27 {offsets = [4000, 0], sizes = [800, 128], strides = [1, 1]} : vector<9600x128xf32> to vector<800x128xf32>
    %slice3A_96 = vector.extract_strided_slice %get3A_30 {offsets = [0, 5], sizes = [800, 1], strides = [1, 1]} : vector<800x12xf32> to vector<800x1xf32>
    %mul3A_97 = vector.broadcast %slice3A_96 : vector<800x1xf32> to vector<800x128xf32>
    %mul3A_98 = vector.broadcast %get3A_33 : vector<1x128xf32> to vector<800x128xf32>
    %mul3A_99 = arith.mulf %mul3A_97, %mul3A_98 : vector<800x128xf32>
    %add3A_100 = arith.addf %slice3A_95, %mul3A_99 : vector<800x128xf32>
    %ge3A_101 = arith.constant 0.000000e+00 : f32
    %ge3A_102 = vector.broadcast %ge3A_101 : f32 to vector<800x128xf32>
    %ge3A_103 = arith.cmpf oge, %add3A_100, %ge3A_102 : vector<800x128xf32>
    %mul3A_104 = arith.constant 2.000000e-01 : f32
    %mul3A_105 = vector.broadcast %mul3A_104 : f32 to vector<800x128xf32>
    %mul3A_106 = arith.mulf %mul3A_105, %add3A_100 : vector<800x128xf32>
    %select_n3A_107 = arith.select %ge3A_103, %add3A_100, %mul3A_106 : vector<800x128xi1>, vector<800x128xf32>
    %slice3A_108 = vector.extract_strided_slice %dot_general3A_27 {offsets = [4800, 0], sizes = [800, 128], strides = [1, 1]} : vector<9600x128xf32> to vector<800x128xf32>
    %slice3A_109 = vector.extract_strided_slice %get3A_30 {offsets = [0, 6], sizes = [800, 1], strides = [1, 1]} : vector<800x12xf32> to vector<800x1xf32>
    %mul3A_110 = vector.broadcast %slice3A_109 : vector<800x1xf32> to vector<800x128xf32>
    %mul3A_111 = vector.broadcast %get3A_33 : vector<1x128xf32> to vector<800x128xf32>
    %mul3A_112 = arith.mulf %mul3A_110, %mul3A_111 : vector<800x128xf32>
    %add3A_113 = arith.addf %slice3A_108, %mul3A_112 : vector<800x128xf32>
    %ge3A_114 = arith.constant 0.000000e+00 : f32
    %ge3A_115 = vector.broadcast %ge3A_114 : f32 to vector<800x128xf32>
    %ge3A_116 = arith.cmpf oge, %add3A_113, %ge3A_115 : vector<800x128xf32>
    %mul3A_117 = arith.constant 2.000000e-01 : f32
    %mul3A_118 = vector.broadcast %mul3A_117 : f32 to vector<800x128xf32>
    %mul3A_119 = arith.mulf %mul3A_118, %add3A_113 : vector<800x128xf32>
    %select_n3A_120 = arith.select %ge3A_116, %add3A_113, %mul3A_119 : vector<800x128xi1>, vector<800x128xf32>
    %slice3A_121 = vector.extract_strided_slice %dot_general3A_27 {offsets = [5600, 0], sizes = [800, 128], strides = [1, 1]} : vector<9600x128xf32> to vector<800x128xf32>
    %slice3A_122 = vector.extract_strided_slice %get3A_30 {offsets = [0, 7], sizes = [800, 1], strides = [1, 1]} : vector<800x12xf32> to vector<800x1xf32>
    %mul3A_123 = vector.broadcast %slice3A_122 : vector<800x1xf32> to vector<800x128xf32>
    %mul3A_124 = vector.broadcast %get3A_33 : vector<1x128xf32> to vector<800x128xf32>
    %mul3A_125 = arith.mulf %mul3A_123, %mul3A_124 : vector<800x128xf32>
    %add3A_126 = arith.addf %slice3A_121, %mul3A_125 : vector<800x128xf32>
    %ge3A_127 = arith.constant 0.000000e+00 : f32
    %ge3A_128 = vector.broadcast %ge3A_127 : f32 to vector<800x128xf32>
    %ge3A_129 = arith.cmpf oge, %add3A_126, %ge3A_128 : vector<800x128xf32>
    %mul3A_130 = arith.constant 2.000000e-01 : f32
    %mul3A_131 = vector.broadcast %mul3A_130 : f32 to vector<800x128xf32>
    %mul3A_132 = arith.mulf %mul3A_131, %add3A_126 : vector<800x128xf32>
    %select_n3A_133 = arith.select %ge3A_129, %add3A_126, %mul3A_132 : vector<800x128xi1>, vector<800x128xf32>
    %slice3A_134 = vector.extract_strided_slice %dot_general3A_27 {offsets = [6400, 0], sizes = [800, 128], strides = [1, 1]} : vector<9600x128xf32> to vector<800x128xf32>
    %slice3A_135 = vector.extract_strided_slice %get3A_30 {offsets = [0, 8], sizes = [800, 1], strides = [1, 1]} : vector<800x12xf32> to vector<800x1xf32>
    %mul3A_136 = vector.broadcast %slice3A_135 : vector<800x1xf32> to vector<800x128xf32>
    %mul3A_137 = vector.broadcast %get3A_33 : vector<1x128xf32> to vector<800x128xf32>
    %mul3A_138 = arith.mulf %mul3A_136, %mul3A_137 : vector<800x128xf32>
    %add3A_139 = arith.addf %slice3A_134, %mul3A_138 : vector<800x128xf32>
    %ge3A_140 = arith.constant 0.000000e+00 : f32
    %ge3A_141 = vector.broadcast %ge3A_140 : f32 to vector<800x128xf32>
    %ge3A_142 = arith.cmpf oge, %add3A_139, %ge3A_141 : vector<800x128xf32>
    %mul3A_143 = arith.constant 2.000000e-01 : f32
    %mul3A_144 = vector.broadcast %mul3A_143 : f32 to vector<800x128xf32>
    %mul3A_145 = arith.mulf %mul3A_144, %add3A_139 : vector<800x128xf32>
    %select_n3A_146 = arith.select %ge3A_142, %add3A_139, %mul3A_145 : vector<800x128xi1>, vector<800x128xf32>
    %slice3A_147 = vector.extract_strided_slice %dot_general3A_27 {offsets = [7200, 0], sizes = [800, 128], strides = [1, 1]} : vector<9600x128xf32> to vector<800x128xf32>
    %slice3A_148 = vector.extract_strided_slice %get3A_30 {offsets = [0, 9], sizes = [800, 1], strides = [1, 1]} : vector<800x12xf32> to vector<800x1xf32>
    %mul3A_149 = vector.broadcast %slice3A_148 : vector<800x1xf32> to vector<800x128xf32>
    %mul3A_150 = vector.broadcast %get3A_33 : vector<1x128xf32> to vector<800x128xf32>
    %mul3A_151 = arith.mulf %mul3A_149, %mul3A_150 : vector<800x128xf32>
    %add3A_152 = arith.addf %slice3A_147, %mul3A_151 : vector<800x128xf32>
    %ge3A_153 = arith.constant 0.000000e+00 : f32
    %ge3A_154 = vector.broadcast %ge3A_153 : f32 to vector<800x128xf32>
    %ge3A_155 = arith.cmpf oge, %add3A_152, %ge3A_154 : vector<800x128xf32>
    %mul3A_156 = arith.constant 2.000000e-01 : f32
    %mul3A_157 = vector.broadcast %mul3A_156 : f32 to vector<800x128xf32>
    %mul3A_158 = arith.mulf %mul3A_157, %add3A_152 : vector<800x128xf32>
    %select_n3A_159 = arith.select %ge3A_155, %add3A_152, %mul3A_158 : vector<800x128xi1>, vector<800x128xf32>
    %slice3A_160 = vector.extract_strided_slice %dot_general3A_27 {offsets = [8000, 0], sizes = [800, 128], strides = [1, 1]} : vector<9600x128xf32> to vector<800x128xf32>
    %slice3A_161 = vector.extract_strided_slice %get3A_30 {offsets = [0, 10], sizes = [800, 1], strides = [1, 1]} : vector<800x12xf32> to vector<800x1xf32>
    %mul3A_162 = vector.broadcast %slice3A_161 : vector<800x1xf32> to vector<800x128xf32>
    %mul3A_163 = vector.broadcast %get3A_33 : vector<1x128xf32> to vector<800x128xf32>
    %mul3A_164 = arith.mulf %mul3A_162, %mul3A_163 : vector<800x128xf32>
    %add3A_165 = arith.addf %slice3A_160, %mul3A_164 : vector<800x128xf32>
    %ge3A_166 = arith.constant 0.000000e+00 : f32
    %ge3A_167 = vector.broadcast %ge3A_166 : f32 to vector<800x128xf32>
    %ge3A_168 = arith.cmpf oge, %add3A_165, %ge3A_167 : vector<800x128xf32>
    %mul3A_169 = arith.constant 2.000000e-01 : f32
    %mul3A_170 = vector.broadcast %mul3A_169 : f32 to vector<800x128xf32>
    %mul3A_171 = arith.mulf %mul3A_170, %add3A_165 : vector<800x128xf32>
    %select_n3A_172 = arith.select %ge3A_168, %add3A_165, %mul3A_171 : vector<800x128xi1>, vector<800x128xf32>
    %slice3A_173 = vector.extract_strided_slice %dot_general3A_27 {offsets = [8800, 0], sizes = [800, 128], strides = [1, 1]} : vector<9600x128xf32> to vector<800x128xf32>
    %slice3A_174 = vector.extract_strided_slice %get3A_30 {offsets = [0, 11], sizes = [800, 1], strides = [1, 1]} : vector<800x12xf32> to vector<800x1xf32>
    %mul3A_175 = vector.broadcast %slice3A_174 : vector<800x1xf32> to vector<800x128xf32>
    %mul3A_176 = vector.broadcast %get3A_33 : vector<1x128xf32> to vector<800x128xf32>
    %mul3A_177 = arith.mulf %mul3A_175, %mul3A_176 : vector<800x128xf32>
    %add3A_178 = arith.addf %slice3A_173, %mul3A_177 : vector<800x128xf32>
    %ge3A_179 = arith.constant 0.000000e+00 : f32
    %ge3A_180 = vector.broadcast %ge3A_179 : f32 to vector<800x128xf32>
    %ge3A_181 = arith.cmpf oge, %add3A_178, %ge3A_180 : vector<800x128xf32>
    %mul3A_182 = arith.constant 2.000000e-01 : f32
    %mul3A_183 = vector.broadcast %mul3A_182 : f32 to vector<800x128xf32>
    %mul3A_184 = arith.mulf %mul3A_183, %add3A_178 : vector<800x128xf32>
    %select_n3A_185 = arith.select %ge3A_181, %add3A_178, %mul3A_184 : vector<800x128xi1>, vector<800x128xf32>
    %concatenate3A_186 = tpu.concatenate %select_n3A, %select_n3A_55, %select_n3A_68, %select_n3A_81, %select_n3A_94, %select_n3A_107, %select_n3A_120, %select_n3A_133, %select_n3A_146, %select_n3A_159, %select_n3A_172, %select_n3A_185 in 0 : vector<800x128xf32>, vector<800x128xf32>, vector<800x128xf32>, vector<800x128xf32>, vector<800x128xf32>, vector<800x128xf32>, vector<800x128xf32>, vector<800x128xf32>, vector<800x128xf32>, vector<800x128xf32>, vector<800x128xf32>, vector<800x128xf32> -> vector<9600x128xf32>
    %get3A_187 = arith.constant 0 : index
    %get3A_188 = arith.constant 0 : index
    %get3A_189 = vector.load %arg10[%get3A_187, %get3A_188] : memref<128x1xf32, #tpu.memory_space<vmem>>, vector<128x1xf32>
    %dot_general3A_190 = arith.constant dense<0.000000e+00> : vector<9600x1xf32>
    %dot_general3A_191 = tpu.matmul %concatenate3A_186, %get3A_189, %dot_general3A_190 {dimension_numbers = #tpu.dot_dimension_numbers<[1], [0], [0], [1], [0, 0, 1, 1], [], []>, transpose_lhs_hint = false} : vector<9600x128xf32>, vector<128x1xf32>, vector<9600x1xf32> -> vector<9600x1xf32>
    %slice3A_192 = vector.extract_strided_slice %dot_general3A_191 {offsets = [0, 0], sizes = [800, 1], strides = [1, 1]} : vector<9600x1xf32> to vector<800x1xf32>
    %slice3A_193 = vector.extract_strided_slice %dot_general3A_191 {offsets = [800, 0], sizes = [800, 1], strides = [1, 1]} : vector<9600x1xf32> to vector<800x1xf32>
    %slice3A_194 = vector.extract_strided_slice %dot_general3A_191 {offsets = [1600, 0], sizes = [800, 1], strides = [1, 1]} : vector<9600x1xf32> to vector<800x1xf32>
    %slice3A_195 = vector.extract_strided_slice %dot_general3A_191 {offsets = [2400, 0], sizes = [800, 1], strides = [1, 1]} : vector<9600x1xf32> to vector<800x1xf32>
    %slice3A_196 = vector.extract_strided_slice %dot_general3A_191 {offsets = [3200, 0], sizes = [800, 1], strides = [1, 1]} : vector<9600x1xf32> to vector<800x1xf32>
    %slice3A_197 = vector.extract_strided_slice %dot_general3A_191 {offsets = [4000, 0], sizes = [800, 1], strides = [1, 1]} : vector<9600x1xf32> to vector<800x1xf32>
    %slice3A_198 = vector.extract_strided_slice %dot_general3A_191 {offsets = [4800, 0], sizes = [800, 1], strides = [1, 1]} : vector<9600x1xf32> to vector<800x1xf32>
    %slice3A_199 = vector.extract_strided_slice %dot_general3A_191 {offsets = [5600, 0], sizes = [800, 1], strides = [1, 1]} : vector<9600x1xf32> to vector<800x1xf32>
    %slice3A_200 = vector.extract_strided_slice %dot_general3A_191 {offsets = [6400, 0], sizes = [800, 1], strides = [1, 1]} : vector<9600x1xf32> to vector<800x1xf32>
    %slice3A_201 = vector.extract_strided_slice %dot_general3A_191 {offsets = [7200, 0], sizes = [800, 1], strides = [1, 1]} : vector<9600x1xf32> to vector<800x1xf32>
    %slice3A_202 = vector.extract_strided_slice %dot_general3A_191 {offsets = [8000, 0], sizes = [800, 1], strides = [1, 1]} : vector<9600x1xf32> to vector<800x1xf32>
    %slice3A_203 = vector.extract_strided_slice %dot_general3A_191 {offsets = [8800, 0], sizes = [800, 1], strides = [1, 1]} : vector<9600x1xf32> to vector<800x1xf32>
    %max3A = arith.maximumf %slice3A_192, %slice3A_193 : vector<800x1xf32>
    %max3A_204 = arith.maximumf %max3A, %slice3A_194 : vector<800x1xf32>
    %max3A_205 = arith.maximumf %max3A_204, %slice3A_195 : vector<800x1xf32>
    %max3A_206 = arith.maximumf %max3A_205, %slice3A_196 : vector<800x1xf32>
    %max3A_207 = arith.maximumf %max3A_206, %slice3A_197 : vector<800x1xf32>
    %max3A_208 = arith.maximumf %max3A_207, %slice3A_198 : vector<800x1xf32>
    %max3A_209 = arith.maximumf %max3A_208, %slice3A_199 : vector<800x1xf32>
    %max3A_210 = arith.maximumf %max3A_209, %slice3A_200 : vector<800x1xf32>
    %max3A_211 = arith.maximumf %max3A_210, %slice3A_201 : vector<800x1xf32>
    %max3A_212 = arith.maximumf %max3A_211, %slice3A_202 : vector<800x1xf32>
    %max3A_213 = arith.maximumf %max3A_212, %slice3A_203 : vector<800x1xf32>
    %sub3A = arith.subf %slice3A_192, %max3A_213 : vector<800x1xf32>
    %exp3A = math.exp %sub3A : vector<800x1xf32>
    %sub3A_214 = arith.subf %slice3A_193, %max3A_213 : vector<800x1xf32>
    %exp3A_215 = math.exp %sub3A_214 : vector<800x1xf32>
    %sub3A_216 = arith.subf %slice3A_194, %max3A_213 : vector<800x1xf32>
    %exp3A_217 = math.exp %sub3A_216 : vector<800x1xf32>
    %sub3A_218 = arith.subf %slice3A_195, %max3A_213 : vector<800x1xf32>
    %exp3A_219 = math.exp %sub3A_218 : vector<800x1xf32>
    %sub3A_220 = arith.subf %slice3A_196, %max3A_213 : vector<800x1xf32>
    %exp3A_221 = math.exp %sub3A_220 : vector<800x1xf32>
    %sub3A_222 = arith.subf %slice3A_197, %max3A_213 : vector<800x1xf32>
    %exp3A_223 = math.exp %sub3A_222 : vector<800x1xf32>
    %sub3A_224 = arith.subf %slice3A_198, %max3A_213 : vector<800x1xf32>
    %exp3A_225 = math.exp %sub3A_224 : vector<800x1xf32>
    %sub3A_226 = arith.subf %slice3A_199, %max3A_213 : vector<800x1xf32>
    %exp3A_227 = math.exp %sub3A_226 : vector<800x1xf32>
    %sub3A_228 = arith.subf %slice3A_200, %max3A_213 : vector<800x1xf32>
    %exp3A_229 = math.exp %sub3A_228 : vector<800x1xf32>
    %sub3A_230 = arith.subf %slice3A_201, %max3A_213 : vector<800x1xf32>
    %exp3A_231 = math.exp %sub3A_230 : vector<800x1xf32>
    %sub3A_232 = arith.subf %slice3A_202, %max3A_213 : vector<800x1xf32>
    %exp3A_233 = math.exp %sub3A_232 : vector<800x1xf32>
    %sub3A_234 = arith.subf %slice3A_203, %max3A_213 : vector<800x1xf32>
    %exp3A_235 = math.exp %sub3A_234 : vector<800x1xf32>
    %add3A_236 = arith.addf %exp3A, %exp3A_215 : vector<800x1xf32>
    %add3A_237 = arith.addf %add3A_236, %exp3A_217 : vector<800x1xf32>
    %add3A_238 = arith.addf %add3A_237, %exp3A_219 : vector<800x1xf32>
    %add3A_239 = arith.addf %add3A_238, %exp3A_221 : vector<800x1xf32>
    %add3A_240 = arith.addf %add3A_239, %exp3A_223 : vector<800x1xf32>
    %add3A_241 = arith.addf %add3A_240, %exp3A_225 : vector<800x1xf32>
    %add3A_242 = arith.addf %add3A_241, %exp3A_227 : vector<800x1xf32>
    %add3A_243 = arith.addf %add3A_242, %exp3A_229 : vector<800x1xf32>
    %add3A_244 = arith.addf %add3A_243, %exp3A_231 : vector<800x1xf32>
    %add3A_245 = arith.addf %add3A_244, %exp3A_233 : vector<800x1xf32>
    %add3A_246 = arith.addf %add3A_245, %exp3A_235 : vector<800x1xf32>
    %div3A_247 = arith.constant 1.000000e+00 : f32
    %div3A_248 = vector.broadcast %div3A_247 : f32 to vector<800x1xf32>
    %div3A_249 = arith.divf %div3A_248, %add3A_246 : vector<800x1xf32>
    %mul3A_250 = arith.mulf %exp3A, %div3A_249 : vector<800x1xf32>
    %get3A_251 = arith.constant 0 : index
    %get3A_252 = arith.constant 0 : index
    %get3A_253 = arith.constant 0 : index
    %get3A_254 = vector.load %arg1[%get3A_251, %get3A_252, %get3A_253] : memref<12x800x128xf32, #tpu.memory_space<vmem>>, vector<1x800x128xf32>
    %get3A_255 = vector.shape_cast %get3A_254 : vector<1x800x128xf32> to vector<800x128xf32>
    %mul3A_256 = vector.broadcast %mul3A_250 : vector<800x1xf32> to vector<800x128xf32>
    %mul3A_257 = arith.mulf %mul3A_256, %get3A_255 : vector<800x128xf32>
    %mul3A_258 = arith.mulf %exp3A_215, %div3A_249 : vector<800x1xf32>
    %get3A_259 = arith.constant 1 : index
    %get3A_260 = arith.constant 0 : index
    %get3A_261 = arith.constant 0 : index
    %get3A_262 = vector.load %arg1[%get3A_259, %get3A_260, %get3A_261] : memref<12x800x128xf32, #tpu.memory_space<vmem>>, vector<1x800x128xf32>
    %get3A_263 = vector.shape_cast %get3A_262 : vector<1x800x128xf32> to vector<800x128xf32>
    %mul3A_264 = vector.broadcast %mul3A_258 : vector<800x1xf32> to vector<800x128xf32>
    %mul3A_265 = arith.mulf %mul3A_264, %get3A_263 : vector<800x128xf32>
    %add3A_266 = arith.addf %mul3A_257, %mul3A_265 : vector<800x128xf32>
    %mul3A_267 = arith.mulf %exp3A_217, %div3A_249 : vector<800x1xf32>
    %get3A_268 = arith.constant 2 : index
    %get3A_269 = arith.constant 0 : index
    %get3A_270 = arith.constant 0 : index
    %get3A_271 = vector.load %arg1[%get3A_268, %get3A_269, %get3A_270] : memref<12x800x128xf32, #tpu.memory_space<vmem>>, vector<1x800x128xf32>
    %get3A_272 = vector.shape_cast %get3A_271 : vector<1x800x128xf32> to vector<800x128xf32>
    %mul3A_273 = vector.broadcast %mul3A_267 : vector<800x1xf32> to vector<800x128xf32>
    %mul3A_274 = arith.mulf %mul3A_273, %get3A_272 : vector<800x128xf32>
    %add3A_275 = arith.addf %add3A_266, %mul3A_274 : vector<800x128xf32>
    %mul3A_276 = arith.mulf %exp3A_219, %div3A_249 : vector<800x1xf32>
    %get3A_277 = arith.constant 3 : index
    %get3A_278 = arith.constant 0 : index
    %get3A_279 = arith.constant 0 : index
    %get3A_280 = vector.load %arg1[%get3A_277, %get3A_278, %get3A_279] : memref<12x800x128xf32, #tpu.memory_space<vmem>>, vector<1x800x128xf32>
    %get3A_281 = vector.shape_cast %get3A_280 : vector<1x800x128xf32> to vector<800x128xf32>
    %mul3A_282 = vector.broadcast %mul3A_276 : vector<800x1xf32> to vector<800x128xf32>
    %mul3A_283 = arith.mulf %mul3A_282, %get3A_281 : vector<800x128xf32>
    %add3A_284 = arith.addf %add3A_275, %mul3A_283 : vector<800x128xf32>
    %mul3A_285 = arith.mulf %exp3A_221, %div3A_249 : vector<800x1xf32>
    %get3A_286 = arith.constant 4 : index
    %get3A_287 = arith.constant 0 : index
    %get3A_288 = arith.constant 0 : index
    %get3A_289 = vector.load %arg1[%get3A_286, %get3A_287, %get3A_288] : memref<12x800x128xf32, #tpu.memory_space<vmem>>, vector<1x800x128xf32>
    %get3A_290 = vector.shape_cast %get3A_289 : vector<1x800x128xf32> to vector<800x128xf32>
    %mul3A_291 = vector.broadcast %mul3A_285 : vector<800x1xf32> to vector<800x128xf32>
    %mul3A_292 = arith.mulf %mul3A_291, %get3A_290 : vector<800x128xf32>
    %add3A_293 = arith.addf %add3A_284, %mul3A_292 : vector<800x128xf32>
    %mul3A_294 = arith.mulf %exp3A_223, %div3A_249 : vector<800x1xf32>
    %get3A_295 = arith.constant 5 : index
    %get3A_296 = arith.constant 0 : index
    %get3A_297 = arith.constant 0 : index
    %get3A_298 = vector.load %arg1[%get3A_295, %get3A_296, %get3A_297] : memref<12x800x128xf32, #tpu.memory_space<vmem>>, vector<1x800x128xf32>
    %get3A_299 = vector.shape_cast %get3A_298 : vector<1x800x128xf32> to vector<800x128xf32>
    %mul3A_300 = vector.broadcast %mul3A_294 : vector<800x1xf32> to vector<800x128xf32>
    %mul3A_301 = arith.mulf %mul3A_300, %get3A_299 : vector<800x128xf32>
    %add3A_302 = arith.addf %add3A_293, %mul3A_301 : vector<800x128xf32>
    %mul3A_303 = arith.mulf %exp3A_225, %div3A_249 : vector<800x1xf32>
    %get3A_304 = arith.constant 6 : index
    %get3A_305 = arith.constant 0 : index
    %get3A_306 = arith.constant 0 : index
    %get3A_307 = vector.load %arg1[%get3A_304, %get3A_305, %get3A_306] : memref<12x800x128xf32, #tpu.memory_space<vmem>>, vector<1x800x128xf32>
    %get3A_308 = vector.shape_cast %get3A_307 : vector<1x800x128xf32> to vector<800x128xf32>
    %mul3A_309 = vector.broadcast %mul3A_303 : vector<800x1xf32> to vector<800x128xf32>
    %mul3A_310 = arith.mulf %mul3A_309, %get3A_308 : vector<800x128xf32>
    %add3A_311 = arith.addf %add3A_302, %mul3A_310 : vector<800x128xf32>
    %mul3A_312 = arith.mulf %exp3A_227, %div3A_249 : vector<800x1xf32>
    %get3A_313 = arith.constant 7 : index
    %get3A_314 = arith.constant 0 : index
    %get3A_315 = arith.constant 0 : index
    %get3A_316 = vector.load %arg1[%get3A_313, %get3A_314, %get3A_315] : memref<12x800x128xf32, #tpu.memory_space<vmem>>, vector<1x800x128xf32>
    %get3A_317 = vector.shape_cast %get3A_316 : vector<1x800x128xf32> to vector<800x128xf32>
    %mul3A_318 = vector.broadcast %mul3A_312 : vector<800x1xf32> to vector<800x128xf32>
    %mul3A_319 = arith.mulf %mul3A_318, %get3A_317 : vector<800x128xf32>
    %add3A_320 = arith.addf %add3A_311, %mul3A_319 : vector<800x128xf32>
    %mul3A_321 = arith.mulf %exp3A_229, %div3A_249 : vector<800x1xf32>
    %get3A_322 = arith.constant 8 : index
    %get3A_323 = arith.constant 0 : index
    %get3A_324 = arith.constant 0 : index
    %get3A_325 = vector.load %arg1[%get3A_322, %get3A_323, %get3A_324] : memref<12x800x128xf32, #tpu.memory_space<vmem>>, vector<1x800x128xf32>
    %get3A_326 = vector.shape_cast %get3A_325 : vector<1x800x128xf32> to vector<800x128xf32>
    %mul3A_327 = vector.broadcast %mul3A_321 : vector<800x1xf32> to vector<800x128xf32>
    %mul3A_328 = arith.mulf %mul3A_327, %get3A_326 : vector<800x128xf32>
    %add3A_329 = arith.addf %add3A_320, %mul3A_328 : vector<800x128xf32>
    %mul3A_330 = arith.mulf %exp3A_231, %div3A_249 : vector<800x1xf32>
    %get3A_331 = arith.constant 9 : index
    %get3A_332 = arith.constant 0 : index
    %get3A_333 = arith.constant 0 : index
    %get3A_334 = vector.load %arg1[%get3A_331, %get3A_332, %get3A_333] : memref<12x800x128xf32, #tpu.memory_space<vmem>>, vector<1x800x128xf32>
    %get3A_335 = vector.shape_cast %get3A_334 : vector<1x800x128xf32> to vector<800x128xf32>
    %mul3A_336 = vector.broadcast %mul3A_330 : vector<800x1xf32> to vector<800x128xf32>
    %mul3A_337 = arith.mulf %mul3A_336, %get3A_335 : vector<800x128xf32>
    %add3A_338 = arith.addf %add3A_329, %mul3A_337 : vector<800x128xf32>
    %mul3A_339 = arith.mulf %exp3A_233, %div3A_249 : vector<800x1xf32>
    %get3A_340 = arith.constant 10 : index
    %get3A_341 = arith.constant 0 : index
    %get3A_342 = arith.constant 0 : index
    %get3A_343 = vector.load %arg1[%get3A_340, %get3A_341, %get3A_342] : memref<12x800x128xf32, #tpu.memory_space<vmem>>, vector<1x800x128xf32>
    %get3A_344 = vector.shape_cast %get3A_343 : vector<1x800x128xf32> to vector<800x128xf32>
    %mul3A_345 = vector.broadcast %mul3A_339 : vector<800x1xf32> to vector<800x128xf32>
    %mul3A_346 = arith.mulf %mul3A_345, %get3A_344 : vector<800x128xf32>
    %add3A_347 = arith.addf %add3A_338, %mul3A_346 : vector<800x128xf32>
    %mul3A_348 = arith.mulf %exp3A_235, %div3A_249 : vector<800x1xf32>
    %get3A_349 = arith.constant 11 : index
    %get3A_350 = arith.constant 0 : index
    %get3A_351 = arith.constant 0 : index
    %get3A_352 = vector.load %arg1[%get3A_349, %get3A_350, %get3A_351] : memref<12x800x128xf32, #tpu.memory_space<vmem>>, vector<1x800x128xf32>
    %get3A_353 = vector.shape_cast %get3A_352 : vector<1x800x128xf32> to vector<800x128xf32>
    %mul3A_354 = vector.broadcast %mul3A_348 : vector<800x1xf32> to vector<800x128xf32>
    %mul3A_355 = arith.mulf %mul3A_354, %get3A_353 : vector<800x128xf32>
    %add3A_356 = arith.addf %add3A_347, %mul3A_355 : vector<800x128xf32>
    %get3A_357 = arith.constant 0 : index
    %get3A_358 = arith.constant 0 : index
    %get3A_359 = vector.load %arg2[%get3A_357, %get3A_358] : memref<800x128xf32, #tpu.memory_space<vmem>>, vector<800x128xf32>
    %get3A_360 = arith.constant 0 : index
    %get3A_361 = arith.constant 0 : index
    %get3A_362 = vector.load %arg11[%get3A_360, %get3A_361] : memref<128x128xf32, #tpu.memory_space<vmem>>, vector<128x128xf32>
    %dot_general3A_363 = arith.constant dense<0.000000e+00> : vector<800x128xf32>
    %dot_general3A_364 = tpu.matmul %get3A_359, %get3A_362, %dot_general3A_363 {dimension_numbers = #tpu.dot_dimension_numbers<[1], [0], [0], [1], [0, 0, 1, 1], [], []>, transpose_lhs_hint = false} : vector<800x128xf32>, vector<128x128xf32>, vector<800x128xf32> -> vector<800x128xf32>
    %get3A_365 = arith.constant 0 : index
    %get3A_366 = arith.constant 0 : index
    %get3A_367 = vector.load %arg12[%get3A_365, %get3A_366] : memref<128x128xf32, #tpu.memory_space<vmem>>, vector<128x128xf32>
    %dot_general3A_368 = arith.constant dense<0.000000e+00> : vector<800x128xf32>
    %dot_general3A_369 = tpu.matmul %add3A_356, %get3A_367, %dot_general3A_368 {dimension_numbers = #tpu.dot_dimension_numbers<[1], [0], [0], [1], [0, 0, 1, 1], [], []>, transpose_lhs_hint = false} : vector<800x128xf32>, vector<128x128xf32>, vector<800x128xf32> -> vector<800x128xf32>
    %add3A_370 = arith.addf %dot_general3A_364, %dot_general3A_369 : vector<800x128xf32>
    %max3A_371 = arith.constant 0.000000e+00 : f32
    %max3A_372 = vector.broadcast %max3A_371 : f32 to vector<800x128xf32>
    %max3A_373 = arith.maximumf %add3A_370, %max3A_372 : vector<800x128xf32>
    %swap3A = arith.constant 0 : index
    %swap3A_374 = arith.constant 0 : index
    %swap3A_375 = vector.load %arg13[%swap3A, %swap3A_374] : memref<800x128xf32, #tpu.memory_space<vmem>>, vector<800x128xf32>
    tpu.vector_store %arg13[%swap3A, %swap3A_374], %max3A_373 {strides = array<i32>} : memref<800x128xf32, #tpu.memory_space<vmem>>, vector<800x128xf32>,
    return
  }
  func.func @transform_0(%arg0: i32) -> (i32, i32, i32) {
    %c0_i32 = arith.constant 0 : i32
    %c0_i32_0 = arith.constant 0 : i32
    %c0_i32_1 = arith.constant 0 : i32
    return %c0_i32, %arg0, %c0_i32_0 : i32, i32, i32
  }
  func.func @transform_1(%arg0: i32) -> (i32, i32) {
    %add3A = arith.constant 16 : i32
    %add3A_0 = arith.addi %arg0, %add3A : i32
    %c0_i32 = arith.constant 0 : i32
    %c0_i32_1 = arith.constant 0 : i32
    return %add3A_0, %c0_i32 : i32, i32
  }
  func.func @transform_2(%arg0: i32) -> (i32, i32) {
    %add3A = arith.constant 16 : i32
    %add3A_0 = arith.addi %arg0, %add3A : i32
    %c0_i32 = arith.constant 0 : i32
    %c0_i32_1 = arith.constant 0 : i32
    return %add3A_0, %c0_i32 : i32, i32
  }
  func.func @transform_3(%arg0: i32) -> (i32, i32) {
    %add3A = arith.constant 16 : i32
    %add3A_0 = arith.addi %arg0, %add3A : i32
    %c0_i32 = arith.constant 0 : i32
    %c0_i32_1 = arith.constant 0 : i32
    return %add3A_0, %c0_i32 : i32, i32
  }
  func.func @transform_4(%arg0: i32) -> (i32, i32) {
    %add3A = arith.constant 16 : i32
    %add3A_0 = arith.addi %arg0, %add3A : i32
    %c0_i32 = arith.constant 0 : i32
    %c0_i32_1 = arith.constant 0 : i32
    return %add3A_0, %c0_i32 : i32, i32
  }
  func.func @transform_5(%arg0: i32) -> (i32, i32) {
    %c0_i32 = arith.constant 0 : i32
    %c0_i32_0 = arith.constant 0 : i32
    %c0_i32_1 = arith.constant 0 : i32
    return %c0_i32, %c0_i32_0 : i32, i32
  }
  func.func @transform_6(%arg0: i32) -> (i32, i32) {
    %c0_i32 = arith.constant 0 : i32
    %c0_i32_0 = arith.constant 0 : i32
    %c0_i32_1 = arith.constant 0 : i32
    return %c0_i32, %c0_i32_0 : i32, i32
  }
  func.func @transform_7(%arg0: i32) -> (i32, i32) {
    %c0_i32 = arith.constant 0 : i32
    %c0_i32_0 = arith.constant 0 : i32
    %c0_i32_1 = arith.constant 0 : i32
    return %c0_i32, %c0_i32_0 : i32, i32
  }
  func.func @transform_8(%arg0: i32) -> (i32, i32) {
    %c0_i32 = arith.constant 0 : i32
    %c0_i32_0 = arith.constant 0 : i32
    %c0_i32_1 = arith.constant 0 : i32
    return %c0_i32, %c0_i32_0 : i32, i32
  }
  func.func @transform_9(%arg0: i32) -> (i32, i32) {
    %c0_i32 = arith.constant 0 : i32
    %c0_i32_0 = arith.constant 0 : i32
    %c0_i32_1 = arith.constant 0 : i32
    return %c0_i32, %c0_i32_0 : i32, i32
  }
  func.func @transform_10(%arg0: i32) -> (i32, i32) {
    %c0_i32 = arith.constant 0 : i32
    %c0_i32_0 = arith.constant 0 : i32
    %c0_i32_1 = arith.constant 0 : i32
    return %c0_i32, %c0_i32_0 : i32, i32
  }
  func.func @transform_11(%arg0: i32) -> (i32, i32) {
    %c0_i32 = arith.constant 0 : i32
    %c0_i32_0 = arith.constant 0 : i32
    %c0_i32_1 = arith.constant 0 : i32
    return %c0_i32, %c0_i32_0 : i32, i32
  }
  func.func @transform_12(%arg0: i32) -> (i32, i32) {
    %c0_i32 = arith.constant 0 : i32
    %c0_i32_0 = arith.constant 0 : i32
    return %arg0, %c0_i32 : i32, i32
  }
}

module attributes {stable_mosaic.version = 14 : i64} {
  func.func @_tc_body(%arg0: i32, %arg1: memref<12x800x128xf32, #tpu.memory_space<vmem>>, %arg2: memref<800x128xf32, #tpu.memory_space<vmem>>, %arg3: memref<800x128xf32, #tpu.memory_space<vmem>>, %arg4: memref<800x12xf32, #tpu.memory_space<vmem>>, %arg5: memref<16x50xf32, #tpu.memory_space<vmem>>, %arg6: memref<16x800xf32, #tpu.memory_space<vmem>>, %arg7: memref<800x16xf32, #tpu.memory_space<vmem>>, %arg8: memref<128x128xf32, #tpu.memory_space<vmem>>, %arg9: memref<1x128xf32, #tpu.memory_space<vmem>>, %arg10: memref<128x1xf32, #tpu.memory_space<vmem>>, %arg11: memref<128x128xf32, #tpu.memory_space<vmem>>, %arg12: memref<128x128xf32, #tpu.memory_space<vmem>>, %arg13: memref<800x128xf32, #tpu.memory_space<vmem>>) attributes {dimension_semantics = [#tpu.dimension_semantics<arbitrary>], iteration_bounds = array<i64: 16>, scalar_prefetch = 0 : i64, scratch_operands = 0 : i64, tpu.core_type = #tpu.core_type<tc>, window_params = [{transform_indices = @transform_0, window_bounds = array<i64: 12, 800, 128>}, {transform_indices = @transform_1, window_bounds = array<i64: 800, 128>}, {transform_indices = @transform_2, window_bounds = array<i64: 800, 128>}, {transform_indices = @transform_3, window_bounds = array<i64: 800, 12>}, {transform_indices = @transform_4, window_bounds = array<i64: 16, 50>}, {pipeline_mode = #tpu.pipeline_mode<synchronous>, transform_indices = @transform_5, window_bounds = array<i64: 16, 800>}, {pipeline_mode = #tpu.pipeline_mode<synchronous>, transform_indices = @transform_6, window_bounds = array<i64: 800, 16>}, {pipeline_mode = #tpu.pipeline_mode<synchronous>, transform_indices = @transform_7, window_bounds = array<i64: 128, 128>}, {pipeline_mode = #tpu.pipeline_mode<synchronous>, transform_indices = @transform_8, window_bounds = array<i64: 1, 128>}, {pipeline_mode = #tpu.pipeline_mode<synchronous>, transform_indices = @transform_9, window_bounds = array<i64: 128, 1>}, {pipeline_mode = #tpu.pipeline_mode<synchronous>, transform_indices = @transform_10, window_bounds = array<i64: 128, 128>}, {pipeline_mode = #tpu.pipeline_mode<synchronous>, transform_indices = @transform_11, window_bounds = array<i64: 128, 128>}, {transform_indices = @transform_12, window_bounds = array<i64: 800, 128>}]} {
    %get3A = arith.constant 0 : index
    %get3A_0 = arith.constant 0 : index
    %get3A_1 = vector.load %arg5[%get3A, %get3A_0] : memref<16x50xf32, #tpu.memory_space<vmem>>, vector<16x50xf32>
    %concatenate3A = tpu.concatenate %get3A_1, %get3A_1, %get3A_1, %get3A_1, %get3A_1, %get3A_1, %get3A_1, %get3A_1, %get3A_1, %get3A_1, %get3A_1, %get3A_1, %get3A_1, %get3A_1, %get3A_1, %get3A_1 in 1 : vector<16x50xf32>, vector<16x50xf32>, vector<16x50xf32>, vector<16x50xf32>, vector<16x50xf32>, vector<16x50xf32>, vector<16x50xf32>, vector<16x50xf32>, vector<16x50xf32>, vector<16x50xf32>, vector<16x50xf32>, vector<16x50xf32>, vector<16x50xf32>, vector<16x50xf32>, vector<16x50xf32>, vector<16x50xf32> -> vector<16x800xf32>
    %get3A_2 = arith.constant 0 : index
    %get3A_3 = arith.constant 0 : index
    %get3A_4 = vector.load %arg6[%get3A_2, %get3A_3] : memref<16x800xf32, #tpu.memory_space<vmem>>, vector<16x800xf32>
    %mul3A = arith.mulf %get3A_4, %concatenate3A : vector<16x800xf32>
    %get3A_5 = arith.constant 0 : index
    %get3A_6 = arith.constant 0 : index
    %get3A_7 = vector.load %arg3[%get3A_5, %get3A_6] : memref<800x128xf32, #tpu.memory_space<vmem>>, vector<800x128xf32>
    %dot_general3A = arith.constant dense<0.000000e+00> : vector<16x128xf32>
    %dot_general3A_8 = tpu.matmul %mul3A, %get3A_7, %dot_general3A {dimension_numbers = #tpu.dot_dimension_numbers<[1], [0], [0], [1], [0, 0, 1, 1], [], []>, transpose_lhs_hint = false} : vector<16x800xf32>, vector<800x128xf32>, vector<16x128xf32> -> vector<16x128xf32>
    %reduce_sum3A = arith.constant dense<0.000000e+00> : vector<16xf32>
    %reduce_sum3A_9 = vector.multi_reduction <add>, %get3A_1, %reduce_sum3A [1] : vector<16x50xf32> to vector<16xf32>
    %broadcast_in_dim3A = vector.shape_cast %reduce_sum3A_9 : vector<16xf32> to vector<16x1xf32>
    %div3A = vector.broadcast %broadcast_in_dim3A : vector<16x1xf32> to vector<16x128xf32>
    %div3A_10 = arith.divf %dot_general3A_8, %div3A : vector<16x128xf32>
    %get3A_11 = arith.constant 0 : index
    %get3A_12 = arith.constant 0 : index
    %get3A_13 = vector.load %arg7[%get3A_11, %get3A_12] : memref<800x16xf32, #tpu.memory_space<vmem>>, vector<800x16xf32>
    %dot_general3A_14 = arith.constant dense<0.000000e+00> : vector<800x128xf32>
    %dot_general3A_15 = tpu.matmul %get3A_13, %div3A_10, %dot_general3A_14 {dimension_numbers = #tpu.dot_dimension_numbers<[1], [0], [0], [1], [0, 0, 1, 1], [], []>, transpose_lhs_hint = false} : vector<800x16xf32>, vector<16x128xf32>, vector<800x128xf32> -> vector<800x128xf32>
    %get3A_16 = arith.constant 0 : index
    %get3A_17 = arith.constant 0 : index
    %get3A_18 = arith.constant 0 : index
    %get3A_19 = vector.load %arg1[%get3A_16, %get3A_17, %get3A_18] : memref<12x800x128xf32, #tpu.memory_space<vmem>>, vector<12x800x128xf32>
    %broadcast_in_dim3A_20 = vector.shape_cast %dot_general3A_15 : vector<800x128xf32> to vector<1x800x128xf32>
    %mul3A_21 = vector.broadcast %broadcast_in_dim3A_20 : vector<1x800x128xf32> to vector<12x800x128xf32>
    %mul3A_22 = arith.mulf %get3A_19, %mul3A_21 : vector<12x800x128xf32>
    %reshape3A = vector.shape_cast %mul3A_22 : vector<12x800x128xf32> to vector<9600x128xf32>
    %get3A_23 = arith.constant 0 : index
    %get3A_24 = arith.constant 0 : index
    %get3A_25 = vector.load %arg8[%get3A_23, %get3A_24] : memref<128x128xf32, #tpu.memory_space<vmem>>, vector<128x128xf32>
    %dot_general3A_26 = arith.constant dense<0.000000e+00> : vector<9600x128xf32>
    %dot_general3A_27 = tpu.matmul %reshape3A, %get3A_25, %dot_general3A_26 {dimension_numbers = #tpu.dot_dimension_numbers<[1], [0], [0], [1], [0, 0, 1, 1], [], []>, transpose_lhs_hint = false} : vector<9600x128xf32>, vector<128x128xf32>, vector<9600x128xf32> -> vector<9600x128xf32>
    %get3A_28 = arith.constant 0 : index
    %get3A_29 = arith.constant 0 : index
    %get3A_30 = vector.load %arg4[%get3A_28, %get3A_29] : memref<800x12xf32, #tpu.memory_space<vmem>>, vector<800x12xf32>
    %get3A_31 = arith.constant 0 : index
    %get3A_32 = arith.constant 0 : index
    %get3A_33 = vector.load %arg9[%get3A_31, %get3A_32] : memref<1x128xf32, #tpu.memory_space<vmem>>, vector<1x128xf32>
    %slice3A = vector.extract_strided_slice %dot_general3A_27 {offsets = [0, 0], sizes = [800, 128], strides = [1, 1]} : vector<9600x128xf32> to vector<800x128xf32>
    %slice3A_34 = vector.extract_strided_slice %get3A_30 {offsets = [0, 0], sizes = [800, 1], strides = [1, 1]} : vector<800x12xf32> to vector<800x1xf32>
    %mul3A_35 = vector.broadcast %slice3A_34 : vector<800x1xf32> to vector<800x128xf32>
    %mul3A_36 = vector.broadcast %get3A_33 : vector<1x128xf32> to vector<800x128xf32>
    %mul3A_37 = arith.mulf %mul3A_35, %mul3A_36 : vector<800x128xf32>
    %add3A = arith.addf %slice3A, %mul3A_37 : vector<800x128xf32>
    %ge3A = arith.constant 0.000000e+00 : f32
    %ge3A_38 = vector.broadcast %ge3A : f32 to vector<800x128xf32>
    %ge3A_39 = arith.cmpf oge, %add3A, %ge3A_38 : vector<800x128xf32>
    %mul3A_40 = arith.constant 2.000000e-01 : f32
    %mul3A_41 = vector.broadcast %mul3A_40 : f32 to vector<800x128xf32>
    %mul3A_42 = arith.mulf %mul3A_41, %add3A : vector<800x128xf32>
    %select_n3A = arith.select %ge3A_39, %add3A, %mul3A_42 : vector<800x128xi1>, vector<800x128xf32>
    %slice3A_43 = vector.extract_strided_slice %dot_general3A_27 {offsets = [800, 0], sizes = [800, 128], strides = [1, 1]} : vector<9600x128xf32> to vector<800x128xf32>
    %slice3A_44 = vector.extract_strided_slice %get3A_30 {offsets = [0, 1], sizes = [800, 1], strides = [1, 1]} : vector<800x12xf32> to vector<800x1xf32>
    %mul3A_45 = vector.broadcast %slice3A_44 : vector<800x1xf32> to vector<800x128xf32>
    %mul3A_46 = vector.broadcast %get3A_33 : vector<1x128xf32> to vector<800x128xf32>
    %mul3A_47 = arith.mulf %mul3A_45, %mul3A_46 : vector<800x128xf32>
    %add3A_48 = arith.addf %slice3A_43, %mul3A_47 : vector<800x128xf32>
    %ge3A_49 = arith.constant 0.000000e+00 : f32
    %ge3A_50 = vector.broadcast %ge3A_49 : f32 to vector<800x128xf32>
    %ge3A_51 = arith.cmpf oge, %add3A_48, %ge3A_50 : vector<800x128xf32>
    %mul3A_52 = arith.constant 2.000000e-01 : f32
    %mul3A_53 = vector.broadcast %mul3A_52 : f32 to vector<800x128xf32>
    %mul3A_54 = arith.mulf %mul3A_53, %add3A_48 : vector<800x128xf32>
    %select_n3A_55 = arith.select %ge3A_51, %add3A_48, %mul3A_54 : vector<800x128xi1>, vector<800x128xf32>
    %slice3A_56 = vector.extract_strided_slice %dot_general3A_27 {offsets = [1600, 0], sizes = [800, 128], strides = [1, 1]} : vector<9600x128xf32> to vector<800x128xf32>
    %slice3A_57 = vector.extract_strided_slice %get3A_30 {offsets = [0, 2], sizes = [800, 1], strides = [1, 1]} : vector<800x12xf32> to vector<800x1xf32>
    %mul3A_58 = vector.broadcast %slice3A_57 : vector<800x1xf32> to vector<800x128xf32>
    %mul3A_59 = vector.broadcast %get3A_33 : vector<1x128xf32> to vector<800x128xf32>
    %mul3A_60 = arith.mulf %mul3A_58, %mul3A_59 : vector<800x128xf32>
    %add3A_61 = arith.addf %slice3A_56, %mul3A_60 : vector<800x128xf32>
    %ge3A_62 = arith.constant 0.000000e+00 : f32
    %ge3A_63 = vector.broadcast %ge3A_62 : f32 to vector<800x128xf32>
    %ge3A_64 = arith.cmpf oge, %add3A_61, %ge3A_63 : vector<800x128xf32>
    %mul3A_65 = arith.constant 2.000000e-01 : f32
    %mul3A_66 = vector.broadcast %mul3A_65 : f32 to vector<800x128xf32>
    %mul3A_67 = arith.mulf %mul3A_66, %add3A_61 : vector<800x128xf32>
    %select_n3A_68 = arith.select %ge3A_64, %add3A_61, %mul3A_67 : vector<800x128xi1>, vector<800x128xf32>
    %slice3A_69 = vector.extract_strided_slice %dot_general3A_27 {offsets = [2400, 0], sizes = [800, 128], strides = [1, 1]} : vector<9600x128xf32> to vector<800x128xf32>
    %slice3A_70 = vector.extract_strided_slice %get3A_30 {offsets = [0, 3], sizes = [800, 1], strides = [1, 1]} : vector<800x12xf32> to vector<800x1xf32>
    %mul3A_71 = vector.broadcast %slice3A_70 : vector<800x1xf32> to vector<800x128xf32>
    %mul3A_72 = vector.broadcast %get3A_33 : vector<1x128xf32> to vector<800x128xf32>
    %mul3A_73 = arith.mulf %mul3A_71, %mul3A_72 : vector<800x128xf32>
    %add3A_74 = arith.addf %slice3A_69, %mul3A_73 : vector<800x128xf32>
    %ge3A_75 = arith.constant 0.000000e+00 : f32
    %ge3A_76 = vector.broadcast %ge3A_75 : f32 to vector<800x128xf32>
    %ge3A_77 = arith.cmpf oge, %add3A_74, %ge3A_76 : vector<800x128xf32>
    %mul3A_78 = arith.constant 2.000000e-01 : f32
    %mul3A_79 = vector.broadcast %mul3A_78 : f32 to vector<800x128xf32>
    %mul3A_80 = arith.mulf %mul3A_79, %add3A_74 : vector<800x128xf32>
    %select_n3A_81 = arith.select %ge3A_77, %add3A_74, %mul3A_80 : vector<800x128xi1>, vector<800x128xf32>
    %slice3A_82 = vector.extract_strided_slice %dot_general3A_27 {offsets = [3200, 0], sizes = [800, 128], strides = [1, 1]} : vector<9600x128xf32> to vector<800x128xf32>
    %slice3A_83 = vector.extract_strided_slice %get3A_30 {offsets = [0, 4], sizes = [800, 1], strides = [1, 1]} : vector<800x12xf32> to vector<800x1xf32>
    %mul3A_84 = vector.broadcast %slice3A_83 : vector<800x1xf32> to vector<800x128xf32>
    %mul3A_85 = vector.broadcast %get3A_33 : vector<1x128xf32> to vector<800x128xf32>
    %mul3A_86 = arith.mulf %mul3A_84, %mul3A_85 : vector<800x128xf32>
    %add3A_87 = arith.addf %slice3A_82, %mul3A_86 : vector<800x128xf32>
    %ge3A_88 = arith.constant 0.000000e+00 : f32
    %ge3A_89 = vector.broadcast %ge3A_88 : f32 to vector<800x128xf32>
    %ge3A_90 = arith.cmpf oge, %add3A_87, %ge3A_89 : vector<800x128xf32>
    %mul3A_91 = arith.constant 2.000000e-01 : f32
    %mul3A_92 = vector.broadcast %mul3A_91 : f32 to vector<800x128xf32>
    %mul3A_93 = arith.mulf %mul3A_92, %add3A_87 : vector<800x128xf32>
    %select_n3A_94 = arith.select %ge3A_90, %add3A_87, %mul3A_93 : vector<800x128xi1>, vector<800x128xf32>
    %slice3A_95 = vector.extract_strided_slice %dot_general3A_27 {offsets = [4000, 0], sizes = [800, 128], strides = [1, 1]} : vector<9600x128xf32> to vector<800x128xf32>
    %slice3A_96 = vector.extract_strided_slice %get3A_30 {offsets = [0, 5], sizes = [800, 1], strides = [1, 1]} : vector<800x12xf32> to vector<800x1xf32>
    %mul3A_97 = vector.broadcast %slice3A_96 : vector<800x1xf32> to vector<800x128xf32>
    %mul3A_98 = vector.broadcast %get3A_33 : vector<1x128xf32> to vector<800x128xf32>
    %mul3A_99 = arith.mulf %mul3A_97, %mul3A_98 : vector<800x128xf32>
    %add3A_100 = arith.addf %slice3A_95, %mul3A_99 : vector<800x128xf32>
    %ge3A_101 = arith.constant 0.000000e+00 : f32
    %ge3A_102 = vector.broadcast %ge3A_101 : f32 to vector<800x128xf32>
    %ge3A_103 = arith.cmpf oge, %add3A_100, %ge3A_102 : vector<800x128xf32>
    %mul3A_104 = arith.constant 2.000000e-01 : f32
    %mul3A_105 = vector.broadcast %mul3A_104 : f32 to vector<800x128xf32>
    %mul3A_106 = arith.mulf %mul3A_105, %add3A_100 : vector<800x128xf32>
    %select_n3A_107 = arith.select %ge3A_103, %add3A_100, %mul3A_106 : vector<800x128xi1>, vector<800x128xf32>
    %slice3A_108 = vector.extract_strided_slice %dot_general3A_27 {offsets = [4800, 0], sizes = [800, 128], strides = [1, 1]} : vector<9600x128xf32> to vector<800x128xf32>
    %slice3A_109 = vector.extract_strided_slice %get3A_30 {offsets = [0, 6], sizes = [800, 1], strides = [1, 1]} : vector<800x12xf32> to vector<800x1xf32>
    %mul3A_110 = vector.broadcast %slice3A_109 : vector<800x1xf32> to vector<800x128xf32>
    %mul3A_111 = vector.broadcast %get3A_33 : vector<1x128xf32> to vector<800x128xf32>
    %mul3A_112 = arith.mulf %mul3A_110, %mul3A_111 : vector<800x128xf32>
    %add3A_113 = arith.addf %slice3A_108, %mul3A_112 : vector<800x128xf32>
    %ge3A_114 = arith.constant 0.000000e+00 : f32
    %ge3A_115 = vector.broadcast %ge3A_114 : f32 to vector<800x128xf32>
    %ge3A_116 = arith.cmpf oge, %add3A_113, %ge3A_115 : vector<800x128xf32>
    %mul3A_117 = arith.constant 2.000000e-01 : f32
    %mul3A_118 = vector.broadcast %mul3A_117 : f32 to vector<800x128xf32>
    %mul3A_119 = arith.mulf %mul3A_118, %add3A_113 : vector<800x128xf32>
    %select_n3A_120 = arith.select %ge3A_116, %add3A_113, %mul3A_119 : vector<800x128xi1>, vector<800x128xf32>
    %slice3A_121 = vector.extract_strided_slice %dot_general3A_27 {offsets = [5600, 0], sizes = [800, 128], strides = [1, 1]} : vector<9600x128xf32> to vector<800x128xf32>
    %slice3A_122 = vector.extract_strided_slice %get3A_30 {offsets = [0, 7], sizes = [800, 1], strides = [1, 1]} : vector<800x12xf32> to vector<800x1xf32>
    %mul3A_123 = vector.broadcast %slice3A_122 : vector<800x1xf32> to vector<800x128xf32>
    %mul3A_124 = vector.broadcast %get3A_33 : vector<1x128xf32> to vector<800x128xf32>
    %mul3A_125 = arith.mulf %mul3A_123, %mul3A_124 : vector<800x128xf32>
    %add3A_126 = arith.addf %slice3A_121, %mul3A_125 : vector<800x128xf32>
    %ge3A_127 = arith.constant 0.000000e+00 : f32
    %ge3A_128 = vector.broadcast %ge3A_127 : f32 to vector<800x128xf32>
    %ge3A_129 = arith.cmpf oge, %add3A_126, %ge3A_128 : vector<800x128xf32>
    %mul3A_130 = arith.constant 2.000000e-01 : f32
    %mul3A_131 = vector.broadcast %mul3A_130 : f32 to vector<800x128xf32>
    %mul3A_132 = arith.mulf %mul3A_131, %add3A_126 : vector<800x128xf32>
    %select_n3A_133 = arith.select %ge3A_129, %add3A_126, %mul3A_132 : vector<800x128xi1>, vector<800x128xf32>
    %slice3A_134 = vector.extract_strided_slice %dot_general3A_27 {offsets = [6400, 0], sizes = [800, 128], strides = [1, 1]} : vector<9600x128xf32> to vector<800x128xf32>
    %slice3A_135 = vector.extract_strided_slice %get3A_30 {offsets = [0, 8], sizes = [800, 1], strides = [1, 1]} : vector<800x12xf32> to vector<800x1xf32>
    %mul3A_136 = vector.broadcast %slice3A_135 : vector<800x1xf32> to vector<800x128xf32>
    %mul3A_137 = vector.broadcast %get3A_33 : vector<1x128xf32> to vector<800x128xf32>
    %mul3A_138 = arith.mulf %mul3A_136, %mul3A_137 : vector<800x128xf32>
    %add3A_139 = arith.addf %slice3A_134, %mul3A_138 : vector<800x128xf32>
    %ge3A_140 = arith.constant 0.000000e+00 : f32
    %ge3A_141 = vector.broadcast %ge3A_140 : f32 to vector<800x128xf32>
    %ge3A_142 = arith.cmpf oge, %add3A_139, %ge3A_141 : vector<800x128xf32>
    %mul3A_143 = arith.constant 2.000000e-01 : f32
    %mul3A_144 = vector.broadcast %mul3A_143 : f32 to vector<800x128xf32>
    %mul3A_145 = arith.mulf %mul3A_144, %add3A_139 : vector<800x128xf32>
    %select_n3A_146 = arith.select %ge3A_142, %add3A_139, %mul3A_145 : vector<800x128xi1>, vector<800x128xf32>
    %slice3A_147 = vector.extract_strided_slice %dot_general3A_27 {offsets = [7200, 0], sizes = [800, 128], strides = [1, 1]} : vector<9600x128xf32> to vector<800x128xf32>
    %slice3A_148 = vector.extract_strided_slice %get3A_30 {offsets = [0, 9], sizes = [800, 1], strides = [1, 1]} : vector<800x12xf32> to vector<800x1xf32>
    %mul3A_149 = vector.broadcast %slice3A_148 : vector<800x1xf32> to vector<800x128xf32>
    %mul3A_150 = vector.broadcast %get3A_33 : vector<1x128xf32> to vector<800x128xf32>
    %mul3A_151 = arith.mulf %mul3A_149, %mul3A_150 : vector<800x128xf32>
    %add3A_152 = arith.addf %slice3A_147, %mul3A_151 : vector<800x128xf32>
    %ge3A_153 = arith.constant 0.000000e+00 : f32
    %ge3A_154 = vector.broadcast %ge3A_153 : f32 to vector<800x128xf32>
    %ge3A_155 = arith.cmpf oge, %add3A_152, %ge3A_154 : vector<800x128xf32>
    %mul3A_156 = arith.constant 2.000000e-01 : f32
    %mul3A_157 = vector.broadcast %mul3A_156 : f32 to vector<800x128xf32>
    %mul3A_158 = arith.mulf %mul3A_157, %add3A_152 : vector<800x128xf32>
    %select_n3A_159 = arith.select %ge3A_155, %add3A_152, %mul3A_158 : vector<800x128xi1>, vector<800x128xf32>
    %slice3A_160 = vector.extract_strided_slice %dot_general3A_27 {offsets = [8000, 0], sizes = [800, 128], strides = [1, 1]} : vector<9600x128xf32> to vector<800x128xf32>
    %slice3A_161 = vector.extract_strided_slice %get3A_30 {offsets = [0, 10], sizes = [800, 1], strides = [1, 1]} : vector<800x12xf32> to vector<800x1xf32>
    %mul3A_162 = vector.broadcast %slice3A_161 : vector<800x1xf32> to vector<800x128xf32>
    %mul3A_163 = vector.broadcast %get3A_33 : vector<1x128xf32> to vector<800x128xf32>
    %mul3A_164 = arith.mulf %mul3A_162, %mul3A_163 : vector<800x128xf32>
    %add3A_165 = arith.addf %slice3A_160, %mul3A_164 : vector<800x128xf32>
    %ge3A_166 = arith.constant 0.000000e+00 : f32
    %ge3A_167 = vector.broadcast %ge3A_166 : f32 to vector<800x128xf32>
    %ge3A_168 = arith.cmpf oge, %add3A_165, %ge3A_167 : vector<800x128xf32>
    %mul3A_169 = arith.constant 2.000000e-01 : f32
    %mul3A_170 = vector.broadcast %mul3A_169 : f32 to vector<800x128xf32>
    %mul3A_171 = arith.mulf %mul3A_170, %add3A_165 : vector<800x128xf32>
    %select_n3A_172 = arith.select %ge3A_168, %add3A_165, %mul3A_171 : vector<800x128xi1>, vector<800x128xf32>
    %slice3A_173 = vector.extract_strided_slice %dot_general3A_27 {offsets = [8800, 0], sizes = [800, 128], strides = [1, 1]} : vector<9600x128xf32> to vector<800x128xf32>
    %slice3A_174 = vector.extract_strided_slice %get3A_30 {offsets = [0, 11], sizes = [800, 1], strides = [1, 1]} : vector<800x12xf32> to vector<800x1xf32>
    %mul3A_175 = vector.broadcast %slice3A_174 : vector<800x1xf32> to vector<800x128xf32>
    %mul3A_176 = vector.broadcast %get3A_33 : vector<1x128xf32> to vector<800x128xf32>
    %mul3A_177 = arith.mulf %mul3A_175, %mul3A_176 : vector<800x128xf32>
    %add3A_178 = arith.addf %slice3A_173, %mul3A_177 : vector<800x128xf32>
    %ge3A_179 = arith.constant 0.000000e+00 : f32
    %ge3A_180 = vector.broadcast %ge3A_179 : f32 to vector<800x128xf32>
    %ge3A_181 = arith.cmpf oge, %add3A_178, %ge3A_180 : vector<800x128xf32>
    %mul3A_182 = arith.constant 2.000000e-01 : f32
    %mul3A_183 = vector.broadcast %mul3A_182 : f32 to vector<800x128xf32>
    %mul3A_184 = arith.mulf %mul3A_183, %add3A_178 : vector<800x128xf32>
    %select_n3A_185 = arith.select %ge3A_181, %add3A_178, %mul3A_184 : vector<800x128xi1>, vector<800x128xf32>
    %concatenate3A_186 = tpu.concatenate %select_n3A, %select_n3A_55, %select_n3A_68, %select_n3A_81, %select_n3A_94, %select_n3A_107, %select_n3A_120, %select_n3A_133, %select_n3A_146, %select_n3A_159, %select_n3A_172, %select_n3A_185 in 0 : vector<800x128xf32>, vector<800x128xf32>, vector<800x128xf32>, vector<800x128xf32>, vector<800x128xf32>, vector<800x128xf32>, vector<800x128xf32>, vector<800x128xf32>, vector<800x128xf32>, vector<800x128xf32>, vector<800x128xf32>, vector<800x128xf32> -> vector<9600x128xf32>
    %get3A_187 = arith.constant 0 : index
    %get3A_188 = arith.constant 0 : index
    %get3A_189 = vector.load %arg10[%get3A_187, %get3A_188] : memref<128x1xf32, #tpu.memory_space<vmem>>, vector<128x1xf32>
    %dot_general3A_190 = arith.constant dense<0.000000e+00> : vector<9600x1xf32>
    %dot_general3A_191 = tpu.matmul %concatenate3A_186, %get3A_189, %dot_general3A_190 {dimension_numbers = #tpu.dot_dimension_numbers<[1], [0], [0], [1], [0, 0, 1, 1], [], []>, transpose_lhs_hint = false} : vector<9600x128xf32>, vector<128x1xf32>, vector<9600x1xf32> -> vector<9600x1xf32>
    %slice3A_192 = vector.extract_strided_slice %dot_general3A_191 {offsets = [0, 0], sizes = [800, 1], strides = [1, 1]} : vector<9600x1xf32> to vector<800x1xf32>
    %slice3A_193 = vector.extract_strided_slice %dot_general3A_191 {offsets = [800, 0], sizes = [800, 1], strides = [1, 1]} : vector<9600x1xf32> to vector<800x1xf32>
    %slice3A_194 = vector.extract_strided_slice %dot_general3A_191 {offsets = [1600, 0], sizes = [800, 1], strides = [1, 1]} : vector<9600x1xf32> to vector<800x1xf32>
    %slice3A_195 = vector.extract_strided_slice %dot_general3A_191 {offsets = [2400, 0], sizes = [800, 1], strides = [1, 1]} : vector<9600x1xf32> to vector<800x1xf32>
    %slice3A_196 = vector.extract_strided_slice %dot_general3A_191 {offsets = [3200, 0], sizes = [800, 1], strides = [1, 1]} : vector<9600x1xf32> to vector<800x1xf32>
    %slice3A_197 = vector.extract_strided_slice %dot_general3A_191 {offsets = [4000, 0], sizes = [800, 1], strides = [1, 1]} : vector<9600x1xf32> to vector<800x1xf32>
    %slice3A_198 = vector.extract_strided_slice %dot_general3A_191 {offsets = [4800, 0], sizes = [800, 1], strides = [1, 1]} : vector<9600x1xf32> to vector<800x1xf32>
    %slice3A_199 = vector.extract_strided_slice %dot_general3A_191 {offsets = [5600, 0], sizes = [800, 1], strides = [1, 1]} : vector<9600x1xf32> to vector<800x1xf32>
    %slice3A_200 = vector.extract_strided_slice %dot_general3A_191 {offsets = [6400, 0], sizes = [800, 1], strides = [1, 1]} : vector<9600x1xf32> to vector<800x1xf32>
    %slice3A_201 = vector.extract_strided_slice %dot_general3A_191 {offsets = [7200, 0], sizes = [800, 1], strides = [1, 1]} : vector<9600x1xf32> to vector<800x1xf32>
    %slice3A_202 = vector.extract_strided_slice %dot_general3A_191 {offsets = [8000, 0], sizes = [800, 1], strides = [1, 1]} : vector<9600x1xf32> to vector<800x1xf32>
    %slice3A_203 = vector.extract_strided_slice %dot_general3A_191 {offsets = [8800, 0], sizes = [800, 1], strides = [1, 1]} : vector<9600x1xf32> to vector<800x1xf32>
    %max3A = arith.maximumf %slice3A_192, %slice3A_193 : vector<800x1xf32>
    %max3A_204 = arith.maximumf %max3A, %slice3A_194 : vector<800x1xf32>
    %max3A_205 = arith.maximumf %max3A_204, %slice3A_195 : vector<800x1xf32>
    %max3A_206 = arith.maximumf %max3A_205, %slice3A_196 : vector<800x1xf32>
    %max3A_207 = arith.maximumf %max3A_206, %slice3A_197 : vector<800x1xf32>
    %max3A_208 = arith.maximumf %max3A_207, %slice3A_198 : vector<800x1xf32>
    %max3A_209 = arith.maximumf %max3A_208, %slice3A_199 : vector<800x1xf32>
    %max3A_210 = arith.maximumf %max3A_209, %slice3A_200 : vector<800x1xf32>
    %max3A_211 = arith.maximumf %max3A_210, %slice3A_201 : vector<800x1xf32>
    %max3A_212 = arith.maximumf %max3A_211, %slice3A_202 : vector<800x1xf32>
    %max3A_213 = arith.maximumf %max3A_212, %slice3A_203 : vector<800x1xf32>
    %sub3A = arith.subf %slice3A_192, %max3A_213 : vector<800x1xf32>
    %exp3A = math.exp %sub3A : vector<800x1xf32>
    %sub3A_214 = arith.subf %slice3A_193, %max3A_213 : vector<800x1xf32>
    %exp3A_215 = math.exp %sub3A_214 : vector<800x1xf32>
    %sub3A_216 = arith.subf %slice3A_194, %max3A_213 : vector<800x1xf32>
    %exp3A_217 = math.exp %sub3A_216 : vector<800x1xf32>
    %sub3A_218 = arith.subf %slice3A_195, %max3A_213 : vector<800x1xf32>
    %exp3A_219 = math.exp %sub3A_218 : vector<800x1xf32>
    %sub3A_220 = arith.subf %slice3A_196, %max3A_213 : vector<800x1xf32>
    %exp3A_221 = math.exp %sub3A_220 : vector<800x1xf32>
    %sub3A_222 = arith.subf %slice3A_197, %max3A_213 : vector<800x1xf32>
    %exp3A_223 = math.exp %sub3A_222 : vector<800x1xf32>
    %sub3A_224 = arith.subf %slice3A_198, %max3A_213 : vector<800x1xf32>
    %exp3A_225 = math.exp %sub3A_224 : vector<800x1xf32>
    %sub3A_226 = arith.subf %slice3A_199, %max3A_213 : vector<800x1xf32>
    %exp3A_227 = math.exp %sub3A_226 : vector<800x1xf32>
    %sub3A_228 = arith.subf %slice3A_200, %max3A_213 : vector<800x1xf32>
    %exp3A_229 = math.exp %sub3A_228 : vector<800x1xf32>
    %sub3A_230 = arith.subf %slice3A_201, %max3A_213 : vector<800x1xf32>
    %exp3A_231 = math.exp %sub3A_230 : vector<800x1xf32>
    %sub3A_232 = arith.subf %slice3A_202, %max3A_213 : vector<800x1xf32>
    %exp3A_233 = math.exp %sub3A_232 : vector<800x1xf32>
    %sub3A_234 = arith.subf %slice3A_203, %max3A_213 : vector<800x1xf32>
    %exp3A_235 = math.exp %sub3A_234 : vector<800x1xf32>
    %add3A_236 = arith.addf %exp3A, %exp3A_215 : vector<800x1xf32>
    %add3A_237 = arith.addf %add3A_236, %exp3A_217 : vector<800x1xf32>
    %add3A_238 = arith.addf %add3A_237, %exp3A_219 : vector<800x1xf32>
    %add3A_239 = arith.addf %add3A_238, %exp3A_221 : vector<800x1xf32>
    %add3A_240 = arith.addf %add3A_239, %exp3A_223 : vector<800x1xf32>
    %add3A_241 = arith.addf %add3A_240, %exp3A_225 : vector<800x1xf32>
    %add3A_242 = arith.addf %add3A_241, %exp3A_227 : vector<800x1xf32>
    %add3A_243 = arith.addf %add3A_242, %exp3A_229 : vector<800x1xf32>
    %add3A_244 = arith.addf %add3A_243, %exp3A_231 : vector<800x1xf32>
    %add3A_245 = arith.addf %add3A_244, %exp3A_233 : vector<800x1xf32>
    %add3A_246 = arith.addf %add3A_245, %exp3A_235 : vector<800x1xf32>
    %div3A_247 = arith.constant 1.000000e+00 : f32
    %div3A_248 = vector.broadcast %div3A_247 : f32 to vector<800x1xf32>
    %div3A_249 = arith.divf %div3A_248, %add3A_246 : vector<800x1xf32>
    %mul3A_250 = arith.mulf %exp3A, %div3A_249 : vector<800x1xf32>
    %get3A_251 = arith.constant 0 : index
    %get3A_252 = arith.constant 0 : index
    %get3A_253 = arith.constant 0 : index
    %get3A_254 = vector.load %arg1[%get3A_251, %get3A_252, %get3A_253] : memref<12x800x128xf32, #tpu.memory_space<vmem>>, vector<1x800x128xf32>
    %get3A_255 = vector.shape_cast %get3A_254 : vector<1x800x128xf32> to vector<800x128xf32>
    %mul3A_256 = vector.broadcast %mul3A_250 : vector<800x1xf32> to vector<800x128xf32>
    %mul3A_257 = arith.mulf %mul3A_256, %get3A_255 : vector<800x128xf32>
    %mul3A_258 = arith.mulf %exp3A_215, %div3A_249 : vector<800x1xf32>
    %get3A_259 = arith.constant 1 : index
    %get3A_260 = arith.constant 0 : index
    %get3A_261 = arith.constant 0 : index
    %get3A_262 = vector.load %arg1[%get3A_259, %get3A_260, %get3A_261] : memref<12x800x128xf32, #tpu.memory_space<vmem>>, vector<1x800x128xf32>
    %get3A_263 = vector.shape_cast %get3A_262 : vector<1x800x128xf32> to vector<800x128xf32>
    %mul3A_264 = vector.broadcast %mul3A_258 : vector<800x1xf32> to vector<800x128xf32>
    %mul3A_265 = arith.mulf %mul3A_264, %get3A_263 : vector<800x128xf32>
    %add3A_266 = arith.addf %mul3A_257, %mul3A_265 : vector<800x128xf32>
    %mul3A_267 = arith.mulf %exp3A_217, %div3A_249 : vector<800x1xf32>
    %get3A_268 = arith.constant 2 : index
    %get3A_269 = arith.constant 0 : index
    %get3A_270 = arith.constant 0 : index
    %get3A_271 = vector.load %arg1[%get3A_268, %get3A_269, %get3A_270] : memref<12x800x128xf32, #tpu.memory_space<vmem>>, vector<1x800x128xf32>
    %get3A_272 = vector.shape_cast %get3A_271 : vector<1x800x128xf32> to vector<800x128xf32>
    %mul3A_273 = vector.broadcast %mul3A_267 : vector<800x1xf32> to vector<800x128xf32>
    %mul3A_274 = arith.mulf %mul3A_273, %get3A_272 : vector<800x128xf32>
    %add3A_275 = arith.addf %add3A_266, %mul3A_274 : vector<800x128xf32>
    %mul3A_276 = arith.mulf %exp3A_219, %div3A_249 : vector<800x1xf32>
    %get3A_277 = arith.constant 3 : index
    %get3A_278 = arith.constant 0 : index
    %get3A_279 = arith.constant 0 : index
    %get3A_280 = vector.load %arg1[%get3A_277, %get3A_278, %get3A_279] : memref<12x800x128xf32, #tpu.memory_space<vmem>>, vector<1x800x128xf32>
    %get3A_281 = vector.shape_cast %get3A_280 : vector<1x800x128xf32> to vector<800x128xf32>
    %mul3A_282 = vector.broadcast %mul3A_276 : vector<800x1xf32> to vector<800x128xf32>
    %mul3A_283 = arith.mulf %mul3A_282, %get3A_281 : vector<800x128xf32>
    %add3A_284 = arith.addf %add3A_275, %mul3A_283 : vector<800x128xf32>
    %mul3A_285 = arith.mulf %exp3A_221, %div3A_249 : vector<800x1xf32>
    %get3A_286 = arith.constant 4 : index
    %get3A_287 = arith.constant 0 : index
    %get3A_288 = arith.constant 0 : index
    %get3A_289 = vector.load %arg1[%get3A_286, %get3A_287, %get3A_288] : memref<12x800x128xf32, #tpu.memory_space<vmem>>, vector<1x800x128xf32>
    %get3A_290 = vector.shape_cast %get3A_289 : vector<1x800x128xf32> to vector<800x128xf32>
    %mul3A_291 = vector.broadcast %mul3A_285 : vector<800x1xf32> to vector<800x128xf32>
    %mul3A_292 = arith.mulf %mul3A_291, %get3A_290 : vector<800x128xf32>
    %add3A_293 = arith.addf %add3A_284, %mul3A_292 : vector<800x128xf32>
    %mul3A_294 = arith.mulf %exp3A_223, %div3A_249 : vector<800x1xf32>
    %get3A_295 = arith.constant 5 : index
    %get3A_296 = arith.constant 0 : index
    %get3A_297 = arith.constant 0 : index
    %get3A_298 = vector.load %arg1[%get3A_295, %get3A_296, %get3A_297] : memref<12x800x128xf32, #tpu.memory_space<vmem>>, vector<1x800x128xf32>
    %get3A_299 = vector.shape_cast %get3A_298 : vector<1x800x128xf32> to vector<800x128xf32>
    %mul3A_300 = vector.broadcast %mul3A_294 : vector<800x1xf32> to vector<800x128xf32>
    %mul3A_301 = arith.mulf %mul3A_300, %get3A_299 : vector<800x128xf32>
    %add3A_302 = arith.addf %add3A_293, %mul3A_301 : vector<800x128xf32>
    %mul3A_303 = arith.mulf %exp3A_225, %div3A_249 : vector<800x1xf32>
    %get3A_304 = arith.constant 6 : index
    %get3A_305 = arith.constant 0 : index
    %get3A_306 = arith.constant 0 : index
    %get3A_307 = vector.load %arg1[%get3A_304, %get3A_305, %get3A_306] : memref<12x800x128xf32, #tpu.memory_space<vmem>>, vector<1x800x128xf32>
    %get3A_308 = vector.shape_cast %get3A_307 : vector<1x800x128xf32> to vector<800x128xf32>
    %mul3A_309 = vector.broadcast %mul3A_303 : vector<800x1xf32> to vector<800x128xf32>
    %mul3A_310 = arith.mulf %mul3A_309, %get3A_308 : vector<800x128xf32>
    %add3A_311 = arith.addf %add3A_302, %mul3A_310 : vector<800x128xf32>
    %mul3A_312 = arith.mulf %exp3A_227, %div3A_249 : vector<800x1xf32>
    %get3A_313 = arith.constant 7 : index
    %get3A_314 = arith.constant 0 : index
    %get3A_315 = arith.constant 0 : index
    %get3A_316 = vector.load %arg1[%get3A_313, %get3A_314, %get3A_315] : memref<12x800x128xf32, #tpu.memory_space<vmem>>, vector<1x800x128xf32>
    %get3A_317 = vector.shape_cast %get3A_316 : vector<1x800x128xf32> to vector<800x128xf32>
    %mul3A_318 = vector.broadcast %mul3A_312 : vector<800x1xf32> to vector<800x128xf32>
    %mul3A_319 = arith.mulf %mul3A_318, %get3A_317 : vector<800x128xf32>
    %add3A_320 = arith.addf %add3A_311, %mul3A_319 : vector<800x128xf32>
    %mul3A_321 = arith.mulf %exp3A_229, %div3A_249 : vector<800x1xf32>
    %get3A_322 = arith.constant 8 : index
    %get3A_323 = arith.constant 0 : index
    %get3A_324 = arith.constant 0 : index
    %get3A_325 = vector.load %arg1[%get3A_322, %get3A_323, %get3A_324] : memref<12x800x128xf32, #tpu.memory_space<vmem>>, vector<1x800x128xf32>
    %get3A_326 = vector.shape_cast %get3A_325 : vector<1x800x128xf32> to vector<800x128xf32>
    %mul3A_327 = vector.broadcast %mul3A_321 : vector<800x1xf32> to vector<800x128xf32>
    %mul3A_328 = arith.mulf %mul3A_327, %get3A_326 : vector<800x128xf32>
    %add3A_329 = arith.addf %add3A_320, %mul3A_328 : vector<800x128xf32>
    %mul3A_330 = arith.mulf %exp3A_231, %div3A_249 : vector<800x1xf32>
    %get3A_331 = arith.constant 9 : index
    %get3A_332 = arith.constant 0 : index
    %get3A_333 = arith.constant 0 : index
    %get3A_334 = vector.load %arg1[%get3A_331, %get3A_332, %get3A_333] : memref<12x800x128xf32, #tpu.memory_space<vmem>>, vector<1x800x128xf32>
    %get3A_335 = vector.shape_cast %get3A_334 : vector<1x800x128xf32> to vector<800x128xf32>
    %mul3A_336 = vector.broadcast %mul3A_330 : vector<800x1xf32> to vector<800x128xf32>
    %mul3A_337 = arith.mulf %mul3A_336, %get3A_335 : vector<800x128xf32>
    %add3A_338 = arith.addf %add3A_329, %mul3A_337 : vector<800x128xf32>
    %mul3A_339 = arith.mulf %exp3A_233, %div3A_249 : vector<800x1xf32>
    %get3A_340 = arith.constant 10 : index
    %get3A_341 = arith.constant 0 : index
    %get3A_342 = arith.constant 0 : index
    %get3A_343 = vector.load %arg1[%get3A_340, %get3A_341, %get3A_342] : memref<12x800x128xf32, #tpu.memory_space<vmem>>, vector<1x800x128xf32>
    %get3A_344 = vector.shape_cast %get3A_343 : vector<1x800x128xf32> to vector<800x128xf32>
    %mul3A_345 = vector.broadcast %mul3A_339 : vector<800x1xf32> to vector<800x128xf32>
    %mul3A_346 = arith.mulf %mul3A_345, %get3A_344 : vector<800x128xf32>
    %add3A_347 = arith.addf %add3A_338, %mul3A_346 : vector<800x128xf32>
    %mul3A_348 = arith.mulf %exp3A_235, %div3A_249 : vector<800x1xf32>
    %get3A_349 = arith.constant 11 : index
    %get3A_350 = arith.constant 0 : index
    %get3A_351 = arith.constant 0 : index
    %get3A_352 = vector.load %arg1[%get3A_349, %get3A_350, %get3A_351] : memref<12x800x128xf32, #tpu.memory_space<vmem>>, vector<1x800x128xf32>
    %get3A_353 = vector.shape_cast %get3A_352 : vector<1x800x128xf32> to vector<800x128xf32>
    %mul3A_354 = vector.broadcast %mul3A_348 : vector<800x1xf32> to vector<800x128xf32>
    %mul3A_355 = arith.mulf %mul3A_354, %get3A_353 : vector<800x128xf32>
    %add3A_356 = arith.addf %add3A_347, %mul3A_355 : vector<800x128xf32>
    %get3A_357 = arith.constant 0 : index
    %get3A_358 = arith.constant 0 : index
    %get3A_359 = vector.load %arg2[%get3A_357, %get3A_358] : memref<800x128xf32, #tpu.memory_space<vmem>>, vector<800x128xf32>
    %get3A_360 = arith.constant 0 : index
    %get3A_361 = arith.constant 0 : index
    %get3A_362 = vector.load %arg11[%get3A_360, %get3A_361] : memref<128x128xf32, #tpu.memory_space<vmem>>, vector<128x128xf32>
    %dot_general3A_363 = arith.constant dense<0.000000e+00> : vector<800x128xf32>
    %dot_general3A_364 = tpu.matmul %get3A_359, %get3A_362, %dot_general3A_363 {dimension_numbers = #tpu.dot_dimension_numbers<[1], [0], [0], [1], [0, 0, 1, 1], [], []>, transpose_lhs_hint = false} : vector<800x128xf32>, vector<128x128xf32>, vector<800x128xf32> -> vector<800x128xf32>
    %get3A_365 = arith.constant 0 : index
    %get3A_366 = arith.constant 0 : index
    %get3A_367 = vector.load %arg12[%get3A_365, %get3A_366] : memref<128x128xf32, #tpu.memory_space<vmem>>, vector<128x128xf32>
    %dot_general3A_368 = arith.constant dense<0.000000e+00> : vector<800x128xf32>
    %dot_general3A_369 = tpu.matmul %add3A_356, %get3A_367, %dot_general3A_368 {dimension_numbers = #tpu.dot_dimension_numbers<[1], [0], [0], [1], [0, 0, 1, 1], [], []>, transpose_lhs_hint = false} : vector<800x128xf32>, vector<128x128xf32>, vector<800x128xf32> -> vector<800x128xf32>
    %add3A_370 = arith.addf %dot_general3A_364, %dot_general3A_369 : vector<800x128xf32>
    %max3A_371 = arith.constant 0.000000e+00 : f32
    %max3A_372 = vector.broadcast %max3A_371 : f32 to vector<800x128xf32>
    %max3A_373 = arith.maximumf %add3A_370, %max3A_372 : vector<800x128xf32>
    %swap3A = arith.constant 0 : index
    %swap3A_374 = arith.constant 0 : index
    %swap3A_375 = vector.load %arg13[%swap3A, %swap3A_374] : memref<800x128xf32, #tpu.memory_space<vmem>>, vector<800x128xf32>
    tpu.vector_store %arg13[%swap3A, %swap3A_374], %max3A_373 {strides = array<i32>} : memref<800x128xf32, #tpu.memory_space<vmem>>, vector<800x128xf32>,
    return
  }
  func.func @transform_0(%arg0: i32) -> (i32, i32, i32) {
    %c0_i32 = arith.constant 0 : i32
    %c0_i32_0 = arith.constant 0 : i32
    %c0_i32_1 = arith.constant 0 : i32
    return %c0_i32, %arg0, %c0_i32_0 : i32, i32, i32
  }
  func.func @transform_1(%arg0: i32) -> (i32, i32) {
    %add3A = arith.constant 32 : i32
    %add3A_0 = arith.addi %arg0, %add3A : i32
    %c0_i32 = arith.constant 0 : i32
    %c0_i32_1 = arith.constant 0 : i32
    return %add3A_0, %c0_i32 : i32, i32
  }
  func.func @transform_2(%arg0: i32) -> (i32, i32) {
    %add3A = arith.constant 32 : i32
    %add3A_0 = arith.addi %arg0, %add3A : i32
    %c0_i32 = arith.constant 0 : i32
    %c0_i32_1 = arith.constant 0 : i32
    return %add3A_0, %c0_i32 : i32, i32
  }
  func.func @transform_3(%arg0: i32) -> (i32, i32) {
    %add3A = arith.constant 32 : i32
    %add3A_0 = arith.addi %arg0, %add3A : i32
    %c0_i32 = arith.constant 0 : i32
    %c0_i32_1 = arith.constant 0 : i32
    return %add3A_0, %c0_i32 : i32, i32
  }
  func.func @transform_4(%arg0: i32) -> (i32, i32) {
    %add3A = arith.constant 32 : i32
    %add3A_0 = arith.addi %arg0, %add3A : i32
    %c0_i32 = arith.constant 0 : i32
    %c0_i32_1 = arith.constant 0 : i32
    return %add3A_0, %c0_i32 : i32, i32
  }
  func.func @transform_5(%arg0: i32) -> (i32, i32) {
    %c0_i32 = arith.constant 0 : i32
    %c0_i32_0 = arith.constant 0 : i32
    %c0_i32_1 = arith.constant 0 : i32
    return %c0_i32, %c0_i32_0 : i32, i32
  }
  func.func @transform_6(%arg0: i32) -> (i32, i32) {
    %c0_i32 = arith.constant 0 : i32
    %c0_i32_0 = arith.constant 0 : i32
    %c0_i32_1 = arith.constant 0 : i32
    return %c0_i32, %c0_i32_0 : i32, i32
  }
  func.func @transform_7(%arg0: i32) -> (i32, i32) {
    %c0_i32 = arith.constant 0 : i32
    %c0_i32_0 = arith.constant 0 : i32
    %c0_i32_1 = arith.constant 0 : i32
    return %c0_i32, %c0_i32_0 : i32, i32
  }
  func.func @transform_8(%arg0: i32) -> (i32, i32) {
    %c0_i32 = arith.constant 0 : i32
    %c0_i32_0 = arith.constant 0 : i32
    %c0_i32_1 = arith.constant 0 : i32
    return %c0_i32, %c0_i32_0 : i32, i32
  }
  func.func @transform_9(%arg0: i32) -> (i32, i32) {
    %c0_i32 = arith.constant 0 : i32
    %c0_i32_0 = arith.constant 0 : i32
    %c0_i32_1 = arith.constant 0 : i32
    return %c0_i32, %c0_i32_0 : i32, i32
  }
  func.func @transform_10(%arg0: i32) -> (i32, i32) {
    %c0_i32 = arith.constant 0 : i32
    %c0_i32_0 = arith.constant 0 : i32
    %c0_i32_1 = arith.constant 0 : i32
    return %c0_i32, %c0_i32_0 : i32, i32
  }
  func.func @transform_11(%arg0: i32) -> (i32, i32) {
    %c0_i32 = arith.constant 0 : i32
    %c0_i32_0 = arith.constant 0 : i32
    %c0_i32_1 = arith.constant 0 : i32
    return %c0_i32, %c0_i32_0 : i32, i32
  }
  func.func @transform_12(%arg0: i32) -> (i32, i32) {
    %c0_i32 = arith.constant 0 : i32
    %c0_i32_0 = arith.constant 0 : i32
    return %arg0, %c0_i32 : i32, i32
  }
}

module attributes {stable_mosaic.version = 14 : i64} {
  func.func @_tc_body(%arg0: i32, %arg1: memref<12x800x128xf32, #tpu.memory_space<vmem>>, %arg2: memref<800x128xf32, #tpu.memory_space<vmem>>, %arg3: memref<800x128xf32, #tpu.memory_space<vmem>>, %arg4: memref<800x12xf32, #tpu.memory_space<vmem>>, %arg5: memref<16x50xf32, #tpu.memory_space<vmem>>, %arg6: memref<16x800xf32, #tpu.memory_space<vmem>>, %arg7: memref<800x16xf32, #tpu.memory_space<vmem>>, %arg8: memref<128x128xf32, #tpu.memory_space<vmem>>, %arg9: memref<1x128xf32, #tpu.memory_space<vmem>>, %arg10: memref<128x1xf32, #tpu.memory_space<vmem>>, %arg11: memref<128x128xf32, #tpu.memory_space<vmem>>, %arg12: memref<128x128xf32, #tpu.memory_space<vmem>>, %arg13: memref<800x128xf32, #tpu.memory_space<vmem>>) attributes {dimension_semantics = [#tpu.dimension_semantics<arbitrary>], iteration_bounds = array<i64: 16>, scalar_prefetch = 0 : i64, scratch_operands = 0 : i64, tpu.core_type = #tpu.core_type<tc>, window_params = [{transform_indices = @transform_0, window_bounds = array<i64: 12, 800, 128>}, {transform_indices = @transform_1, window_bounds = array<i64: 800, 128>}, {transform_indices = @transform_2, window_bounds = array<i64: 800, 128>}, {transform_indices = @transform_3, window_bounds = array<i64: 800, 12>}, {transform_indices = @transform_4, window_bounds = array<i64: 16, 50>}, {pipeline_mode = #tpu.pipeline_mode<synchronous>, transform_indices = @transform_5, window_bounds = array<i64: 16, 800>}, {pipeline_mode = #tpu.pipeline_mode<synchronous>, transform_indices = @transform_6, window_bounds = array<i64: 800, 16>}, {pipeline_mode = #tpu.pipeline_mode<synchronous>, transform_indices = @transform_7, window_bounds = array<i64: 128, 128>}, {pipeline_mode = #tpu.pipeline_mode<synchronous>, transform_indices = @transform_8, window_bounds = array<i64: 1, 128>}, {pipeline_mode = #tpu.pipeline_mode<synchronous>, transform_indices = @transform_9, window_bounds = array<i64: 128, 1>}, {pipeline_mode = #tpu.pipeline_mode<synchronous>, transform_indices = @transform_10, window_bounds = array<i64: 128, 128>}, {pipeline_mode = #tpu.pipeline_mode<synchronous>, transform_indices = @transform_11, window_bounds = array<i64: 128, 128>}, {transform_indices = @transform_12, window_bounds = array<i64: 800, 128>}]} {
    %get3A = arith.constant 0 : index
    %get3A_0 = arith.constant 0 : index
    %get3A_1 = vector.load %arg5[%get3A, %get3A_0] : memref<16x50xf32, #tpu.memory_space<vmem>>, vector<16x50xf32>
    %concatenate3A = tpu.concatenate %get3A_1, %get3A_1, %get3A_1, %get3A_1, %get3A_1, %get3A_1, %get3A_1, %get3A_1, %get3A_1, %get3A_1, %get3A_1, %get3A_1, %get3A_1, %get3A_1, %get3A_1, %get3A_1 in 1 : vector<16x50xf32>, vector<16x50xf32>, vector<16x50xf32>, vector<16x50xf32>, vector<16x50xf32>, vector<16x50xf32>, vector<16x50xf32>, vector<16x50xf32>, vector<16x50xf32>, vector<16x50xf32>, vector<16x50xf32>, vector<16x50xf32>, vector<16x50xf32>, vector<16x50xf32>, vector<16x50xf32>, vector<16x50xf32> -> vector<16x800xf32>
    %get3A_2 = arith.constant 0 : index
    %get3A_3 = arith.constant 0 : index
    %get3A_4 = vector.load %arg6[%get3A_2, %get3A_3] : memref<16x800xf32, #tpu.memory_space<vmem>>, vector<16x800xf32>
    %mul3A = arith.mulf %get3A_4, %concatenate3A : vector<16x800xf32>
    %get3A_5 = arith.constant 0 : index
    %get3A_6 = arith.constant 0 : index
    %get3A_7 = vector.load %arg3[%get3A_5, %get3A_6] : memref<800x128xf32, #tpu.memory_space<vmem>>, vector<800x128xf32>
    %dot_general3A = arith.constant dense<0.000000e+00> : vector<16x128xf32>
    %dot_general3A_8 = tpu.matmul %mul3A, %get3A_7, %dot_general3A {dimension_numbers = #tpu.dot_dimension_numbers<[1], [0], [0], [1], [0, 0, 1, 1], [], []>, transpose_lhs_hint = false} : vector<16x800xf32>, vector<800x128xf32>, vector<16x128xf32> -> vector<16x128xf32>
    %reduce_sum3A = arith.constant dense<0.000000e+00> : vector<16xf32>
    %reduce_sum3A_9 = vector.multi_reduction <add>, %get3A_1, %reduce_sum3A [1] : vector<16x50xf32> to vector<16xf32>
    %broadcast_in_dim3A = vector.shape_cast %reduce_sum3A_9 : vector<16xf32> to vector<16x1xf32>
    %div3A = vector.broadcast %broadcast_in_dim3A : vector<16x1xf32> to vector<16x128xf32>
    %div3A_10 = arith.divf %dot_general3A_8, %div3A : vector<16x128xf32>
    %get3A_11 = arith.constant 0 : index
    %get3A_12 = arith.constant 0 : index
    %get3A_13 = vector.load %arg7[%get3A_11, %get3A_12] : memref<800x16xf32, #tpu.memory_space<vmem>>, vector<800x16xf32>
    %dot_general3A_14 = arith.constant dense<0.000000e+00> : vector<800x128xf32>
    %dot_general3A_15 = tpu.matmul %get3A_13, %div3A_10, %dot_general3A_14 {dimension_numbers = #tpu.dot_dimension_numbers<[1], [0], [0], [1], [0, 0, 1, 1], [], []>, transpose_lhs_hint = false} : vector<800x16xf32>, vector<16x128xf32>, vector<800x128xf32> -> vector<800x128xf32>
    %get3A_16 = arith.constant 0 : index
    %get3A_17 = arith.constant 0 : index
    %get3A_18 = arith.constant 0 : index
    %get3A_19 = vector.load %arg1[%get3A_16, %get3A_17, %get3A_18] : memref<12x800x128xf32, #tpu.memory_space<vmem>>, vector<12x800x128xf32>
    %broadcast_in_dim3A_20 = vector.shape_cast %dot_general3A_15 : vector<800x128xf32> to vector<1x800x128xf32>
    %mul3A_21 = vector.broadcast %broadcast_in_dim3A_20 : vector<1x800x128xf32> to vector<12x800x128xf32>
    %mul3A_22 = arith.mulf %get3A_19, %mul3A_21 : vector<12x800x128xf32>
    %reshape3A = vector.shape_cast %mul3A_22 : vector<12x800x128xf32> to vector<9600x128xf32>
    %get3A_23 = arith.constant 0 : index
    %get3A_24 = arith.constant 0 : index
    %get3A_25 = vector.load %arg8[%get3A_23, %get3A_24] : memref<128x128xf32, #tpu.memory_space<vmem>>, vector<128x128xf32>
    %dot_general3A_26 = arith.constant dense<0.000000e+00> : vector<9600x128xf32>
    %dot_general3A_27 = tpu.matmul %reshape3A, %get3A_25, %dot_general3A_26 {dimension_numbers = #tpu.dot_dimension_numbers<[1], [0], [0], [1], [0, 0, 1, 1], [], []>, transpose_lhs_hint = false} : vector<9600x128xf32>, vector<128x128xf32>, vector<9600x128xf32> -> vector<9600x128xf32>
    %get3A_28 = arith.constant 0 : index
    %get3A_29 = arith.constant 0 : index
    %get3A_30 = vector.load %arg4[%get3A_28, %get3A_29] : memref<800x12xf32, #tpu.memory_space<vmem>>, vector<800x12xf32>
    %get3A_31 = arith.constant 0 : index
    %get3A_32 = arith.constant 0 : index
    %get3A_33 = vector.load %arg9[%get3A_31, %get3A_32] : memref<1x128xf32, #tpu.memory_space<vmem>>, vector<1x128xf32>
    %slice3A = vector.extract_strided_slice %dot_general3A_27 {offsets = [0, 0], sizes = [800, 128], strides = [1, 1]} : vector<9600x128xf32> to vector<800x128xf32>
    %slice3A_34 = vector.extract_strided_slice %get3A_30 {offsets = [0, 0], sizes = [800, 1], strides = [1, 1]} : vector<800x12xf32> to vector<800x1xf32>
    %mul3A_35 = vector.broadcast %slice3A_34 : vector<800x1xf32> to vector<800x128xf32>
    %mul3A_36 = vector.broadcast %get3A_33 : vector<1x128xf32> to vector<800x128xf32>
    %mul3A_37 = arith.mulf %mul3A_35, %mul3A_36 : vector<800x128xf32>
    %add3A = arith.addf %slice3A, %mul3A_37 : vector<800x128xf32>
    %ge3A = arith.constant 0.000000e+00 : f32
    %ge3A_38 = vector.broadcast %ge3A : f32 to vector<800x128xf32>
    %ge3A_39 = arith.cmpf oge, %add3A, %ge3A_38 : vector<800x128xf32>
    %mul3A_40 = arith.constant 2.000000e-01 : f32
    %mul3A_41 = vector.broadcast %mul3A_40 : f32 to vector<800x128xf32>
    %mul3A_42 = arith.mulf %mul3A_41, %add3A : vector<800x128xf32>
    %select_n3A = arith.select %ge3A_39, %add3A, %mul3A_42 : vector<800x128xi1>, vector<800x128xf32>
    %slice3A_43 = vector.extract_strided_slice %dot_general3A_27 {offsets = [800, 0], sizes = [800, 128], strides = [1, 1]} : vector<9600x128xf32> to vector<800x128xf32>
    %slice3A_44 = vector.extract_strided_slice %get3A_30 {offsets = [0, 1], sizes = [800, 1], strides = [1, 1]} : vector<800x12xf32> to vector<800x1xf32>
    %mul3A_45 = vector.broadcast %slice3A_44 : vector<800x1xf32> to vector<800x128xf32>
    %mul3A_46 = vector.broadcast %get3A_33 : vector<1x128xf32> to vector<800x128xf32>
    %mul3A_47 = arith.mulf %mul3A_45, %mul3A_46 : vector<800x128xf32>
    %add3A_48 = arith.addf %slice3A_43, %mul3A_47 : vector<800x128xf32>
    %ge3A_49 = arith.constant 0.000000e+00 : f32
    %ge3A_50 = vector.broadcast %ge3A_49 : f32 to vector<800x128xf32>
    %ge3A_51 = arith.cmpf oge, %add3A_48, %ge3A_50 : vector<800x128xf32>
    %mul3A_52 = arith.constant 2.000000e-01 : f32
    %mul3A_53 = vector.broadcast %mul3A_52 : f32 to vector<800x128xf32>
    %mul3A_54 = arith.mulf %mul3A_53, %add3A_48 : vector<800x128xf32>
    %select_n3A_55 = arith.select %ge3A_51, %add3A_48, %mul3A_54 : vector<800x128xi1>, vector<800x128xf32>
    %slice3A_56 = vector.extract_strided_slice %dot_general3A_27 {offsets = [1600, 0], sizes = [800, 128], strides = [1, 1]} : vector<9600x128xf32> to vector<800x128xf32>
    %slice3A_57 = vector.extract_strided_slice %get3A_30 {offsets = [0, 2], sizes = [800, 1], strides = [1, 1]} : vector<800x12xf32> to vector<800x1xf32>
    %mul3A_58 = vector.broadcast %slice3A_57 : vector<800x1xf32> to vector<800x128xf32>
    %mul3A_59 = vector.broadcast %get3A_33 : vector<1x128xf32> to vector<800x128xf32>
    %mul3A_60 = arith.mulf %mul3A_58, %mul3A_59 : vector<800x128xf32>
    %add3A_61 = arith.addf %slice3A_56, %mul3A_60 : vector<800x128xf32>
    %ge3A_62 = arith.constant 0.000000e+00 : f32
    %ge3A_63 = vector.broadcast %ge3A_62 : f32 to vector<800x128xf32>
    %ge3A_64 = arith.cmpf oge, %add3A_61, %ge3A_63 : vector<800x128xf32>
    %mul3A_65 = arith.constant 2.000000e-01 : f32
    %mul3A_66 = vector.broadcast %mul3A_65 : f32 to vector<800x128xf32>
    %mul3A_67 = arith.mulf %mul3A_66, %add3A_61 : vector<800x128xf32>
    %select_n3A_68 = arith.select %ge3A_64, %add3A_61, %mul3A_67 : vector<800x128xi1>, vector<800x128xf32>
    %slice3A_69 = vector.extract_strided_slice %dot_general3A_27 {offsets = [2400, 0], sizes = [800, 128], strides = [1, 1]} : vector<9600x128xf32> to vector<800x128xf32>
    %slice3A_70 = vector.extract_strided_slice %get3A_30 {offsets = [0, 3], sizes = [800, 1], strides = [1, 1]} : vector<800x12xf32> to vector<800x1xf32>
    %mul3A_71 = vector.broadcast %slice3A_70 : vector<800x1xf32> to vector<800x128xf32>
    %mul3A_72 = vector.broadcast %get3A_33 : vector<1x128xf32> to vector<800x128xf32>
    %mul3A_73 = arith.mulf %mul3A_71, %mul3A_72 : vector<800x128xf32>
    %add3A_74 = arith.addf %slice3A_69, %mul3A_73 : vector<800x128xf32>
    %ge3A_75 = arith.constant 0.000000e+00 : f32
    %ge3A_76 = vector.broadcast %ge3A_75 : f32 to vector<800x128xf32>
    %ge3A_77 = arith.cmpf oge, %add3A_74, %ge3A_76 : vector<800x128xf32>
    %mul3A_78 = arith.constant 2.000000e-01 : f32
    %mul3A_79 = vector.broadcast %mul3A_78 : f32 to vector<800x128xf32>
    %mul3A_80 = arith.mulf %mul3A_79, %add3A_74 : vector<800x128xf32>
    %select_n3A_81 = arith.select %ge3A_77, %add3A_74, %mul3A_80 : vector<800x128xi1>, vector<800x128xf32>
    %slice3A_82 = vector.extract_strided_slice %dot_general3A_27 {offsets = [3200, 0], sizes = [800, 128], strides = [1, 1]} : vector<9600x128xf32> to vector<800x128xf32>
    %slice3A_83 = vector.extract_strided_slice %get3A_30 {offsets = [0, 4], sizes = [800, 1], strides = [1, 1]} : vector<800x12xf32> to vector<800x1xf32>
    %mul3A_84 = vector.broadcast %slice3A_83 : vector<800x1xf32> to vector<800x128xf32>
    %mul3A_85 = vector.broadcast %get3A_33 : vector<1x128xf32> to vector<800x128xf32>
    %mul3A_86 = arith.mulf %mul3A_84, %mul3A_85 : vector<800x128xf32>
    %add3A_87 = arith.addf %slice3A_82, %mul3A_86 : vector<800x128xf32>
    %ge3A_88 = arith.constant 0.000000e+00 : f32
    %ge3A_89 = vector.broadcast %ge3A_88 : f32 to vector<800x128xf32>
    %ge3A_90 = arith.cmpf oge, %add3A_87, %ge3A_89 : vector<800x128xf32>
    %mul3A_91 = arith.constant 2.000000e-01 : f32
    %mul3A_92 = vector.broadcast %mul3A_91 : f32 to vector<800x128xf32>
    %mul3A_93 = arith.mulf %mul3A_92, %add3A_87 : vector<800x128xf32>
    %select_n3A_94 = arith.select %ge3A_90, %add3A_87, %mul3A_93 : vector<800x128xi1>, vector<800x128xf32>
    %slice3A_95 = vector.extract_strided_slice %dot_general3A_27 {offsets = [4000, 0], sizes = [800, 128], strides = [1, 1]} : vector<9600x128xf32> to vector<800x128xf32>
    %slice3A_96 = vector.extract_strided_slice %get3A_30 {offsets = [0, 5], sizes = [800, 1], strides = [1, 1]} : vector<800x12xf32> to vector<800x1xf32>
    %mul3A_97 = vector.broadcast %slice3A_96 : vector<800x1xf32> to vector<800x128xf32>
    %mul3A_98 = vector.broadcast %get3A_33 : vector<1x128xf32> to vector<800x128xf32>
    %mul3A_99 = arith.mulf %mul3A_97, %mul3A_98 : vector<800x128xf32>
    %add3A_100 = arith.addf %slice3A_95, %mul3A_99 : vector<800x128xf32>
    %ge3A_101 = arith.constant 0.000000e+00 : f32
    %ge3A_102 = vector.broadcast %ge3A_101 : f32 to vector<800x128xf32>
    %ge3A_103 = arith.cmpf oge, %add3A_100, %ge3A_102 : vector<800x128xf32>
    %mul3A_104 = arith.constant 2.000000e-01 : f32
    %mul3A_105 = vector.broadcast %mul3A_104 : f32 to vector<800x128xf32>
    %mul3A_106 = arith.mulf %mul3A_105, %add3A_100 : vector<800x128xf32>
    %select_n3A_107 = arith.select %ge3A_103, %add3A_100, %mul3A_106 : vector<800x128xi1>, vector<800x128xf32>
    %slice3A_108 = vector.extract_strided_slice %dot_general3A_27 {offsets = [4800, 0], sizes = [800, 128], strides = [1, 1]} : vector<9600x128xf32> to vector<800x128xf32>
    %slice3A_109 = vector.extract_strided_slice %get3A_30 {offsets = [0, 6], sizes = [800, 1], strides = [1, 1]} : vector<800x12xf32> to vector<800x1xf32>
    %mul3A_110 = vector.broadcast %slice3A_109 : vector<800x1xf32> to vector<800x128xf32>
    %mul3A_111 = vector.broadcast %get3A_33 : vector<1x128xf32> to vector<800x128xf32>
    %mul3A_112 = arith.mulf %mul3A_110, %mul3A_111 : vector<800x128xf32>
    %add3A_113 = arith.addf %slice3A_108, %mul3A_112 : vector<800x128xf32>
    %ge3A_114 = arith.constant 0.000000e+00 : f32
    %ge3A_115 = vector.broadcast %ge3A_114 : f32 to vector<800x128xf32>
    %ge3A_116 = arith.cmpf oge, %add3A_113, %ge3A_115 : vector<800x128xf32>
    %mul3A_117 = arith.constant 2.000000e-01 : f32
    %mul3A_118 = vector.broadcast %mul3A_117 : f32 to vector<800x128xf32>
    %mul3A_119 = arith.mulf %mul3A_118, %add3A_113 : vector<800x128xf32>
    %select_n3A_120 = arith.select %ge3A_116, %add3A_113, %mul3A_119 : vector<800x128xi1>, vector<800x128xf32>
    %slice3A_121 = vector.extract_strided_slice %dot_general3A_27 {offsets = [5600, 0], sizes = [800, 128], strides = [1, 1]} : vector<9600x128xf32> to vector<800x128xf32>
    %slice3A_122 = vector.extract_strided_slice %get3A_30 {offsets = [0, 7], sizes = [800, 1], strides = [1, 1]} : vector<800x12xf32> to vector<800x1xf32>
    %mul3A_123 = vector.broadcast %slice3A_122 : vector<800x1xf32> to vector<800x128xf32>
    %mul3A_124 = vector.broadcast %get3A_33 : vector<1x128xf32> to vector<800x128xf32>
    %mul3A_125 = arith.mulf %mul3A_123, %mul3A_124 : vector<800x128xf32>
    %add3A_126 = arith.addf %slice3A_121, %mul3A_125 : vector<800x128xf32>
    %ge3A_127 = arith.constant 0.000000e+00 : f32
    %ge3A_128 = vector.broadcast %ge3A_127 : f32 to vector<800x128xf32>
    %ge3A_129 = arith.cmpf oge, %add3A_126, %ge3A_128 : vector<800x128xf32>
    %mul3A_130 = arith.constant 2.000000e-01 : f32
    %mul3A_131 = vector.broadcast %mul3A_130 : f32 to vector<800x128xf32>
    %mul3A_132 = arith.mulf %mul3A_131, %add3A_126 : vector<800x128xf32>
    %select_n3A_133 = arith.select %ge3A_129, %add3A_126, %mul3A_132 : vector<800x128xi1>, vector<800x128xf32>
    %slice3A_134 = vector.extract_strided_slice %dot_general3A_27 {offsets = [6400, 0], sizes = [800, 128], strides = [1, 1]} : vector<9600x128xf32> to vector<800x128xf32>
    %slice3A_135 = vector.extract_strided_slice %get3A_30 {offsets = [0, 8], sizes = [800, 1], strides = [1, 1]} : vector<800x12xf32> to vector<800x1xf32>
    %mul3A_136 = vector.broadcast %slice3A_135 : vector<800x1xf32> to vector<800x128xf32>
    %mul3A_137 = vector.broadcast %get3A_33 : vector<1x128xf32> to vector<800x128xf32>
    %mul3A_138 = arith.mulf %mul3A_136, %mul3A_137 : vector<800x128xf32>
    %add3A_139 = arith.addf %slice3A_134, %mul3A_138 : vector<800x128xf32>
    %ge3A_140 = arith.constant 0.000000e+00 : f32
    %ge3A_141 = vector.broadcast %ge3A_140 : f32 to vector<800x128xf32>
    %ge3A_142 = arith.cmpf oge, %add3A_139, %ge3A_141 : vector<800x128xf32>
    %mul3A_143 = arith.constant 2.000000e-01 : f32
    %mul3A_144 = vector.broadcast %mul3A_143 : f32 to vector<800x128xf32>
    %mul3A_145 = arith.mulf %mul3A_144, %add3A_139 : vector<800x128xf32>
    %select_n3A_146 = arith.select %ge3A_142, %add3A_139, %mul3A_145 : vector<800x128xi1>, vector<800x128xf32>
    %slice3A_147 = vector.extract_strided_slice %dot_general3A_27 {offsets = [7200, 0], sizes = [800, 128], strides = [1, 1]} : vector<9600x128xf32> to vector<800x128xf32>
    %slice3A_148 = vector.extract_strided_slice %get3A_30 {offsets = [0, 9], sizes = [800, 1], strides = [1, 1]} : vector<800x12xf32> to vector<800x1xf32>
    %mul3A_149 = vector.broadcast %slice3A_148 : vector<800x1xf32> to vector<800x128xf32>
    %mul3A_150 = vector.broadcast %get3A_33 : vector<1x128xf32> to vector<800x128xf32>
    %mul3A_151 = arith.mulf %mul3A_149, %mul3A_150 : vector<800x128xf32>
    %add3A_152 = arith.addf %slice3A_147, %mul3A_151 : vector<800x128xf32>
    %ge3A_153 = arith.constant 0.000000e+00 : f32
    %ge3A_154 = vector.broadcast %ge3A_153 : f32 to vector<800x128xf32>
    %ge3A_155 = arith.cmpf oge, %add3A_152, %ge3A_154 : vector<800x128xf32>
    %mul3A_156 = arith.constant 2.000000e-01 : f32
    %mul3A_157 = vector.broadcast %mul3A_156 : f32 to vector<800x128xf32>
    %mul3A_158 = arith.mulf %mul3A_157, %add3A_152 : vector<800x128xf32>
    %select_n3A_159 = arith.select %ge3A_155, %add3A_152, %mul3A_158 : vector<800x128xi1>, vector<800x128xf32>
    %slice3A_160 = vector.extract_strided_slice %dot_general3A_27 {offsets = [8000, 0], sizes = [800, 128], strides = [1, 1]} : vector<9600x128xf32> to vector<800x128xf32>
    %slice3A_161 = vector.extract_strided_slice %get3A_30 {offsets = [0, 10], sizes = [800, 1], strides = [1, 1]} : vector<800x12xf32> to vector<800x1xf32>
    %mul3A_162 = vector.broadcast %slice3A_161 : vector<800x1xf32> to vector<800x128xf32>
    %mul3A_163 = vector.broadcast %get3A_33 : vector<1x128xf32> to vector<800x128xf32>
    %mul3A_164 = arith.mulf %mul3A_162, %mul3A_163 : vector<800x128xf32>
    %add3A_165 = arith.addf %slice3A_160, %mul3A_164 : vector<800x128xf32>
    %ge3A_166 = arith.constant 0.000000e+00 : f32
    %ge3A_167 = vector.broadcast %ge3A_166 : f32 to vector<800x128xf32>
    %ge3A_168 = arith.cmpf oge, %add3A_165, %ge3A_167 : vector<800x128xf32>
    %mul3A_169 = arith.constant 2.000000e-01 : f32
    %mul3A_170 = vector.broadcast %mul3A_169 : f32 to vector<800x128xf32>
    %mul3A_171 = arith.mulf %mul3A_170, %add3A_165 : vector<800x128xf32>
    %select_n3A_172 = arith.select %ge3A_168, %add3A_165, %mul3A_171 : vector<800x128xi1>, vector<800x128xf32>
    %slice3A_173 = vector.extract_strided_slice %dot_general3A_27 {offsets = [8800, 0], sizes = [800, 128], strides = [1, 1]} : vector<9600x128xf32> to vector<800x128xf32>
    %slice3A_174 = vector.extract_strided_slice %get3A_30 {offsets = [0, 11], sizes = [800, 1], strides = [1, 1]} : vector<800x12xf32> to vector<800x1xf32>
    %mul3A_175 = vector.broadcast %slice3A_174 : vector<800x1xf32> to vector<800x128xf32>
    %mul3A_176 = vector.broadcast %get3A_33 : vector<1x128xf32> to vector<800x128xf32>
    %mul3A_177 = arith.mulf %mul3A_175, %mul3A_176 : vector<800x128xf32>
    %add3A_178 = arith.addf %slice3A_173, %mul3A_177 : vector<800x128xf32>
    %ge3A_179 = arith.constant 0.000000e+00 : f32
    %ge3A_180 = vector.broadcast %ge3A_179 : f32 to vector<800x128xf32>
    %ge3A_181 = arith.cmpf oge, %add3A_178, %ge3A_180 : vector<800x128xf32>
    %mul3A_182 = arith.constant 2.000000e-01 : f32
    %mul3A_183 = vector.broadcast %mul3A_182 : f32 to vector<800x128xf32>
    %mul3A_184 = arith.mulf %mul3A_183, %add3A_178 : vector<800x128xf32>
    %select_n3A_185 = arith.select %ge3A_181, %add3A_178, %mul3A_184 : vector<800x128xi1>, vector<800x128xf32>
    %concatenate3A_186 = tpu.concatenate %select_n3A, %select_n3A_55, %select_n3A_68, %select_n3A_81, %select_n3A_94, %select_n3A_107, %select_n3A_120, %select_n3A_133, %select_n3A_146, %select_n3A_159, %select_n3A_172, %select_n3A_185 in 0 : vector<800x128xf32>, vector<800x128xf32>, vector<800x128xf32>, vector<800x128xf32>, vector<800x128xf32>, vector<800x128xf32>, vector<800x128xf32>, vector<800x128xf32>, vector<800x128xf32>, vector<800x128xf32>, vector<800x128xf32>, vector<800x128xf32> -> vector<9600x128xf32>
    %get3A_187 = arith.constant 0 : index
    %get3A_188 = arith.constant 0 : index
    %get3A_189 = vector.load %arg10[%get3A_187, %get3A_188] : memref<128x1xf32, #tpu.memory_space<vmem>>, vector<128x1xf32>
    %dot_general3A_190 = arith.constant dense<0.000000e+00> : vector<9600x1xf32>
    %dot_general3A_191 = tpu.matmul %concatenate3A_186, %get3A_189, %dot_general3A_190 {dimension_numbers = #tpu.dot_dimension_numbers<[1], [0], [0], [1], [0, 0, 1, 1], [], []>, transpose_lhs_hint = false} : vector<9600x128xf32>, vector<128x1xf32>, vector<9600x1xf32> -> vector<9600x1xf32>
    %slice3A_192 = vector.extract_strided_slice %dot_general3A_191 {offsets = [0, 0], sizes = [800, 1], strides = [1, 1]} : vector<9600x1xf32> to vector<800x1xf32>
    %slice3A_193 = vector.extract_strided_slice %dot_general3A_191 {offsets = [800, 0], sizes = [800, 1], strides = [1, 1]} : vector<9600x1xf32> to vector<800x1xf32>
    %slice3A_194 = vector.extract_strided_slice %dot_general3A_191 {offsets = [1600, 0], sizes = [800, 1], strides = [1, 1]} : vector<9600x1xf32> to vector<800x1xf32>
    %slice3A_195 = vector.extract_strided_slice %dot_general3A_191 {offsets = [2400, 0], sizes = [800, 1], strides = [1, 1]} : vector<9600x1xf32> to vector<800x1xf32>
    %slice3A_196 = vector.extract_strided_slice %dot_general3A_191 {offsets = [3200, 0], sizes = [800, 1], strides = [1, 1]} : vector<9600x1xf32> to vector<800x1xf32>
    %slice3A_197 = vector.extract_strided_slice %dot_general3A_191 {offsets = [4000, 0], sizes = [800, 1], strides = [1, 1]} : vector<9600x1xf32> to vector<800x1xf32>
    %slice3A_198 = vector.extract_strided_slice %dot_general3A_191 {offsets = [4800, 0], sizes = [800, 1], strides = [1, 1]} : vector<9600x1xf32> to vector<800x1xf32>
    %slice3A_199 = vector.extract_strided_slice %dot_general3A_191 {offsets = [5600, 0], sizes = [800, 1], strides = [1, 1]} : vector<9600x1xf32> to vector<800x1xf32>
    %slice3A_200 = vector.extract_strided_slice %dot_general3A_191 {offsets = [6400, 0], sizes = [800, 1], strides = [1, 1]} : vector<9600x1xf32> to vector<800x1xf32>
    %slice3A_201 = vector.extract_strided_slice %dot_general3A_191 {offsets = [7200, 0], sizes = [800, 1], strides = [1, 1]} : vector<9600x1xf32> to vector<800x1xf32>
    %slice3A_202 = vector.extract_strided_slice %dot_general3A_191 {offsets = [8000, 0], sizes = [800, 1], strides = [1, 1]} : vector<9600x1xf32> to vector<800x1xf32>
    %slice3A_203 = vector.extract_strided_slice %dot_general3A_191 {offsets = [8800, 0], sizes = [800, 1], strides = [1, 1]} : vector<9600x1xf32> to vector<800x1xf32>
    %max3A = arith.maximumf %slice3A_192, %slice3A_193 : vector<800x1xf32>
    %max3A_204 = arith.maximumf %max3A, %slice3A_194 : vector<800x1xf32>
    %max3A_205 = arith.maximumf %max3A_204, %slice3A_195 : vector<800x1xf32>
    %max3A_206 = arith.maximumf %max3A_205, %slice3A_196 : vector<800x1xf32>
    %max3A_207 = arith.maximumf %max3A_206, %slice3A_197 : vector<800x1xf32>
    %max3A_208 = arith.maximumf %max3A_207, %slice3A_198 : vector<800x1xf32>
    %max3A_209 = arith.maximumf %max3A_208, %slice3A_199 : vector<800x1xf32>
    %max3A_210 = arith.maximumf %max3A_209, %slice3A_200 : vector<800x1xf32>
    %max3A_211 = arith.maximumf %max3A_210, %slice3A_201 : vector<800x1xf32>
    %max3A_212 = arith.maximumf %max3A_211, %slice3A_202 : vector<800x1xf32>
    %max3A_213 = arith.maximumf %max3A_212, %slice3A_203 : vector<800x1xf32>
    %sub3A = arith.subf %slice3A_192, %max3A_213 : vector<800x1xf32>
    %exp3A = math.exp %sub3A : vector<800x1xf32>
    %sub3A_214 = arith.subf %slice3A_193, %max3A_213 : vector<800x1xf32>
    %exp3A_215 = math.exp %sub3A_214 : vector<800x1xf32>
    %sub3A_216 = arith.subf %slice3A_194, %max3A_213 : vector<800x1xf32>
    %exp3A_217 = math.exp %sub3A_216 : vector<800x1xf32>
    %sub3A_218 = arith.subf %slice3A_195, %max3A_213 : vector<800x1xf32>
    %exp3A_219 = math.exp %sub3A_218 : vector<800x1xf32>
    %sub3A_220 = arith.subf %slice3A_196, %max3A_213 : vector<800x1xf32>
    %exp3A_221 = math.exp %sub3A_220 : vector<800x1xf32>
    %sub3A_222 = arith.subf %slice3A_197, %max3A_213 : vector<800x1xf32>
    %exp3A_223 = math.exp %sub3A_222 : vector<800x1xf32>
    %sub3A_224 = arith.subf %slice3A_198, %max3A_213 : vector<800x1xf32>
    %exp3A_225 = math.exp %sub3A_224 : vector<800x1xf32>
    %sub3A_226 = arith.subf %slice3A_199, %max3A_213 : vector<800x1xf32>
    %exp3A_227 = math.exp %sub3A_226 : vector<800x1xf32>
    %sub3A_228 = arith.subf %slice3A_200, %max3A_213 : vector<800x1xf32>
    %exp3A_229 = math.exp %sub3A_228 : vector<800x1xf32>
    %sub3A_230 = arith.subf %slice3A_201, %max3A_213 : vector<800x1xf32>
    %exp3A_231 = math.exp %sub3A_230 : vector<800x1xf32>
    %sub3A_232 = arith.subf %slice3A_202, %max3A_213 : vector<800x1xf32>
    %exp3A_233 = math.exp %sub3A_232 : vector<800x1xf32>
    %sub3A_234 = arith.subf %slice3A_203, %max3A_213 : vector<800x1xf32>
    %exp3A_235 = math.exp %sub3A_234 : vector<800x1xf32>
    %add3A_236 = arith.addf %exp3A, %exp3A_215 : vector<800x1xf32>
    %add3A_237 = arith.addf %add3A_236, %exp3A_217 : vector<800x1xf32>
    %add3A_238 = arith.addf %add3A_237, %exp3A_219 : vector<800x1xf32>
    %add3A_239 = arith.addf %add3A_238, %exp3A_221 : vector<800x1xf32>
    %add3A_240 = arith.addf %add3A_239, %exp3A_223 : vector<800x1xf32>
    %add3A_241 = arith.addf %add3A_240, %exp3A_225 : vector<800x1xf32>
    %add3A_242 = arith.addf %add3A_241, %exp3A_227 : vector<800x1xf32>
    %add3A_243 = arith.addf %add3A_242, %exp3A_229 : vector<800x1xf32>
    %add3A_244 = arith.addf %add3A_243, %exp3A_231 : vector<800x1xf32>
    %add3A_245 = arith.addf %add3A_244, %exp3A_233 : vector<800x1xf32>
    %add3A_246 = arith.addf %add3A_245, %exp3A_235 : vector<800x1xf32>
    %div3A_247 = arith.constant 1.000000e+00 : f32
    %div3A_248 = vector.broadcast %div3A_247 : f32 to vector<800x1xf32>
    %div3A_249 = arith.divf %div3A_248, %add3A_246 : vector<800x1xf32>
    %mul3A_250 = arith.mulf %exp3A, %div3A_249 : vector<800x1xf32>
    %get3A_251 = arith.constant 0 : index
    %get3A_252 = arith.constant 0 : index
    %get3A_253 = arith.constant 0 : index
    %get3A_254 = vector.load %arg1[%get3A_251, %get3A_252, %get3A_253] : memref<12x800x128xf32, #tpu.memory_space<vmem>>, vector<1x800x128xf32>
    %get3A_255 = vector.shape_cast %get3A_254 : vector<1x800x128xf32> to vector<800x128xf32>
    %mul3A_256 = vector.broadcast %mul3A_250 : vector<800x1xf32> to vector<800x128xf32>
    %mul3A_257 = arith.mulf %mul3A_256, %get3A_255 : vector<800x128xf32>
    %mul3A_258 = arith.mulf %exp3A_215, %div3A_249 : vector<800x1xf32>
    %get3A_259 = arith.constant 1 : index
    %get3A_260 = arith.constant 0 : index
    %get3A_261 = arith.constant 0 : index
    %get3A_262 = vector.load %arg1[%get3A_259, %get3A_260, %get3A_261] : memref<12x800x128xf32, #tpu.memory_space<vmem>>, vector<1x800x128xf32>
    %get3A_263 = vector.shape_cast %get3A_262 : vector<1x800x128xf32> to vector<800x128xf32>
    %mul3A_264 = vector.broadcast %mul3A_258 : vector<800x1xf32> to vector<800x128xf32>
    %mul3A_265 = arith.mulf %mul3A_264, %get3A_263 : vector<800x128xf32>
    %add3A_266 = arith.addf %mul3A_257, %mul3A_265 : vector<800x128xf32>
    %mul3A_267 = arith.mulf %exp3A_217, %div3A_249 : vector<800x1xf32>
    %get3A_268 = arith.constant 2 : index
    %get3A_269 = arith.constant 0 : index
    %get3A_270 = arith.constant 0 : index
    %get3A_271 = vector.load %arg1[%get3A_268, %get3A_269, %get3A_270] : memref<12x800x128xf32, #tpu.memory_space<vmem>>, vector<1x800x128xf32>
    %get3A_272 = vector.shape_cast %get3A_271 : vector<1x800x128xf32> to vector<800x128xf32>
    %mul3A_273 = vector.broadcast %mul3A_267 : vector<800x1xf32> to vector<800x128xf32>
    %mul3A_274 = arith.mulf %mul3A_273, %get3A_272 : vector<800x128xf32>
    %add3A_275 = arith.addf %add3A_266, %mul3A_274 : vector<800x128xf32>
    %mul3A_276 = arith.mulf %exp3A_219, %div3A_249 : vector<800x1xf32>
    %get3A_277 = arith.constant 3 : index
    %get3A_278 = arith.constant 0 : index
    %get3A_279 = arith.constant 0 : index
    %get3A_280 = vector.load %arg1[%get3A_277, %get3A_278, %get3A_279] : memref<12x800x128xf32, #tpu.memory_space<vmem>>, vector<1x800x128xf32>
    %get3A_281 = vector.shape_cast %get3A_280 : vector<1x800x128xf32> to vector<800x128xf32>
    %mul3A_282 = vector.broadcast %mul3A_276 : vector<800x1xf32> to vector<800x128xf32>
    %mul3A_283 = arith.mulf %mul3A_282, %get3A_281 : vector<800x128xf32>
    %add3A_284 = arith.addf %add3A_275, %mul3A_283 : vector<800x128xf32>
    %mul3A_285 = arith.mulf %exp3A_221, %div3A_249 : vector<800x1xf32>
    %get3A_286 = arith.constant 4 : index
    %get3A_287 = arith.constant 0 : index
    %get3A_288 = arith.constant 0 : index
    %get3A_289 = vector.load %arg1[%get3A_286, %get3A_287, %get3A_288] : memref<12x800x128xf32, #tpu.memory_space<vmem>>, vector<1x800x128xf32>
    %get3A_290 = vector.shape_cast %get3A_289 : vector<1x800x128xf32> to vector<800x128xf32>
    %mul3A_291 = vector.broadcast %mul3A_285 : vector<800x1xf32> to vector<800x128xf32>
    %mul3A_292 = arith.mulf %mul3A_291, %get3A_290 : vector<800x128xf32>
    %add3A_293 = arith.addf %add3A_284, %mul3A_292 : vector<800x128xf32>
    %mul3A_294 = arith.mulf %exp3A_223, %div3A_249 : vector<800x1xf32>
    %get3A_295 = arith.constant 5 : index
    %get3A_296 = arith.constant 0 : index
    %get3A_297 = arith.constant 0 : index
    %get3A_298 = vector.load %arg1[%get3A_295, %get3A_296, %get3A_297] : memref<12x800x128xf32, #tpu.memory_space<vmem>>, vector<1x800x128xf32>
    %get3A_299 = vector.shape_cast %get3A_298 : vector<1x800x128xf32> to vector<800x128xf32>
    %mul3A_300 = vector.broadcast %mul3A_294 : vector<800x1xf32> to vector<800x128xf32>
    %mul3A_301 = arith.mulf %mul3A_300, %get3A_299 : vector<800x128xf32>
    %add3A_302 = arith.addf %add3A_293, %mul3A_301 : vector<800x128xf32>
    %mul3A_303 = arith.mulf %exp3A_225, %div3A_249 : vector<800x1xf32>
    %get3A_304 = arith.constant 6 : index
    %get3A_305 = arith.constant 0 : index
    %get3A_306 = arith.constant 0 : index
    %get3A_307 = vector.load %arg1[%get3A_304, %get3A_305, %get3A_306] : memref<12x800x128xf32, #tpu.memory_space<vmem>>, vector<1x800x128xf32>
    %get3A_308 = vector.shape_cast %get3A_307 : vector<1x800x128xf32> to vector<800x128xf32>
    %mul3A_309 = vector.broadcast %mul3A_303 : vector<800x1xf32> to vector<800x128xf32>
    %mul3A_310 = arith.mulf %mul3A_309, %get3A_308 : vector<800x128xf32>
    %add3A_311 = arith.addf %add3A_302, %mul3A_310 : vector<800x128xf32>
    %mul3A_312 = arith.mulf %exp3A_227, %div3A_249 : vector<800x1xf32>
    %get3A_313 = arith.constant 7 : index
    %get3A_314 = arith.constant 0 : index
    %get3A_315 = arith.constant 0 : index
    %get3A_316 = vector.load %arg1[%get3A_313, %get3A_314, %get3A_315] : memref<12x800x128xf32, #tpu.memory_space<vmem>>, vector<1x800x128xf32>
    %get3A_317 = vector.shape_cast %get3A_316 : vector<1x800x128xf32> to vector<800x128xf32>
    %mul3A_318 = vector.broadcast %mul3A_312 : vector<800x1xf32> to vector<800x128xf32>
    %mul3A_319 = arith.mulf %mul3A_318, %get3A_317 : vector<800x128xf32>
    %add3A_320 = arith.addf %add3A_311, %mul3A_319 : vector<800x128xf32>
    %mul3A_321 = arith.mulf %exp3A_229, %div3A_249 : vector<800x1xf32>
    %get3A_322 = arith.constant 8 : index
    %get3A_323 = arith.constant 0 : index
    %get3A_324 = arith.constant 0 : index
    %get3A_325 = vector.load %arg1[%get3A_322, %get3A_323, %get3A_324] : memref<12x800x128xf32, #tpu.memory_space<vmem>>, vector<1x800x128xf32>
    %get3A_326 = vector.shape_cast %get3A_325 : vector<1x800x128xf32> to vector<800x128xf32>
    %mul3A_327 = vector.broadcast %mul3A_321 : vector<800x1xf32> to vector<800x128xf32>
    %mul3A_328 = arith.mulf %mul3A_327, %get3A_326 : vector<800x128xf32>
    %add3A_329 = arith.addf %add3A_320, %mul3A_328 : vector<800x128xf32>
    %mul3A_330 = arith.mulf %exp3A_231, %div3A_249 : vector<800x1xf32>
    %get3A_331 = arith.constant 9 : index
    %get3A_332 = arith.constant 0 : index
    %get3A_333 = arith.constant 0 : index
    %get3A_334 = vector.load %arg1[%get3A_331, %get3A_332, %get3A_333] : memref<12x800x128xf32, #tpu.memory_space<vmem>>, vector<1x800x128xf32>
    %get3A_335 = vector.shape_cast %get3A_334 : vector<1x800x128xf32> to vector<800x128xf32>
    %mul3A_336 = vector.broadcast %mul3A_330 : vector<800x1xf32> to vector<800x128xf32>
    %mul3A_337 = arith.mulf %mul3A_336, %get3A_335 : vector<800x128xf32>
    %add3A_338 = arith.addf %add3A_329, %mul3A_337 : vector<800x128xf32>
    %mul3A_339 = arith.mulf %exp3A_233, %div3A_249 : vector<800x1xf32>
    %get3A_340 = arith.constant 10 : index
    %get3A_341 = arith.constant 0 : index
    %get3A_342 = arith.constant 0 : index
    %get3A_343 = vector.load %arg1[%get3A_340, %get3A_341, %get3A_342] : memref<12x800x128xf32, #tpu.memory_space<vmem>>, vector<1x800x128xf32>
    %get3A_344 = vector.shape_cast %get3A_343 : vector<1x800x128xf32> to vector<800x128xf32>
    %mul3A_345 = vector.broadcast %mul3A_339 : vector<800x1xf32> to vector<800x128xf32>
    %mul3A_346 = arith.mulf %mul3A_345, %get3A_344 : vector<800x128xf32>
    %add3A_347 = arith.addf %add3A_338, %mul3A_346 : vector<800x128xf32>
    %mul3A_348 = arith.mulf %exp3A_235, %div3A_249 : vector<800x1xf32>
    %get3A_349 = arith.constant 11 : index
    %get3A_350 = arith.constant 0 : index
    %get3A_351 = arith.constant 0 : index
    %get3A_352 = vector.load %arg1[%get3A_349, %get3A_350, %get3A_351] : memref<12x800x128xf32, #tpu.memory_space<vmem>>, vector<1x800x128xf32>
    %get3A_353 = vector.shape_cast %get3A_352 : vector<1x800x128xf32> to vector<800x128xf32>
    %mul3A_354 = vector.broadcast %mul3A_348 : vector<800x1xf32> to vector<800x128xf32>
    %mul3A_355 = arith.mulf %mul3A_354, %get3A_353 : vector<800x128xf32>
    %add3A_356 = arith.addf %add3A_347, %mul3A_355 : vector<800x128xf32>
    %get3A_357 = arith.constant 0 : index
    %get3A_358 = arith.constant 0 : index
    %get3A_359 = vector.load %arg2[%get3A_357, %get3A_358] : memref<800x128xf32, #tpu.memory_space<vmem>>, vector<800x128xf32>
    %get3A_360 = arith.constant 0 : index
    %get3A_361 = arith.constant 0 : index
    %get3A_362 = vector.load %arg11[%get3A_360, %get3A_361] : memref<128x128xf32, #tpu.memory_space<vmem>>, vector<128x128xf32>
    %dot_general3A_363 = arith.constant dense<0.000000e+00> : vector<800x128xf32>
    %dot_general3A_364 = tpu.matmul %get3A_359, %get3A_362, %dot_general3A_363 {dimension_numbers = #tpu.dot_dimension_numbers<[1], [0], [0], [1], [0, 0, 1, 1], [], []>, transpose_lhs_hint = false} : vector<800x128xf32>, vector<128x128xf32>, vector<800x128xf32> -> vector<800x128xf32>
    %get3A_365 = arith.constant 0 : index
    %get3A_366 = arith.constant 0 : index
    %get3A_367 = vector.load %arg12[%get3A_365, %get3A_366] : memref<128x128xf32, #tpu.memory_space<vmem>>, vector<128x128xf32>
    %dot_general3A_368 = arith.constant dense<0.000000e+00> : vector<800x128xf32>
    %dot_general3A_369 = tpu.matmul %add3A_356, %get3A_367, %dot_general3A_368 {dimension_numbers = #tpu.dot_dimension_numbers<[1], [0], [0], [1], [0, 0, 1, 1], [], []>, transpose_lhs_hint = false} : vector<800x128xf32>, vector<128x128xf32>, vector<800x128xf32> -> vector<800x128xf32>
    %add3A_370 = arith.addf %dot_general3A_364, %dot_general3A_369 : vector<800x128xf32>
    %max3A_371 = arith.constant 0.000000e+00 : f32
    %max3A_372 = vector.broadcast %max3A_371 : f32 to vector<800x128xf32>
    %max3A_373 = arith.maximumf %add3A_370, %max3A_372 : vector<800x128xf32>
    %swap3A = arith.constant 0 : index
    %swap3A_374 = arith.constant 0 : index
    %swap3A_375 = vector.load %arg13[%swap3A, %swap3A_374] : memref<800x128xf32, #tpu.memory_space<vmem>>, vector<800x128xf32>
    tpu.vector_store %arg13[%swap3A, %swap3A_374], %max3A_373 {strides = array<i32>} : memref<800x128xf32, #tpu.memory_space<vmem>>, vector<800x128xf32>,
    return
  }
  func.func @transform_0(%arg0: i32) -> (i32, i32, i32) {
    %c0_i32 = arith.constant 0 : i32
    %c0_i32_0 = arith.constant 0 : i32
    %c0_i32_1 = arith.constant 0 : i32
    return %c0_i32, %arg0, %c0_i32_0 : i32, i32, i32
  }
  func.func @transform_1(%arg0: i32) -> (i32, i32) {
    %add3A = arith.constant 0 : i32
    %add3A_0 = arith.addi %arg0, %add3A : i32
    %c0_i32 = arith.constant 0 : i32
    %c0_i32_1 = arith.constant 0 : i32
    return %add3A_0, %c0_i32 : i32, i32
  }
  func.func @transform_2(%arg0: i32) -> (i32, i32) {
    %add3A = arith.constant 0 : i32
    %add3A_0 = arith.addi %arg0, %add3A : i32
    %c0_i32 = arith.constant 0 : i32
    %c0_i32_1 = arith.constant 0 : i32
    return %add3A_0, %c0_i32 : i32, i32
  }
  func.func @transform_3(%arg0: i32) -> (i32, i32) {
    %add3A = arith.constant 0 : i32
    %add3A_0 = arith.addi %arg0, %add3A : i32
    %c0_i32 = arith.constant 0 : i32
    %c0_i32_1 = arith.constant 0 : i32
    return %add3A_0, %c0_i32 : i32, i32
  }
  func.func @transform_4(%arg0: i32) -> (i32, i32) {
    %add3A = arith.constant 0 : i32
    %add3A_0 = arith.addi %arg0, %add3A : i32
    %c0_i32 = arith.constant 0 : i32
    %c0_i32_1 = arith.constant 0 : i32
    return %add3A_0, %c0_i32 : i32, i32
  }
  func.func @transform_5(%arg0: i32) -> (i32, i32) {
    %c0_i32 = arith.constant 0 : i32
    %c0_i32_0 = arith.constant 0 : i32
    %c0_i32_1 = arith.constant 0 : i32
    return %c0_i32, %c0_i32_0 : i32, i32
  }
  func.func @transform_6(%arg0: i32) -> (i32, i32) {
    %c0_i32 = arith.constant 0 : i32
    %c0_i32_0 = arith.constant 0 : i32
    %c0_i32_1 = arith.constant 0 : i32
    return %c0_i32, %c0_i32_0 : i32, i32
  }
  func.func @transform_7(%arg0: i32) -> (i32, i32) {
    %c0_i32 = arith.constant 0 : i32
    %c0_i32_0 = arith.constant 0 : i32
    %c0_i32_1 = arith.constant 0 : i32
    return %c0_i32, %c0_i32_0 : i32, i32
  }
  func.func @transform_8(%arg0: i32) -> (i32, i32) {
    %c0_i32 = arith.constant 0 : i32
    %c0_i32_0 = arith.constant 0 : i32
    %c0_i32_1 = arith.constant 0 : i32
    return %c0_i32, %c0_i32_0 : i32, i32
  }
  func.func @transform_9(%arg0: i32) -> (i32, i32) {
    %c0_i32 = arith.constant 0 : i32
    %c0_i32_0 = arith.constant 0 : i32
    %c0_i32_1 = arith.constant 0 : i32
    return %c0_i32, %c0_i32_0 : i32, i32
  }
  func.func @transform_10(%arg0: i32) -> (i32, i32) {
    %c0_i32 = arith.constant 0 : i32
    %c0_i32_0 = arith.constant 0 : i32
    %c0_i32_1 = arith.constant 0 : i32
    return %c0_i32, %c0_i32_0 : i32, i32
  }
  func.func @transform_11(%arg0: i32) -> (i32, i32) {
    %c0_i32 = arith.constant 0 : i32
    %c0_i32_0 = arith.constant 0 : i32
    %c0_i32_1 = arith.constant 0 : i32
    return %c0_i32, %c0_i32_0 : i32, i32
  }
  func.func @transform_12(%arg0: i32) -> (i32, i32) {
    %c0_i32 = arith.constant 0 : i32
    %c0_i32_0 = arith.constant 0 : i32
    return %arg0, %c0_i32 : i32, i32
  }
}

</mosaic_0001>

<sc_bundles>
// kernel: kernel.13.cloned.1.call-start
scs
__scs_entry_jumppad:
0x0: {  	(pc) =	sbr.rel $0x88, $3  }
0x1: {  	(tag) =	ssettag $0x0;
	lr =	simm.s32 $0x1  }
0x2: {  	[smem:$0x3F98] =	sst lr;
	_ =	strace $0xD0000000  }
0x3: {  	_ = 	snop  }
0x4: {  	_ = 	snop  }
0x5: {  	_ = 	snop  }
0x6: {  	_ = 	snop  }
0x7: {  	_ = 	snop  }
__scs_overlays_trampoline_lowered:
0x8: {  	[smem:$0x3FA7] =	sst s0  }
0x9: {  	[smem:$0x3FA8] =	sst s1  }
0xa: {  	[smem:$0x3FA9] =	sst s2  }
0xb: {  	[smem:$0x3FAA] =	sst s3  }
0xc: {  	[smem:$0x3FAB] =	sst s4  }
0xd: {  	[smem:$0x3FAC] =	sst s5  }
0xe: {  	[smem:$0x3FAD] =	sst s6  }
0xf: {  	[smem:$0x3FAE] =	sst s7  }
0x10: {  	[smem:$0x3FAF] =	sst s8  }
0x11: {  	[smem:$0x3FB0] =	sst s9;
	s0 =	simm.s32 @!p0 $0x0  }
0x12: {  	s1 =	sld [smem:$0x3F96];
	s0 =	simm.s32 @p0 $0x1  }
0x13: {  	[smem:$0x3FB1] =	sst s0;
	s0 =	simm.s32 @!p1 $0x0  }
0x14: {  	s2 =	sld [smem:$0x3F95];
	s0 =	simm.s32 @p1 $0x1  }
0x15: {  	[smem:$0x3FB2] =	sst s0;
	s0 =	simm.s32 @!p2 $0x0  }
0x16: {  	s3 =	sld [smem:$0x3FDB];
	s0 =	simm.s32 @p2 $0x1  }
0x17: {  	s4 =	simm.s32 $0x1BF5;
	[smem:$0x3FB4] =	sst s0  }
0x18: {  	s0 =	sld [smem:$0x3F97];
	_ =	swait.ge [sflag:s4], $0x0  }
0x19: {  	s7 =	sld [smem:$0x3F98]  }
0x1a: {  	s8 =	sadd.s32 $0xFFFFE003, lr  }
0x1b: {  	s9 =	sadd.s32 $0xFFFFFEF7, lr;
	s5 =	simm.s32 $0xFFFFFFFF;
	p2 =	slt.u32 s8, $0xFFFFF086  }
0x1c: {  	p1 =	slt.u32 s9, $0xF7A;
	s5 =	simm.s32 @!p2 $0x0  }
0x1d: {  	s5 =	simm.s32 @p1 $0x1;
	p0 =	seq.s32 s7, s2  }
0x1e: {  	s7 =	smul.u32 @!p0 $0xF7A, s2;
	p2 =	seq.s32 @!p0 s5, $0x0  }
0x1f: {  	s9 =	smul.u32 $0xF7A, s1;
	s8 =	simm.s32 @!p0 $0x1BF5;
	p2 =	por !p2, p0  }
0x20: {  	[sflag:s8] =	ssyncset.s32 @!p0 $0xFFFFF086;
	s6 =	sadd.s32 @!p0 s3, s7;
	s7 =	simm.s32 @!p0 $0x108  }
0x21: {  	s3 =	sadd.s32 s3, s9;
	s6 =	sadd.s32 @!p0 $0x88, s6;
	s7 =	simm.s32 @p2 $0x1082  }
0x22: {  	[simem:s7], [sflag:s8] =	dma.local @!p0 [hbm:s6], $0xF7A  }
0x23: {  	s9 =	sor.u32 $0xD0000000, s2;
	s6 =	simm.s32 $0x108;
	_ =	swait.ge @!p0 [sflag:s8], $0x0  }
0x24: {  	s3 =	sadd.s32 $0x88, s3;
	s6 =	simm.s32 @!p1 $0x1082;
	[sflag:s4] =	ssyncset.s32 $0xFFFFF086  }
0x25: {  	[simem:s6], [sflag:s4] =	dma.local [hbm:s3], $0xF7A  }
0x26: {  	[smem:$0x3F98] =	sst s1;
	(tag) =	ssettag s2;
	_ =	strace s9  }
0x27: {  	s1 =	sld [smem:$0x3FA8]  }
0x28: {  	s2 =	sld [smem:$0x3FA9]  }
0x29: {  	s4 =	sld [smem:$0x3FAB]  }
0x2a: {  	p0 =	seq.s32 s5, $0x0;
	s5 =	sld [smem:$0x3FAC]  }
0x2b: {  	s6 =	sld [smem:$0x3FAD]  }
0x2c: {  	s7 =	sld [smem:$0x3FAE]  }
0x2d: {  	s3 =	simm.s32 $0x108;
	s8 =	sld [smem:$0x3FAF]  }
0x2e: {  	s3 =	simm.s32 @!p0 $0x1082;
	s9 =	sld [smem:$0x3FB0]  }
0x2f: {  	lr =	sadd.s32 s0, s3;
	s0 =	sld [smem:$0x3FA7]  }
0x30: {  	s3 =	sld [smem:$0x3FAA]  }
0x31: {  	[smem:$0x3FB3] =	sst s10  }
0x32: {  	s10 =	sld [smem:$0x3FB1];
	_ =	sdelay $0x3  }
0x33: {  	p0 =	seq.s32 s10, $0x1;
	s10 =	sld [smem:$0x3FB3];
	_ =	sdelay $0x3  }
0x34: {  	[smem:$0x3FB3] =	sst s10  }
0x35: {  	s10 =	sld [smem:$0x3FB2];
	_ =	sdelay $0x3  }
0x36: {  	p1 =	seq.s32 s10, $0x1;
	s10 =	sld [smem:$0x3FB3];
	_ =	sdelay $0x3  }
0x37: {  	[smem:$0x3FB3] =	sst s10  }
0x38: {  	s10 =	sld [smem:$0x3FB4]  }
0x39: {  	_ = 	snop;
	(pc) =	sbr.ind lr, $3  }
0x3a: {  	_ = 	snop  }
0x3b: {  	_ = 	snop  }
0x3c: {  	p2 =	seq.s32 s10, $0x1;
	s10 =	sld [smem:$0x3FB3]  }
0x3d: {  	_ =	shalt  }
0x3e: {  	_ =	shalt  }
0x3f: {  	_ =	shalt  }
0x40: {  	_ =	shalt  }
0x41: {  	_ =	shalt  }
0x42: {  	_ =	shalt  }
0x43: {  	_ =	shalt  }
0x44: {  	_ =	shalt  }
0x45: {  	_ =	shalt  }
0x46: {  	_ =	shalt  }
0x47: {  	_ =	shalt  }
0x48: {  	_ =	shalt  }
0x49: {  	_ =	shalt  }
0x4a: {  	_ =	shalt  }
0x4b: {  	_ =	shalt  }
0x4c: {  	_ =	shalt  }
0x4d: {  	_ =	shalt  }
0x4e: {  	_ =	shalt  }
0x4f: {  	_ =	shalt  }
0x50: {  	_ =	shalt  }
0x51: {  	_ =	shalt  }
0x52: {  	_ =	shalt  }
0x53: {  	_ =	shalt  }
0x54: {  	_ =	shalt  }
0x55: {  	_ =	shalt  }
0x56: {  	_ =	shalt  }
0x57: {  	_ =	shalt  }
0x58: {  	_ =	shalt  }
0x59: {  	_ =	shalt  }
0x5a: {  	_ =	shalt  }
0x5b: {  	_ =	shalt  }
0x5c: {  	_ =	shalt  }
0x5d: {  	_ =	shalt  }
0x5e: {  	_ =	shalt  }
0x5f: {  	_ =	shalt  }
0x60: {  	_ =	shalt  }
0x61: {  	_ =	shalt  }
0x62: {  	_ =	shalt  }
0x63: {  	_ =	shalt  }
0x64: {  	_ =	shalt  }
0x65: {  	_ =	shalt  }
0x66: {  	_ =	shalt  }
0x67: {  	_ =	shalt  }
0x68: {  	_ =	shalt  }
0x69: {  	_ =	shalt  }
0x6a: {  	_ =	shalt  }
0x6b: {  	_ =	shalt  }
0x6c: {  	_ =	shalt  }
0x6d: {  	_ =	shalt  }
0x6e: {  	_ =	shalt  }
0x6f: {  	_ =	shalt  }
0x70: {  	_ =	shalt  }
0x71: {  	_ =	shalt  }
0x72: {  	_ =	shalt  }
0x73: {  	_ =	shalt  }
0x74: {  	_ =	shalt  }
0x75: {  	_ =	shalt  }
0x76: {  	_ =	shalt  }
0x77: {  	_ =	shalt  }
0x78: {  	_ =	shalt  }
0x79: {  	_ =	shalt  }
0x7a: {  	_ =	shalt  }
0x7b: {  	_ =	shalt  }
0x7c: {  	_ =	shalt  }
0x7d: {  	_ =	shalt  }
0x7e: {  	_ =	shalt  }
0x7f: {  	_ =	shalt  }
0x80: {  	_ =	shalt  }
0x81: {  	_ =	shalt  }
0x82: {  	_ =	shalt  }
0x83: {  	_ =	shalt  }
0x84: {  	_ =	shalt  }
0x85: {  	_ =	shalt  }
0x86: {  	_ =	shalt  }
0x87: {  	_ =	shalt  }
.Lfunc_end0:
.L_simem_size_0:
called_computation_lowered:
.L_overlay_start_0:
0x88: {  	s2 =	sld [smem:$0x3FD9]  }
0x89: {  	s3 =	sld [smem:$0x3FFE];
	_ =	sdelay $0x1  }
0x8a: {  	s1 =	srdreg.scid  }
0x8b: {  	s0 =	sand.u32 $0x1, s1  }
0x8c: {  	s17 =	sshll.u32 s0, $0xA;
	s2 =	sadd.s32 s3, s2  }
0x8d: {  	s2 =	sadd.s32 s2, s17  }
0x8e: {  	[smem:$0x3FBF] =	sst s2  }
0x8f: {  	_ = 	snop  }
0x90: {  	s2 =	sld [smem:$0x3FC6]  }
0x91: {  	s18 =	sld [smem:$0x3FD0];
	(tm) =	ssettm $0x1  }
0x92: {  	s4 =	sld [smem:$0x3FFB];
	_ =	sdelay $0x3  }
0x93: {  	_ =	strace s4  }
0x94: {  	s4 =	sld [smem:$0x3FFC];
	_ =	sdelay $0x3  }
0x95: {  	_ =	strace s4  }
0x96: {  	s4 =	sld [smem:$0x3FFD];
	_ =	sdelay $0x3  }
0x97: {  	_ =	strace s4  }
0x98: {  	_ =	strace $0x8FFFFFFF  }
0x99: {  	s19 =	sld [smem:$0x3FDB];
	_ =	sdelay $0x1  }
0x9a: {  	s5 =	simm.s32 $_scs_section_size  }
0x9b: {  	s6 =	simm.s32 $_size__tile_overlayer_lowered;
	s7 =	simm.s32 $_tile_overlayer_lowered  }
0x9c: {  	s22 =	simm.s32 $0x1BFF;
	s21 =	sshll.u32 s7, $0x1;
	s4 =	sadd.s32 s5, s19  }
0x9d: {  	s8 =	simm.s32 $0x0;
	s20 =	sshll.u32 s6, $0x1;
	s6 =	sadd.s32 s21, s4  }
0x9e: {  	[timem:s8], [sflag:s22] =	dma.local [hbm:s6], s20  }
0x9f: {  	_ =	swait.ge [sflag:s22], s20  }
0xa0: {  	s5 =	ssub.s32 $0x0, s20;
	[sflag:s22] =	ssyncset.done $0x0  }
0xa1: {  	[sflag:s22] =	ssyncadd.s32 s5;
	_ =	sdelay $0x1  }
0xa2: {  	s23 =	simm.s32 $0x1B8B  }
0xa3: {  	_ =	swait.ge [sflag:s23], $0x1  }
0xa4: {  	[sflag:s23] =	ssyncset.done $0x0  }
0xa5: {  	s25 =	simm.s32 $0x1B8E;
	s24 =	sld [smem:$0x3FFE];
	[sflag:s23] =	ssyncadd.s32 $0xFFFFFFFF  }
0xa6: {  	s26 =	simm.s32 $execute0_lowered;
	[smem:$0x3FD2] =	sst s25  }
0xa7: {  	s6 =	sshll.u32 s26, $0x1;
	_ =	strace $0x80000046;
	[dreg:$0x1] =	wrdreg $0xFFFFFFFF  }
0xa8: {  	s28 =	simm.s32 $_size_execute0_lowered;
	s4 =	sadd.s32 s4, s6;
	[dreg:$0x0] =	wrdreg $0x0  }
0xa9: {  	s6 =	sshll.u32 s28, $0x1;
	[dreg:$0x2] =	wrdreg s4  }
0xaa: {  	[dreg:$0x3] =	wrdreg s6  }
0xab: {  	[dreg:$0x4] =	wrdreg $0xC0  }
0xac: {  	_ =	task [dreg:s8], $0x5FFFF  }
0xad: {  	[dreg:$0x1] =	wrdreg $0xFFFFFFFF  }
0xae: {  	[dreg:$0x0] =	wrdreg $0x60  }
0xaf: {  	[dreg:$0x2] =	wrdreg s18  }
0xb0: {  	[dreg:$0x3] =	wrdreg s24  }
0xb1: {  	[dreg:$0x4] =	wrdreg s2  }
0xb2: {  	[dreg:$0x5] =	wrdreg $0x9  }
0xb3: {  	_ =	task.clear_ibuf [dreg:s8], $0x6FFFF;
	_ =	strace $0x90000046  }
0xb4: {  	s29 =	simm.s32 $0x9;
	_ =	strace $0x80000048  }
0xb5: {  	_ =	swait.ge [sflag:s29], $0x1  }
0xb6: {  	[sflag:s29] =	ssyncadd.s32 $0xFFFFFFFF  }
0xb7: {  	_ =	strace $0x90000048  }
0xb8: {  	_ =	sfence  }
0xb9: {  	s30 =	sld [smem:$0x0];
	_ =	sdelay $0x2  }
0xba: {  	s31 =	sshll.u32 s1, $0xD;
	s1 =	sshrl.u32 s1, $0x2  }
0xbb: {  	s3 =	sand.u32 $0x4000, s31;
	s1 =	sadd.s32 s1, s30  }
0xbc: {  	s0 =	sor.u32 s3, s0;
	s1 =	sshll.u32 s1, $0x11  }
0xbd: {  	s0 =	sor.u32 s1, s0  }
0xbe: {  	s0 =	sadd.s32 $0x8F2B, s0  }
0xbf: {  	[sflag:s0] =	ssyncadd.remote.s32 $0x1  }
0xc0: {  	_ =	sfence.sel $0xFFFF  }
0xc1: {  	[dreg:$0x0] =	wrdreg $0xFFFFFFFF;
	(pc) =	sbr.abs _section_cstart, $3  }
0xc2: {  	[dreg:$0x1] =	wrdreg $0xFFFFFFFF  }
0xc3: {  	_ =	task.clear_ibuf [dreg:s8], $0x2FFFF;
	_ =	strace $0x9FFFFFFF  }
0xc4: {  	(tm) =	ssettm $0x7FFFFFFF  }
0xc5: {  	_ =	shalt  }
tec
execute0_lowered:
.L_overlay_start_1:
0x0: {  	(tag) =	ssettag $0x1  }
0x1: {  	s0 =	srdreg.scid;
	s1 =	stileid.u32  }
0x2: {  	s2 =	sand.u32 $0x1, s0;
	s16 =	sshll.u32 s1, $0x1  }
0x3: {  	s19 =	rddreg [dreg:$0x0];
	s0 =	sor.u32 s2, s16  }
0x4: {  	s23 =	rddreg [dreg:$0x1];
	s3 =	simm.s32 $0x0;
	s20 =	smul.u32 $0x640, s0  }
0x5: {  	[smem:$0x7FF] =	sst s3  }
0x6: {  	s4 =	simm.s32 $0x2;
	[dreg:$0x4] =	wrdreg s2;
	s22 =	sshrl.u32 s20, $0x3  }
0x7: {  	s2 =	rddreg [dreg:$0x2];
	_ =	strace $0x80000047;
	s5 =	sadd.s32 s19, s22  }
0x8: {  	[tilespmem:s3], [sflag:$0x2] =	stream.linear.gather [hbm4b:s5+s3], $0x190, $0x38;
	[tilespmem:$0x19200] =	vst v63  }
0x9: {  	_ =	swait.ge [sflag:s4], $0x190  }
0xa: {  	s7 =	simm.s32 $0x190;
	s8 =	simm.s32 $0x200;
	[sflag:s4] =	ssyncset.done $0x0  }
0xb: {  	s9 =	simm.s32 $0x1;
	s6 =	sadd.s32 $0x311A00, s23;
	[sflag:s4] =	ssyncadd.s32 $0xFFFFFE70  }
0xc: {  	[tilespmem:s8], [sflag:$0x1] =	stream.indirect.gather [hbm4b:s6+s7], $0x80, s3, s7, $0xb8;
	[tilespmem:$0x19200] =	vst v63  }
0xd: {  	s24 =	smul.u32 $0x6400, s0;
	_ =	swait.ge [sflag:s9], $0xC800  }
0xe: {  	s21 =	sadd.s32 $0x4600, s23;
	[sflag:s9] =	ssyncset.done $0x0  }
0xf: {  	s10 =	sadd.s32 s21, s24;
	[sflag:s9] =	ssyncadd.s32 $0xFFFF3800  }
0x10: {  	[hbm4b:s10+s3] =	stream.linear.scatter [tilespmem:s8], [sflag:$0x2], $0xC800, $0x38;
	[tilespmem:$0x19200] =	vst v63  }
0x11: {  	_ =	swait.ge [sflag:s4], $0xC800  }
0x12: {  	[sflag:s4] =	ssyncset.done $0x0  }
0x13: {  	s11 =	simm.s32 $0xCA00;
	[sflag:s4] =	ssyncadd.s32 $0xFFFF3800  }
0x14: {  	[tilespmem:s11], [sflag:$0x1] =	stream.indirect.gather [hbm4b:s2+s7], $0x80, s3, s7, $0xb8;
	[tilespmem:$0x19200] =	vst v63  }
0x15: {  	_ =	swait.ge [sflag:s9], $0xC800  }
0x16: {  	s31 =	sadd.s32 $0xCC600, s23;
	[sflag:s9] =	ssyncset.done $0x0  }
0x17: {  	s12 =	sadd.s32 s31, s24;
	[sflag:s9] =	ssyncadd.s32 $0xFFFF3800  }
0x18: {  	[hbm4b:s12+s3] =	stream.linear.scatter [tilespmem:s11], [sflag:$0x2], $0xC800, $0x38;
	[tilespmem:$0x19200] =	vst v63  }
0x19: {  	s17 =	sadd.s32 $0x190, s20;
	_ =	swait.ge [sflag:s4], $0xC800  }
0x1a: {  	s25 =	sshrl.u32 s17, $0x3;
	[sflag:s4] =	ssyncset.done $0x0  }
0x1b: {  	s13 =	sadd.s32 s19, s25;
	[sflag:s4] =	ssyncadd.s32 $0xFFFF3800  }
0x1c: {  	[tilespmem:s3], [sflag:$0x2] =	stream.linear.gather [hbm4b:s13+s3], $0x190, $0x38;
	[tilespmem:$0x19200] =	vst v63  }
0x1d: {  	_ =	swait.ge [sflag:s4], $0x190  }
0x1e: {  	[sflag:s4] =	ssyncset.done $0x0  }
0x1f: {  	[sflag:s4] =	ssyncadd.s32 $0xFFFFFE70  }
0x20: {  	[tilespmem:s8], [sflag:$0x1] =	stream.indirect.gather [hbm4b:s6+s7], $0x80, s3, s7, $0xb8;
	[tilespmem:$0x19200] =	vst v63  }
0x21: {  	_ =	swait.ge [sflag:s9], $0xC800  }
0x22: {  	s26 =	sshll.u32 s17, $0x4;
	[sflag:s9] =	ssyncset.done $0x0  }
0x23: {  	s14 =	sadd.s32 s21, s26;
	[sflag:s9] =	ssyncadd.s32 $0xFFFF3800  }
0x24: {  	[hbm4b:s14+s3] =	stream.linear.scatter [tilespmem:s8], [sflag:$0x2], $0xC800, $0x38;
	[tilespmem:$0x19200] =	vst v63  }
0x25: {  	_ =	swait.ge [sflag:s4], $0xC800  }
0x26: {  	[sflag:s4] =	ssyncset.done $0x0  }
0x27: {  	[sflag:s4] =	ssyncadd.s32 $0xFFFF3800  }
0x28: {  	[tilespmem:s11], [sflag:$0x1] =	stream.indirect.gather [hbm4b:s2+s7], $0x80, s3, s7, $0xb8;
	[tilespmem:$0x19200] =	vst v63  }
0x29: {  	_ =	swait.ge [sflag:s9], $0xC800  }
0x2a: {  	[sflag:s9] =	ssyncset.done $0x0  }
0x2b: {  	s15 =	sadd.s32 s31, s26;
	[sflag:s9] =	ssyncadd.s32 $0xFFFF3800  }
0x2c: {  	[hbm4b:s15+s3] =	stream.linear.scatter [tilespmem:s11], [sflag:$0x2], $0xC800, $0x38;
	[tilespmem:$0x19200] =	vst v63  }
0x2d: {  	s18 =	sadd.s32 $0x320, s20;
	_ =	swait.ge [sflag:s4], $0xC800  }
0x2e: {  	s28 =	sshrl.u32 s18, $0x3;
	[sflag:s4] =	ssyncset.done $0x0  }
0x2f: {  	s16 =	sadd.s32 s19, s28;
	[sflag:s4] =	ssyncadd.s32 $0xFFFF3800  }
0x30: {  	[tilespmem:s3], [sflag:$0x2] =	stream.linear.gather [hbm4b:s16+s3], $0x190, $0x38;
	[tilespmem:$0x19200] =	vst v63  }
0x31: {  	_ =	swait.ge [sflag:s4], $0x190  }
0x32: {  	[sflag:s4] =	ssyncset.done $0x0  }
0x33: {  	[sflag:s4] =	ssyncadd.s32 $0xFFFFFE70  }
0x34: {  	[tilespmem:s8], [sflag:$0x1] =	stream.indirect.gather [hbm4b:s6+s7], $0x80, s3, s7, $0xb8;
	[tilespmem:$0x19200] =	vst v63  }
0x35: {  	_ =	swait.ge [sflag:s9], $0xC800  }
0x36: {  	s29 =	sshll.u32 s18, $0x4;
	[sflag:s9] =	ssyncset.done $0x0  }
0x37: {  	s17 =	sadd.s32 s21, s29;
	[sflag:s9] =	ssyncadd.s32 $0xFFFF3800  }
0x38: {  	[hbm4b:s17+s3] =	stream.linear.scatter [tilespmem:s8], [sflag:$0x2], $0xC800, $0x38;
	[tilespmem:$0x19200] =	vst v63  }
0x39: {  	_ =	swait.ge [sflag:s4], $0xC800  }
0x3a: {  	[sflag:s4] =	ssyncset.done $0x0  }
0x3b: {  	[sflag:s4] =	ssyncadd.s32 $0xFFFF3800  }
0x3c: {  	[tilespmem:s11], [sflag:$0x1] =	stream.indirect.gather [hbm4b:s2+s7], $0x80, s3, s7, $0xb8;
	[tilespmem:$0x19200] =	vst v63  }
0x3d: {  	_ =	swait.ge [sflag:s9], $0xC800  }
0x3e: {  	[sflag:s9] =	ssyncset.done $0x0  }
0x3f: {  	s18 =	sadd.s32 s31, s29;
	[sflag:s9] =	ssyncadd.s32 $0xFFFF3800  }
0x40: {  	[hbm4b:s18+s3] =	stream.linear.scatter [tilespmem:s11], [sflag:$0x2], $0xC800, $0x38;
	[tilespmem:$0x19200] =	vst v63  }
0x41: {  	s0 =	sadd.s32 $0x4B0, s20;
	_ =	swait.ge [sflag:s4], $0xC800  }
0x42: {  	s30 =	sshrl.u32 s0, $0x3;
	[sflag:s4] =	ssyncset.done $0x0  }
0x43: {  	s19 =	sadd.s32 s19, s30;
	[sflag:s4] =	ssyncadd.s32 $0xFFFF3800  }
0x44: {  	[tilespmem:s3], [sflag:$0x2] =	stream.linear.gather [hbm4b:s19+s3], $0x190, $0x38;
	[tilespmem:$0x19200] =	vst v63  }
0x45: {  	_ =	swait.ge [sflag:s4], $0x190  }
0x46: {  	[sflag:s4] =	ssyncset.done $0x0  }
0x47: {  	[sflag:s4] =	ssyncadd.s32 $0xFFFFFE70  }
0x48: {  	[tilespmem:s8], [sflag:$0x1] =	stream.indirect.gather [hbm4b:s6+s7], $0x80, s3, s7, $0xb8;
	[tilespmem:$0x19200] =	vst v63  }
0x49: {  	_ =	swait.ge [sflag:s9], $0xC800  }
0x4a: {  	s1 =	sshll.u32 s0, $0x4;
	[sflag:s9] =	ssyncset.done $0x0  }
0x4b: {  	s20 =	sadd.s32 s21, s1;
	[sflag:s9] =	ssyncadd.s32 $0xFFFF3800  }
0x4c: {  	[hbm4b:s20+s3] =	stream.linear.scatter [tilespmem:s8], [sflag:$0x2], $0xC800, $0x38;
	[tilespmem:$0x19200] =	vst v63  }
0x4d: {  	_ =	swait.ge [sflag:s4], $0xC800  }
0x4e: {  	[sflag:s4] =	ssyncset.done $0x0  }
0x4f: {  	[sflag:s4] =	ssyncadd.s32 $0xFFFF3800  }
0x50: {  	[tilespmem:s11], [sflag:$0x1] =	stream.indirect.gather [hbm4b:s2+s7], $0x80, s3, s7, $0xb8;
	[tilespmem:$0x19200] =	vst v63  }
0x51: {  	_ =	swait.ge [sflag:s9], $0xC800  }
0x52: {  	[sflag:s9] =	ssyncset.done $0x0  }
0x53: {  	s21 =	sadd.s32 s31, s1;
	[sflag:s9] =	ssyncadd.s32 $0xFFFF3800  }
0x54: {  	[hbm4b:s21+s3] =	stream.linear.scatter [tilespmem:s11], [sflag:$0x2], $0xC800, $0x38;
	[tilespmem:$0x19200] =	vst v63  }
0x55: {  	_ =	swait.ge [sflag:s4], $0xC800  }
0x56: {  	s31 =	sadd.s32 $0x2C00, s23;
	[sflag:s4] =	ssyncset.done $0x0  }
0x57: {  	s22 =	sadd.s32 s31, s22;
	[sflag:s4] =	ssyncadd.s32 $0xFFFF3800  }
0x58: {  	[tilespmem:s3], [sflag:$0x2] =	stream.linear.gather [hbm4b:s22+s3], $0x190, $0x38;
	[tilespmem:$0x19200] =	vst v63  }
0x59: {  	_ =	swait.ge [sflag:s4], $0x190  }
0x5a: {  	[sflag:s4] =	ssyncset.done $0x0  }
0x5b: {  	[sflag:s4] =	ssyncadd.s32 $0xFFFFFE70  }
0x5c: {  	[tilespmem:s11], [sflag:$0x1] =	stream.indirect.gather [hbm4b:s2+s7], $0x80, s3, s7, $0xb8;
	[tilespmem:$0x19200] =	vst v63  }
0x5d: {  	_ =	swait.ge [sflag:s9], $0xC800  }
0x5e: {  	s0 =	sadd.s32 $0x194600, s23;
	[sflag:s9] =	ssyncset.done $0x0  }
0x5f: {  	s23 =	sadd.s32 s0, s24;
	[sflag:s9] =	ssyncadd.s32 $0xFFFF3800  }
0x60: {  	[hbm4b:s23+s3] =	stream.linear.scatter [tilespmem:s11], [sflag:$0x2], $0xC800, $0x38;
	[tilespmem:$0x19200] =	vst v63  }
0x61: {  	_ =	swait.ge [sflag:s4], $0xC800  }
0x62: {  	[sflag:s4] =	ssyncset.done $0x0  }
0x63: {  	s24 =	sadd.s32 s31, s25;
	[sflag:s4] =	ssyncadd.s32 $0xFFFF3800  }
0x64: {  	[tilespmem:s3], [sflag:$0x2] =	stream.linear.gather [hbm4b:s24+s3], $0x190, $0x38;
	[tilespmem:$0x19200] =	vst v63  }
0x65: {  	_ =	swait.ge [sflag:s4], $0x190  }
0x66: {  	[sflag:s4] =	ssyncset.done $0x0  }
0x67: {  	[sflag:s4] =	ssyncadd.s32 $0xFFFFFE70  }
0x68: {  	[tilespmem:s11], [sflag:$0x1] =	stream.indirect.gather [hbm4b:s2+s7], $0x80, s3, s7, $0xb8;
	[tilespmem:$0x19200] =	vst v63  }
0x69: {  	_ =	swait.ge [sflag:s9], $0xC800  }
0x6a: {  	[sflag:s9] =	ssyncset.done $0x0  }
0x6b: {  	s25 =	sadd.s32 s0, s26;
	[sflag:s9] =	ssyncadd.s32 $0xFFFF3800  }
0x6c: {  	[hbm4b:s25+s3] =	stream.linear.scatter [tilespmem:s11], [sflag:$0x2], $0xC800, $0x38;
	[tilespmem:$0x19200] =	vst v63  }
0x6d: {  	_ =	swait.ge [sflag:s4], $0xC800  }
0x6e: {  	[sflag:s4] =	ssyncset.done $0x0  }
0x6f: {  	s26 =	sadd.s32 s31, s28;
	[sflag:s4] =	ssyncadd.s32 $0xFFFF3800  }
0x70: {  	[tilespmem:s3], [sflag:$0x2] =	stream.linear.gather [hbm4b:s26+s3], $0x190, $0x38;
	[tilespmem:$0x19200] =	vst v63  }
0x71: {  	_ =	swait.ge [sflag:s4], $0x190  }
0x72: {  	[sflag:s4] =	ssyncset.done $0x0  }
0x73: {  	[sflag:s4] =	ssyncadd.s32 $0xFFFFFE70  }
0x74: {  	[tilespmem:s11], [sflag:$0x1] =	stream.indirect.gather [hbm4b:s2+s7], $0x80, s3, s7, $0xb8;
	[tilespmem:$0x19200] =	vst v63  }
0x75: {  	_ =	swait.ge [sflag:s9], $0xC800  }
0x76: {  	[sflag:s9] =	ssyncset.done $0x0  }
0x77: {  	s28 =	sadd.s32 s0, s29;
	[sflag:s9] =	ssyncadd.s32 $0xFFFF3800  }
0x78: {  	[hbm4b:s28+s3] =	stream.linear.scatter [tilespmem:s11], [sflag:$0x2], $0xC800, $0x38;
	[tilespmem:$0x19200] =	vst v63  }
0x79: {  	_ =	swait.ge [sflag:s4], $0xC800  }
0x7a: {  	[sflag:s4] =	ssyncset.done $0x0  }
0x7b: {  	s29 =	sadd.s32 s31, s30;
	[sflag:s4] =	ssyncadd.s32 $0xFFFF3800  }
0x7c: {  	[tilespmem:s3], [sflag:$0x2] =	stream.linear.gather [hbm4b:s29+s3], $0x190, $0x38;
	[tilespmem:$0x19200] =	vst v63  }
0x7d: {  	_ =	swait.ge [sflag:s4], $0x190  }
0x7e: {  	[sflag:s4] =	ssyncset.done $0x0;
	s30 =	rddreg [dreg:$0x4]  }
0x7f: {  	s30 =	ssub.s32 $0x2, s30;
	[sflag:s4] =	ssyncadd.s32 $0xFFFFFE70  }
0x80: {  	[tilespmem:s11], [sflag:$0x1] =	stream.indirect.gather [hbm4b:s2+s7], $0x80, s3, s7, $0xb8;
	[tilespmem:$0x19200] =	vst v63  }
0x81: {  	s31 =	sshrl.u32 s30, $0x1  }
0x82: {  	s31 =	ssub.s32 s30, s31  }
0x83: {  	s30 =	sadd.s32 s0, s1;
	s1 =	smax.u32 s31, $0x1  }
0x84: {  	_ =	swait.ge [sflag:s9], $0xC800;
	p0 =	sne.s32 s1, $0x1  }
.Ltmp0:
0x85: {  	[sflag:s9] =	ssyncset.done $0x0;
	(pc) =	sbr.rel @!p0 .LBB2_2-.Ltmp0, $4  }
0x86: {  	[sflag:s9] =	ssyncadd.s32 $0xFFFF3800  }
0x87: {  	[hbm4b:s30+s3] =	stream.linear.scatter [tilespmem:s11], [sflag:$0x2], $0xC800, $0x38;
	[tilespmem:$0x19200] =	vst v63  }
0x88: {  	_ =	swait.ge [sflag:s4], $0xC800  }
0x89: {  	s31 =	sadd.s32 $0xFFFFFFFF, s1;
	[sflag:s4] =	ssyncset.done $0x0  }
.LBB2_1:
0x8a: {  	p0 =	sne.s32 s31, $0x1;
	s31 =	sadd.s32 $0xFFFFFFFF, s31;
	[sflag:s4] =	ssyncadd.s32 $0xFFFF3800  }
0x8b: {  	[tilespmem:s3], [sflag:$0x2] =	stream.linear.gather [hbm4b:s5+s3], $0x190, $0x38;
	[tilespmem:$0x19200] =	vst v63  }
0x8c: {  	_ =	swait.ge [sflag:s4], $0x190  }
0x8d: {  	[sflag:s4] =	ssyncset.done $0x0  }
0x8e: {  	[sflag:s4] =	ssyncadd.s32 $0xFFFFFE70  }
0x8f: {  	[tilespmem:s8], [sflag:$0x1] =	stream.indirect.gather [hbm4b:s6+s7], $0x80, s3, s7, $0xb8;
	[tilespmem:$0x19200] =	vst v63  }
0x90: {  	_ =	swait.ge [sflag:s9], $0xC800  }
0x91: {  	[sflag:s9] =	ssyncset.done $0x0  }
0x92: {  	[sflag:s9] =	ssyncadd.s32 $0xFFFF3800  }
0x93: {  	[hbm4b:s10+s3] =	stream.linear.scatter [tilespmem:s8], [sflag:$0x2], $0xC800, $0x38;
	[tilespmem:$0x19200] =	vst v63  }
0x94: {  	_ =	swait.ge [sflag:s4], $0xC800  }
0x95: {  	[sflag:s4] =	ssyncset.done $0x0  }
0x96: {  	[sflag:s4] =	ssyncadd.s32 $0xFFFF3800  }
0x97: {  	[tilespmem:s11], [sflag:$0x1] =	stream.indirect.gather [hbm4b:s2+s7], $0x80, s3, s7, $0xb8;
	[tilespmem:$0x19200] =	vst v63  }
0x98: {  	_ =	swait.ge [sflag:s9], $0xC800  }
0x99: {  	[sflag:s9] =	ssyncset.done $0x0  }
0x9a: {  	[sflag:s9] =	ssyncadd.s32 $0xFFFF3800  }
0x9b: {  	[hbm4b:s12+s3] =	stream.linear.scatter [tilespmem:s11], [sflag:$0x2], $0xC800, $0x38;
	[tilespmem:$0x19200] =	vst v63  }
0x9c: {  	_ =	swait.ge [sflag:s4], $0xC800  }
0x9d: {  	[sflag:s4] =	ssyncset.done $0x0  }
0x9e: {  	[sflag:s4] =	ssyncadd.s32 $0xFFFF3800  }
0x9f: {  	[tilespmem:s3], [sflag:$0x2] =	stream.linear.gather [hbm4b:s13+s3], $0x190, $0x38;
	[tilespmem:$0x19200] =	vst v63  }
0xa0: {  	_ =	swait.ge [sflag:s4], $0x190  }
0xa1: {  	[sflag:s4] =	ssyncset.done $0x0  }
0xa2: {  	[sflag:s4] =	ssyncadd.s32 $0xFFFFFE70  }
0xa3: {  	[tilespmem:s8], [sflag:$0x1] =	stream.indirect.gather [hbm4b:s6+s7], $0x80, s3, s7, $0xb8;
	[tilespmem:$0x19200] =	vst v63  }
0xa4: {  	_ =	swait.ge [sflag:s9], $0xC800  }
0xa5: {  	[sflag:s9] =	ssyncset.done $0x0  }
0xa6: {  	[sflag:s9] =	ssyncadd.s32 $0xFFFF3800  }
0xa7: {  	[hbm4b:s14+s3] =	stream.linear.scatter [tilespmem:s8], [sflag:$0x2], $0xC800, $0x38;
	[tilespmem:$0x19200] =	vst v63  }
0xa8: {  	_ =	swait.ge [sflag:s4], $0xC800  }
0xa9: {  	[sflag:s4] =	ssyncset.done $0x0  }
0xaa: {  	[sflag:s4] =	ssyncadd.s32 $0xFFFF3800  }
0xab: {  	[tilespmem:s11], [sflag:$0x1] =	stream.indirect.gather [hbm4b:s2+s7], $0x80, s3, s7, $0xb8;
	[tilespmem:$0x19200] =	vst v63  }
0xac: {  	_ =	swait.ge [sflag:s9], $0xC800  }
0xad: {  	[sflag:s9] =	ssyncset.done $0x0  }
0xae: {  	[sflag:s9] =	ssyncadd.s32 $0xFFFF3800  }
0xaf: {  	[hbm4b:s15+s3] =	stream.linear.scatter [tilespmem:s11], [sflag:$0x2], $0xC800, $0x38;
	[tilespmem:$0x19200] =	vst v63  }
0xb0: {  	_ =	swait.ge [sflag:s4], $0xC800  }
0xb1: {  	[sflag:s4] =	ssyncset.done $0x0  }
0xb2: {  	[sflag:s4] =	ssyncadd.s32 $0xFFFF3800  }
0xb3: {  	[tilespmem:s3], [sflag:$0x2] =	stream.linear.gather [hbm4b:s16+s3], $0x190, $0x38;
	[tilespmem:$0x19200] =	vst v63  }
0xb4: {  	_ =	swait.ge [sflag:s4], $0x190  }
0xb5: {  	[sflag:s4] =	ssyncset.done $0x0  }
0xb6: {  	[sflag:s4] =	ssyncadd.s32 $0xFFFFFE70  }
0xb7: {  	[tilespmem:s8], [sflag:$0x1] =	stream.indirect.gather [hbm4b:s6+s7], $0x80, s3, s7, $0xb8;
	[tilespmem:$0x19200] =	vst v63  }
0xb8: {  	_ =	swait.ge [sflag:s9], $0xC800  }
0xb9: {  	[sflag:s9] =	ssyncset.done $0x0  }
0xba: {  	[sflag:s9] =	ssyncadd.s32 $0xFFFF3800  }
0xbb: {  	[hbm4b:s17+s3] =	stream.linear.scatter [tilespmem:s8], [sflag:$0x2], $0xC800, $0x38;
	[tilespmem:$0x19200] =	vst v63  }
0xbc: {  	_ =	swait.ge [sflag:s4], $0xC800  }
0xbd: {  	[sflag:s4] =	ssyncset.done $0x0  }
0xbe: {  	[sflag:s4] =	ssyncadd.s32 $0xFFFF3800  }
0xbf: {  	[tilespmem:s11], [sflag:$0x1] =	stream.indirect.gather [hbm4b:s2+s7], $0x80, s3, s7, $0xb8;
	[tilespmem:$0x19200] =	vst v63  }
0xc0: {  	_ =	swait.ge [sflag:s9], $0xC800  }
0xc1: {  	[sflag:s9] =	ssyncset.done $0x0  }
0xc2: {  	[sflag:s9] =	ssyncadd.s32 $0xFFFF3800  }
0xc3: {  	[hbm4b:s18+s3] =	stream.linear.scatter [tilespmem:s11], [sflag:$0x2], $0xC800, $0x38;
	[tilespmem:$0x19200] =	vst v63  }
0xc4: {  	_ =	swait.ge [sflag:s4], $0xC800  }
0xc5: {  	[sflag:s4] =	ssyncset.done $0x0  }
0xc6: {  	[sflag:s4] =	ssyncadd.s32 $0xFFFF3800  }
0xc7: {  	[tilespmem:s3], [sflag:$0x2] =	stream.linear.gather [hbm4b:s19+s3], $0x190, $0x38;
	[tilespmem:$0x19200] =	vst v63  }
0xc8: {  	_ =	swait.ge [sflag:s4], $0x190  }
0xc9: {  	[sflag:s4] =	ssyncset.done $0x0  }
0xca: {  	[sflag:s4] =	ssyncadd.s32 $0xFFFFFE70  }
0xcb: {  	[tilespmem:s8], [sflag:$0x1] =	stream.indirect.gather [hbm4b:s6+s7], $0x80, s3, s7, $0xb8;
	[tilespmem:$0x19200] =	vst v63  }
0xcc: {  	_ =	swait.ge [sflag:s9], $0xC800  }
0xcd: {  	[sflag:s9] =	ssyncset.done $0x0  }
0xce: {  	[sflag:s9] =	ssyncadd.s32 $0xFFFF3800  }
0xcf: {  	[hbm4b:s20+s3] =	stream.linear.scatter [tilespmem:s8], [sflag:$0x2], $0xC800, $0x38;
	[tilespmem:$0x19200] =	vst v63  }
0xd0: {  	_ =	swait.ge [sflag:s4], $0xC800  }
0xd1: {  	[sflag:s4] =	ssyncset.done $0x0  }
0xd2: {  	[sflag:s4] =	ssyncadd.s32 $0xFFFF3800  }
0xd3: {  	[tilespmem:s11], [sflag:$0x1] =	stream.indirect.gather [hbm4b:s2+s7], $0x80, s3, s7, $0xb8;
	[tilespmem:$0x19200] =	vst v63  }
0xd4: {  	_ =	swait.ge [sflag:s9], $0xC800  }
0xd5: {  	[sflag:s9] =	ssyncset.done $0x0  }
0xd6: {  	[sflag:s9] =	ssyncadd.s32 $0xFFFF3800  }
0xd7: {  	[hbm4b:s21+s3] =	stream.linear.scatter [tilespmem:s11], [sflag:$0x2], $0xC800, $0x38;
	[tilespmem:$0x19200] =	vst v63  }
0xd8: {  	_ =	swait.ge [sflag:s4], $0xC800  }
0xd9: {  	[sflag:s4] =	ssyncset.done $0x0  }
0xda: {  	[sflag:s4] =	ssyncadd.s32 $0xFFFF3800  }
0xdb: {  	[tilespmem:s3], [sflag:$0x2] =	stream.linear.gather [hbm4b:s22+s3], $0x190, $0x38;
	[tilespmem:$0x19200] =	vst v63  }
0xdc: {  	_ =	swait.ge [sflag:s4], $0x190  }
0xdd: {  	[sflag:s4] =	ssyncset.done $0x0  }
0xde: {  	[sflag:s4] =	ssyncadd.s32 $0xFFFFFE70  }
0xdf: {  	[tilespmem:s11], [sflag:$0x1] =	stream.indirect.gather [hbm4b:s2+s7], $0x80, s3, s7, $0xb8;
	[tilespmem:$0x19200] =	vst v63  }
0xe0: {  	_ =	swait.ge [sflag:s9], $0xC800  }
0xe1: {  	[sflag:s9] =	ssyncset.done $0x0  }
0xe2: {  	[sflag:s9] =	ssyncadd.s32 $0xFFFF3800  }
0xe3: {  	[hbm4b:s23+s3] =	stream.linear.scatter [tilespmem:s11], [sflag:$0x2], $0xC800, $0x38;
	[tilespmem:$0x19200] =	vst v63  }
0xe4: {  	_ =	swait.ge [sflag:s4], $0xC800  }
0xe5: {  	[sflag:s4] =	ssyncset.done $0x0  }
0xe6: {  	[sflag:s4] =	ssyncadd.s32 $0xFFFF3800  }
0xe7: {  	[tilespmem:s3], [sflag:$0x2] =	stream.linear.gather [hbm4b:s24+s3], $0x190, $0x38;
	[tilespmem:$0x19200] =	vst v63  }
0xe8: {  	_ =	swait.ge [sflag:s4], $0x190  }
0xe9: {  	[sflag:s4] =	ssyncset.done $0x0  }
0xea: {  	[sflag:s4] =	ssyncadd.s32 $0xFFFFFE70  }
0xeb: {  	[tilespmem:s11], [sflag:$0x1] =	stream.indirect.gather [hbm4b:s2+s7], $0x80, s3, s7, $0xb8;
	[tilespmem:$0x19200] =	vst v63  }
0xec: {  	_ =	swait.ge [sflag:s9], $0xC800  }
0xed: {  	[sflag:s9] =	ssyncset.done $0x0  }
0xee: {  	[sflag:s9] =	ssyncadd.s32 $0xFFFF3800  }
0xef: {  	[hbm4b:s25+s3] =	stream.linear.scatter [tilespmem:s11], [sflag:$0x2], $0xC800, $0x38;
	[tilespmem:$0x19200] =	vst v63  }
0xf0: {  	_ =	swait.ge [sflag:s4], $0xC800  }
0xf1: {  	[sflag:s4] =	ssyncset.done $0x0  }
0xf2: {  	[sflag:s4] =	ssyncadd.s32 $0xFFFF3800  }
0xf3: {  	[tilespmem:s3], [sflag:$0x2] =	stream.linear.gather [hbm4b:s26+s3], $0x190, $0x38;
	[tilespmem:$0x19200] =	vst v63  }
0xf4: {  	_ =	swait.ge [sflag:s4], $0x190  }
0xf5: {  	[sflag:s4] =	ssyncset.done $0x0  }
0xf6: {  	[sflag:s4] =	ssyncadd.s32 $0xFFFFFE70  }
0xf7: {  	[tilespmem:s11], [sflag:$0x1] =	stream.indirect.gather [hbm4b:s2+s7], $0x80, s3, s7, $0xb8;
	[tilespmem:$0x19200] =	vst v63  }
0xf8: {  	_ =	swait.ge [sflag:s9], $0xC800  }
0xf9: {  	[sflag:s9] =	ssyncset.done $0x0  }
0xfa: {  	[sflag:s9] =	ssyncadd.s32 $0xFFFF3800  }
0xfb: {  	[hbm4b:s28+s3] =	stream.linear.scatter [tilespmem:s11], [sflag:$0x2], $0xC800, $0x38;
	[tilespmem:$0x19200] =	vst v63  }
0xfc: {  	_ =	swait.ge [sflag:s4], $0xC800  }
0xfd: {  	[sflag:s4] =	ssyncset.done $0x0  }
0xfe: {  	[sflag:s4] =	ssyncadd.s32 $0xFFFF3800  }
0xff: {  	[tilespmem:s3], [sflag:$0x2] =	stream.linear.gather [hbm4b:s29+s3], $0x190, $0x38;
	[tilespmem:$0x19200] =	vst v63  }
0x100: {  	_ =	swait.ge [sflag:s4], $0x190  }
0x101: {  	[sflag:s4] =	ssyncset.done $0x0  }
0x102: {  	[sflag:s4] =	ssyncadd.s32 $0xFFFFFE70  }
0x103: {  	[tilespmem:s11], [sflag:$0x1] =	stream.indirect.gather [hbm4b:s2+s7], $0x80, s3, s7, $0xb8;
	[tilespmem:$0x19200] =	vst v63  }
0x104: {  	_ =	swait.ge [sflag:s9], $0xC800  }
.Ltmp1:
0x105: {  	[sflag:s9] =	ssyncset.done $0x0;
	(pc) =	sbr.rel @p0 .LBB2_1-.Ltmp1, $4  }
0x106: {  	[sflag:s9] =	ssyncadd.s32 $0xFFFF3800  }
0x107: {  	[hbm4b:s30+s3] =	stream.linear.scatter [tilespmem:s11], [sflag:$0x2], $0xC800, $0x38;
	[tilespmem:$0x19200] =	vst v63  }
0x108: {  	_ =	swait.ge [sflag:s4], $0xC800  }
0x109: {  	[sflag:s4] =	ssyncset.done $0x0  }
.LBB2_2:
0x10a: {  	[sflag:s4] =	ssyncadd.s32 $0xFFFF3800  }
0x10b: {  	_ =	sfence.sel $0x180000  }
0x10c: {  	[bflag:$0x0] =	sbarrier.arrive $0xFFFF  }
0x10d: {  	_ =	strace $0x90000047  }
0x10e: {  	s0 =	stileid.u32;
	[bflag:$0x2] =	sbarrier.arrive $0xFFFF  }
0x10f: {  	p0 =	sne.s32 s0, $0x0;
	s0 =	rddreg [dreg:$0x3]  }
0x110: {  	s0 =	sadd.s32 @!p0 $0x100000, s0  }
0x111: {  	[sflag:s0] =	ssyncadd.tile.s32 @!p0 $0x1;
	_ =	shalt  }
.Lfunc_end2:
_tile_overlayer_lowered:
.L_overlay_start_2:
0x112: {  	(tag) =	ssettag $0x2  }
0x113: {  	s0 =	rddreg [dreg:$0x0];
	s2 =	stileid.u32  }
0x114: {  	s1 =	rddreg [dreg:$0x1];
	p0 =	sne.s32 s2, $0x0  }
0x115: {  	s3 =	rddreg [dreg:$0x2];
	[bflag:$0x3] =	sbarrier.arrive $0xFFFF;
	s2 =	simm.s32 @!p0 $0x1C02  }
0x116: {  	[timem:s3], [sflag:s2] =	dma.local @!p0 [hbm:s0], s1  }
0x117: {  	s0 =	simm.s32 @!p0 $0x2  }
0x118: {  	_ =	swait.ge @!p0 [sflag:s0], s1  }
0x119: {  	s1 =	ssub.s32 @!p0 $0x0, s1;
	[sflag:s0] =	ssyncset.done @!p0 $0x0  }
0x11a: {  	[sflag:s0] =	ssyncadd.s32 @!p0 s1  }
0x11b: {  	[bflag:$0x3] =	sbarrier.arrive $0xFFFF  }
0x11c: {  	_ =	shalt  }

// kernel: kernel.16.cloned.1.call-start
scs
__scs_entry_jumppad:
0x0: {  	(pc) =	sbr.rel $0x88, $3  }
0x1: {  	(tag) =	ssettag $0x0;
	lr =	simm.s32 $0x1  }
0x2: {  	[smem:$0x3F98] =	sst lr;
	_ =	strace $0xD0000000  }
0x3: {  	_ = 	snop  }
0x4: {  	_ = 	snop  }
0x5: {  	_ = 	snop  }
0x6: {  	_ = 	snop  }
0x7: {  	_ = 	snop  }
__scs_overlays_trampoline_lowered:
0x8: {  	[smem:$0x3FA7] =	sst s0  }
0x9: {  	[smem:$0x3FA8] =	sst s1  }
0xa: {  	[smem:$0x3FA9] =	sst s2  }
0xb: {  	[smem:$0x3FAA] =	sst s3  }
0xc: {  	[smem:$0x3FAB] =	sst s4  }
0xd: {  	[smem:$0x3FAC] =	sst s5  }
0xe: {  	[smem:$0x3FAD] =	sst s6  }
0xf: {  	[smem:$0x3FAE] =	sst s7  }
0x10: {  	[smem:$0x3FAF] =	sst s8  }
0x11: {  	[smem:$0x3FB0] =	sst s9;
	s0 =	simm.s32 @!p0 $0x0  }
0x12: {  	s1 =	sld [smem:$0x3F96];
	s0 =	simm.s32 @p0 $0x1  }
0x13: {  	[smem:$0x3FB1] =	sst s0;
	s0 =	simm.s32 @!p1 $0x0  }
0x14: {  	s2 =	sld [smem:$0x3F95];
	s0 =	simm.s32 @p1 $0x1  }
0x15: {  	[smem:$0x3FB2] =	sst s0;
	s0 =	simm.s32 @!p2 $0x0  }
0x16: {  	s3 =	sld [smem:$0x3FDB];
	s0 =	simm.s32 @p2 $0x1  }
0x17: {  	s4 =	simm.s32 $0x1BF5;
	[smem:$0x3FB4] =	sst s0  }
0x18: {  	s0 =	sld [smem:$0x3F97];
	_ =	swait.ge [sflag:s4], $0x0  }
0x19: {  	s7 =	sld [smem:$0x3F98]  }
0x1a: {  	s8 =	sadd.s32 $0xFFFFE003, lr  }
0x1b: {  	s9 =	sadd.s32 $0xFFFFFEF7, lr;
	s5 =	simm.s32 $0xFFFFFFFF;
	p2 =	slt.u32 s8, $0xFFFFF086  }
0x1c: {  	p1 =	slt.u32 s9, $0xF7A;
	s5 =	simm.s32 @!p2 $0x0  }
0x1d: {  	s5 =	simm.s32 @p1 $0x1;
	p0 =	seq.s32 s7, s2  }
0x1e: {  	s7 =	smul.u32 @!p0 $0xF7A, s2;
	p2 =	seq.s32 @!p0 s5, $0x0  }
0x1f: {  	s9 =	smul.u32 $0xF7A, s1;
	s8 =	simm.s32 @!p0 $0x1BF5;
	p2 =	por !p2, p0  }
0x20: {  	[sflag:s8] =	ssyncset.s32 @!p0 $0xFFFFF086;
	s6 =	sadd.s32 @!p0 s3, s7;
	s7 =	simm.s32 @!p0 $0x108  }
0x21: {  	s3 =	sadd.s32 s3, s9;
	s6 =	sadd.s32 @!p0 $0x88, s6;
	s7 =	simm.s32 @p2 $0x1082  }
0x22: {  	[simem:s7], [sflag:s8] =	dma.local @!p0 [hbm:s6], $0xF7A  }
0x23: {  	s9 =	sor.u32 $0xD0000000, s2;
	s6 =	simm.s32 $0x108;
	_ =	swait.ge @!p0 [sflag:s8], $0x0  }
0x24: {  	s3 =	sadd.s32 $0x88, s3;
	s6 =	simm.s32 @!p1 $0x1082;
	[sflag:s4] =	ssyncset.s32 $0xFFFFF086  }
0x25: {  	[simem:s6], [sflag:s4] =	dma.local [hbm:s3], $0xF7A  }
0x26: {  	[smem:$0x3F98] =	sst s1;
	(tag) =	ssettag s2;
	_ =	strace s9  }
0x27: {  	s1 =	sld [smem:$0x3FA8]  }
0x28: {  	s2 =	sld [smem:$0x3FA9]  }
0x29: {  	s4 =	sld [smem:$0x3FAB]  }
0x2a: {  	p0 =	seq.s32 s5, $0x0;
	s5 =	sld [smem:$0x3FAC]  }
0x2b: {  	s6 =	sld [smem:$0x3FAD]  }
0x2c: {  	s7 =	sld [smem:$0x3FAE]  }
0x2d: {  	s3 =	simm.s32 $0x108;
	s8 =	sld [smem:$0x3FAF]  }
0x2e: {  	s3 =	simm.s32 @!p0 $0x1082;
	s9 =	sld [smem:$0x3FB0]  }
0x2f: {  	lr =	sadd.s32 s0, s3;
	s0 =	sld [smem:$0x3FA7]  }
0x30: {  	s3 =	sld [smem:$0x3FAA]  }
0x31: {  	[smem:$0x3FB3] =	sst s10  }
0x32: {  	s10 =	sld [smem:$0x3FB1];
	_ =	sdelay $0x3  }
0x33: {  	p0 =	seq.s32 s10, $0x1;
	s10 =	sld [smem:$0x3FB3];
	_ =	sdelay $0x3  }
0x34: {  	[smem:$0x3FB3] =	sst s10  }
0x35: {  	s10 =	sld [smem:$0x3FB2];
	_ =	sdelay $0x3  }
0x36: {  	p1 =	seq.s32 s10, $0x1;
	s10 =	sld [smem:$0x3FB3];
	_ =	sdelay $0x3  }
0x37: {  	[smem:$0x3FB3] =	sst s10  }
0x38: {  	s10 =	sld [smem:$0x3FB4]  }
0x39: {  	_ = 	snop;
	(pc) =	sbr.ind lr, $3  }
0x3a: {  	_ = 	snop  }
0x3b: {  	_ = 	snop  }
0x3c: {  	p2 =	seq.s32 s10, $0x1;
	s10 =	sld [smem:$0x3FB3]  }
0x3d: {  	_ =	shalt  }
0x3e: {  	_ =	shalt  }
0x3f: {  	_ =	shalt  }
0x40: {  	_ =	shalt  }
0x41: {  	_ =	shalt  }
0x42: {  	_ =	shalt  }
0x43: {  	_ =	shalt  }
0x44: {  	_ =	shalt  }
0x45: {  	_ =	shalt  }
0x46: {  	_ =	shalt  }
0x47: {  	_ =	shalt  }
0x48: {  	_ =	shalt  }
0x49: {  	_ =	shalt  }
0x4a: {  	_ =	shalt  }
0x4b: {  	_ =	shalt  }
0x4c: {  	_ =	shalt  }
0x4d: {  	_ =	shalt  }
0x4e: {  	_ =	shalt  }
0x4f: {  	_ =	shalt  }
0x50: {  	_ =	shalt  }
0x51: {  	_ =	shalt  }
0x52: {  	_ =	shalt  }
0x53: {  	_ =	shalt  }
0x54: {  	_ =	shalt  }
0x55: {  	_ =	shalt  }
0x56: {  	_ =	shalt  }
0x57: {  	_ =	shalt  }
0x58: {  	_ =	shalt  }
0x59: {  	_ =	shalt  }
0x5a: {  	_ =	shalt  }
0x5b: {  	_ =	shalt  }
0x5c: {  	_ =	shalt  }
0x5d: {  	_ =	shalt  }
0x5e: {  	_ =	shalt  }
0x5f: {  	_ =	shalt  }
0x60: {  	_ =	shalt  }
0x61: {  	_ =	shalt  }
0x62: {  	_ =	shalt  }
0x63: {  	_ =	shalt  }
0x64: {  	_ =	shalt  }
0x65: {  	_ =	shalt  }
0x66: {  	_ =	shalt  }
0x67: {  	_ =	shalt  }
0x68: {  	_ =	shalt  }
0x69: {  	_ =	shalt  }
0x6a: {  	_ =	shalt  }
0x6b: {  	_ =	shalt  }
0x6c: {  	_ =	shalt  }
0x6d: {  	_ =	shalt  }
0x6e: {  	_ =	shalt  }
0x6f: {  	_ =	shalt  }
0x70: {  	_ =	shalt  }
0x71: {  	_ =	shalt  }
0x72: {  	_ =	shalt  }
0x73: {  	_ =	shalt  }
0x74: {  	_ =	shalt  }
0x75: {  	_ =	shalt  }
0x76: {  	_ =	shalt  }
0x77: {  	_ =	shalt  }
0x78: {  	_ =	shalt  }
0x79: {  	_ =	shalt  }
0x7a: {  	_ =	shalt  }
0x7b: {  	_ =	shalt  }
0x7c: {  	_ =	shalt  }
0x7d: {  	_ =	shalt  }
0x7e: {  	_ =	shalt  }
0x7f: {  	_ =	shalt  }
0x80: {  	_ =	shalt  }
0x81: {  	_ =	shalt  }
0x82: {  	_ =	shalt  }
0x83: {  	_ =	shalt  }
0x84: {  	_ =	shalt  }
0x85: {  	_ =	shalt  }
0x86: {  	_ =	shalt  }
0x87: {  	_ =	shalt  }
.Lfunc_end0:
.L_simem_size_0:
called_computation.1_lowered:
.L_overlay_start_0:
0x88: {  	s2 =	sld [smem:$0x3FD9]  }
0x89: {  	s3 =	sld [smem:$0x3FFE];
	_ =	sdelay $0x1  }
0x8a: {  	s1 =	srdreg.scid  }
0x8b: {  	s0 =	sand.u32 $0x1, s1  }
0x8c: {  	s17 =	sshll.u32 s0, $0xA;
	s2 =	sadd.s32 s3, s2  }
0x8d: {  	s2 =	sadd.s32 s2, s17  }
0x8e: {  	[smem:$0x3FBF] =	sst s2  }
0x8f: {  	_ = 	snop  }
0x90: {  	s18 =	sld [smem:$0x3FC6];
	(tm) =	ssettm $0x1  }
0x91: {  	s19 =	sld [smem:$0x3FFB];
	_ =	sdelay $0x3  }
0x92: {  	_ =	strace s19  }
0x93: {  	s2 =	sld [smem:$0x3FFC];
	_ =	sdelay $0x3  }
0x94: {  	_ =	strace s2  }
0x95: {  	s2 =	sld [smem:$0x3FFD];
	_ =	sdelay $0x3  }
0x96: {  	_ =	strace s2  }
0x97: {  	_ =	strace $0x8FFFFFFF  }
0x98: {  	s20 =	sld [smem:$0x3FDB];
	_ =	sdelay $0x1  }
0x99: {  	s4 =	simm.s32 $_scs_section_size  }
0x9a: {  	s5 =	simm.s32 $_size__tile_overlayer_lowered;
	s6 =	simm.s32 $_tile_overlayer_lowered  }
0x9b: {  	s7 =	simm.s32 $0x1BFF;
	s21 =	sshll.u32 s6, $0x1;
	s4 =	sadd.s32 s4, s20  }
0x9c: {  	s22 =	simm.s32 $0x0;
	s5 =	sshll.u32 s5, $0x1;
	s6 =	sadd.s32 s21, s4  }
0x9d: {  	[timem:s22], [sflag:s7] =	dma.local [hbm:s6], s5  }
0x9e: {  	_ =	swait.ge [sflag:s7], s5  }
0x9f: {  	s5 =	ssub.s32 $0x0, s5;
	[sflag:s7] =	ssyncset.done $0x0  }
0xa0: {  	[sflag:s7] =	ssyncadd.s32 s5;
	_ =	sdelay $0x1  }
0xa1: {  	s23 =	simm.s32 $0x1B8B  }
0xa2: {  	_ =	swait.ge [sflag:s23], $0x1  }
0xa3: {  	[sflag:s23] =	ssyncset.done $0x0  }
0xa4: {  	[sflag:s23] =	ssyncadd.s32 $0xFFFFFFFF  }
0xa5: {  	s5 =	sld [smem:$0x0]  }
0xa6: {  	s6 =	sand.u32 $0xFFFFFFFE, s1  }
0xa7: {  	p0 =	sne.s32 s1, s6  }
0xa8: {  	s6 =	sshll.u32 @p0 s6, $0xE  }
0xa9: {  	s6 =	sadd.s32 @p0 $0x11B8D, s6;
	s7 =	sshll.u32 @p0 s5, $0x11  }
0xaa: {  	s6 =	sor.u32 @p0 s7, s6  }
0xab: {  	[sflag:s6] =	ssyncadd.remote.s32 @p0 $0x1;
	_ =	sdelay $0x1  }
0xac: {  	s6 =	simm.s32 @p0 $0x1B8D  }
0xad: {  	_ =	swait.eq @p0 [sflag:s6], $0x1  }
0xae: {  	[sflag:s6] =	ssyncadd.s32 @p0 $0xFFFFFFFF  }
0xaf: {  	s7 =	sshll.u32 @!p0 s1, $0xE  }
0xb0: {  	s7 =	sor.u32 @!p0 $0x4000, s7;
	s6 =	simm.s32 @!p0 $0x1B8D  }
0xb1: {  	s5 =	sshll.u32 @!p0 s5, $0x11;
	s7 =	sadd.s32 @!p0 $0x11B8D, s7;
	_ =	swait.eq @!p0 [sflag:s6], $0x1  }
0xb2: {  	s5 =	sor.u32 @!p0 s5, s7;
	[sflag:s6] =	ssyncadd.s32 @!p0 $0xFFFFFFFF  }
0xb3: {  	s25 =	simm.s32 $0x1B8E;
	s24 =	sld [smem:$0x3FFE];
	[sflag:s5] =	ssyncadd.remote.s32 @!p0 $0x1  }
0xb4: {  	s26 =	simm.s32 $execute0_lowered;
	[smem:$0x3FD2] =	sst s25  }
0xb5: {  	s6 =	sshll.u32 s26, $0x1;
	_ =	strace $0x80000052;
	[dreg:$0x1] =	wrdreg $0xFFFFFFFF  }
0xb6: {  	s28 =	simm.s32 $_size_execute0_lowered;
	s4 =	sadd.s32 s4, s6;
	[dreg:$0x0] =	wrdreg $0x0  }
0xb7: {  	s6 =	sshll.u32 s28, $0x1;
	[dreg:$0x2] =	wrdreg s4  }
0xb8: {  	[dreg:$0x3] =	wrdreg s6  }
0xb9: {  	[dreg:$0x4] =	wrdreg $0xC0  }
0xba: {  	_ =	task [dreg:s22], $0x5FFFF  }
0xbb: {  	[dreg:$0x1] =	wrdreg $0xFFFFFFFF  }
0xbc: {  	[dreg:$0x0] =	wrdreg $0x60  }
0xbd: {  	[dreg:$0x2] =	wrdreg s24  }
0xbe: {  	[dreg:$0x3] =	wrdreg s18  }
0xbf: {  	[dreg:$0x4] =	wrdreg $0x9  }
0xc0: {  	_ =	task.clear_ibuf [dreg:s22], $0x5FFFF;
	_ =	strace $0x90000052  }
0xc1: {  	s29 =	simm.s32 $0x9;
	_ =	strace $0x80000054  }
0xc2: {  	_ =	swait.ge [sflag:s29], $0x1  }
0xc3: {  	[sflag:s29] =	ssyncadd.s32 $0xFFFFFFFF  }
0xc4: {  	_ =	strace $0x90000054  }
0xc5: {  	_ =	sfence  }
0xc6: {  	s30 =	sld [smem:$0x0];
	_ =	sdelay $0x2  }
0xc7: {  	s31 =	sshll.u32 s1, $0xD;
	s1 =	sshrl.u32 s1, $0x2  }
0xc8: {  	s4 =	sand.u32 $0x4000, s31;
	s1 =	sadd.s32 s1, s30  }
0xc9: {  	s0 =	sor.u32 s4, s0;
	s1 =	sshll.u32 s1, $0x11  }
0xca: {  	s0 =	sor.u32 s1, s0  }
0xcb: {  	s0 =	sadd.s32 $0x8F2B, s0  }
0xcc: {  	[sflag:s0] =	ssyncadd.remote.s32 $0x1  }
0xcd: {  	_ =	sfence.sel $0xFFFF  }
0xce: {  	[dreg:$0x0] =	wrdreg $0xFFFFFFFF;
	(pc) =	sbr.abs _section_cstart, $3  }
0xcf: {  	[dreg:$0x1] =	wrdreg $0xFFFFFFFF  }
0xd0: {  	_ =	task.clear_ibuf [dreg:s22], $0x2FFFF;
	_ =	strace $0x9FFFFFFF  }
0xd1: {  	(tm) =	ssettm $0x7FFFFFFF  }
tec
execute0_lowered:
.L_overlay_start_1:
0x0: {  	(tag) =	ssettag $0x1  }
0x1: {  	s1 =	srdreg.scid;
	s0 =	stileid.u32  }
0x2: {  	s6 =	rddreg [dreg:$0x0];
	s5 =	sand.u32 $0x1, s1;
	s30 =	sshll.u32 s0, $0x1  }
0x3: {  	s2 =	rddreg [dreg:$0x1];
	s1 =	sor.u32 s5, s30  }
0x4: {  	s3 =	simm.s32 $0x0;
	s12 =	simm.s32 $0x2;
	s4 =	smul.u32 $0xC, s1  }
0x5: {  	s13 =	simm.s32 $0xCC00;
	s14 =	simm.s32 $0x4;
	s15 =	simm.s32 $0x0  }
0x6: {  	[smem:$0x7FF] =	sst s3;
	s31 =	smul.u32 $0x18, s0;
	s7 =	sshrl.u32 s4, $0x5  }
0x7: {  	s9 =	ssub.s32 $0x2, s5;
	s4 =	sand.u32 $0x1C, s4;
	s7 =	smul.u32 $0xC800, s7  }
0x8: {  	_ =	strace $0x80000053;
	s10 =	sshrl.u32 s9, $0x1;
	s8 =	smul.u32 $0x190, s4  }
0x9: {  	s11 =	smul.u32 $0xC, s5;
	s5 =	sadd.s32 $0x964600, s6;
	s9 =	ssub.s32 s9, s10  }
0xa: {  	s10 =	simm.s32 $0x190;
	s4 =	sadd.s32 $0x2C00, s6;
	s7 =	sadd.s32 s8, s7  }
0xb: {  	s8 =	sadd.s32 s11, s31;
	s11 =	simm.s32 $0x400;
	s7 =	sshrl.u32 s7, $0x3  }
0xc: {  	s6 =	sadd.s32 s4, s7;
	s7 =	smax.u32 s9, $0x1;
	s9 =	simm.s32 $0x3  }
.LBB2_1:
0xd: {  	[tilespmem:s3], [sflag:$0x3] =	stream.linear.gather [hbm4b:s6+s3], $0x190, $0x38;
	[tilespmem:$0x19400] =	vst v63  }
0xe: {  	s16 =	sand.u32 $0x1, s3  }
0xf: {  	p0 =	seq.s32 s16, $0x1  }
0x10: {  	s18 =	sadd.s32 $0x0, s8;
	_ =	swait.ge [sflag:s9], $0x190;
	s16 =	sadd.s32 @p0 $0x0, s8  }
0x11: {  	[sflag:s9] =	ssyncset.done $0x0;
	s19 =	simm.s32 @!p0 $0x200;
	s16 =	sadd.s32 @p0 $0x1, s16  }
0x12: {  	s20 =	sand.u32 @p0 $0x1F, s18;
	s21 =	simm.s32 @!p0 $0x0;
	s17 =	sshrl.u32 @p0 s16, $0x5  }
0x13: {  	s22 =	simm.s32 @p0 $0x400;
	s16 =	sand.u32 @p0 $0x1E, s16;
	s17 =	smul.u32 @p0 $0xC800, s17  }
0x14: {  	s23 =	simm.s32 @p0 $0x2;
	[sflag:s9] =	ssyncadd.s32 $0xFFFFFE70;
	s16 =	smul.u32 @p0 $0x190, s16  }
0x15: {  	[tilespmem:s11], [sflag:$0x1] =	stream.indirect.gather [hbm4b:s2+s10], $0x80, s3, s10, $0xb8;
	[tilespmem:$0x19400] =	vst v63  }
0x16: {  	s24 =	sand.u32 @!p0 $0x1E, s18;
	s25 =	simm.s32 @p0 $0x0;
	s16 =	sadd.s32 @p0 s16, s17  }
0x17: {  	s28 =	simm.s32 @p0 $0x5;
	s26 =	smul.u32 @!p0 $0xC800, s24;
	s16 =	sshrl.u32 @p0 s16, $0x3  }
0x18: {  	s30 =	simm.s32 @p0 $0x190;
	s24 =	smul.u32 @!p0 $0x190, s24;
	s16 =	sadd.s32 @p0 s4, s16  }
0x19: {  	[tilespmem:s25], [sflag:$0x5] =	stream.linear.gather @p0 [hbm4b:s16+s25], $0x190, $0x38;
	[tilespmem:$0x19400] =	vst v63  }
0x1a: {  	s20 =	smul.u32 @p0 $0xC800, s20;
	s17 =	sshrl.u32 @!p0 s18, $0x5;
	_ =	swait.ge @p0 [sflag:s28], $0x190  }
0x1b: {  	s18 =	sshrl.u32 @p0 s18, $0x5;
	s29 =	smul.u32 @!p0 $0xC800, s17;
	[sflag:s28] =	ssyncset.done @p0 $0x0  }
0x1c: {  	s18 =	smul.u32 @p0 $0x190000, s18;
	s16 =	simm.s32 @p0 $0xCC00;
	[sflag:s28] =	ssyncadd.s32 @p0 $0xFFFFFE70  }
0x1d: {  	[tilespmem:s22], [sflag:$0x1] =	stream.indirect.gather @p0 [hbm4b:s2+s30], $0x80, s25, s30, $0xb8;
	[tilespmem:$0x19400] =	vst v63  }
0x1e: {  	s18 =	sadd.s32 @p0 s20, s18;
	s22 =	sadd.s32 @!p0 s29, s24;
	_ =	swait.ge @p0 [sflag:s23], $0xC800  }
0x1f: {  	s18 =	sshrl.u32 @p0 s18, $0x3;
	s20 =	sshrl.u32 @!p0 s22, $0x3;
	[sflag:s23] =	ssyncset.done @p0 $0x0  }
0x20: {  	s18 =	sadd.s32 @p0 s5, s18;
	s20 =	sadd.s32 @!p0 s4, s20;
	[sflag:s23] =	ssyncadd.s32 @p0 $0xFFFF3800  }
0x21: {  	[hbm4b:s18+s25] =	stream.linear.scatter @p0 [tilespmem:s16], [sflag:$0x4], $0xC800, $0x38;
	[tilespmem:$0x19400] =	vst v63  }
0x22: {  	s17 =	smul.u32 @!p0 $0x190000, s17;
	s16 =	sadd.s32 @!p0 $0x32, s20;
	s18 =	simm.s32 @!p0 $0x5  }
0x23: {  	[tilespmem:s19], [sflag:$0x5] =	stream.linear.gather @!p0 [hbm4b:s16+s21], $0x190, $0x38;
	[tilespmem:$0x19400] =	vst v63  }
0x24: {  	s17 =	sadd.s32 @!p0 s26, s17;
	_ =	swait.ge @!p0 [sflag:s18], $0x190  }
0x25: {  	s22 =	simm.s32 @!p0 $0x1;
	s20 =	simm.s32 @!p0 $0x190;
	[sflag:s18] =	ssyncset.done @!p0 $0x0  }
0x26: {  	s16 =	simm.s32 @!p0 $0xCC00;
	[sflag:s18] =	ssyncadd.s32 @!p0 $0xFFFFFE70;
	s18 =	simm.s32 @!p0 $0x3  }
0x27: {  	[tilespmem:s16], [sflag:$0x2] =	stream.indirect.gather @!p0 [hbm4b:s2+s20], $0x80, s19, s20, $0xb8;
	[tilespmem:$0x19400] =	vst v63  }
0x28: {  	s16 =	sshrl.u32 @!p0 s17, $0x3;
	s19 =	simm.s32 $0x1;
	_ =	swait.ge @!p0 [sflag:s22], $0xC800  }
0x29: {  	s17 =	simm.s32 @!p0 $0x400;
	s18 =	simm.s32 @p0 $0x4;
	[sflag:s22] =	ssyncset.done @!p0 $0x0  }
0x2a: {  	s16 =	sadd.s32 @!p0 s5, s16;
	s31 =	sand.u32 $0x1, s19;
	[sflag:s22] =	ssyncadd.s32 @!p0 $0xFFFF3800  }
0x2b: {  	[hbm4b:s16+s21] =	stream.linear.scatter @!p0 [tilespmem:s17], [sflag:$0x3], $0xC800, $0x38;
	[tilespmem:$0x19400] =	vst v63  }
0x2c: {  	s16 =	simm.s32 $0x2;
	p0 =	seq.s32 s31, $0x1;
	_ =	swait.ge [sflag:s18], $0xC800  }
.LBB2_2:
0x2d: {  	s17 =	sadd.s32 @p0 s19, s8  }
0x2e: {  	[sflag:s18] =	ssyncset.done $0x0;
	s20 =	smov.u32 s16;
	s16 =	sadd.s32 $0x1, s16  }
0x2f: {  	p1 =	sne.s32 s16, $0xB;
	s17 =	sadd.s32 @p0 $0x1, s17;
	[sflag:s18] =	ssyncadd.s32 $0xFFFF3800  }
0x30: {  	s18 =	sshrl.u32 @p0 s17, $0x5;
	s17 =	sand.u32 @p0 $0x1E, s17  }
0x31: {  	s19 =	sadd.s32 s19, s8;
	s21 =	smul.u32 @p0 $0xC800, s18;
	s18 =	simm.s32 @!p0 $0x200  }
0x32: {  	s23 =	sand.u32 @p0 $0x1F, s19;
	s22 =	smul.u32 @p0 $0x190, s17;
	s17 =	simm.s32 @!p0 $0x0  }
0x33: {  	s24 =	simm.s32 @p0 $0x400;
	s25 =	simm.s32 @p0 $0x2;
	s26 =	simm.s32 @p0 $0xCC00  }
0x34: {  	s28 =	sand.u32 @!p0 $0x1E, s19;
	s21 =	sadd.s32 @p0 s22, s21;
	s22 =	sshrl.u32 @!p0 s19, $0x5  }
0x35: {  	s29 =	simm.s32 @p0 $0x0;
	s30 =	smul.u32 @!p0 $0xC800, s28;
	s21 =	sshrl.u32 @p0 s21, $0x3  }
0x36: {  	s31 =	simm.s32 @p0 $0x5;
	s28 =	smul.u32 @!p0 $0x190, s28;
	s21 =	sadd.s32 @p0 s4, s21  }
0x37: {  	[tilespmem:s29], [sflag:$0x5] =	stream.linear.gather @p0 [hbm4b:s21+s29], $0x190, $0x38;
	[tilespmem:$0x19400] =	vst v63  }
0x38: {  	s19 =	sshrl.u32 @p0 s19, $0x5;
	s21 =	smul.u32 @!p0 $0xC800, s22;
	_ =	swait.ge @p0 [sflag:s31], $0x190  }
0x39: {  	s1 =	simm.s32 @p0 $0x190;
	s23 =	smul.u32 @p0 $0xC800, s23;
	[sflag:s31] =	ssyncset.done @p0 $0x0  }
0x3a: {  	s19 =	smul.u32 @p0 $0x190000, s19;
	s21 =	sadd.s32 @!p0 s21, s28;
	[sflag:s31] =	ssyncadd.s32 @p0 $0xFFFFFE70  }
0x3b: {  	[tilespmem:s24], [sflag:$0x1] =	stream.indirect.gather @p0 [hbm4b:s2+s1], $0x80, s29, s1, $0xb8;
	[tilespmem:$0x19400] =	vst v63  }
0x3c: {  	s1 =	sadd.s32 @p0 s23, s19;
	s19 =	sshrl.u32 @!p0 s21, $0x3;
	_ =	swait.ge @p0 [sflag:s25], $0xC800  }
0x3d: {  	s1 =	sshrl.u32 @p0 s1, $0x3;
	s19 =	sadd.s32 @!p0 s4, s19;
	[sflag:s25] =	ssyncset.done @p0 $0x0  }
0x3e: {  	s1 =	sadd.s32 @p0 s5, s1;
	s21 =	sadd.s32 @!p0 $0x32, s19;
	[sflag:s25] =	ssyncadd.s32 @p0 $0xFFFF3800  }
0x3f: {  	[hbm4b:s1+s29] =	stream.linear.scatter @p0 [tilespmem:s26], [sflag:$0x4], $0xC800, $0x38;
	[tilespmem:$0x19400] =	vst v63  }
0x40: {  	s22 =	smul.u32 @!p0 $0x190000, s22;
	s19 =	smov.u32 s20;
	s1 =	simm.s32 @!p0 $0x5  }
0x41: {  	[tilespmem:s18], [sflag:$0x5] =	stream.linear.gather @!p0 [hbm4b:s21+s17], $0x190, $0x38;
	[tilespmem:$0x19400] =	vst v63  }
0x42: {  	s20 =	simm.s32 @!p0 $0xCC00;
	s21 =	sadd.s32 @!p0 s30, s22;
	_ =	swait.ge @!p0 [sflag:s1], $0x190  }
0x43: {  	s22 =	simm.s32 @!p0 $0x190;
	s21 =	sshrl.u32 @!p0 s21, $0x3;
	[sflag:s1] =	ssyncset.done @!p0 $0x0  }
0x44: {  	s21 =	sadd.s32 @!p0 s5, s21;
	[sflag:s1] =	ssyncadd.s32 @!p0 $0xFFFFFE70;
	s1 =	simm.s32 @!p0 $0x1  }
0x45: {  	[tilespmem:s20], [sflag:$0x2] =	stream.indirect.gather @!p0 [hbm4b:s2+s22], $0x80, s18, s22, $0xb8;
	[tilespmem:$0x19400] =	vst v63  }
.Ltmp0:
0x46: {  	_ =	swait.ge @!p0 [sflag:s1], $0xC800;
	(pc) =	sbr.rel @p1 .LBB2_2-.Ltmp0, $4  }
0x47: {  	s20 =	simm.s32 @!p0 $0x400;
	s18 =	simm.s32 @!p0 $0x3;
	[sflag:s1] =	ssyncset.done @!p0 $0x0  }
0x48: {  	s22 =	sand.u32 $0x1, s19;
	s18 =	simm.s32 @p0 $0x4;
	[sflag:s1] =	ssyncadd.s32 @!p0 $0xFFFF3800  }
0x49: {  	[hbm4b:s21+s17] =	stream.linear.scatter @!p0 [tilespmem:s20], [sflag:$0x3], $0xC800, $0x38;
	[tilespmem:$0x19400] =	vst v63  }
0x4a: {  	p0 =	seq.s32 s22, $0x1;
	_ =	swait.ge [sflag:s18], $0xC800  }
0x4b: {  	s1 =	sadd.s32 @p0 s19, s8  }
0x4c: {  	s1 =	sadd.s32 @p0 $0x1, s1  }
0x4d: {  	s17 =	sshrl.u32 @p0 s1, $0x5  }
0x4e: {  	[sflag:s18] =	ssyncset.done $0x0;
	s1 =	sand.u32 @p0 $0x1E, s1;
	s17 =	smul.u32 @p0 $0xC800, s17  }
0x4f: {  	s21 =	simm.s32 @p0 $0x400;
	s22 =	simm.s32 @p0 $0x2;
	s1 =	smul.u32 @p0 $0x190, s1  }
0x50: {  	s24 =	simm.s32 @p0 $0x0;
	s25 =	simm.s32 @p0 $0x5;
	s29 =	simm.s32 @p0 $0x190  }
0x51: {  	[sflag:s18] =	ssyncadd.s32 $0xFFFF3800;
	s18 =	sadd.s32 s19, s8;
	s1 =	sadd.s32 @p0 s1, s17  }
0x52: {  	s19 =	simm.s32 @!p0 $0x200;
	s23 =	sand.u32 @!p0 $0x1E, s18;
	s1 =	sshrl.u32 @p0 s1, $0x3  }
0x53: {  	s20 =	sand.u32 @p0 $0x1F, s18;
	s26 =	smul.u32 @!p0 $0x190, s23;
	s1 =	sadd.s32 @p0 s4, s1  }
0x54: {  	[tilespmem:s24], [sflag:$0x5] =	stream.linear.gather @p0 [hbm4b:s1+s24], $0x190, $0x38;
	[tilespmem:$0x19400] =	vst v63  }
0x55: {  	s20 =	smul.u32 @p0 $0xC800, s20;
	s17 =	sshrl.u32 @!p0 s18, $0x5;
	_ =	swait.ge @p0 [sflag:s25], $0x190  }
0x56: {  	s18 =	sshrl.u32 @p0 s18, $0x5;
	s28 =	smul.u32 @!p0 $0xC800, s17;
	[sflag:s25] =	ssyncset.done @p0 $0x0  }
0x57: {  	s18 =	smul.u32 @p0 $0x190000, s18;
	s1 =	simm.s32 @p0 $0xCC00;
	[sflag:s25] =	ssyncadd.s32 @p0 $0xFFFFFE70  }
0x58: {  	[tilespmem:s21], [sflag:$0x1] =	stream.indirect.gather @p0 [hbm4b:s2+s29], $0x80, s24, s29, $0xb8;
	[tilespmem:$0x19400] =	vst v63  }
0x59: {  	s18 =	sadd.s32 @p0 s20, s18;
	s21 =	sadd.s32 @!p0 s28, s26;
	_ =	swait.ge @p0 [sflag:s22], $0xC800  }
0x5a: {  	s18 =	sshrl.u32 @p0 s18, $0x3;
	s20 =	sshrl.u32 @!p0 s21, $0x3;
	[sflag:s22] =	ssyncset.done @p0 $0x0  }
0x5b: {  	s18 =	sadd.s32 @p0 s5, s18;
	s20 =	sadd.s32 @!p0 s4, s20;
	[sflag:s22] =	ssyncadd.s32 @p0 $0xFFFF3800  }
0x5c: {  	[hbm4b:s18+s24] =	stream.linear.scatter @p0 [tilespmem:s1], [sflag:$0x4], $0xC800, $0x38;
	[tilespmem:$0x19400] =	vst v63  }
0x5d: {  	s1 =	simm.s32 @!p0 $0x0;
	s18 =	sadd.s32 @!p0 $0x32, s20;
	s20 =	simm.s32 @!p0 $0x5  }
0x5e: {  	[tilespmem:s19], [sflag:$0x5] =	stream.linear.gather @!p0 [hbm4b:s18+s1], $0x190, $0x38;
	[tilespmem:$0x19400] =	vst v63  }
0x5f: {  	s17 =	smul.u32 @!p0 $0x190000, s17;
	_ =	swait.ge @!p0 [sflag:s20], $0x190  }
0x60: {  	s21 =	simm.s32 @!p0 $0xCC00;
	s22 =	simm.s32 @!p0 $0x190;
	[sflag:s20] =	ssyncset.done @!p0 $0x0  }
0x61: {  	s18 =	smul.u32 @!p0 $0xC800, s23;
	[sflag:s20] =	ssyncadd.s32 @!p0 $0xFFFFFE70;
	s20 =	simm.s32 @!p0 $0x1  }
0x62: {  	[tilespmem:s21], [sflag:$0x2] =	stream.indirect.gather @!p0 [hbm4b:s2+s22], $0x80, s19, s22, $0xb8;
	[tilespmem:$0x19400] =	vst v63  }
0x63: {  	s17 =	sadd.s32 @!p0 s18, s17;
	_ =	swait.ge @!p0 [sflag:s20], $0xC800  }
0x64: {  	s17 =	sshrl.u32 @!p0 s17, $0x3;
	[sflag:s20] =	ssyncset.done @!p0 $0x0  }
0x65: {  	s18 =	simm.s32 @!p0 $0x400;
	s17 =	sadd.s32 @!p0 s5, s17;
	[sflag:s20] =	ssyncadd.s32 @!p0 $0xFFFF3800  }
0x66: {  	[hbm4b:s17+s1] =	stream.linear.scatter @!p0 [tilespmem:s18], [sflag:$0x3], $0xC800, $0x38;
	[tilespmem:$0x19400] =	vst v63  }
0x67: {  	s16 =	sadd.s32 s16, s8;
	s1 =	simm.s32 @!p0 $0x3  }
0x68: {  	s30 =	sshrl.u32 s16, $0x5;
	s16 =	sand.u32 $0x1F, s16;
	s1 =	simm.s32 @p0 $0x4  }
0x69: {  	s16 =	smul.u32 $0xC800, s16;
	_ =	swait.ge [sflag:s1], $0xC800  }
0x6a: {  	s17 =	smul.u32 $0x190000, s30;
	[sflag:s1] =	ssyncset.done $0x0  }
0x6b: {  	[sflag:s1] =	ssyncadd.s32 $0xFFFF3800  }
0x6c: {  	s15 =	sadd.s32 $0x1, s15;
	s31 =	sadd.s32 s16, s17;
	_ =	swait.ge [sflag:s12], $0xC800  }
0x6d: {  	p0 =	sne.s32 s15, s7;
	s1 =	sshrl.u32 s31, $0x3;
	[sflag:s12] =	ssyncset.done $0x0  }
.Ltmp1:
0x6e: {  	s1 =	sadd.s32 s5, s1;
	[sflag:s12] =	ssyncadd.s32 $0xFFFF3800;
	(pc) =	sbr.rel @p0 .LBB2_1-.Ltmp1, $4  }
0x6f: {  	[hbm4b:s1+s3] =	stream.linear.scatter [tilespmem:s13], [sflag:$0x4], $0xC800, $0x38;
	[tilespmem:$0x19400] =	vst v63  }
0x70: {  	_ =	swait.ge [sflag:s14], $0xC800  }
0x71: {  	[sflag:s14] =	ssyncset.done $0x0  }
0x72: {  	[sflag:s14] =	ssyncadd.s32 $0xFFFF3800  }
0x73: {  	_ =	sfence.sel $0x180000  }
0x74: {  	[bflag:$0x0] =	sbarrier.arrive $0xFFFF  }
0x75: {  	_ =	strace $0x90000053  }
0x76: {  	[bflag:$0x2] =	sbarrier.arrive $0xFFFF  }
0x77: {  	p0 =	sne.s32 s0, $0x0;
	s0 =	rddreg [dreg:$0x2]  }
0x78: {  	s0 =	sadd.s32 @!p0 $0x100000, s0  }
0x79: {  	[sflag:s0] =	ssyncadd.tile.s32 @!p0 $0x1;
	_ =	shalt  }
.Lfunc_end2:
_tile_overlayer_lowered:
.L_overlay_start_2:
0x7a: {  	(tag) =	ssettag $0x2  }
0x7b: {  	s0 =	rddreg [dreg:$0x0];
	s2 =	stileid.u32  }
0x7c: {  	s1 =	rddreg [dreg:$0x1];
	p0 =	sne.s32 s2, $0x0  }
0x7d: {  	s3 =	rddreg [dreg:$0x2];
	[bflag:$0x3] =	sbarrier.arrive $0xFFFF;
	s2 =	simm.s32 @!p0 $0x1C03  }
0x7e: {  	[timem:s3], [sflag:s2] =	dma.local @!p0 [hbm:s0], s1  }
0x7f: {  	s0 =	simm.s32 @!p0 $0x3  }
0x80: {  	_ =	swait.ge @!p0 [sflag:s0], s1  }
0x81: {  	s1 =	ssub.s32 @!p0 $0x0, s1;
	[sflag:s0] =	ssyncset.done @!p0 $0x0  }
0x82: {  	[sflag:s0] =	ssyncadd.s32 @!p0 s1  }
0x83: {  	[bflag:$0x3] =	sbarrier.arrive $0xFFFF  }
0x84: {  	_ =	shalt  }

// kernel: kernel.19.cloned.1.call-start
scs
__scs_entry_jumppad:
0x0: {  	(pc) =	sbr.rel $0x88, $3  }
0x1: {  	(tag) =	ssettag $0x0;
	lr =	simm.s32 $0x1  }
0x2: {  	[smem:$0x3F98] =	sst lr;
	_ =	strace $0xD0000000  }
0x3: {  	_ = 	snop  }
0x4: {  	_ = 	snop  }
0x5: {  	_ = 	snop  }
0x6: {  	_ = 	snop  }
0x7: {  	_ = 	snop  }
__scs_overlays_trampoline_lowered:
0x8: {  	[smem:$0x3FA7] =	sst s0  }
0x9: {  	[smem:$0x3FA8] =	sst s1  }
0xa: {  	[smem:$0x3FA9] =	sst s2  }
0xb: {  	[smem:$0x3FAA] =	sst s3  }
0xc: {  	[smem:$0x3FAB] =	sst s4  }
0xd: {  	[smem:$0x3FAC] =	sst s5  }
0xe: {  	[smem:$0x3FAD] =	sst s6  }
0xf: {  	[smem:$0x3FAE] =	sst s7  }
0x10: {  	[smem:$0x3FAF] =	sst s8  }
0x11: {  	[smem:$0x3FB0] =	sst s9;
	s0 =	simm.s32 @!p0 $0x0  }
0x12: {  	s1 =	sld [smem:$0x3F96];
	s0 =	simm.s32 @p0 $0x1  }
0x13: {  	[smem:$0x3FB1] =	sst s0;
	s0 =	simm.s32 @!p1 $0x0  }
0x14: {  	s2 =	sld [smem:$0x3F95];
	s0 =	simm.s32 @p1 $0x1  }
0x15: {  	[smem:$0x3FB2] =	sst s0;
	s0 =	simm.s32 @!p2 $0x0  }
0x16: {  	s3 =	sld [smem:$0x3FDB];
	s0 =	simm.s32 @p2 $0x1  }
0x17: {  	s4 =	simm.s32 $0x1BF5;
	[smem:$0x3FB4] =	sst s0  }
0x18: {  	s0 =	sld [smem:$0x3F97];
	_ =	swait.ge [sflag:s4], $0x0  }
0x19: {  	s7 =	sld [smem:$0x3F98]  }
0x1a: {  	s8 =	sadd.s32 $0xFFFFE003, lr  }
0x1b: {  	s9 =	sadd.s32 $0xFFFFFEF7, lr;
	s5 =	simm.s32 $0xFFFFFFFF;
	p2 =	slt.u32 s8, $0xFFFFF086  }
0x1c: {  	p1 =	slt.u32 s9, $0xF7A;
	s5 =	simm.s32 @!p2 $0x0  }
0x1d: {  	s5 =	simm.s32 @p1 $0x1;
	p0 =	seq.s32 s7, s2  }
0x1e: {  	s7 =	smul.u32 @!p0 $0xF7A, s2;
	p2 =	seq.s32 @!p0 s5, $0x0  }
0x1f: {  	s9 =	smul.u32 $0xF7A, s1;
	s8 =	simm.s32 @!p0 $0x1BF5;
	p2 =	por !p2, p0  }
0x20: {  	[sflag:s8] =	ssyncset.s32 @!p0 $0xFFFFF086;
	s6 =	sadd.s32 @!p0 s3, s7;
	s7 =	simm.s32 @!p0 $0x108  }
0x21: {  	s3 =	sadd.s32 s3, s9;
	s6 =	sadd.s32 @!p0 $0x88, s6;
	s7 =	simm.s32 @p2 $0x1082  }
0x22: {  	[simem:s7], [sflag:s8] =	dma.local @!p0 [hbm:s6], $0xF7A  }
0x23: {  	s9 =	sor.u32 $0xD0000000, s2;
	s6 =	simm.s32 $0x108;
	_ =	swait.ge @!p0 [sflag:s8], $0x0  }
0x24: {  	s3 =	sadd.s32 $0x88, s3;
	s6 =	simm.s32 @!p1 $0x1082;
	[sflag:s4] =	ssyncset.s32 $0xFFFFF086  }
0x25: {  	[simem:s6], [sflag:s4] =	dma.local [hbm:s3], $0xF7A  }
0x26: {  	[smem:$0x3F98] =	sst s1;
	(tag) =	ssettag s2;
	_ =	strace s9  }
0x27: {  	s1 =	sld [smem:$0x3FA8]  }
0x28: {  	s2 =	sld [smem:$0x3FA9]  }
0x29: {  	s4 =	sld [smem:$0x3FAB]  }
0x2a: {  	p0 =	seq.s32 s5, $0x0;
	s5 =	sld [smem:$0x3FAC]  }
0x2b: {  	s6 =	sld [smem:$0x3FAD]  }
0x2c: {  	s7 =	sld [smem:$0x3FAE]  }
0x2d: {  	s3 =	simm.s32 $0x108;
	s8 =	sld [smem:$0x3FAF]  }
0x2e: {  	s3 =	simm.s32 @!p0 $0x1082;
	s9 =	sld [smem:$0x3FB0]  }
0x2f: {  	lr =	sadd.s32 s0, s3;
	s0 =	sld [smem:$0x3FA7]  }
0x30: {  	s3 =	sld [smem:$0x3FAA]  }
0x31: {  	[smem:$0x3FB3] =	sst s10  }
0x32: {  	s10 =	sld [smem:$0x3FB1];
	_ =	sdelay $0x3  }
0x33: {  	p0 =	seq.s32 s10, $0x1;
	s10 =	sld [smem:$0x3FB3];
	_ =	sdelay $0x3  }
0x34: {  	[smem:$0x3FB3] =	sst s10  }
0x35: {  	s10 =	sld [smem:$0x3FB2];
	_ =	sdelay $0x3  }
0x36: {  	p1 =	seq.s32 s10, $0x1;
	s10 =	sld [smem:$0x3FB3];
	_ =	sdelay $0x3  }
0x37: {  	[smem:$0x3FB3] =	sst s10  }
0x38: {  	s10 =	sld [smem:$0x3FB4]  }
0x39: {  	_ = 	snop;
	(pc) =	sbr.ind lr, $3  }
0x3a: {  	_ = 	snop  }
0x3b: {  	_ = 	snop  }
0x3c: {  	p2 =	seq.s32 s10, $0x1;
	s10 =	sld [smem:$0x3FB3]  }
0x3d: {  	_ =	shalt  }
0x3e: {  	_ =	shalt  }
0x3f: {  	_ =	shalt  }
0x40: {  	_ =	shalt  }
0x41: {  	_ =	shalt  }
0x42: {  	_ =	shalt  }
0x43: {  	_ =	shalt  }
0x44: {  	_ =	shalt  }
0x45: {  	_ =	shalt  }
0x46: {  	_ =	shalt  }
0x47: {  	_ =	shalt  }
0x48: {  	_ =	shalt  }
0x49: {  	_ =	shalt  }
0x4a: {  	_ =	shalt  }
0x4b: {  	_ =	shalt  }
0x4c: {  	_ =	shalt  }
0x4d: {  	_ =	shalt  }
0x4e: {  	_ =	shalt  }
0x4f: {  	_ =	shalt  }
0x50: {  	_ =	shalt  }
0x51: {  	_ =	shalt  }
0x52: {  	_ =	shalt  }
0x53: {  	_ =	shalt  }
0x54: {  	_ =	shalt  }
0x55: {  	_ =	shalt  }
0x56: {  	_ =	shalt  }
0x57: {  	_ =	shalt  }
0x58: {  	_ =	shalt  }
0x59: {  	_ =	shalt  }
0x5a: {  	_ =	shalt  }
0x5b: {  	_ =	shalt  }
0x5c: {  	_ =	shalt  }
0x5d: {  	_ =	shalt  }
0x5e: {  	_ =	shalt  }
0x5f: {  	_ =	shalt  }
0x60: {  	_ =	shalt  }
0x61: {  	_ =	shalt  }
0x62: {  	_ =	shalt  }
0x63: {  	_ =	shalt  }
0x64: {  	_ =	shalt  }
0x65: {  	_ =	shalt  }
0x66: {  	_ =	shalt  }
0x67: {  	_ =	shalt  }
0x68: {  	_ =	shalt  }
0x69: {  	_ =	shalt  }
0x6a: {  	_ =	shalt  }
0x6b: {  	_ =	shalt  }
0x6c: {  	_ =	shalt  }
0x6d: {  	_ =	shalt  }
0x6e: {  	_ =	shalt  }
0x6f: {  	_ =	shalt  }
0x70: {  	_ =	shalt  }
0x71: {  	_ =	shalt  }
0x72: {  	_ =	shalt  }
0x73: {  	_ =	shalt  }
0x74: {  	_ =	shalt  }
0x75: {  	_ =	shalt  }
0x76: {  	_ =	shalt  }
0x77: {  	_ =	shalt  }
0x78: {  	_ =	shalt  }
0x79: {  	_ =	shalt  }
0x7a: {  	_ =	shalt  }
0x7b: {  	_ =	shalt  }
0x7c: {  	_ =	shalt  }
0x7d: {  	_ =	shalt  }
0x7e: {  	_ =	shalt  }
0x7f: {  	_ =	shalt  }
0x80: {  	_ =	shalt  }
0x81: {  	_ =	shalt  }
0x82: {  	_ =	shalt  }
0x83: {  	_ =	shalt  }
0x84: {  	_ =	shalt  }
0x85: {  	_ =	shalt  }
0x86: {  	_ =	shalt  }
0x87: {  	_ =	shalt  }
.Lfunc_end0:
.L_simem_size_0:
called_computation.2_lowered:
.L_overlay_start_0:
0x88: {  	s2 =	sld [smem:$0x3FD9]  }
0x89: {  	s3 =	sld [smem:$0x3FFE];
	_ =	sdelay $0x1  }
0x8a: {  	s1 =	srdreg.scid  }
0x8b: {  	s0 =	sand.u32 $0x1, s1  }
0x8c: {  	s17 =	sshll.u32 s0, $0xA;
	s2 =	sadd.s32 s3, s2  }
0x8d: {  	s2 =	sadd.s32 s2, s17  }
0x8e: {  	[smem:$0x3FBF] =	sst s2  }
0x8f: {  	_ = 	snop  }
0x90: {  	s18 =	sld [smem:$0x3FC6];
	(tm) =	ssettm $0x1  }
0x91: {  	s19 =	sld [smem:$0x3FFB];
	_ =	sdelay $0x3  }
0x92: {  	_ =	strace s19  }
0x93: {  	s2 =	sld [smem:$0x3FFC];
	_ =	sdelay $0x3  }
0x94: {  	_ =	strace s2  }
0x95: {  	s2 =	sld [smem:$0x3FFD];
	_ =	sdelay $0x3  }
0x96: {  	_ =	strace s2  }
0x97: {  	_ =	strace $0x8FFFFFFF  }
0x98: {  	s20 =	sld [smem:$0x3FDB];
	_ =	sdelay $0x1  }
0x99: {  	s4 =	simm.s32 $_scs_section_size  }
0x9a: {  	s5 =	simm.s32 $_size__tile_overlayer_lowered;
	s6 =	simm.s32 $_tile_overlayer_lowered  }
0x9b: {  	s7 =	simm.s32 $0x1BFF;
	s21 =	sshll.u32 s6, $0x1;
	s4 =	sadd.s32 s4, s20  }
0x9c: {  	s22 =	simm.s32 $0x0;
	s5 =	sshll.u32 s5, $0x1;
	s6 =	sadd.s32 s21, s4  }
0x9d: {  	[timem:s22], [sflag:s7] =	dma.local [hbm:s6], s5  }
0x9e: {  	_ =	swait.ge [sflag:s7], s5  }
0x9f: {  	s5 =	ssub.s32 $0x0, s5;
	[sflag:s7] =	ssyncset.done $0x0  }
0xa0: {  	[sflag:s7] =	ssyncadd.s32 s5;
	_ =	sdelay $0x1  }
0xa1: {  	s23 =	simm.s32 $0x1B8B  }
0xa2: {  	_ =	swait.ge [sflag:s23], $0x1  }
0xa3: {  	[sflag:s23] =	ssyncset.done $0x0  }
0xa4: {  	[sflag:s23] =	ssyncadd.s32 $0xFFFFFFFF  }
0xa5: {  	s5 =	sld [smem:$0x0]  }
0xa6: {  	s6 =	sand.u32 $0xFFFFFFFE, s1  }
0xa7: {  	p0 =	sne.s32 s1, s6  }
0xa8: {  	s6 =	sshll.u32 @p0 s6, $0xE  }
0xa9: {  	s6 =	sadd.s32 @p0 $0x11B8D, s6;
	s7 =	sshll.u32 @p0 s5, $0x11  }
0xaa: {  	s6 =	sor.u32 @p0 s7, s6  }
0xab: {  	[sflag:s6] =	ssyncadd.remote.s32 @p0 $0x1;
	_ =	sdelay $0x1  }
0xac: {  	s6 =	simm.s32 @p0 $0x1B8D  }
0xad: {  	_ =	swait.eq @p0 [sflag:s6], $0x1  }
0xae: {  	[sflag:s6] =	ssyncadd.s32 @p0 $0xFFFFFFFF  }
0xaf: {  	s7 =	sshll.u32 @!p0 s1, $0xE  }
0xb0: {  	s7 =	sor.u32 @!p0 $0x4000, s7;
	s6 =	simm.s32 @!p0 $0x1B8D  }
0xb1: {  	s5 =	sshll.u32 @!p0 s5, $0x11;
	s7 =	sadd.s32 @!p0 $0x11B8D, s7;
	_ =	swait.eq @!p0 [sflag:s6], $0x1  }
0xb2: {  	s5 =	sor.u32 @!p0 s5, s7;
	[sflag:s6] =	ssyncadd.s32 @!p0 $0xFFFFFFFF  }
0xb3: {  	s25 =	simm.s32 $0x1B8E;
	s24 =	sld [smem:$0x3FFE];
	[sflag:s5] =	ssyncadd.remote.s32 @!p0 $0x1  }
0xb4: {  	s26 =	simm.s32 $execute0_lowered;
	[smem:$0x3FD2] =	sst s25  }
0xb5: {  	s6 =	sshll.u32 s26, $0x1;
	_ =	strace $0x8000004F;
	[dreg:$0x1] =	wrdreg $0xFFFFFFFF  }
0xb6: {  	s28 =	simm.s32 $_size_execute0_lowered;
	s4 =	sadd.s32 s4, s6;
	[dreg:$0x0] =	wrdreg $0x0  }
0xb7: {  	s6 =	sshll.u32 s28, $0x1;
	[dreg:$0x2] =	wrdreg s4  }
0xb8: {  	[dreg:$0x3] =	wrdreg s6  }
0xb9: {  	[dreg:$0x4] =	wrdreg $0xC0  }
0xba: {  	_ =	task [dreg:s22], $0x5FFFF  }
0xbb: {  	[dreg:$0x1] =	wrdreg $0xFFFFFFFF  }
0xbc: {  	[dreg:$0x0] =	wrdreg $0x60  }
0xbd: {  	[dreg:$0x2] =	wrdreg s24  }
0xbe: {  	[dreg:$0x3] =	wrdreg s18  }
0xbf: {  	[dreg:$0x4] =	wrdreg $0xA  }
0xc0: {  	_ =	task.clear_ibuf [dreg:s22], $0x5FFFF;
	_ =	strace $0x9000004F  }
0xc1: {  	s29 =	simm.s32 $0xA;
	_ =	strace $0x80000051  }
0xc2: {  	_ =	swait.ge [sflag:s29], $0x1  }
0xc3: {  	[sflag:s29] =	ssyncadd.s32 $0xFFFFFFFF  }
0xc4: {  	_ =	strace $0x90000051  }
0xc5: {  	_ =	sfence  }
0xc6: {  	s30 =	sld [smem:$0x0];
	_ =	sdelay $0x2  }
0xc7: {  	s31 =	sshll.u32 s1, $0xD;
	s1 =	sshrl.u32 s1, $0x2  }
0xc8: {  	s4 =	sand.u32 $0x4000, s31;
	s1 =	sadd.s32 s1, s30  }
0xc9: {  	s0 =	sor.u32 s4, s0;
	s1 =	sshll.u32 s1, $0x11  }
0xca: {  	s0 =	sor.u32 s1, s0  }
0xcb: {  	s0 =	sadd.s32 $0x8F2B, s0  }
0xcc: {  	[sflag:s0] =	ssyncadd.remote.s32 $0x1  }
0xcd: {  	_ =	sfence.sel $0xFFFF  }
0xce: {  	[dreg:$0x0] =	wrdreg $0xFFFFFFFF;
	(pc) =	sbr.abs _section_cstart, $3  }
0xcf: {  	[dreg:$0x1] =	wrdreg $0xFFFFFFFF  }
0xd0: {  	_ =	task.clear_ibuf [dreg:s22], $0x2FFFF;
	_ =	strace $0x9FFFFFFF  }
0xd1: {  	(tm) =	ssettm $0x7FFFFFFF  }
tec
execute0_lowered:
.L_overlay_start_1:
0x0: {  	(tag) =	ssettag $0x1  }
0x1: {  	s1 =	srdreg.scid;
	s0 =	stileid.u32  }
0x2: {  	s5 =	sand.u32 $0x1, s1;
	s30 =	sshll.u32 s0, $0x1  }
0x3: {  	s1 =	sor.u32 s5, s30  }
0x4: {  	s1 =	smul.u32 $0xC, s1;
	_ =	sdelay $0x1  }
0x5: {  	s6 =	rddreg [dreg:$0x0];
	s9 =	smul.u32 $0x18, s0;
	s3 =	sshrl.u32 s1, $0x5  }
0x6: {  	s2 =	rddreg [dreg:$0x1];
	s4 =	sand.u32 $0x1C, s1;
	s7 =	smul.u32 $0xC800, s3  }
0x7: {  	s12 =	simm.s32 $0x0;
	s31 =	ssub.s32 $0x2, s5;
	s8 =	smul.u32 $0x190, s4  }
0x8: {  	s11 =	smul.u32 $0xC, s5;
	s5 =	sadd.s32 $0x70C600, s6;
	s10 =	sshrl.u32 s31, $0x1  }
0x9: {  	s1 =	rddreg [dreg:$0x2];
	s3 =	simm.s32 $0x0;
	s7 =	sadd.s32 s8, s7  }
0xa: {  	s4 =	sadd.s32 $0x2C00, s6;
	[smem:$0x7FF] =	sst s3;
	s7 =	sshrl.u32 s7, $0x3  }
0xb: {  	_ =	strace $0x80000050;
	s8 =	ssub.s32 s31, s10;
	s7 =	sadd.s32 s4, s7  }
0xc: {  	s10 =	simm.s32 $0x190;
	s6 =	sadd.s32 $0x640, s7;
	s7 =	smax.u32 s8, $0x1  }
0xd: {  	s8 =	sadd.s32 s11, s9;
	s9 =	simm.s32 $0x3;
	s11 =	simm.s32 $0x400  }
.LBB2_1:
0xe: {  	[tilespmem:s3], [sflag:$0x3] =	stream.linear.gather [hbm4b:s6+s3], $0x190, $0x38;
	[tilespmem:$0x19400] =	vst v63  }
0xf: {  	s13 =	sand.u32 $0x1, s3;
	_ =	swait.ge [sflag:s9], $0x190  }
0x10: {  	s14 =	sadd.s32 $0x0, s8;
	p0 =	seq.s32 s13, $0x1;
	[sflag:s9] =	ssyncset.done $0x0  }
0x11: {  	p1 =	por @p0 $0x0, $0x0;
	s15 =	sand.u32 @!p0 $0x1E, s14;
	s13 =	sshrl.u32 @p0 s14, $0x5  }
0x12: {  	[sflag:s9] =	ssyncadd.s32 $0xFFFFFE70;
	p1 =	por p1, !p0;
	s16 =	smul.u32 @!p0 $0xC800, s15  }
0x13: {  	[tilespmem:s11], [sflag:$0x1] =	stream.indirect.gather [hbm4b:s2+s10], $0x80, s3, s10, $0xb8;
	[tilespmem:$0x19400] =	vst v63  }
0x14: {  	s22 =	sand.u32 @p0 $0x1F, s14;
	s18 =	smul.u32 @p0 $0x190000, s13;
	s17 =	sadd.s32 @!p1 $0x0, s8  }
0x15: {  	s13 =	sadd.s32 @!p1 $0x1, s17;
	s17 =	sshrl.u32 @!p0 s14, $0x5;
	s14 =	smul.u32 @!p0 $0x190, s15  }
0x16: {  	s24 =	simm.s32 @p0 $0x2;
	s25 =	simm.s32 @p0 $0xCC00;
	s20 =	smul.u32 @!p0 $0x190000, s17  }
0x17: {  	p2 =	por p0, p0;
	s19 =	sshrl.u32 @!p1 s13, $0x5;
	s17 =	smul.u32 @!p0 $0xC800, s17  }
0x18: {  	s15 =	simm.s32 @!p0 $0x3;
	s13 =	sand.u32 @!p1 $0x1E, s13;
	s19 =	smul.u32 @!p1 $0xC800, s19  }
0x19: {  	s23 =	simm.s32 @!p1 $0x400;
	s15 =	simm.s32 @p2 $0x4;
	s21 =	smul.u32 @!p1 $0x190, s13  }
0x1a: {  	s13 =	simm.s32 $0x1;
	s16 =	sadd.s32 @!p0 s16, s20;
	s20 =	simm.s32 @!p1 $0x0  }
0x1b: {  	s14 =	sadd.s32 @!p0 s17, s14;
	s17 =	simm.s32 @!p1 $0x5;
	s19 =	sadd.s32 @!p1 s21, s19  }
0x1c: {  	s31 =	sand.u32 $0x1, s13;
	s16 =	sshrl.u32 @!p0 s16, $0x3;
	s19 =	sadd.s32 @!p1 $0x3200, s19  }
0x1d: {  	s21 =	sshrl.u32 @!p0 s14, $0x3;
	s14 =	sadd.s32 @!p0 s5, s16;
	s19 =	sshrl.u32 @!p1 s19, $0x3  }
0x1e: {  	s16 =	smul.u32 @p0 $0xC800, s22;
	s21 =	sadd.s32 @!p0 s4, s21;
	s19 =	sadd.s32 @!p1 s4, s19  }
0x1f: {  	[tilespmem:s20], [sflag:$0x5] =	stream.linear.gather @!p1 [hbm4b:s19+s20], $0x190, $0x38;
	[tilespmem:$0x19400] =	vst v63  }
0x20: {  	s22 =	simm.s32 @!p1 $0x190;
	s18 =	sadd.s32 @p0 s16, s18;
	_ =	swait.ge @!p1 [sflag:s17], $0x190  }
0x21: {  	s16 =	simm.s32 $0x2;
	s19 =	sadd.s32 @!p0 $0x672, s21;
	[sflag:s17] =	ssyncset.done @!p1 $0x0  }
0x22: {  	s18 =	sshrl.u32 @p0 s18, $0x3;
	s21 =	simm.s32 @!p0 $0x200;
	[sflag:s17] =	ssyncadd.s32 @!p1 $0xFFFFFE70  }
0x23: {  	[tilespmem:s23], [sflag:$0x1] =	stream.indirect.gather @!p1 [hbm4b:s2+s22], $0x80, s20, s22, $0xb8;
	[tilespmem:$0x19400] =	vst v63  }
0x24: {  	s18 =	sadd.s32 @p0 s5, s18;
	s17 =	simm.s32 @!p0 $0x0;
	_ =	swait.ge @p0 [sflag:s24], $0xC800  }
0x25: {  	s22 =	simm.s32 @p0 $0x0;
	s23 =	simm.s32 @!p0 $0x5;
	[sflag:s24] =	ssyncset.done @p2 $0x0  }
0x26: {  	s20 =	simm.s32 @!p2 $0x1;
	p0 =	seq.s32 s31, $0x1;
	[sflag:s24] =	ssyncadd.s32 @p2 $0xFFFF3800  }
0x27: {  	[hbm4b:s18+s22] =	stream.linear.scatter @p2 [tilespmem:s25], [sflag:$0x4], $0xC800, $0x38;
	[tilespmem:$0x19400] =	vst v63  }
0x28: {  	p1 =	por @p0 $0x0, $0x0;
	s24 =	simm.s32 @!p2 $0xCC00;
	s22 =	sadd.s32 $0x1, s8  }
0x29: {  	p1 =	por p1, !p0;
	s26 =	sshrl.u32 @p0 s22, $0x5;
	s25 =	sand.u32 @!p0 $0x1E, s22  }
0x2a: {  	[tilespmem:s21], [sflag:$0x5] =	stream.linear.gather @!p2 [hbm4b:s19+s17], $0x190, $0x38;
	[tilespmem:$0x19400] =	vst v63  }
0x2b: {  	s19 =	sand.u32 @p0 $0x1F, s22;
	s18 =	smul.u32 @!p0 $0xC800, s25;
	_ =	swait.ge @!p2 [sflag:s23], $0x190  }
.LBB2_2:
0x2c: {  	s28 =	sadd.s32 @!p1 s13, s8  }
0x2d: {  	s26 =	smul.u32 @p0 $0x190000, s26;
	[sflag:s23] =	ssyncset.done @!p2 $0x0;
	s13 =	smov.u32 s16  }
0x2e: {  	s25 =	smul.u32 @!p0 $0x190, s25;
	[sflag:s23] =	ssyncadd.s32 @!p2 $0xFFFFFE70;
	s23 =	simm.s32 @!p2 $0x190  }
0x2f: {  	s29 =	sshrl.u32 @!p0 s22, $0x5;
	s30 =	simm.s32 @!p2 $0x400;
	s28 =	sadd.s32 @!p1 $0x1, s28  }
0x30: {  	[tilespmem:s24], [sflag:$0x2] =	stream.indirect.gather @!p2 [hbm4b:s2+s23], $0x80, s21, s23, $0xb8;
	[tilespmem:$0x19400] =	vst v63  }
0x31: {  	s21 =	sshrl.u32 @!p1 s28, $0x5;
	s23 =	smul.u32 @!p0 $0x190000, s29;
	_ =	swait.ge @!p2 [sflag:s20], $0xC800  }
0x32: {  	s22 =	sand.u32 @!p1 $0x1E, s28;
	s21 =	smul.u32 @!p1 $0xC800, s21;
	[sflag:s20] =	ssyncset.done @!p2 $0x0  }
0x33: {  	s24 =	smul.u32 @!p1 $0x190, s22;
	s22 =	simm.s32 @!p0 $0x3;
	[sflag:s20] =	ssyncadd.s32 @!p2 $0xFFFF3800  }
0x34: {  	[hbm4b:s14+s17] =	stream.linear.scatter @!p2 [tilespmem:s30], [sflag:$0x3], $0xC800, $0x38;
	[tilespmem:$0x19400] =	vst v63  }
0x35: {  	s14 =	smul.u32 @!p0 $0xC800, s29;
	s17 =	sadd.s32 @!p0 s18, s23;
	_ =	swait.ge [sflag:s15], $0xC800  }
0x36: {  	s18 =	sadd.s32 @!p1 s24, s21;
	s17 =	sshrl.u32 @!p0 s17, $0x3;
	[sflag:s15] =	ssyncset.done $0x0  }
0x37: {  	s20 =	simm.s32 @!p1 $0x0;
	s21 =	simm.s32 @!p1 $0x5;
	s18 =	sadd.s32 @!p1 $0x3200, s18  }
0x38: {  	s18 =	sshrl.u32 @!p1 s18, $0x3;
	s14 =	sadd.s32 @!p0 s14, s25;
	[sflag:s15] =	ssyncadd.s32 $0xFFFF3800  }
0x39: {  	s15 =	sadd.s32 @!p1 s4, s18;
	s18 =	sshrl.u32 @!p0 s14, $0x3;
	s14 =	sadd.s32 @!p0 s5, s17  }
0x3a: {  	s24 =	simm.s32 @p0 $0x2;
	s17 =	smul.u32 @p0 $0xC800, s19;
	s18 =	sadd.s32 @!p0 s4, s18  }
0x3b: {  	s23 =	simm.s32 @!p1 $0x400;
	s19 =	simm.s32 @!p1 $0x190;
	s18 =	sadd.s32 @!p0 $0x672, s18  }
0x3c: {  	[tilespmem:s20], [sflag:$0x5] =	stream.linear.gather @!p1 [hbm4b:s15+s20], $0x190, $0x38;
	[tilespmem:$0x19400] =	vst v63  }
0x3d: {  	s16 =	sadd.s32 $0x1, s16;
	s15 =	sadd.s32 @p0 s17, s26;
	_ =	swait.ge @!p1 [sflag:s21], $0x190  }
0x3e: {  	s25 =	simm.s32 @p0 $0xCC00;
	s15 =	sshrl.u32 @p0 s15, $0x3;
	[sflag:s21] =	ssyncset.done @!p1 $0x0  }
0x3f: {  	s26 =	simm.s32 @p0 $0x0;
	s15 =	sadd.s32 @p0 s5, s15;
	[sflag:s21] =	ssyncadd.s32 @!p1 $0xFFFFFE70  }
0x40: {  	[tilespmem:s23], [sflag:$0x1] =	stream.indirect.gather @!p1 [hbm4b:s2+s19], $0x80, s20, s19, $0xb8;
	[tilespmem:$0x19400] =	vst v63  }
0x41: {  	s17 =	simm.s32 @!p0 $0x0;
	s21 =	simm.s32 @!p0 $0x200;
	s23 =	simm.s32 @!p0 $0x5  }
0x42: {  	p3 =	sne.s32 s16, $0xC;
	p2 =	por p0, p0;
	_ =	swait.ge @p0 [sflag:s24], $0xC800  }
0x43: {  	[sflag:s24] =	ssyncset.done @p2 $0x0  }
0x44: {  	s20 =	simm.s32 @!p2 $0x1;
	[sflag:s24] =	ssyncadd.s32 @p2 $0xFFFF3800  }
0x45: {  	[hbm4b:s15+s26] =	stream.linear.scatter @p2 [tilespmem:s25], [sflag:$0x4], $0xC800, $0x38;
	[tilespmem:$0x19400] =	vst v63  }
0x46: {  	s19 =	sand.u32 $0x1, s13;
	s15 =	smov.u32 s22  }
.Ltmp0:
0x47: {  	s24 =	simm.s32 @!p2 $0xCC00;
	s15 =	simm.s32 @p2 $0x4;
	(pc) =	sbr.rel @p3 .LBB2_2-.Ltmp0, $4  }
0x48: {  	[tilespmem:s21], [sflag:$0x5] =	stream.linear.gather @!p2 [hbm4b:s18+s17], $0x190, $0x38;
	[tilespmem:$0x19400] =	vst v63  }
0x49: {  	p0 =	seq.s32 s19, $0x1;
	s22 =	sadd.s32 s13, s8;
	_ =	swait.ge @!p2 [sflag:s23], $0x190  }
0x4a: {  	p1 =	seq.s32 @p0 s13, $0xB;
	s26 =	sshrl.u32 @p0 s22, $0x5;
	s25 =	sand.u32 @!p0 $0x1E, s22  }
0x4b: {  	p1 =	por p1, !p0;
	s19 =	sand.u32 @p0 $0x1F, s22;
	s18 =	smul.u32 @!p0 $0xC800, s25  }
0x4c: {  	s16 =	smul.u32 @p0 $0x190000, s26;
	[sflag:s23] =	ssyncset.done @!p2 $0x0;
	s13 =	sadd.s32 @!p1 s13, s8  }
0x4d: {  	[sflag:s23] =	ssyncadd.s32 @!p2 $0xFFFFFE70;
	s23 =	simm.s32 @!p2 $0x190;
	s13 =	sadd.s32 @!p1 $0x1, s13  }
0x4e: {  	[tilespmem:s24], [sflag:$0x2] =	stream.indirect.gather @!p2 [hbm4b:s2+s23], $0x80, s21, s23, $0xb8;
	[tilespmem:$0x19400] =	vst v63  }
0x4f: {  	s25 =	smul.u32 @!p0 $0x190, s25;
	s21 =	sshrl.u32 @!p1 s13, $0x5  }
0x50: {  	s13 =	sand.u32 @!p1 $0x1E, s13;
	_ =	swait.ge @!p2 [sflag:s20], $0xC800;
	s21 =	smul.u32 @!p1 $0xC800, s21  }
0x51: {  	s22 =	sshrl.u32 @!p0 s22, $0x5;
	s13 =	smul.u32 @!p1 $0x190, s13;
	[sflag:s20] =	ssyncset.done @!p2 $0x0  }
0x52: {  	s23 =	smul.u32 @!p0 $0x190000, s22;
	s24 =	simm.s32 @!p2 $0x400;
	[sflag:s20] =	ssyncadd.s32 @!p2 $0xFFFF3800  }
0x53: {  	s13 =	sadd.s32 @!p1 s13, s21;
	s20 =	simm.s32 @!p1 $0x5;
	s21 =	simm.s32 @!p1 $0x400  }
0x54: {  	[hbm4b:s14+s17] =	stream.linear.scatter @!p2 [tilespmem:s24], [sflag:$0x3], $0xC800, $0x38;
	[tilespmem:$0x19400] =	vst v63  }
0x55: {  	s14 =	smul.u32 @!p0 $0xC800, s22;
	s13 =	sadd.s32 @!p1 $0x3200, s13;
	_ =	swait.ge [sflag:s15], $0xC800  }
0x56: {  	s17 =	simm.s32 @!p1 $0x0;
	s13 =	sshrl.u32 @!p1 s13, $0x3;
	[sflag:s15] =	ssyncset.done $0x0  }
0x57: {  	s14 =	sadd.s32 @!p0 s14, s25;
	s13 =	sadd.s32 @!p1 s4, s13;
	[sflag:s15] =	ssyncadd.s32 $0xFFFF3800  }
0x58: {  	[tilespmem:s17], [sflag:$0x5] =	stream.linear.gather @!p1 [hbm4b:s13+s17], $0x190, $0x38;
	[tilespmem:$0x19400] =	vst v63  }
0x59: {  	s14 =	sshrl.u32 @!p0 s14, $0x3;
	s15 =	smul.u32 @p0 $0xC800, s19;
	_ =	swait.ge @!p1 [sflag:s20], $0x190  }
0x5a: {  	s19 =	simm.s32 @!p1 $0x190;
	s14 =	sadd.s32 @!p0 s4, s14;
	[sflag:s20] =	ssyncset.done @!p1 $0x0  }
0x5b: {  	s13 =	simm.s32 @p0 $0x2;
	s14 =	sadd.s32 @!p0 $0x672, s14;
	[sflag:s20] =	ssyncadd.s32 @!p1 $0xFFFFFE70  }
0x5c: {  	[tilespmem:s21], [sflag:$0x1] =	stream.indirect.gather @!p1 [hbm4b:s2+s19], $0x80, s17, s19, $0xb8;
	[tilespmem:$0x19400] =	vst v63  }
0x5d: {  	s15 =	sadd.s32 @p0 s15, s16;
	p1 =	por p0, p0;
	_ =	swait.ge @p0 [sflag:s13], $0xC800  }
0x5e: {  	s16 =	simm.s32 @p0 $0xCC00;
	s15 =	sshrl.u32 @p0 s15, $0x3;
	[sflag:s13] =	ssyncset.done @p1 $0x0  }
0x5f: {  	s15 =	sadd.s32 @p0 s5, s15;
	s17 =	simm.s32 @p0 $0x0;
	[sflag:s13] =	ssyncadd.s32 @p1 $0xFFFF3800  }
0x60: {  	[hbm4b:s15+s17] =	stream.linear.scatter @p1 [tilespmem:s16], [sflag:$0x4], $0xC800, $0x38;
	[tilespmem:$0x19400] =	vst v63  }
0x61: {  	s13 =	simm.s32 @!p0 $0x0;
	s15 =	simm.s32 @!p0 $0x200;
	s16 =	simm.s32 @!p0 $0x5  }
0x62: {  	[tilespmem:s15], [sflag:$0x5] =	stream.linear.gather @!p1 [hbm4b:s14+s13], $0x190, $0x38;
	[tilespmem:$0x19400] =	vst v63  }
0x63: {  	s12 =	sadd.s32 $0x1, s12;
	s17 =	simm.s32 @!p1 $0x1;
	_ =	swait.ge @!p1 [sflag:s16], $0x190  }
0x64: {  	s14 =	sadd.s32 @!p0 s18, s23;
	s18 =	simm.s32 @!p1 $0xCC00;
	[sflag:s16] =	ssyncset.done @!p1 $0x0  }
0x65: {  	s14 =	sshrl.u32 @!p0 s14, $0x3;
	[sflag:s16] =	ssyncadd.s32 @!p1 $0xFFFFFE70;
	s16 =	simm.s32 @!p1 $0x190  }
0x66: {  	[tilespmem:s18], [sflag:$0x2] =	stream.indirect.gather @!p1 [hbm4b:s2+s16], $0x80, s15, s16, $0xb8;
	[tilespmem:$0x19400] =	vst v63  }
0x67: {  	s14 =	sadd.s32 @!p0 s5, s14;
	s15 =	simm.s32 @!p0 $0x3;
	_ =	swait.ge @!p1 [sflag:s17], $0xC800  }
0x68: {  	s16 =	simm.s32 @!p1 $0x400;
	p0 =	sne.s32 s12, s7;
	[sflag:s17] =	ssyncset.done @!p1 $0x0  }
.Ltmp1:
0x69: {  	s15 =	simm.s32 @p1 $0x4;
	[sflag:s17] =	ssyncadd.s32 @!p1 $0xFFFF3800;
	(pc) =	sbr.rel @p0 .LBB2_1-.Ltmp1, $4  }
0x6a: {  	[hbm4b:s14+s13] =	stream.linear.scatter @!p1 [tilespmem:s16], [sflag:$0x3], $0xC800, $0x38;
	[tilespmem:$0x19400] =	vst v63  }
0x6b: {  	_ =	swait.ge [sflag:s15], $0xC800  }
0x6c: {  	[sflag:s15] =	ssyncset.done $0x0  }
0x6d: {  	[sflag:s15] =	ssyncadd.s32 $0xFFFF3800  }
0x6e: {  	_ =	sfence.sel $0x180000  }
0x6f: {  	[bflag:$0x0] =	sbarrier.arrive $0xFFFF  }
0x70: {  	p0 =	sne.s32 s0, $0x0;
	_ =	strace $0x90000050  }
0x71: {  	s0 =	sadd.s32 @!p0 $0x100000, s1;
	[bflag:$0x2] =	sbarrier.arrive $0xFFFF  }
0x72: {  	[sflag:s0] =	ssyncadd.tile.s32 @!p0 $0x1;
	_ =	shalt  }
.Lfunc_end2:
_tile_overlayer_lowered:
.L_overlay_start_2:
0x73: {  	(tag) =	ssettag $0x2  }
0x74: {  	s0 =	rddreg [dreg:$0x0];
	s2 =	stileid.u32  }
0x75: {  	s1 =	rddreg [dreg:$0x1];
	p0 =	sne.s32 s2, $0x0  }
0x76: {  	s3 =	rddreg [dreg:$0x2];
	[bflag:$0x3] =	sbarrier.arrive $0xFFFF;
	s2 =	simm.s32 @!p0 $0x1C03  }
0x77: {  	[timem:s3], [sflag:s2] =	dma.local @!p0 [hbm:s0], s1  }
0x78: {  	s0 =	simm.s32 @!p0 $0x3  }
0x79: {  	_ =	swait.ge @!p0 [sflag:s0], s1  }
0x7a: {  	s1 =	ssub.s32 @!p0 $0x0, s1;
	[sflag:s0] =	ssyncset.done @!p0 $0x0  }
0x7b: {  	[sflag:s0] =	ssyncadd.s32 @!p0 s1  }
0x7c: {  	[bflag:$0x3] =	sbarrier.arrive $0xFFFF  }
0x7d: {  	_ =	shalt  }

// kernel: kernel.22.cloned.1.call-start
scs
__scs_entry_jumppad:
0x0: {  	(pc) =	sbr.rel $0x88, $3  }
0x1: {  	(tag) =	ssettag $0x0;
	lr =	simm.s32 $0x1  }
0x2: {  	[smem:$0x3F98] =	sst lr;
	_ =	strace $0xD0000000  }
0x3: {  	_ = 	snop  }
0x4: {  	_ = 	snop  }
0x5: {  	_ = 	snop  }
0x6: {  	_ = 	snop  }
0x7: {  	_ = 	snop  }
__scs_overlays_trampoline_lowered:
0x8: {  	[smem:$0x3FA7] =	sst s0  }
0x9: {  	[smem:$0x3FA8] =	sst s1  }
0xa: {  	[smem:$0x3FA9] =	sst s2  }
0xb: {  	[smem:$0x3FAA] =	sst s3  }
0xc: {  	[smem:$0x3FAB] =	sst s4  }
0xd: {  	[smem:$0x3FAC] =	sst s5  }
0xe: {  	[smem:$0x3FAD] =	sst s6  }
0xf: {  	[smem:$0x3FAE] =	sst s7  }
0x10: {  	[smem:$0x3FAF] =	sst s8  }
0x11: {  	[smem:$0x3FB0] =	sst s9;
	s0 =	simm.s32 @!p0 $0x0  }
0x12: {  	s1 =	sld [smem:$0x3F96];
	s0 =	simm.s32 @p0 $0x1  }
0x13: {  	[smem:$0x3FB1] =	sst s0;
	s0 =	simm.s32 @!p1 $0x0  }
0x14: {  	s2 =	sld [smem:$0x3F95];
	s0 =	simm.s32 @p1 $0x1  }
0x15: {  	[smem:$0x3FB2] =	sst s0;
	s0 =	simm.s32 @!p2 $0x0  }
0x16: {  	s3 =	sld [smem:$0x3FDB];
	s0 =	simm.s32 @p2 $0x1  }
0x17: {  	s4 =	simm.s32 $0x1BF5;
	[smem:$0x3FB4] =	sst s0  }
0x18: {  	s0 =	sld [smem:$0x3F97];
	_ =	swait.ge [sflag:s4], $0x0  }
0x19: {  	s7 =	sld [smem:$0x3F98]  }
0x1a: {  	s8 =	sadd.s32 $0xFFFFE003, lr  }
0x1b: {  	s9 =	sadd.s32 $0xFFFFFEF7, lr;
	s5 =	simm.s32 $0xFFFFFFFF;
	p2 =	slt.u32 s8, $0xFFFFF086  }
0x1c: {  	p1 =	slt.u32 s9, $0xF7A;
	s5 =	simm.s32 @!p2 $0x0  }
0x1d: {  	s5 =	simm.s32 @p1 $0x1;
	p0 =	seq.s32 s7, s2  }
0x1e: {  	s7 =	smul.u32 @!p0 $0xF7A, s2;
	p2 =	seq.s32 @!p0 s5, $0x0  }
0x1f: {  	s9 =	smul.u32 $0xF7A, s1;
	s8 =	simm.s32 @!p0 $0x1BF5;
	p2 =	por !p2, p0  }
0x20: {  	[sflag:s8] =	ssyncset.s32 @!p0 $0xFFFFF086;
	s6 =	sadd.s32 @!p0 s3, s7;
	s7 =	simm.s32 @!p0 $0x108  }
0x21: {  	s3 =	sadd.s32 s3, s9;
	s6 =	sadd.s32 @!p0 $0x88, s6;
	s7 =	simm.s32 @p2 $0x1082  }
0x22: {  	[simem:s7], [sflag:s8] =	dma.local @!p0 [hbm:s6], $0xF7A  }
0x23: {  	s9 =	sor.u32 $0xD0000000, s2;
	s6 =	simm.s32 $0x108;
	_ =	swait.ge @!p0 [sflag:s8], $0x0  }
0x24: {  	s3 =	sadd.s32 $0x88, s3;
	s6 =	simm.s32 @!p1 $0x1082;
	[sflag:s4] =	ssyncset.s32 $0xFFFFF086  }
0x25: {  	[simem:s6], [sflag:s4] =	dma.local [hbm:s3], $0xF7A  }
0x26: {  	[smem:$0x3F98] =	sst s1;
	(tag) =	ssettag s2;
	_ =	strace s9  }
0x27: {  	s1 =	sld [smem:$0x3FA8]  }
0x28: {  	s2 =	sld [smem:$0x3FA9]  }
0x29: {  	s4 =	sld [smem:$0x3FAB]  }
0x2a: {  	p0 =	seq.s32 s5, $0x0;
	s5 =	sld [smem:$0x3FAC]  }
0x2b: {  	s6 =	sld [smem:$0x3FAD]  }
0x2c: {  	s7 =	sld [smem:$0x3FAE]  }
0x2d: {  	s3 =	simm.s32 $0x108;
	s8 =	sld [smem:$0x3FAF]  }
0x2e: {  	s3 =	simm.s32 @!p0 $0x1082;
	s9 =	sld [smem:$0x3FB0]  }
0x2f: {  	lr =	sadd.s32 s0, s3;
	s0 =	sld [smem:$0x3FA7]  }
0x30: {  	s3 =	sld [smem:$0x3FAA]  }
0x31: {  	[smem:$0x3FB3] =	sst s10  }
0x32: {  	s10 =	sld [smem:$0x3FB1];
	_ =	sdelay $0x3  }
0x33: {  	p0 =	seq.s32 s10, $0x1;
	s10 =	sld [smem:$0x3FB3];
	_ =	sdelay $0x3  }
0x34: {  	[smem:$0x3FB3] =	sst s10  }
0x35: {  	s10 =	sld [smem:$0x3FB2];
	_ =	sdelay $0x3  }
0x36: {  	p1 =	seq.s32 s10, $0x1;
	s10 =	sld [smem:$0x3FB3];
	_ =	sdelay $0x3  }
0x37: {  	[smem:$0x3FB3] =	sst s10  }
0x38: {  	s10 =	sld [smem:$0x3FB4]  }
0x39: {  	_ = 	snop;
	(pc) =	sbr.ind lr, $3  }
0x3a: {  	_ = 	snop  }
0x3b: {  	_ = 	snop  }
0x3c: {  	p2 =	seq.s32 s10, $0x1;
	s10 =	sld [smem:$0x3FB3]  }
0x3d: {  	_ =	shalt  }
0x3e: {  	_ =	shalt  }
0x3f: {  	_ =	shalt  }
0x40: {  	_ =	shalt  }
0x41: {  	_ =	shalt  }
0x42: {  	_ =	shalt  }
0x43: {  	_ =	shalt  }
0x44: {  	_ =	shalt  }
0x45: {  	_ =	shalt  }
0x46: {  	_ =	shalt  }
0x47: {  	_ =	shalt  }
0x48: {  	_ =	shalt  }
0x49: {  	_ =	shalt  }
0x4a: {  	_ =	shalt  }
0x4b: {  	_ =	shalt  }
0x4c: {  	_ =	shalt  }
0x4d: {  	_ =	shalt  }
0x4e: {  	_ =	shalt  }
0x4f: {  	_ =	shalt  }
0x50: {  	_ =	shalt  }
0x51: {  	_ =	shalt  }
0x52: {  	_ =	shalt  }
0x53: {  	_ =	shalt  }
0x54: {  	_ =	shalt  }
0x55: {  	_ =	shalt  }
0x56: {  	_ =	shalt  }
0x57: {  	_ =	shalt  }
0x58: {  	_ =	shalt  }
0x59: {  	_ =	shalt  }
0x5a: {  	_ =	shalt  }
0x5b: {  	_ =	shalt  }
0x5c: {  	_ =	shalt  }
0x5d: {  	_ =	shalt  }
0x5e: {  	_ =	shalt  }
0x5f: {  	_ =	shalt  }
0x60: {  	_ =	shalt  }
0x61: {  	_ =	shalt  }
0x62: {  	_ =	shalt  }
0x63: {  	_ =	shalt  }
0x64: {  	_ =	shalt  }
0x65: {  	_ =	shalt  }
0x66: {  	_ =	shalt  }
0x67: {  	_ =	shalt  }
0x68: {  	_ =	shalt  }
0x69: {  	_ =	shalt  }
0x6a: {  	_ =	shalt  }
0x6b: {  	_ =	shalt  }
0x6c: {  	_ =	shalt  }
0x6d: {  	_ =	shalt  }
0x6e: {  	_ =	shalt  }
0x6f: {  	_ =	shalt  }
0x70: {  	_ =	shalt  }
0x71: {  	_ =	shalt  }
0x72: {  	_ =	shalt  }
0x73: {  	_ =	shalt  }
0x74: {  	_ =	shalt  }
0x75: {  	_ =	shalt  }
0x76: {  	_ =	shalt  }
0x77: {  	_ =	shalt  }
0x78: {  	_ =	shalt  }
0x79: {  	_ =	shalt  }
0x7a: {  	_ =	shalt  }
0x7b: {  	_ =	shalt  }
0x7c: {  	_ =	shalt  }
0x7d: {  	_ =	shalt  }
0x7e: {  	_ =	shalt  }
0x7f: {  	_ =	shalt  }
0x80: {  	_ =	shalt  }
0x81: {  	_ =	shalt  }
0x82: {  	_ =	shalt  }
0x83: {  	_ =	shalt  }
0x84: {  	_ =	shalt  }
0x85: {  	_ =	shalt  }
0x86: {  	_ =	shalt  }
0x87: {  	_ =	shalt  }
.Lfunc_end0:
.L_simem_size_0:
called_computation.3_lowered:
.L_overlay_start_0:
0x88: {  	s2 =	sld [smem:$0x3FD9]  }
0x89: {  	s3 =	sld [smem:$0x3FFE];
	_ =	sdelay $0x1  }
0x8a: {  	s1 =	srdreg.scid  }
0x8b: {  	s0 =	sand.u32 $0x1, s1  }
0x8c: {  	s17 =	sshll.u32 s0, $0xA;
	s2 =	sadd.s32 s3, s2  }
0x8d: {  	s2 =	sadd.s32 s2, s17  }
0x8e: {  	[smem:$0x3FBF] =	sst s2  }
0x8f: {  	_ = 	snop  }
0x90: {  	s18 =	sld [smem:$0x3FC6];
	(tm) =	ssettm $0x1  }
0x91: {  	s19 =	sld [smem:$0x3FFB];
	_ =	sdelay $0x3  }
0x92: {  	_ =	strace s19  }
0x93: {  	s2 =	sld [smem:$0x3FFC];
	_ =	sdelay $0x3  }
0x94: {  	_ =	strace s2  }
0x95: {  	s2 =	sld [smem:$0x3FFD];
	_ =	sdelay $0x3  }
0x96: {  	_ =	strace s2  }
0x97: {  	_ =	strace $0x8FFFFFFF  }
0x98: {  	s20 =	sld [smem:$0x3FDB];
	_ =	sdelay $0x1  }
0x99: {  	s4 =	simm.s32 $_scs_section_size  }
0x9a: {  	s5 =	simm.s32 $_size__tile_overlayer_lowered;
	s6 =	simm.s32 $_tile_overlayer_lowered  }
0x9b: {  	s7 =	simm.s32 $0x1BFF;
	s21 =	sshll.u32 s6, $0x1;
	s4 =	sadd.s32 s4, s20  }
0x9c: {  	s22 =	simm.s32 $0x0;
	s5 =	sshll.u32 s5, $0x1;
	s6 =	sadd.s32 s21, s4  }
0x9d: {  	[timem:s22], [sflag:s7] =	dma.local [hbm:s6], s5  }
0x9e: {  	_ =	swait.ge [sflag:s7], s5  }
0x9f: {  	s5 =	ssub.s32 $0x0, s5;
	[sflag:s7] =	ssyncset.done $0x0  }
0xa0: {  	[sflag:s7] =	ssyncadd.s32 s5;
	_ =	sdelay $0x1  }
0xa1: {  	s23 =	simm.s32 $0x1B8B  }
0xa2: {  	_ =	swait.ge [sflag:s23], $0x1  }
0xa3: {  	[sflag:s23] =	ssyncset.done $0x0  }
0xa4: {  	[sflag:s23] =	ssyncadd.s32 $0xFFFFFFFF  }
0xa5: {  	s5 =	sld [smem:$0x0]  }
0xa6: {  	s6 =	sand.u32 $0xFFFFFFFE, s1  }
0xa7: {  	p0 =	sne.s32 s1, s6  }
0xa8: {  	s6 =	sshll.u32 @p0 s6, $0xE  }
0xa9: {  	s6 =	sadd.s32 @p0 $0x11B8D, s6;
	s7 =	sshll.u32 @p0 s5, $0x11  }
0xaa: {  	s6 =	sor.u32 @p0 s7, s6  }
0xab: {  	[sflag:s6] =	ssyncadd.remote.s32 @p0 $0x1;
	_ =	sdelay $0x1  }
0xac: {  	s6 =	simm.s32 @p0 $0x1B8D  }
0xad: {  	_ =	swait.eq @p0 [sflag:s6], $0x1  }
0xae: {  	[sflag:s6] =	ssyncadd.s32 @p0 $0xFFFFFFFF  }
0xaf: {  	s7 =	sshll.u32 @!p0 s1, $0xE  }
0xb0: {  	s7 =	sor.u32 @!p0 $0x4000, s7;
	s6 =	simm.s32 @!p0 $0x1B8D  }
0xb1: {  	s5 =	sshll.u32 @!p0 s5, $0x11;
	s7 =	sadd.s32 @!p0 $0x11B8D, s7;
	_ =	swait.eq @!p0 [sflag:s6], $0x1  }
0xb2: {  	s5 =	sor.u32 @!p0 s5, s7;
	[sflag:s6] =	ssyncadd.s32 @!p0 $0xFFFFFFFF  }
0xb3: {  	s25 =	simm.s32 $0x1B8E;
	s24 =	sld [smem:$0x3FFE];
	[sflag:s5] =	ssyncadd.remote.s32 @!p0 $0x1  }
0xb4: {  	s26 =	simm.s32 $execute0_lowered;
	[smem:$0x3FD2] =	sst s25  }
0xb5: {  	s6 =	sshll.u32 s26, $0x1;
	_ =	strace $0x8000004C;
	[dreg:$0x1] =	wrdreg $0xFFFFFFFF  }
0xb6: {  	s28 =	simm.s32 $_size_execute0_lowered;
	s4 =	sadd.s32 s4, s6;
	[dreg:$0x0] =	wrdreg $0x0  }
0xb7: {  	s6 =	sshll.u32 s28, $0x1;
	[dreg:$0x2] =	wrdreg s4  }
0xb8: {  	[dreg:$0x3] =	wrdreg s6  }
0xb9: {  	[dreg:$0x4] =	wrdreg $0xC0  }
0xba: {  	_ =	task [dreg:s22], $0x5FFFF  }
0xbb: {  	[dreg:$0x1] =	wrdreg $0xFFFFFFFF  }
0xbc: {  	[dreg:$0x0] =	wrdreg $0x60  }
0xbd: {  	[dreg:$0x2] =	wrdreg s24  }
0xbe: {  	[dreg:$0x3] =	wrdreg s18  }
0xbf: {  	[dreg:$0x4] =	wrdreg $0xB  }
0xc0: {  	_ =	task.clear_ibuf [dreg:s22], $0x5FFFF;
	_ =	strace $0x9000004C  }
0xc1: {  	s29 =	simm.s32 $0xB;
	_ =	strace $0x8000004E  }
0xc2: {  	_ =	swait.ge [sflag:s29], $0x1  }
0xc3: {  	[sflag:s29] =	ssyncadd.s32 $0xFFFFFFFF  }
0xc4: {  	_ =	strace $0x9000004E  }
0xc5: {  	_ =	sfence  }
0xc6: {  	s30 =	sld [smem:$0x0];
	_ =	sdelay $0x2  }
0xc7: {  	s31 =	sshll.u32 s1, $0xD;
	s1 =	sshrl.u32 s1, $0x2  }
0xc8: {  	s4 =	sand.u32 $0x4000, s31;
	s1 =	sadd.s32 s1, s30  }
0xc9: {  	s0 =	sor.u32 s4, s0;
	s1 =	sshll.u32 s1, $0x11  }
0xca: {  	s0 =	sor.u32 s1, s0  }
0xcb: {  	s0 =	sadd.s32 $0x8F2B, s0  }
0xcc: {  	[sflag:s0] =	ssyncadd.remote.s32 $0x1  }
0xcd: {  	_ =	sfence.sel $0xFFFF  }
0xce: {  	[dreg:$0x0] =	wrdreg $0xFFFFFFFF;
	(pc) =	sbr.abs _section_cstart, $3  }
0xcf: {  	[dreg:$0x1] =	wrdreg $0xFFFFFFFF  }
0xd0: {  	_ =	task.clear_ibuf [dreg:s22], $0x2FFFF;
	_ =	strace $0x9FFFFFFF  }
0xd1: {  	(tm) =	ssettm $0x7FFFFFFF  }
tec
execute0_lowered:
.L_overlay_start_1:
0x0: {  	(tag) =	ssettag $0x1  }
0x1: {  	s1 =	srdreg.scid;
	s0 =	stileid.u32  }
0x2: {  	s5 =	sand.u32 $0x1, s1;
	s30 =	sshll.u32 s0, $0x1  }
0x3: {  	s1 =	sor.u32 s5, s30  }
0x4: {  	s1 =	smul.u32 $0xC, s1;
	_ =	sdelay $0x1  }
0x5: {  	s6 =	rddreg [dreg:$0x0];
	s9 =	smul.u32 $0x18, s0;
	s3 =	sshrl.u32 s1, $0x5  }
0x6: {  	s2 =	rddreg [dreg:$0x1];
	s4 =	sand.u32 $0x1C, s1;
	s7 =	smul.u32 $0xC800, s3  }
0x7: {  	s12 =	simm.s32 $0x0;
	s31 =	ssub.s32 $0x2, s5;
	s8 =	smul.u32 $0x190, s4  }
0x8: {  	s11 =	smul.u32 $0xC, s5;
	s5 =	sadd.s32 $0x4B4600, s6;
	s10 =	sshrl.u32 s31, $0x1  }
0x9: {  	s1 =	rddreg [dreg:$0x2];
	s3 =	simm.s32 $0x0;
	s7 =	sadd.s32 s8, s7  }
0xa: {  	s4 =	sadd.s32 $0x2C00, s6;
	[smem:$0x7FF] =	sst s3;
	s7 =	sshrl.u32 s7, $0x3  }
0xb: {  	_ =	strace $0x8000004D;
	s8 =	ssub.s32 s31, s10;
	s7 =	sadd.s32 s4, s7  }
0xc: {  	s10 =	simm.s32 $0x190;
	s6 =	sadd.s32 $0xC80, s7;
	s7 =	smax.u32 s8, $0x1  }
0xd: {  	s8 =	sadd.s32 s11, s9;
	s9 =	simm.s32 $0x3;
	s11 =	simm.s32 $0x400  }
.LBB2_1:
0xe: {  	[tilespmem:s3], [sflag:$0x3] =	stream.linear.gather [hbm4b:s6+s3], $0x190, $0x38;
	[tilespmem:$0x19400] =	vst v63  }
0xf: {  	s13 =	sand.u32 $0x1, s3;
	_ =	swait.ge [sflag:s9], $0x190  }
0x10: {  	s14 =	sadd.s32 $0x0, s8;
	p0 =	seq.s32 s13, $0x1;
	[sflag:s9] =	ssyncset.done $0x0  }
0x11: {  	p1 =	por @p0 $0x0, $0x0;
	s15 =	sand.u32 @!p0 $0x1E, s14;
	s13 =	sshrl.u32 @p0 s14, $0x5  }
0x12: {  	[sflag:s9] =	ssyncadd.s32 $0xFFFFFE70;
	p1 =	por p1, !p0;
	s16 =	smul.u32 @!p0 $0xC800, s15  }
0x13: {  	[tilespmem:s11], [sflag:$0x1] =	stream.indirect.gather [hbm4b:s2+s10], $0x80, s3, s10, $0xb8;
	[tilespmem:$0x19400] =	vst v63  }
0x14: {  	s22 =	sand.u32 @p0 $0x1F, s14;
	s18 =	smul.u32 @p0 $0x190000, s13;
	s17 =	sadd.s32 @!p1 $0x0, s8  }
0x15: {  	s13 =	sadd.s32 @!p1 $0x1, s17;
	s17 =	sshrl.u32 @!p0 s14, $0x5;
	s14 =	smul.u32 @!p0 $0x190, s15  }
0x16: {  	s24 =	simm.s32 @p0 $0x2;
	s25 =	simm.s32 @p0 $0xCC00;
	s20 =	smul.u32 @!p0 $0x190000, s17  }
0x17: {  	p2 =	por p0, p0;
	s19 =	sshrl.u32 @!p1 s13, $0x5;
	s17 =	smul.u32 @!p0 $0xC800, s17  }
0x18: {  	s15 =	simm.s32 @!p0 $0x3;
	s13 =	sand.u32 @!p1 $0x1E, s13;
	s19 =	smul.u32 @!p1 $0xC800, s19  }
0x19: {  	s23 =	simm.s32 @!p1 $0x400;
	s15 =	simm.s32 @p2 $0x4;
	s21 =	smul.u32 @!p1 $0x190, s13  }
0x1a: {  	s13 =	simm.s32 $0x1;
	s16 =	sadd.s32 @!p0 s16, s20;
	s20 =	simm.s32 @!p1 $0x0  }
0x1b: {  	s14 =	sadd.s32 @!p0 s17, s14;
	s17 =	simm.s32 @!p1 $0x5;
	s19 =	sadd.s32 @!p1 s21, s19  }
0x1c: {  	s31 =	sand.u32 $0x1, s13;
	s16 =	sshrl.u32 @!p0 s16, $0x3;
	s19 =	sadd.s32 @!p1 $0x6400, s19  }
0x1d: {  	s21 =	sshrl.u32 @!p0 s14, $0x3;
	s14 =	sadd.s32 @!p0 s5, s16;
	s19 =	sshrl.u32 @!p1 s19, $0x3  }
0x1e: {  	s16 =	smul.u32 @p0 $0xC800, s22;
	s21 =	sadd.s32 @!p0 s4, s21;
	s19 =	sadd.s32 @!p1 s4, s19  }
0x1f: {  	[tilespmem:s20], [sflag:$0x5] =	stream.linear.gather @!p1 [hbm4b:s19+s20], $0x190, $0x38;
	[tilespmem:$0x19400] =	vst v63  }
0x20: {  	s22 =	simm.s32 @!p1 $0x190;
	s18 =	sadd.s32 @p0 s16, s18;
	_ =	swait.ge @!p1 [sflag:s17], $0x190  }
0x21: {  	s16 =	simm.s32 $0x2;
	s19 =	sadd.s32 @!p0 $0xCB2, s21;
	[sflag:s17] =	ssyncset.done @!p1 $0x0  }
0x22: {  	s18 =	sshrl.u32 @p0 s18, $0x3;
	s21 =	simm.s32 @!p0 $0x200;
	[sflag:s17] =	ssyncadd.s32 @!p1 $0xFFFFFE70  }
0x23: {  	[tilespmem:s23], [sflag:$0x1] =	stream.indirect.gather @!p1 [hbm4b:s2+s22], $0x80, s20, s22, $0xb8;
	[tilespmem:$0x19400] =	vst v63  }
0x24: {  	s18 =	sadd.s32 @p0 s5, s18;
	s17 =	simm.s32 @!p0 $0x0;
	_ =	swait.ge @p0 [sflag:s24], $0xC800  }
0x25: {  	s22 =	simm.s32 @p0 $0x0;
	s23 =	simm.s32 @!p0 $0x5;
	[sflag:s24] =	ssyncset.done @p2 $0x0  }
0x26: {  	s20 =	simm.s32 @!p2 $0x1;
	p0 =	seq.s32 s31, $0x1;
	[sflag:s24] =	ssyncadd.s32 @p2 $0xFFFF3800  }
0x27: {  	[hbm4b:s18+s22] =	stream.linear.scatter @p2 [tilespmem:s25], [sflag:$0x4], $0xC800, $0x38;
	[tilespmem:$0x19400] =	vst v63  }
0x28: {  	p1 =	por @p0 $0x0, $0x0;
	s24 =	simm.s32 @!p2 $0xCC00;
	s22 =	sadd.s32 $0x1, s8  }
0x29: {  	p1 =	por p1, !p0;
	s26 =	sshrl.u32 @p0 s22, $0x5;
	s25 =	sand.u32 @!p0 $0x1E, s22  }
0x2a: {  	[tilespmem:s21], [sflag:$0x5] =	stream.linear.gather @!p2 [hbm4b:s19+s17], $0x190, $0x38;
	[tilespmem:$0x19400] =	vst v63  }
0x2b: {  	s19 =	sand.u32 @p0 $0x1F, s22;
	s18 =	smul.u32 @!p0 $0xC800, s25;
	_ =	swait.ge @!p2 [sflag:s23], $0x190  }
.LBB2_2:
0x2c: {  	s28 =	sadd.s32 @!p1 s13, s8  }
0x2d: {  	s26 =	smul.u32 @p0 $0x190000, s26;
	[sflag:s23] =	ssyncset.done @!p2 $0x0;
	s13 =	smov.u32 s16  }
0x2e: {  	s25 =	smul.u32 @!p0 $0x190, s25;
	[sflag:s23] =	ssyncadd.s32 @!p2 $0xFFFFFE70;
	s23 =	simm.s32 @!p2 $0x190  }
0x2f: {  	s29 =	sshrl.u32 @!p0 s22, $0x5;
	s30 =	simm.s32 @!p2 $0x400;
	s28 =	sadd.s32 @!p1 $0x1, s28  }
0x30: {  	[tilespmem:s24], [sflag:$0x2] =	stream.indirect.gather @!p2 [hbm4b:s2+s23], $0x80, s21, s23, $0xb8;
	[tilespmem:$0x19400] =	vst v63  }
0x31: {  	s21 =	sshrl.u32 @!p1 s28, $0x5;
	s23 =	smul.u32 @!p0 $0x190000, s29;
	_ =	swait.ge @!p2 [sflag:s20], $0xC800  }
0x32: {  	s22 =	sand.u32 @!p1 $0x1E, s28;
	s21 =	smul.u32 @!p1 $0xC800, s21;
	[sflag:s20] =	ssyncset.done @!p2 $0x0  }
0x33: {  	s24 =	smul.u32 @!p1 $0x190, s22;
	s22 =	simm.s32 @!p0 $0x3;
	[sflag:s20] =	ssyncadd.s32 @!p2 $0xFFFF3800  }
0x34: {  	[hbm4b:s14+s17] =	stream.linear.scatter @!p2 [tilespmem:s30], [sflag:$0x3], $0xC800, $0x38;
	[tilespmem:$0x19400] =	vst v63  }
0x35: {  	s14 =	smul.u32 @!p0 $0xC800, s29;
	s17 =	sadd.s32 @!p0 s18, s23;
	_ =	swait.ge [sflag:s15], $0xC800  }
0x36: {  	s18 =	sadd.s32 @!p1 s24, s21;
	s17 =	sshrl.u32 @!p0 s17, $0x3;
	[sflag:s15] =	ssyncset.done $0x0  }
0x37: {  	s20 =	simm.s32 @!p1 $0x0;
	s21 =	simm.s32 @!p1 $0x5;
	s18 =	sadd.s32 @!p1 $0x6400, s18  }
0x38: {  	s18 =	sshrl.u32 @!p1 s18, $0x3;
	s14 =	sadd.s32 @!p0 s14, s25;
	[sflag:s15] =	ssyncadd.s32 $0xFFFF3800  }
0x39: {  	s15 =	sadd.s32 @!p1 s4, s18;
	s18 =	sshrl.u32 @!p0 s14, $0x3;
	s14 =	sadd.s32 @!p0 s5, s17  }
0x3a: {  	s24 =	simm.s32 @p0 $0x2;
	s17 =	smul.u32 @p0 $0xC800, s19;
	s18 =	sadd.s32 @!p0 s4, s18  }
0x3b: {  	s23 =	simm.s32 @!p1 $0x400;
	s19 =	simm.s32 @!p1 $0x190;
	s18 =	sadd.s32 @!p0 $0xCB2, s18  }
0x3c: {  	[tilespmem:s20], [sflag:$0x5] =	stream.linear.gather @!p1 [hbm4b:s15+s20], $0x190, $0x38;
	[tilespmem:$0x19400] =	vst v63  }
0x3d: {  	s16 =	sadd.s32 $0x1, s16;
	s15 =	sadd.s32 @p0 s17, s26;
	_ =	swait.ge @!p1 [sflag:s21], $0x190  }
0x3e: {  	s25 =	simm.s32 @p0 $0xCC00;
	s15 =	sshrl.u32 @p0 s15, $0x3;
	[sflag:s21] =	ssyncset.done @!p1 $0x0  }
0x3f: {  	s26 =	simm.s32 @p0 $0x0;
	s15 =	sadd.s32 @p0 s5, s15;
	[sflag:s21] =	ssyncadd.s32 @!p1 $0xFFFFFE70  }
0x40: {  	[tilespmem:s23], [sflag:$0x1] =	stream.indirect.gather @!p1 [hbm4b:s2+s19], $0x80, s20, s19, $0xb8;
	[tilespmem:$0x19400] =	vst v63  }
0x41: {  	s17 =	simm.s32 @!p0 $0x0;
	s21 =	simm.s32 @!p0 $0x200;
	s23 =	simm.s32 @!p0 $0x5  }
0x42: {  	p3 =	sne.s32 s16, $0xC;
	p2 =	por p0, p0;
	_ =	swait.ge @p0 [sflag:s24], $0xC800  }
0x43: {  	[sflag:s24] =	ssyncset.done @p2 $0x0  }
0x44: {  	s20 =	simm.s32 @!p2 $0x1;
	[sflag:s24] =	ssyncadd.s32 @p2 $0xFFFF3800  }
0x45: {  	[hbm4b:s15+s26] =	stream.linear.scatter @p2 [tilespmem:s25], [sflag:$0x4], $0xC800, $0x38;
	[tilespmem:$0x19400] =	vst v63  }
0x46: {  	s19 =	sand.u32 $0x1, s13;
	s15 =	smov.u32 s22  }
.Ltmp0:
0x47: {  	s24 =	simm.s32 @!p2 $0xCC00;
	s15 =	simm.s32 @p2 $0x4;
	(pc) =	sbr.rel @p3 .LBB2_2-.Ltmp0, $4  }
0x48: {  	[tilespmem:s21], [sflag:$0x5] =	stream.linear.gather @!p2 [hbm4b:s18+s17], $0x190, $0x38;
	[tilespmem:$0x19400] =	vst v63  }
0x49: {  	p0 =	seq.s32 s19, $0x1;
	s22 =	sadd.s32 s13, s8;
	_ =	swait.ge @!p2 [sflag:s23], $0x190  }
0x4a: {  	p1 =	seq.s32 @p0 s13, $0xB;
	s26 =	sshrl.u32 @p0 s22, $0x5;
	s25 =	sand.u32 @!p0 $0x1E, s22  }
0x4b: {  	p1 =	por p1, !p0;
	s19 =	sand.u32 @p0 $0x1F, s22;
	s18 =	smul.u32 @!p0 $0xC800, s25  }
0x4c: {  	s16 =	smul.u32 @p0 $0x190000, s26;
	[sflag:s23] =	ssyncset.done @!p2 $0x0;
	s13 =	sadd.s32 @!p1 s13, s8  }
0x4d: {  	[sflag:s23] =	ssyncadd.s32 @!p2 $0xFFFFFE70;
	s23 =	simm.s32 @!p2 $0x190;
	s13 =	sadd.s32 @!p1 $0x1, s13  }
0x4e: {  	[tilespmem:s24], [sflag:$0x2] =	stream.indirect.gather @!p2 [hbm4b:s2+s23], $0x80, s21, s23, $0xb8;
	[tilespmem:$0x19400] =	vst v63  }
0x4f: {  	s25 =	smul.u32 @!p0 $0x190, s25;
	s21 =	sshrl.u32 @!p1 s13, $0x5  }
0x50: {  	s13 =	sand.u32 @!p1 $0x1E, s13;
	_ =	swait.ge @!p2 [sflag:s20], $0xC800;
	s21 =	smul.u32 @!p1 $0xC800, s21  }
0x51: {  	s22 =	sshrl.u32 @!p0 s22, $0x5;
	s13 =	smul.u32 @!p1 $0x190, s13;
	[sflag:s20] =	ssyncset.done @!p2 $0x0  }
0x52: {  	s23 =	smul.u32 @!p0 $0x190000, s22;
	s24 =	simm.s32 @!p2 $0x400;
	[sflag:s20] =	ssyncadd.s32 @!p2 $0xFFFF3800  }
0x53: {  	s13 =	sadd.s32 @!p1 s13, s21;
	s20 =	simm.s32 @!p1 $0x5;
	s21 =	simm.s32 @!p1 $0x400  }
0x54: {  	[hbm4b:s14+s17] =	stream.linear.scatter @!p2 [tilespmem:s24], [sflag:$0x3], $0xC800, $0x38;
	[tilespmem:$0x19400] =	vst v63  }
0x55: {  	s14 =	smul.u32 @!p0 $0xC800, s22;
	s13 =	sadd.s32 @!p1 $0x6400, s13;
	_ =	swait.ge [sflag:s15], $0xC800  }
0x56: {  	s17 =	simm.s32 @!p1 $0x0;
	s13 =	sshrl.u32 @!p1 s13, $0x3;
	[sflag:s15] =	ssyncset.done $0x0  }
0x57: {  	s14 =	sadd.s32 @!p0 s14, s25;
	s13 =	sadd.s32 @!p1 s4, s13;
	[sflag:s15] =	ssyncadd.s32 $0xFFFF3800  }
0x58: {  	[tilespmem:s17], [sflag:$0x5] =	stream.linear.gather @!p1 [hbm4b:s13+s17], $0x190, $0x38;
	[tilespmem:$0x19400] =	vst v63  }
0x59: {  	s14 =	sshrl.u32 @!p0 s14, $0x3;
	s15 =	smul.u32 @p0 $0xC800, s19;
	_ =	swait.ge @!p1 [sflag:s20], $0x190  }
0x5a: {  	s19 =	simm.s32 @!p1 $0x190;
	s14 =	sadd.s32 @!p0 s4, s14;
	[sflag:s20] =	ssyncset.done @!p1 $0x0  }
0x5b: {  	s13 =	simm.s32 @p0 $0x2;
	s14 =	sadd.s32 @!p0 $0xCB2, s14;
	[sflag:s20] =	ssyncadd.s32 @!p1 $0xFFFFFE70  }
0x5c: {  	[tilespmem:s21], [sflag:$0x1] =	stream.indirect.gather @!p1 [hbm4b:s2+s19], $0x80, s17, s19, $0xb8;
	[tilespmem:$0x19400] =	vst v63  }
0x5d: {  	s15 =	sadd.s32 @p0 s15, s16;
	p1 =	por p0, p0;
	_ =	swait.ge @p0 [sflag:s13], $0xC800  }
0x5e: {  	s16 =	simm.s32 @p0 $0xCC00;
	s15 =	sshrl.u32 @p0 s15, $0x3;
	[sflag:s13] =	ssyncset.done @p1 $0x0  }
0x5f: {  	s15 =	sadd.s32 @p0 s5, s15;
	s17 =	simm.s32 @p0 $0x0;
	[sflag:s13] =	ssyncadd.s32 @p1 $0xFFFF3800  }
0x60: {  	[hbm4b:s15+s17] =	stream.linear.scatter @p1 [tilespmem:s16], [sflag:$0x4], $0xC800, $0x38;
	[tilespmem:$0x19400] =	vst v63  }
0x61: {  	s13 =	simm.s32 @!p0 $0x0;
	s15 =	simm.s32 @!p0 $0x200;
	s16 =	simm.s32 @!p0 $0x5  }
0x62: {  	[tilespmem:s15], [sflag:$0x5] =	stream.linear.gather @!p1 [hbm4b:s14+s13], $0x190, $0x38;
	[tilespmem:$0x19400] =	vst v63  }
0x63: {  	s12 =	sadd.s32 $0x1, s12;
	s17 =	simm.s32 @!p1 $0x1;
	_ =	swait.ge @!p1 [sflag:s16], $0x190  }
0x64: {  	s14 =	sadd.s32 @!p0 s18, s23;
	s18 =	simm.s32 @!p1 $0xCC00;
	[sflag:s16] =	ssyncset.done @!p1 $0x0  }
0x65: {  	s14 =	sshrl.u32 @!p0 s14, $0x3;
	[sflag:s16] =	ssyncadd.s32 @!p1 $0xFFFFFE70;
	s16 =	simm.s32 @!p1 $0x190  }
0x66: {  	[tilespmem:s18], [sflag:$0x2] =	stream.indirect.gather @!p1 [hbm4b:s2+s16], $0x80, s15, s16, $0xb8;
	[tilespmem:$0x19400] =	vst v63  }
0x67: {  	s14 =	sadd.s32 @!p0 s5, s14;
	s15 =	simm.s32 @!p0 $0x3;
	_ =	swait.ge @!p1 [sflag:s17], $0xC800  }
0x68: {  	s16 =	simm.s32 @!p1 $0x400;
	p0 =	sne.s32 s12, s7;
	[sflag:s17] =	ssyncset.done @!p1 $0x0  }
.Ltmp1:
0x69: {  	s15 =	simm.s32 @p1 $0x4;
	[sflag:s17] =	ssyncadd.s32 @!p1 $0xFFFF3800;
	(pc) =	sbr.rel @p0 .LBB2_1-.Ltmp1, $4  }
0x6a: {  	[hbm4b:s14+s13] =	stream.linear.scatter @!p1 [tilespmem:s16], [sflag:$0x3], $0xC800, $0x38;
	[tilespmem:$0x19400] =	vst v63  }
0x6b: {  	_ =	swait.ge [sflag:s15], $0xC800  }
0x6c: {  	[sflag:s15] =	ssyncset.done $0x0  }
0x6d: {  	[sflag:s15] =	ssyncadd.s32 $0xFFFF3800  }
0x6e: {  	_ =	sfence.sel $0x180000  }
0x6f: {  	[bflag:$0x0] =	sbarrier.arrive $0xFFFF  }
0x70: {  	p0 =	sne.s32 s0, $0x0;
	_ =	strace $0x9000004D  }
0x71: {  	s0 =	sadd.s32 @!p0 $0x100000, s1;
	[bflag:$0x2] =	sbarrier.arrive $0xFFFF  }
0x72: {  	[sflag:s0] =	ssyncadd.tile.s32 @!p0 $0x1;
	_ =	shalt  }
.Lfunc_end2:
_tile_overlayer_lowered:
.L_overlay_start_2:
0x73: {  	(tag) =	ssettag $0x2  }
0x74: {  	s0 =	rddreg [dreg:$0x0];
	s2 =	stileid.u32  }
0x75: {  	s1 =	rddreg [dreg:$0x1];
	p0 =	sne.s32 s2, $0x0  }
0x76: {  	s3 =	rddreg [dreg:$0x2];
	[bflag:$0x3] =	sbarrier.arrive $0xFFFF;
	s2 =	simm.s32 @!p0 $0x1C03  }
0x77: {  	[timem:s3], [sflag:s2] =	dma.local @!p0 [hbm:s0], s1  }
0x78: {  	s0 =	simm.s32 @!p0 $0x3  }
0x79: {  	_ =	swait.ge @!p0 [sflag:s0], s1  }
0x7a: {  	s1 =	ssub.s32 @!p0 $0x0, s1;
	[sflag:s0] =	ssyncset.done @!p0 $0x0  }
0x7b: {  	[sflag:s0] =	ssyncadd.s32 @!p0 s1  }
0x7c: {  	[bflag:$0x3] =	sbarrier.arrive $0xFFFF  }
0x7d: {  	_ =	shalt  }

// kernel: kernel.25.cloned.1.call-start
scs
__scs_entry_jumppad:
0x0: {  	(pc) =	sbr.rel $0x88, $3  }
0x1: {  	(tag) =	ssettag $0x0;
	lr =	simm.s32 $0x1  }
0x2: {  	[smem:$0x3F98] =	sst lr;
	_ =	strace $0xD0000000  }
0x3: {  	_ = 	snop  }
0x4: {  	_ = 	snop  }
0x5: {  	_ = 	snop  }
0x6: {  	_ = 	snop  }
0x7: {  	_ = 	snop  }
__scs_overlays_trampoline_lowered:
0x8: {  	[smem:$0x3FA7] =	sst s0  }
0x9: {  	[smem:$0x3FA8] =	sst s1  }
0xa: {  	[smem:$0x3FA9] =	sst s2  }
0xb: {  	[smem:$0x3FAA] =	sst s3  }
0xc: {  	[smem:$0x3FAB] =	sst s4  }
0xd: {  	[smem:$0x3FAC] =	sst s5  }
0xe: {  	[smem:$0x3FAD] =	sst s6  }
0xf: {  	[smem:$0x3FAE] =	sst s7  }
0x10: {  	[smem:$0x3FAF] =	sst s8  }
0x11: {  	[smem:$0x3FB0] =	sst s9;
	s0 =	simm.s32 @!p0 $0x0  }
0x12: {  	s1 =	sld [smem:$0x3F96];
	s0 =	simm.s32 @p0 $0x1  }
0x13: {  	[smem:$0x3FB1] =	sst s0;
	s0 =	simm.s32 @!p1 $0x0  }
0x14: {  	s2 =	sld [smem:$0x3F95];
	s0 =	simm.s32 @p1 $0x1  }
0x15: {  	[smem:$0x3FB2] =	sst s0;
	s0 =	simm.s32 @!p2 $0x0  }
0x16: {  	s3 =	sld [smem:$0x3FDB];
	s0 =	simm.s32 @p2 $0x1  }
0x17: {  	s4 =	simm.s32 $0x1BF5;
	[smem:$0x3FB4] =	sst s0  }
0x18: {  	s0 =	sld [smem:$0x3F97];
	_ =	swait.ge [sflag:s4], $0x0  }
0x19: {  	s7 =	sld [smem:$0x3F98]  }
0x1a: {  	s8 =	sadd.s32 $0xFFFFE003, lr  }
0x1b: {  	s9 =	sadd.s32 $0xFFFFFEF7, lr;
	s5 =	simm.s32 $0xFFFFFFFF;
	p2 =	slt.u32 s8, $0xFFFFF086  }
0x1c: {  	p1 =	slt.u32 s9, $0xF7A;
	s5 =	simm.s32 @!p2 $0x0  }
0x1d: {  	s5 =	simm.s32 @p1 $0x1;
	p0 =	seq.s32 s7, s2  }
0x1e: {  	s7 =	smul.u32 @!p0 $0xF7A, s2;
	p2 =	seq.s32 @!p0 s5, $0x0  }
0x1f: {  	s9 =	smul.u32 $0xF7A, s1;
	s8 =	simm.s32 @!p0 $0x1BF5;
	p2 =	por !p2, p0  }
0x20: {  	[sflag:s8] =	ssyncset.s32 @!p0 $0xFFFFF086;
	s6 =	sadd.s32 @!p0 s3, s7;
	s7 =	simm.s32 @!p0 $0x108  }
0x21: {  	s3 =	sadd.s32 s3, s9;
	s6 =	sadd.s32 @!p0 $0x88, s6;
	s7 =	simm.s32 @p2 $0x1082  }
0x22: {  	[simem:s7], [sflag:s8] =	dma.local @!p0 [hbm:s6], $0xF7A  }
0x23: {  	s9 =	sor.u32 $0xD0000000, s2;
	s6 =	simm.s32 $0x108;
	_ =	swait.ge @!p0 [sflag:s8], $0x0  }
0x24: {  	s3 =	sadd.s32 $0x88, s3;
	s6 =	simm.s32 @!p1 $0x1082;
	[sflag:s4] =	ssyncset.s32 $0xFFFFF086  }
0x25: {  	[simem:s6], [sflag:s4] =	dma.local [hbm:s3], $0xF7A  }
0x26: {  	[smem:$0x3F98] =	sst s1;
	(tag) =	ssettag s2;
	_ =	strace s9  }
0x27: {  	s1 =	sld [smem:$0x3FA8]  }
0x28: {  	s2 =	sld [smem:$0x3FA9]  }
0x29: {  	s4 =	sld [smem:$0x3FAB]  }
0x2a: {  	p0 =	seq.s32 s5, $0x0;
	s5 =	sld [smem:$0x3FAC]  }
0x2b: {  	s6 =	sld [smem:$0x3FAD]  }
0x2c: {  	s7 =	sld [smem:$0x3FAE]  }
0x2d: {  	s3 =	simm.s32 $0x108;
	s8 =	sld [smem:$0x3FAF]  }
0x2e: {  	s3 =	simm.s32 @!p0 $0x1082;
	s9 =	sld [smem:$0x3FB0]  }
0x2f: {  	lr =	sadd.s32 s0, s3;
	s0 =	sld [smem:$0x3FA7]  }
0x30: {  	s3 =	sld [smem:$0x3FAA]  }
0x31: {  	[smem:$0x3FB3] =	sst s10  }
0x32: {  	s10 =	sld [smem:$0x3FB1];
	_ =	sdelay $0x3  }
0x33: {  	p0 =	seq.s32 s10, $0x1;
	s10 =	sld [smem:$0x3FB3];
	_ =	sdelay $0x3  }
0x34: {  	[smem:$0x3FB3] =	sst s10  }
0x35: {  	s10 =	sld [smem:$0x3FB2];
	_ =	sdelay $0x3  }
0x36: {  	p1 =	seq.s32 s10, $0x1;
	s10 =	sld [smem:$0x3FB3];
	_ =	sdelay $0x3  }
0x37: {  	[smem:$0x3FB3] =	sst s10  }
0x38: {  	s10 =	sld [smem:$0x3FB4]  }
0x39: {  	_ = 	snop;
	(pc) =	sbr.ind lr, $3  }
0x3a: {  	_ = 	snop  }
0x3b: {  	_ = 	snop  }
0x3c: {  	p2 =	seq.s32 s10, $0x1;
	s10 =	sld [smem:$0x3FB3]  }
0x3d: {  	_ =	shalt  }
0x3e: {  	_ =	shalt  }
0x3f: {  	_ =	shalt  }
0x40: {  	_ =	shalt  }
0x41: {  	_ =	shalt  }
0x42: {  	_ =	shalt  }
0x43: {  	_ =	shalt  }
0x44: {  	_ =	shalt  }
0x45: {  	_ =	shalt  }
0x46: {  	_ =	shalt  }
0x47: {  	_ =	shalt  }
0x48: {  	_ =	shalt  }
0x49: {  	_ =	shalt  }
0x4a: {  	_ =	shalt  }
0x4b: {  	_ =	shalt  }
0x4c: {  	_ =	shalt  }
0x4d: {  	_ =	shalt  }
0x4e: {  	_ =	shalt  }
0x4f: {  	_ =	shalt  }
0x50: {  	_ =	shalt  }
0x51: {  	_ =	shalt  }
0x52: {  	_ =	shalt  }
0x53: {  	_ =	shalt  }
0x54: {  	_ =	shalt  }
0x55: {  	_ =	shalt  }
0x56: {  	_ =	shalt  }
0x57: {  	_ =	shalt  }
0x58: {  	_ =	shalt  }
0x59: {  	_ =	shalt  }
0x5a: {  	_ =	shalt  }
0x5b: {  	_ =	shalt  }
0x5c: {  	_ =	shalt  }
0x5d: {  	_ =	shalt  }
0x5e: {  	_ =	shalt  }
0x5f: {  	_ =	shalt  }
0x60: {  	_ =	shalt  }
0x61: {  	_ =	shalt  }
0x62: {  	_ =	shalt  }
0x63: {  	_ =	shalt  }
0x64: {  	_ =	shalt  }
0x65: {  	_ =	shalt  }
0x66: {  	_ =	shalt  }
0x67: {  	_ =	shalt  }
0x68: {  	_ =	shalt  }
0x69: {  	_ =	shalt  }
0x6a: {  	_ =	shalt  }
0x6b: {  	_ =	shalt  }
0x6c: {  	_ =	shalt  }
0x6d: {  	_ =	shalt  }
0x6e: {  	_ =	shalt  }
0x6f: {  	_ =	shalt  }
0x70: {  	_ =	shalt  }
0x71: {  	_ =	shalt  }
0x72: {  	_ =	shalt  }
0x73: {  	_ =	shalt  }
0x74: {  	_ =	shalt  }
0x75: {  	_ =	shalt  }
0x76: {  	_ =	shalt  }
0x77: {  	_ =	shalt  }
0x78: {  	_ =	shalt  }
0x79: {  	_ =	shalt  }
0x7a: {  	_ =	shalt  }
0x7b: {  	_ =	shalt  }
0x7c: {  	_ =	shalt  }
0x7d: {  	_ =	shalt  }
0x7e: {  	_ =	shalt  }
0x7f: {  	_ =	shalt  }
0x80: {  	_ =	shalt  }
0x81: {  	_ =	shalt  }
0x82: {  	_ =	shalt  }
0x83: {  	_ =	shalt  }
0x84: {  	_ =	shalt  }
0x85: {  	_ =	shalt  }
0x86: {  	_ =	shalt  }
0x87: {  	_ =	shalt  }
.Lfunc_end0:
.L_simem_size_0:
called_computation.4_lowered:
.L_overlay_start_0:
0x88: {  	s2 =	sld [smem:$0x3FD9]  }
0x89: {  	s3 =	sld [smem:$0x3FFE];
	_ =	sdelay $0x1  }
0x8a: {  	s1 =	srdreg.scid  }
0x8b: {  	s0 =	sand.u32 $0x1, s1  }
0x8c: {  	s17 =	sshll.u32 s0, $0xA;
	s2 =	sadd.s32 s3, s2  }
0x8d: {  	s2 =	sadd.s32 s2, s17  }
0x8e: {  	[smem:$0x3FBF] =	sst s2  }
0x8f: {  	_ = 	snop  }
0x90: {  	s2 =	sld [smem:$0x3FC6];
	(tm) =	ssettm $0x1  }
0x91: {  	s18 =	sld [smem:$0x3FFB];
	_ =	sdelay $0x3  }
0x92: {  	_ =	strace s18  }
0x93: {  	s3 =	sld [smem:$0x3FFC];
	_ =	sdelay $0x3  }
0x94: {  	_ =	strace s3  }
0x95: {  	s3 =	sld [smem:$0x3FFD];
	_ =	sdelay $0x3  }
0x96: {  	_ =	strace s3  }
0x97: {  	_ =	strace $0x8FFFFFFF  }
0x98: {  	s19 =	sld [smem:$0x3FDB];
	_ =	sdelay $0x1  }
0x99: {  	s4 =	simm.s32 $_scs_section_size  }
0x9a: {  	s5 =	simm.s32 $_size__tile_overlayer_lowered;
	s6 =	simm.s32 $_tile_overlayer_lowered  }
0x9b: {  	s22 =	simm.s32 $0x1BFF;
	s21 =	sshll.u32 s6, $0x1;
	s3 =	sadd.s32 s4, s19  }
0x9c: {  	s7 =	simm.s32 $0x0;
	s20 =	sshll.u32 s5, $0x1;
	s5 =	sadd.s32 s21, s3  }
0x9d: {  	[timem:s7], [sflag:s22] =	dma.local [hbm:s5], s20  }
0x9e: {  	_ =	swait.ge [sflag:s22], s20  }
0x9f: {  	s4 =	ssub.s32 $0x0, s20;
	[sflag:s22] =	ssyncset.done $0x0  }
0xa0: {  	[sflag:s22] =	ssyncadd.s32 s4;
	_ =	sdelay $0x1  }
0xa1: {  	s23 =	simm.s32 $0x1B8B  }
0xa2: {  	_ =	swait.ge [sflag:s23], $0x1  }
0xa3: {  	[sflag:s23] =	ssyncset.done $0x0  }
0xa4: {  	s25 =	simm.s32 $0x1B8E;
	s24 =	sld [smem:$0x3FFE];
	[sflag:s23] =	ssyncadd.s32 $0xFFFFFFFF  }
0xa5: {  	s26 =	simm.s32 $execute0_lowered;
	[smem:$0x3FD2] =	sst s25  }
0xa6: {  	s5 =	sshll.u32 s26, $0x1;
	_ =	strace $0x80000049;
	[dreg:$0x1] =	wrdreg $0xFFFFFFFF  }
0xa7: {  	s28 =	simm.s32 $_size_execute0_lowered;
	s3 =	sadd.s32 s3, s5;
	[dreg:$0x0] =	wrdreg $0x0  }
0xa8: {  	s5 =	sshll.u32 s28, $0x1;
	[dreg:$0x2] =	wrdreg s3  }
0xa9: {  	[dreg:$0x3] =	wrdreg s5  }
0xaa: {  	[dreg:$0x4] =	wrdreg $0xC0  }
0xab: {  	_ =	task [dreg:s7], $0x5FFFF  }
0xac: {  	[dreg:$0x1] =	wrdreg $0xFFFFFFFF  }
0xad: {  	[dreg:$0x0] =	wrdreg $0x60  }
0xae: {  	[dreg:$0x2] =	wrdreg s24  }
0xaf: {  	[dreg:$0x3] =	wrdreg s2  }
0xb0: {  	[dreg:$0x4] =	wrdreg $0xC  }
0xb1: {  	_ =	task.clear_ibuf [dreg:s7], $0x5FFFF;
	_ =	strace $0x90000049  }
0xb2: {  	s29 =	simm.s32 $0xC;
	_ =	strace $0x8000004B  }
0xb3: {  	_ =	swait.ge [sflag:s29], $0x1  }
0xb4: {  	[sflag:s29] =	ssyncadd.s32 $0xFFFFFFFF  }
0xb5: {  	_ =	strace $0x9000004B  }
0xb6: {  	_ =	sfence  }
0xb7: {  	s30 =	sld [smem:$0x0];
	_ =	sdelay $0x2  }
0xb8: {  	s31 =	sshll.u32 s1, $0xD;
	s1 =	sshrl.u32 s1, $0x2  }
0xb9: {  	s3 =	sand.u32 $0x4000, s31;
	s1 =	sadd.s32 s1, s30  }
0xba: {  	s0 =	sor.u32 s3, s0;
	s1 =	sshll.u32 s1, $0x11  }
0xbb: {  	s0 =	sor.u32 s1, s0  }
0xbc: {  	s0 =	sadd.s32 $0x8F2B, s0  }
0xbd: {  	[sflag:s0] =	ssyncadd.remote.s32 $0x1  }
0xbe: {  	_ =	sfence.sel $0xFFFF  }
0xbf: {  	[dreg:$0x0] =	wrdreg $0xFFFFFFFF;
	(pc) =	sbr.abs _section_cstart, $3  }
0xc0: {  	[dreg:$0x1] =	wrdreg $0xFFFFFFFF  }
0xc1: {  	_ =	task.clear_ibuf [dreg:s7], $0x2FFFF;
	_ =	strace $0x9FFFFFFF  }
0xc2: {  	(tm) =	ssettm $0x7FFFFFFF  }
0xc3: {  	_ =	shalt  }
tec
execute0_lowered:
.L_overlay_start_1:
0x0: {  	(tag) =	ssettag $0x1  }
0x1: {  	s1 =	srdreg.scid;
	s0 =	stileid.u32  }
0x2: {  	s5 =	sand.u32 $0x1, s1;
	s30 =	sshll.u32 s0, $0x1  }
0x3: {  	s1 =	sor.u32 s5, s30  }
0x4: {  	s1 =	smul.u32 $0xC, s1;
	_ =	sdelay $0x1  }
0x5: {  	s6 =	rddreg [dreg:$0x0];
	s9 =	smul.u32 $0x18, s0;
	s3 =	sshrl.u32 s1, $0x5  }
0x6: {  	s2 =	rddreg [dreg:$0x1];
	s4 =	sand.u32 $0x1C, s1;
	s7 =	smul.u32 $0xC800, s3  }
0x7: {  	s12 =	simm.s32 $0x0;
	s31 =	ssub.s32 $0x2, s5;
	s8 =	smul.u32 $0x190, s4  }
0x8: {  	s11 =	smul.u32 $0xC, s5;
	s5 =	sadd.s32 $0x25C600, s6;
	s10 =	sshrl.u32 s31, $0x1  }
0x9: {  	s1 =	rddreg [dreg:$0x2];
	s3 =	simm.s32 $0x0;
	s7 =	sadd.s32 s8, s7  }
0xa: {  	s4 =	sadd.s32 $0x2C00, s6;
	[smem:$0x7FF] =	sst s3;
	s7 =	sshrl.u32 s7, $0x3  }
0xb: {  	_ =	strace $0x8000004A;
	s8 =	ssub.s32 s31, s10;
	s7 =	sadd.s32 s4, s7  }
0xc: {  	s10 =	simm.s32 $0x190;
	s6 =	sadd.s32 $0x12C0, s7;
	s7 =	smax.u32 s8, $0x1  }
0xd: {  	s8 =	sadd.s32 s11, s9;
	s9 =	simm.s32 $0x3;
	s11 =	simm.s32 $0x400  }
.LBB2_1:
0xe: {  	[tilespmem:s3], [sflag:$0x3] =	stream.linear.gather [hbm4b:s6+s3], $0x190, $0x38;
	[tilespmem:$0x19400] =	vst v63  }
0xf: {  	s13 =	sand.u32 $0x1, s3;
	_ =	swait.ge [sflag:s9], $0x190  }
0x10: {  	s14 =	sadd.s32 $0x0, s8;
	p0 =	seq.s32 s13, $0x1;
	[sflag:s9] =	ssyncset.done $0x0  }
0x11: {  	p1 =	por @p0 $0x0, $0x0;
	s15 =	sand.u32 @!p0 $0x1E, s14;
	s13 =	sshrl.u32 @p0 s14, $0x5  }
0x12: {  	[sflag:s9] =	ssyncadd.s32 $0xFFFFFE70;
	p1 =	por p1, !p0;
	s16 =	smul.u32 @!p0 $0xC800, s15  }
0x13: {  	[tilespmem:s11], [sflag:$0x1] =	stream.indirect.gather [hbm4b:s2+s10], $0x80, s3, s10, $0xb8;
	[tilespmem:$0x19400] =	vst v63  }
0x14: {  	s22 =	sand.u32 @p0 $0x1F, s14;
	s18 =	smul.u32 @p0 $0x190000, s13;
	s17 =	sadd.s32 @!p1 $0x0, s8  }
0x15: {  	s13 =	sadd.s32 @!p1 $0x1, s17;
	s17 =	sshrl.u32 @!p0 s14, $0x5;
	s14 =	smul.u32 @!p0 $0x190, s15  }
0x16: {  	s24 =	simm.s32 @p0 $0x2;
	s25 =	simm.s32 @p0 $0xCC00;
	s20 =	smul.u32 @!p0 $0x190000, s17  }
0x17: {  	p2 =	por p0, p0;
	s19 =	sshrl.u32 @!p1 s13, $0x5;
	s17 =	smul.u32 @!p0 $0xC800, s17  }
0x18: {  	s15 =	simm.s32 @!p0 $0x3;
	s13 =	sand.u32 @!p1 $0x1E, s13;
	s19 =	smul.u32 @!p1 $0xC800, s19  }
0x19: {  	s23 =	simm.s32 @!p1 $0x400;
	s15 =	simm.s32 @p2 $0x4;
	s21 =	smul.u32 @!p1 $0x190, s13  }
0x1a: {  	s13 =	simm.s32 $0x1;
	s16 =	sadd.s32 @!p0 s16, s20;
	s20 =	simm.s32 @!p1 $0x0  }
0x1b: {  	s14 =	sadd.s32 @!p0 s17, s14;
	s17 =	simm.s32 @!p1 $0x5;
	s19 =	sadd.s32 @!p1 s21, s19  }
0x1c: {  	s31 =	sand.u32 $0x1, s13;
	s16 =	sshrl.u32 @!p0 s16, $0x3;
	s19 =	sadd.s32 @!p1 $0x9600, s19  }
0x1d: {  	s21 =	sshrl.u32 @!p0 s14, $0x3;
	s14 =	sadd.s32 @!p0 s5, s16;
	s19 =	sshrl.u32 @!p1 s19, $0x3  }
0x1e: {  	s16 =	smul.u32 @p0 $0xC800, s22;
	s21 =	sadd.s32 @!p0 s4, s21;
	s19 =	sadd.s32 @!p1 s4, s19  }
0x1f: {  	[tilespmem:s20], [sflag:$0x5] =	stream.linear.gather @!p1 [hbm4b:s19+s20], $0x190, $0x38;
	[tilespmem:$0x19400] =	vst v63  }
0x20: {  	s22 =	simm.s32 @!p1 $0x190;
	s18 =	sadd.s32 @p0 s16, s18;
	_ =	swait.ge @!p1 [sflag:s17], $0x190  }
0x21: {  	s16 =	simm.s32 $0x2;
	s19 =	sadd.s32 @!p0 $0x12F2, s21;
	[sflag:s17] =	ssyncset.done @!p1 $0x0  }
0x22: {  	s18 =	sshrl.u32 @p0 s18, $0x3;
	s21 =	simm.s32 @!p0 $0x200;
	[sflag:s17] =	ssyncadd.s32 @!p1 $0xFFFFFE70  }
0x23: {  	[tilespmem:s23], [sflag:$0x1] =	stream.indirect.gather @!p1 [hbm4b:s2+s22], $0x80, s20, s22, $0xb8;
	[tilespmem:$0x19400] =	vst v63  }
0x24: {  	s18 =	sadd.s32 @p0 s5, s18;
	s17 =	simm.s32 @!p0 $0x0;
	_ =	swait.ge @p0 [sflag:s24], $0xC800  }
0x25: {  	s22 =	simm.s32 @p0 $0x0;
	s23 =	simm.s32 @!p0 $0x5;
	[sflag:s24] =	ssyncset.done @p2 $0x0  }
0x26: {  	s20 =	simm.s32 @!p2 $0x1;
	p0 =	seq.s32 s31, $0x1;
	[sflag:s24] =	ssyncadd.s32 @p2 $0xFFFF3800  }
0x27: {  	[hbm4b:s18+s22] =	stream.linear.scatter @p2 [tilespmem:s25], [sflag:$0x4], $0xC800, $0x38;
	[tilespmem:$0x19400] =	vst v63  }
0x28: {  	p1 =	por @p0 $0x0, $0x0;
	s24 =	simm.s32 @!p2 $0xCC00;
	s22 =	sadd.s32 $0x1, s8  }
0x29: {  	p1 =	por p1, !p0;
	s26 =	sshrl.u32 @p0 s22, $0x5;
	s25 =	sand.u32 @!p0 $0x1E, s22  }
0x2a: {  	[tilespmem:s21], [sflag:$0x5] =	stream.linear.gather @!p2 [hbm4b:s19+s17], $0x190, $0x38;
	[tilespmem:$0x19400] =	vst v63  }
0x2b: {  	s19 =	sand.u32 @p0 $0x1F, s22;
	s18 =	smul.u32 @!p0 $0xC800, s25;
	_ =	swait.ge @!p2 [sflag:s23], $0x190  }
.LBB2_2:
0x2c: {  	s28 =	sadd.s32 @!p1 s13, s8  }
0x2d: {  	s26 =	smul.u32 @p0 $0x190000, s26;
	[sflag:s23] =	ssyncset.done @!p2 $0x0;
	s13 =	smov.u32 s16  }
0x2e: {  	s25 =	smul.u32 @!p0 $0x190, s25;
	[sflag:s23] =	ssyncadd.s32 @!p2 $0xFFFFFE70;
	s23 =	simm.s32 @!p2 $0x190  }
0x2f: {  	s29 =	sshrl.u32 @!p0 s22, $0x5;
	s30 =	simm.s32 @!p2 $0x400;
	s28 =	sadd.s32 @!p1 $0x1, s28  }
0x30: {  	[tilespmem:s24], [sflag:$0x2] =	stream.indirect.gather @!p2 [hbm4b:s2+s23], $0x80, s21, s23, $0xb8;
	[tilespmem:$0x19400] =	vst v63  }
0x31: {  	s21 =	sshrl.u32 @!p1 s28, $0x5;
	s23 =	smul.u32 @!p0 $0x190000, s29;
	_ =	swait.ge @!p2 [sflag:s20], $0xC800  }
0x32: {  	s22 =	sand.u32 @!p1 $0x1E, s28;
	s21 =	smul.u32 @!p1 $0xC800, s21;
	[sflag:s20] =	ssyncset.done @!p2 $0x0  }
0x33: {  	s24 =	smul.u32 @!p1 $0x190, s22;
	s22 =	simm.s32 @!p0 $0x3;
	[sflag:s20] =	ssyncadd.s32 @!p2 $0xFFFF3800  }
0x34: {  	[hbm4b:s14+s17] =	stream.linear.scatter @!p2 [tilespmem:s30], [sflag:$0x3], $0xC800, $0x38;
	[tilespmem:$0x19400] =	vst v63  }
0x35: {  	s14 =	smul.u32 @!p0 $0xC800, s29;
	s17 =	sadd.s32 @!p0 s18, s23;
	_ =	swait.ge [sflag:s15], $0xC800  }
0x36: {  	s18 =	sadd.s32 @!p1 s24, s21;
	s17 =	sshrl.u32 @!p0 s17, $0x3;
	[sflag:s15] =	ssyncset.done $0x0  }
0x37: {  	s20 =	simm.s32 @!p1 $0x0;
	s21 =	simm.s32 @!p1 $0x5;
	s18 =	sadd.s32 @!p1 $0x9600, s18  }
0x38: {  	s18 =	sshrl.u32 @!p1 s18, $0x3;
	s14 =	sadd.s32 @!p0 s14, s25;
	[sflag:s15] =	ssyncadd.s32 $0xFFFF3800  }
0x39: {  	s15 =	sadd.s32 @!p1 s4, s18;
	s18 =	sshrl.u32 @!p0 s14, $0x3;
	s14 =	sadd.s32 @!p0 s5, s17  }
0x3a: {  	s24 =	simm.s32 @p0 $0x2;
	s17 =	smul.u32 @p0 $0xC800, s19;
	s18 =	sadd.s32 @!p0 s4, s18  }
0x3b: {  	s23 =	simm.s32 @!p1 $0x400;
	s19 =	simm.s32 @!p1 $0x190;
	s18 =	sadd.s32 @!p0 $0x12F2, s18  }
0x3c: {  	[tilespmem:s20], [sflag:$0x5] =	stream.linear.gather @!p1 [hbm4b:s15+s20], $0x190, $0x38;
	[tilespmem:$0x19400] =	vst v63  }
0x3d: {  	s16 =	sadd.s32 $0x1, s16;
	s15 =	sadd.s32 @p0 s17, s26;
	_ =	swait.ge @!p1 [sflag:s21], $0x190  }
0x3e: {  	s25 =	simm.s32 @p0 $0xCC00;
	s15 =	sshrl.u32 @p0 s15, $0x3;
	[sflag:s21] =	ssyncset.done @!p1 $0x0  }
0x3f: {  	s26 =	simm.s32 @p0 $0x0;
	s15 =	sadd.s32 @p0 s5, s15;
	[sflag:s21] =	ssyncadd.s32 @!p1 $0xFFFFFE70  }
0x40: {  	[tilespmem:s23], [sflag:$0x1] =	stream.indirect.gather @!p1 [hbm4b:s2+s19], $0x80, s20, s19, $0xb8;
	[tilespmem:$0x19400] =	vst v63  }
0x41: {  	s17 =	simm.s32 @!p0 $0x0;
	s21 =	simm.s32 @!p0 $0x200;
	s23 =	simm.s32 @!p0 $0x5  }
0x42: {  	p3 =	sne.s32 s16, $0xC;
	p2 =	por p0, p0;
	_ =	swait.ge @p0 [sflag:s24], $0xC800  }
0x43: {  	[sflag:s24] =	ssyncset.done @p2 $0x0  }
0x44: {  	s20 =	simm.s32 @!p2 $0x1;
	[sflag:s24] =	ssyncadd.s32 @p2 $0xFFFF3800  }
0x45: {  	[hbm4b:s15+s26] =	stream.linear.scatter @p2 [tilespmem:s25], [sflag:$0x4], $0xC800, $0x38;
	[tilespmem:$0x19400] =	vst v63  }
0x46: {  	s19 =	sand.u32 $0x1, s13;
	s15 =	smov.u32 s22  }
.Ltmp0:
0x47: {  	s24 =	simm.s32 @!p2 $0xCC00;
	s15 =	simm.s32 @p2 $0x4;
	(pc) =	sbr.rel @p3 .LBB2_2-.Ltmp0, $4  }
0x48: {  	[tilespmem:s21], [sflag:$0x5] =	stream.linear.gather @!p2 [hbm4b:s18+s17], $0x190, $0x38;
	[tilespmem:$0x19400] =	vst v63  }
0x49: {  	p0 =	seq.s32 s19, $0x1;
	s22 =	sadd.s32 s13, s8;
	_ =	swait.ge @!p2 [sflag:s23], $0x190  }
0x4a: {  	p1 =	seq.s32 @p0 s13, $0xB;
	s26 =	sshrl.u32 @p0 s22, $0x5;
	s25 =	sand.u32 @!p0 $0x1E, s22  }
0x4b: {  	p1 =	por p1, !p0;
	s19 =	sand.u32 @p0 $0x1F, s22;
	s18 =	smul.u32 @!p0 $0xC800, s25  }
0x4c: {  	s16 =	smul.u32 @p0 $0x190000, s26;
	[sflag:s23] =	ssyncset.done @!p2 $0x0;
	s13 =	sadd.s32 @!p1 s13, s8  }
0x4d: {  	[sflag:s23] =	ssyncadd.s32 @!p2 $0xFFFFFE70;
	s23 =	simm.s32 @!p2 $0x190;
	s13 =	sadd.s32 @!p1 $0x1, s13  }
0x4e: {  	[tilespmem:s24], [sflag:$0x2] =	stream.indirect.gather @!p2 [hbm4b:s2+s23], $0x80, s21, s23, $0xb8;
	[tilespmem:$0x19400] =	vst v63  }
0x4f: {  	s25 =	smul.u32 @!p0 $0x190, s25;
	s21 =	sshrl.u32 @!p1 s13, $0x5  }
0x50: {  	s13 =	sand.u32 @!p1 $0x1E, s13;
	_ =	swait.ge @!p2 [sflag:s20], $0xC800;
	s21 =	smul.u32 @!p1 $0xC800, s21  }
0x51: {  	s22 =	sshrl.u32 @!p0 s22, $0x5;
	s13 =	smul.u32 @!p1 $0x190, s13;
	[sflag:s20] =	ssyncset.done @!p2 $0x0  }
0x52: {  	s23 =	smul.u32 @!p0 $0x190000, s22;
	s24 =	simm.s32 @!p2 $0x400;
	[sflag:s20] =	ssyncadd.s32 @!p2 $0xFFFF3800  }
0x53: {  	s13 =	sadd.s32 @!p1 s13, s21;
	s20 =	simm.s32 @!p1 $0x5;
	s21 =	simm.s32 @!p1 $0x400  }
0x54: {  	[hbm4b:s14+s17] =	stream.linear.scatter @!p2 [tilespmem:s24], [sflag:$0x3], $0xC800, $0x38;
	[tilespmem:$0x19400] =	vst v63  }
0x55: {  	s14 =	smul.u32 @!p0 $0xC800, s22;
	s13 =	sadd.s32 @!p1 $0x9600, s13;
	_ =	swait.ge [sflag:s15], $0xC800  }
0x56: {  	s17 =	simm.s32 @!p1 $0x0;
	s13 =	sshrl.u32 @!p1 s13, $0x3;
	[sflag:s15] =	ssyncset.done $0x0  }
0x57: {  	s14 =	sadd.s32 @!p0 s14, s25;
	s13 =	sadd.s32 @!p1 s4, s13;
	[sflag:s15] =	ssyncadd.s32 $0xFFFF3800  }
0x58: {  	[tilespmem:s17], [sflag:$0x5] =	stream.linear.gather @!p1 [hbm4b:s13+s17], $0x190, $0x38;
	[tilespmem:$0x19400] =	vst v63  }
0x59: {  	s14 =	sshrl.u32 @!p0 s14, $0x3;
	s15 =	smul.u32 @p0 $0xC800, s19;
	_ =	swait.ge @!p1 [sflag:s20], $0x190  }
0x5a: {  	s19 =	simm.s32 @!p1 $0x190;
	s14 =	sadd.s32 @!p0 s4, s14;
	[sflag:s20] =	ssyncset.done @!p1 $0x0  }
0x5b: {  	s13 =	simm.s32 @p0 $0x2;
	s14 =	sadd.s32 @!p0 $0x12F2, s14;
	[sflag:s20] =	ssyncadd.s32 @!p1 $0xFFFFFE70  }
0x5c: {  	[tilespmem:s21], [sflag:$0x1] =	stream.indirect.gather @!p1 [hbm4b:s2+s19], $0x80, s17, s19, $0xb8;
	[tilespmem:$0x19400] =	vst v63  }
0x5d: {  	s15 =	sadd.s32 @p0 s15, s16;
	p1 =	por p0, p0;
	_ =	swait.ge @p0 [sflag:s13], $0xC800  }
0x5e: {  	s16 =	simm.s32 @p0 $0xCC00;
	s15 =	sshrl.u32 @p0 s15, $0x3;
	[sflag:s13] =	ssyncset.done @p1 $0x0  }
0x5f: {  	s15 =	sadd.s32 @p0 s5, s15;
	s17 =	simm.s32 @p0 $0x0;
	[sflag:s13] =	ssyncadd.s32 @p1 $0xFFFF3800  }
0x60: {  	[hbm4b:s15+s17] =	stream.linear.scatter @p1 [tilespmem:s16], [sflag:$0x4], $0xC800, $0x38;
	[tilespmem:$0x19400] =	vst v63  }
0x61: {  	s13 =	simm.s32 @!p0 $0x0;
	s15 =	simm.s32 @!p0 $0x200;
	s16 =	simm.s32 @!p0 $0x5  }
0x62: {  	[tilespmem:s15], [sflag:$0x5] =	stream.linear.gather @!p1 [hbm4b:s14+s13], $0x190, $0x38;
	[tilespmem:$0x19400] =	vst v63  }
0x63: {  	s12 =	sadd.s32 $0x1, s12;
	s17 =	simm.s32 @!p1 $0x1;
	_ =	swait.ge @!p1 [sflag:s16], $0x190  }
0x64: {  	s14 =	sadd.s32 @!p0 s18, s23;
	s18 =	simm.s32 @!p1 $0xCC00;
	[sflag:s16] =	ssyncset.done @!p1 $0x0  }
0x65: {  	s14 =	sshrl.u32 @!p0 s14, $0x3;
	[sflag:s16] =	ssyncadd.s32 @!p1 $0xFFFFFE70;
	s16 =	simm.s32 @!p1 $0x190  }
0x66: {  	[tilespmem:s18], [sflag:$0x2] =	stream.indirect.gather @!p1 [hbm4b:s2+s16], $0x80, s15, s16, $0xb8;
	[tilespmem:$0x19400] =	vst v63  }
0x67: {  	s14 =	sadd.s32 @!p0 s5, s14;
	s15 =	simm.s32 @!p0 $0x3;
	_ =	swait.ge @!p1 [sflag:s17], $0xC800  }
0x68: {  	s16 =	simm.s32 @!p1 $0x400;
	p0 =	sne.s32 s12, s7;
	[sflag:s17] =	ssyncset.done @!p1 $0x0  }
.Ltmp1:
0x69: {  	s15 =	simm.s32 @p1 $0x4;
	[sflag:s17] =	ssyncadd.s32 @!p1 $0xFFFF3800;
	(pc) =	sbr.rel @p0 .LBB2_1-.Ltmp1, $4  }
0x6a: {  	[hbm4b:s14+s13] =	stream.linear.scatter @!p1 [tilespmem:s16], [sflag:$0x3], $0xC800, $0x38;
	[tilespmem:$0x19400] =	vst v63  }
0x6b: {  	_ =	swait.ge [sflag:s15], $0xC800  }
0x6c: {  	[sflag:s15] =	ssyncset.done $0x0  }
0x6d: {  	[sflag:s15] =	ssyncadd.s32 $0xFFFF3800  }
0x6e: {  	_ =	sfence.sel $0x180000  }
0x6f: {  	[bflag:$0x0] =	sbarrier.arrive $0xFFFF  }
0x70: {  	p0 =	sne.s32 s0, $0x0;
	_ =	strace $0x9000004A  }
0x71: {  	s0 =	sadd.s32 @!p0 $0x100000, s1;
	[bflag:$0x2] =	sbarrier.arrive $0xFFFF  }
0x72: {  	[sflag:s0] =	ssyncadd.tile.s32 @!p0 $0x1;
	_ =	shalt  }
.Lfunc_end2:
_tile_overlayer_lowered:
.L_overlay_start_2:
0x73: {  	(tag) =	ssettag $0x2  }
0x74: {  	s0 =	rddreg [dreg:$0x0];
	s2 =	stileid.u32  }
0x75: {  	s1 =	rddreg [dreg:$0x1];
	p0 =	sne.s32 s2, $0x0  }
0x76: {  	s3 =	rddreg [dreg:$0x2];
	[bflag:$0x3] =	sbarrier.arrive $0xFFFF;
	s2 =	simm.s32 @!p0 $0x1C03  }
0x77: {  	[timem:s3], [sflag:s2] =	dma.local @!p0 [hbm:s0], s1  }
0x78: {  	s0 =	simm.s32 @!p0 $0x3  }
0x79: {  	_ =	swait.ge @!p0 [sflag:s0], s1  }
0x7a: {  	s1 =	ssub.s32 @!p0 $0x0, s1;
	[sflag:s0] =	ssyncset.done @!p0 $0x0  }
0x7b: {  	[sflag:s0] =	ssyncadd.s32 @!p0 s1  }
0x7c: {  	[bflag:$0x3] =	sbarrier.arrive $0xFFFF  }
0x7d: {  	_ =	shalt  }

</sc_bundles>
